<compile_context>
chip_gen: v7x
topology: tpu7x:2x2x1
jax: 0.10.2.dev20260603
libtpu: 0.0.44.dev20260713+nightly
codegen_flags: <defaults>
</compile_context>

<pallas_src>
import functools

import jax
import jax.numpy as jnp
from jax import lax
from jax.experimental import pallas as pl
from jax.experimental.pallas import tpu as pltpu
from jax.experimental.pallas import tpu_sc as plsc

N = 10000
E = 320000
D = 128
NTILES = 32
CH = 128
NCH = 80
EPT = NCH * CH
EPAD = EPT * NTILES
NP = 10240
GRP = 8
NGRP = NCH // GRP
ZR = 160
NPC = 10240

_mesh = plsc.VectorSubcoreMesh(
    core_axis_name="c", subcore_axis_name="s", num_cores=2, num_subcores=16)

def _count_body(edges_hbm, out_hbm, dst_v, ones_v, zc_v, cnt, sem):
    c = lax.axis_index("c")
    s = lax.axis_index("s")
    wid = c * 16 + s

    pltpu.sync_copy(edges_hbm.at[1, pl.ds(wid * NCH, NCH), :], dst_v)

    zero16 = jnp.zeros((16,), jnp.float32)

    def _fill(i, _):
        zc_v[pl.ds(i * 16, 16)] = zero16
        return 0
    lax.fori_loop(0, 640 // 16, _fill, 0, unroll=8)
    for j in range(CH // 16):
        ones_v[pl.ds(j * 16, 16)] = zero16 + 1.0

    pltpu.sync_copy(zc_v, cnt.at[pl.ds(s * 640, 640)])
    plsc.subcore_barrier()

    def _body(g, _):
        pltpu.sync_copy(ones_v, cnt.at[dst_v.at[g]], add=True)
        return 0
    lax.fori_loop(0, NCH, _body, 0)

    plsc.subcore_barrier()
    pltpu.sync_copy(cnt.at[pl.ds(s * 640, 640)],
                    out_hbm.at[pl.ds(c * NPC + s * 640, 640)])


@functools.partial(
    pl.kernel,
    out_type=jax.ShapeDtypeStruct((2 * NPC,), jnp.float32),
    mesh=_mesh,
    scratch_types=[
        pltpu.VMEM((NCH, CH), jnp.int32),
        pltpu.VMEM((CH,), jnp.float32),
        pltpu.VMEM((640,), jnp.float32),
        pltpu.VMEM_SHARED((NPC,), jnp.float32),
        pltpu.SemaphoreType.DMA,
    ],
)
def _count_kernel(edges_hbm, out_hbm, dst_v, ones_v, zc_v, cnt, sem):
    _count_body(edges_hbm, out_hbm, dst_v, ones_v, zc_v, cnt, sem)


def _scatter_body(y_hbm, edges_hbm, out_hbm, dst_v, src_a, src_b, rows_a,
                  rows_b, acc, sem_ga, sem_gb, sem_ia, sem_ib, sem_sa,
                  sem_sb):
    c = lax.axis_index("c")
    s = lax.axis_index("s")
    wid = c * 16 + s
    base = wid * NCH

    pltpu.sync_copy(edges_hbm.at[1, pl.ds(base, NCH), :], dst_v)

    zero16 = jnp.zeros((16,), jnp.float32)

    def _fill(i, _):
        for j in range(D // 16):
            rows_a[i, pl.ds(j * 16, 16)] = zero16
        return 0
    lax.fori_loop(0, CH, _fill, 0, unroll=4)
    for k in range(640 // CH):
        pltpu.sync_copy(rows_a, acc.at[pl.ds(s * 640 + k * CH, CH), :])
    plsc.subcore_barrier()

    rows = (rows_a, rows_b)
    gsems = (sem_ga, sem_gb)
    ssems = (sem_sa, sem_sb)

    pltpu.sync_copy(edges_hbm.at[0, pl.ds(base, GRP), :], src_a)
    pltpu.async_copy(y_hbm.at[src_a.at[0]], rows_a, sem_ga)

    def _group(k, cur, nxt, sem_nxt):
        nxt_slab = edges_hbm.at[0, pl.ds(base + (k + 1) * GRP, GRP), :]

        @pl.when(k < NGRP - 1)
        def _():
            pltpu.async_copy(nxt_slab, nxt, sem_nxt)

        for j in range(GRP):
            g = k * GRP + j
            rcur, scur, psem = rows[j % 2], gsems[j % 2], ssems[j % 2]
            rnxt, snxt = rows[(j + 1) % 2], gsems[(j + 1) % 2]
            qsem = ssems[(j + 1) % 2]
            pltpu.make_async_copy(y_hbm.at[cur.at[j]], rcur, scur).wait()
            @pl.when(g >= 1)
            def _():
                pltpu.make_async_copy(rnxt, acc.at[dst_v.at[g - 1]],
                                      qsem).wait()
            if j < GRP - 1:
                pltpu.async_copy(y_hbm.at[cur.at[j + 1]], rnxt, snxt)
            else:
                @pl.when(k < NGRP - 1)
                def _():
                    pltpu.make_async_copy(nxt_slab, nxt, sem_nxt).wait()
                    pltpu.async_copy(y_hbm.at[nxt.at[0]], rnxt, snxt)
            pltpu.async_copy(rcur, acc.at[dst_v.at[g]], psem, add=True)

    def _pair(t, _):
        _group(2 * t, src_a, src_b, sem_ib)
        _group(2 * t + 1, src_b, src_a, sem_ia)
        return 0
    lax.fori_loop(0, NGRP // 2, _pair, 0)

    pltpu.make_async_copy(rows_b, acc.at[dst_v.at[NCH - 1]], sem_sb).wait()

    plsc.subcore_barrier()
    pltpu.sync_copy(acc.at[pl.ds(s * 640, 640), :],
                    out_hbm.at[c, pl.ds(s * 640, 640), :])


@functools.partial(
    pl.kernel,
    out_type=jax.ShapeDtypeStruct((2, NP, D), jnp.float32),
    mesh=_mesh,
    scratch_types=[
        pltpu.VMEM((NCH, CH), jnp.int32),
        pltpu.VMEM((GRP, CH), jnp.int32),
        pltpu.VMEM((GRP, CH), jnp.int32),
        pltpu.VMEM((CH, D), jnp.float32),
        pltpu.VMEM((CH, D), jnp.float32),
        pltpu.VMEM_SHARED((NP, D), jnp.float32),
        pltpu.SemaphoreType.DMA,
        pltpu.SemaphoreType.DMA,
        pltpu.SemaphoreType.DMA,
        pltpu.SemaphoreType.DMA,
        pltpu.SemaphoreType.DMA,
        pltpu.SemaphoreType.DMA,
    ],
)
def _scatter_kernel(y_hbm, edges_hbm, out_hbm, dst_v, src_a, src_b, rows_a,
                    rows_b, acc, sem_ga, sem_gb, sem_ia, sem_ib, sem_sa,
                    sem_sb):
    _scatter_body(y_hbm, edges_hbm, out_hbm, dst_v, src_a, src_b, rows_a,
                  rows_b, acc, sem_ga, sem_gb, sem_ia, sem_ib, sem_sa,
                  sem_sb)



def _tc0_body(x_ref, w_ref, xw_ref):
    xw_ref[...] = jnp.dot(x_ref[...], w_ref[...],
                          preferred_element_type=jnp.float32)


def _tc0(x, w1):
    return pl.pallas_call(
        _tc0_body,
        out_shape=jax.ShapeDtypeStruct((N, D), jnp.float32),
    )(x, w1)


def _tc1_body(cnt_ref, xw_ref, dinv_ref, y_ref):
    cnt = cnt_ref[...]
    deg = cnt[0, :N] + cnt[1, :N] + 1.0
    dinv = lax.rsqrt(deg)[:, None]
    dinv_ref[...] = dinv
    y_ref[...] = dinv * xw_ref[...]


def _tc1(cnt, xw):
    return pl.pallas_call(
        _tc1_body,
        out_shape=(jax.ShapeDtypeStruct((N, 1), jnp.float32),
                   jax.ShapeDtypeStruct((N, D), jnp.float32)),
    )(cnt, xw)


def _tc2_body(s_ref, y_ref, dinv_ref, b_ref, w_ref, y2_ref):
    dinv = dinv_ref[...]
    h = dinv * (s_ref[0, :N, :] + s_ref[1, :N, :] + y_ref[...]) + b_ref[...]
    h = jnp.maximum(h, 0.0)
    y2_ref[...] = dinv * jnp.dot(h, w_ref[...],
                                 preferred_element_type=jnp.float32)


def _tc2(s1, y1, dinv, b1, w2):
    return pl.pallas_call(
        _tc2_body,
        out_shape=jax.ShapeDtypeStruct((N, D), jnp.float32),
    )(s1, y1, dinv, b1, w2)


def _tc3_body(s_ref, y_ref, dinv_ref, b_ref, out_ref):
    dinv = dinv_ref[...]
    out_ref[...] = (dinv * (s_ref[0, :N, :] + s_ref[1, :N, :] + y_ref[...])
                    + b_ref[...])


def _tc3(s2, y2, dinv, b2):
    return pl.pallas_call(
        _tc3_body,
        out_shape=jax.ShapeDtypeStruct((N, D), jnp.float32),
    )(s2, y2, dinv, b2)


def kernel(x, edge_index, W1, b1, W2, b2):
    k = jnp.arange(EPAD - E, dtype=jnp.int32)
    pad = jnp.stack([(k * 131) % N, N + (k % 32)])
    edges = jnp.concatenate([edge_index, pad], axis=1)
    edges = edges.reshape(2, NTILES * NCH, CH)

    xw1 = _tc0(x, W1)
    cnt = _count_kernel(edges).reshape(2, NPC)
    dinv, y1 = _tc1(cnt, xw1)
    s1 = _scatter_kernel(y1, edges)
    y2 = _tc2(s1, y1, dinv, b1, W2)
    s2 = _scatter_kernel(y2, edges)
    out = _tc3(s2, y2, dinv, b2)
    return out

# --- scband reference (transcript-rebuilt; emitter-appended) ---
"""Pipeline reference for scband-gcn-44220983280301 (READ-ONLY COPY).

The authoritative reference and input builder live on the scoring server;
editing this copy changes nothing except your own understanding.
"""

import jax, jax.numpy as jnp
import numpy as np

N = 10000
E = 320000
D_IN = 128
D_HID = 128
D_OUT = 128


def _glorot(key, shape):
    fan_in, fan_out = shape[0], shape[1]
    limit = np.sqrt(6.0 / (fan_in + fan_out))
    return jax.random.uniform(key, shape, dtype=jnp.float32, minval=-limit, maxval=limit)


def setup_inputs(seed: int = 0) -> dict:
    key = jax.random.key(seed)
    k0, k1, k2, k3 = jax.random.split(key, 4)
    x = jax.random.normal(k0, (N, D_IN), dtype=jnp.float32)
    edge_index = jax.random.randint(k1, (2, E), 0, N, dtype=jnp.int32)
    W1 = _glorot(k2, (D_IN, D_HID))
    b1 = jnp.zeros((D_HID,), dtype=jnp.float32)
    W2 = _glorot(k3, (D_HID, D_OUT))
    b2 = jnp.zeros((D_OUT,), dtype=jnp.float32)
    return {"x": x, "edge_index": edge_index, "W1": W1, "b1": b1, "W2": W2, "b2": b2}


def gcn_conv(x, edge_index, W, b):
    # Faithful PyG-style GCNConv: add self-loops, symmetric normalization,
    # x' = D^{-1/2} (A + I) D^{-1/2} X W + b
    num_nodes = x.shape[0]
    loop = jnp.arange(num_nodes, dtype=edge_index.dtype)
    src = jnp.concatenate([edge_index[0], loop])
    dst = jnp.concatenate([edge_index[1], loop])
    ew = jnp.ones_like(src, dtype=x.dtype)
    deg = jax.ops.segment_sum(ew, dst, num_segments=num_nodes)
    dinv = jnp.where(deg > 0, jax.lax.rsqrt(jnp.maximum(deg, 1e-12)), 0.0)
    norm = dinv[src] * dinv[dst]
    xw = x @ W
    msgs = jnp.take(xw, src, axis=0) * norm[:, None]
    out = jax.ops.segment_sum(msgs, dst, num_segments=num_nodes)
    return out + b


def reference(x, edge_index, W1, b1, W2, b2):
    # layer 1 + relu (dropout is identity in eval mode)
    h = gcn_conv(x, edge_index, W1, b1)
    h = jax.nn.relu(h)
    # final layer
    out = gcn_conv(h, edge_index, W2, b2)
    return out

if __name__ == "__main__":
    import jax
    _d = setup_inputs()
    print(jax.jit(kernel)(*tuple(_d.values())))

</pallas_src>

<mosaic_0001>
#map = affine_map<(d0, d1) -> (0, 0)>
#map1 = affine_map<(d0, d1) -> (0, 0, 0)>
module attributes {stable_mosaic.version = 14 : i64} {
  func.func @_scatter_kernel(%arg0: i32, %arg1: i32, %arg2: memref<10000x128xf32, #tpu.memory_space<hbm>>, %arg3: memref<2x2560x128xi32, #tpu.memory_space<hbm>>, %arg4: memref<2x10240x128xf32, #tpu.memory_space<hbm>>, %arg5: memref<80x128xi32, #tpu.memory_space<vmem>>, %arg6: memref<8x128xi32, #tpu.memory_space<vmem>>, %arg7: memref<8x128xi32, #tpu.memory_space<vmem>>, %arg8: memref<128x128xf32, #tpu.memory_space<vmem>>, %arg9: memref<128x128xf32, #tpu.memory_space<vmem>>, %arg10: memref<10240x128xf32, #tpu.memory_space<vmem_shared>>, %arg11: memref<!tpu.dma_semaphore, #tpu.memory_space<semaphore_mem>>, %arg12: memref<!tpu.dma_semaphore, #tpu.memory_space<semaphore_mem>>, %arg13: memref<!tpu.dma_semaphore, #tpu.memory_space<semaphore_mem>>, %arg14: memref<!tpu.dma_semaphore, #tpu.memory_space<semaphore_mem>>, %arg15: memref<!tpu.dma_semaphore, #tpu.memory_space<semaphore_mem>>, %arg16: memref<!tpu.dma_semaphore, #tpu.memory_space<semaphore_mem>>) attributes {dimension_semantics = [#tpu.dimension_semantics<core_parallel>, #tpu.dimension_semantics<subcore_parallel>], iteration_bounds = array<i64: 2, 16>, scalar_prefetch = 0 : i64, scratch_operands = 12 : i64, tpu.core_type = #tpu.core_type<sc_vector_subcore>, window_params = [{transform_indices = #map}, {transform_indices = #map1}, {transform_indices = #map1}]} {
    %mul3A = arith.constant 16 : i32
    %mul3A_0 = arith.muli %arg0, %mul3A : i32
    %add3A = arith.addi %mul3A_0, %arg1 : i32
    %mul3A_1 = arith.constant 80 : i32
    %mul3A_2 = arith.muli %add3A, %mul3A_1 : i32
    %run_scoped3A = arith.constant 1 : i32
    "tpu.region"() ({
      %run_scoped3A_55 = tpu.sem_alloc : memref<!tpu.dma_semaphore, #tpu.memory_space<semaphore_mem>>
      %dma_start3A_56 = arith.constant 0 : i32
      %dma_start3A_57 = tpu.memref_slice %arg3[%run_scoped3A, %mul3A_2, %dma_start3A_56] : memref<2x2560x128xi32, #tpu.memory_space<hbm>> -> memref<1x80x128xi32, #tpu.memory_space<hbm>>
      %dma_start3A_58 = tpu.memref_squeeze %dma_start3A_57 : memref<1x80x128xi32, #tpu.memory_space<hbm>> -> memref<80x128xi32, #tpu.memory_space<hbm>>
      %dma_start3A_59 = arith.constant 0 : i32
      %dma_start3A_60 = tpu.memref_slice %arg3[%run_scoped3A, %mul3A_2, %dma_start3A_59] : memref<2x2560x128xi32, #tpu.memory_space<hbm>> -> memref<1x80x128xi32, #tpu.memory_space<hbm>>
      %dma_start3A_61 = tpu.memref_squeeze %dma_start3A_60 : memref<1x80x128xi32, #tpu.memory_space<hbm>> -> memref<80x128xi32, #tpu.memory_space<hbm>>
      tpu.enqueue_dma source(%dma_start3A_61 : memref<80x128xi32, #tpu.memory_space<hbm>>) target(%arg5 : memref<80x128xi32, #tpu.memory_space<vmem>>) target_semaphore(%run_scoped3A_55 : memref<!tpu.dma_semaphore, #tpu.memory_space<semaphore_mem>>)
      %dma_wait3A_62 = arith.constant 0 : i32
      %dma_wait3A_63 = tpu.memref_slice %arg3[%run_scoped3A, %mul3A_2, %dma_wait3A_62] : memref<2x2560x128xi32, #tpu.memory_space<hbm>> -> memref<1x80x128xi32, #tpu.memory_space<hbm>>
      %dma_wait3A_64 = tpu.memref_squeeze %dma_wait3A_63 : memref<1x80x128xi32, #tpu.memory_space<hbm>> -> memref<80x128xi32, #tpu.memory_space<hbm>>
      %dma_wait3A_65 = arith.constant 0 : i32
      %dma_wait3A_66 = tpu.memref_slice %arg3[%run_scoped3A, %mul3A_2, %dma_wait3A_65] : memref<2x2560x128xi32, #tpu.memory_space<hbm>> -> memref<1x80x128xi32, #tpu.memory_space<hbm>>
      %dma_wait3A_67 = tpu.memref_squeeze %dma_wait3A_66 : memref<1x80x128xi32, #tpu.memory_space<hbm>> -> memref<80x128xi32, #tpu.memory_space<hbm>>
      tpu.wait_dma2 semaphore(%run_scoped3A_55 : memref<!tpu.dma_semaphore, #tpu.memory_space<semaphore_mem>>) src(%dma_wait3A_67 : memref<80x128xi32, #tpu.memory_space<hbm>>) dst(%arg5 : memref<80x128xi32, #tpu.memory_space<vmem>>)
      tpu.yield
    }) : () -> ()
    %broadcast_in_dim3A = arith.constant 0.000000e+00 : f32
    %broadcast_in_dim3A_3 = vector.broadcast %broadcast_in_dim3A : f32 to vector<16xf32>
    %scan3A = arith.constant 0 : i32
    %scan3A_4 = arith.constant 0 : i32
    %scan3A_5 = arith.constant 128 : i32
    %scan3A_6 = arith.addi %scan3A_4, %scan3A_5 : i32
    %scan3A_7 = arith.constant 4 : i32
    %scan3A_8 = scf.for %scan3A_55 = %scan3A_4 to %scan3A_6 step %scan3A_7 iter_args(%scan3A_56 = %scan3A) -> (i32)  : i32 {
      %swap3A = arith.index_cast %scan3A_55 : i32 to index
      %swap3A_57 = arith.constant 0 : index
      %swap3A_58 = tpu.vector_load %arg8[%swap3A, %swap3A_57] {strides = array<i32>} : memref<128x128xf32, #tpu.memory_space<vmem>>, vector<1x16xf32>,
      %swap3A_59 = vector.shape_cast %swap3A_58 : vector<1x16xf32> to vector<16xf32>
      %swap3A_60 = vector.shape_cast %broadcast_in_dim3A_3 : vector<16xf32> to vector<1x16xf32>
      tpu.vector_store %arg8[%swap3A, %swap3A_57], %swap3A_60 {strides = array<i32>} : memref<128x128xf32, #tpu.memory_space<vmem>>, vector<1x16xf32>,
      %swap3A_61 = arith.index_cast %scan3A_55 : i32 to index
      %swap3A_62 = arith.constant 16 : index
      %swap3A_63 = tpu.vector_load %arg8[%swap3A_61, %swap3A_62] {strides = array<i32>} : memref<128x128xf32, #tpu.memory_space<vmem>>, vector<1x16xf32>,
      %swap3A_64 = vector.shape_cast %swap3A_63 : vector<1x16xf32> to vector<16xf32>
      %swap3A_65 = vector.shape_cast %broadcast_in_dim3A_3 : vector<16xf32> to vector<1x16xf32>
      tpu.vector_store %arg8[%swap3A_61, %swap3A_62], %swap3A_65 {strides = array<i32>} : memref<128x128xf32, #tpu.memory_space<vmem>>, vector<1x16xf32>,
      %swap3A_66 = arith.index_cast %scan3A_55 : i32 to index
      %swap3A_67 = arith.constant 32 : index
      %swap3A_68 = tpu.vector_load %arg8[%swap3A_66, %swap3A_67] {strides = array<i32>} : memref<128x128xf32, #tpu.memory_space<vmem>>, vector<1x16xf32>,
      %swap3A_69 = vector.shape_cast %swap3A_68 : vector<1x16xf32> to vector<16xf32>
      %swap3A_70 = vector.shape_cast %broadcast_in_dim3A_3 : vector<16xf32> to vector<1x16xf32>
      tpu.vector_store %arg8[%swap3A_66, %swap3A_67], %swap3A_70 {strides = array<i32>} : memref<128x128xf32, #tpu.memory_space<vmem>>, vector<1x16xf32>,
      %swap3A_71 = arith.index_cast %scan3A_55 : i32 to index
      %swap3A_72 = arith.constant 48 : index
      %swap3A_73 = tpu.vector_load %arg8[%swap3A_71, %swap3A_72] {strides = array<i32>} : memref<128x128xf32, #tpu.memory_space<vmem>>, vector<1x16xf32>,
      %swap3A_74 = vector.shape_cast %swap3A_73 : vector<1x16xf32> to vector<16xf32>
      %swap3A_75 = vector.shape_cast %broadcast_in_dim3A_3 : vector<16xf32> to vector<1x16xf32>
      tpu.vector_store %arg8[%swap3A_71, %swap3A_72], %swap3A_75 {strides = array<i32>} : memref<128x128xf32, #tpu.memory_space<vmem>>, vector<1x16xf32>,
      %swap3A_76 = arith.index_cast %scan3A_55 : i32 to index
      %swap3A_77 = arith.constant 64 : index
      %swap3A_78 = tpu.vector_load %arg8[%swap3A_76, %swap3A_77] {strides = array<i32>} : memref<128x128xf32, #tpu.memory_space<vmem>>, vector<1x16xf32>,
      %swap3A_79 = vector.shape_cast %swap3A_78 : vector<1x16xf32> to vector<16xf32>
      %swap3A_80 = vector.shape_cast %broadcast_in_dim3A_3 : vector<16xf32> to vector<1x16xf32>
      tpu.vector_store %arg8[%swap3A_76, %swap3A_77], %swap3A_80 {strides = array<i32>} : memref<128x128xf32, #tpu.memory_space<vmem>>, vector<1x16xf32>,
      %swap3A_81 = arith.index_cast %scan3A_55 : i32 to index
      %swap3A_82 = arith.constant 80 : index
      %swap3A_83 = tpu.vector_load %arg8[%swap3A_81, %swap3A_82] {strides = array<i32>} : memref<128x128xf32, #tpu.memory_space<vmem>>, vector<1x16xf32>,
      %swap3A_84 = vector.shape_cast %swap3A_83 : vector<1x16xf32> to vector<16xf32>
      %swap3A_85 = vector.shape_cast %broadcast_in_dim3A_3 : vector<16xf32> to vector<1x16xf32>
      tpu.vector_store %arg8[%swap3A_81, %swap3A_82], %swap3A_85 {strides = array<i32>} : memref<128x128xf32, #tpu.memory_space<vmem>>, vector<1x16xf32>,
      %swap3A_86 = arith.index_cast %scan3A_55 : i32 to index
      %swap3A_87 = arith.constant 96 : index
      %swap3A_88 = tpu.vector_load %arg8[%swap3A_86, %swap3A_87] {strides = array<i32>} : memref<128x128xf32, #tpu.memory_space<vmem>>, vector<1x16xf32>,
      %swap3A_89 = vector.shape_cast %swap3A_88 : vector<1x16xf32> to vector<16xf32>
      %swap3A_90 = vector.shape_cast %broadcast_in_dim3A_3 : vector<16xf32> to vector<1x16xf32>
      tpu.vector_store %arg8[%swap3A_86, %swap3A_87], %swap3A_90 {strides = array<i32>} : memref<128x128xf32, #tpu.memory_space<vmem>>, vector<1x16xf32>,
      %swap3A_91 = arith.index_cast %scan3A_55 : i32 to index
      %swap3A_92 = arith.constant 112 : index
      %swap3A_93 = tpu.vector_load %arg8[%swap3A_91, %swap3A_92] {strides = array<i32>} : memref<128x128xf32, #tpu.memory_space<vmem>>, vector<1x16xf32>,
      %swap3A_94 = vector.shape_cast %swap3A_93 : vector<1x16xf32> to vector<16xf32>
      %swap3A_95 = vector.shape_cast %broadcast_in_dim3A_3 : vector<16xf32> to vector<1x16xf32>
      tpu.vector_store %arg8[%swap3A_91, %swap3A_92], %swap3A_95 {strides = array<i32>} : memref<128x128xf32, #tpu.memory_space<vmem>>, vector<1x16xf32>,
      %scan3A_96 = arith.constant 0 : i32
      %scan3A_97 = arith.constant 1 : i32
      %scan3A_98 = arith.addi %scan3A_55, %scan3A_97 : i32
      %swap3A_99 = arith.index_cast %scan3A_98 : i32 to index
      %swap3A_100 = arith.constant 0 : index
      %swap3A_101 = tpu.vector_load %arg8[%swap3A_99, %swap3A_100] {strides = array<i32>} : memref<128x128xf32, #tpu.memory_space<vmem>>, vector<1x16xf32>,
      %swap3A_102 = vector.shape_cast %swap3A_101 : vector<1x16xf32> to vector<16xf32>
      %swap3A_103 = vector.shape_cast %broadcast_in_dim3A_3 : vector<16xf32> to vector<1x16xf32>
      tpu.vector_store %arg8[%swap3A_99, %swap3A_100], %swap3A_103 {strides = array<i32>} : memref<128x128xf32, #tpu.memory_space<vmem>>, vector<1x16xf32>,
      %swap3A_104 = arith.index_cast %scan3A_98 : i32 to index
      %swap3A_105 = arith.constant 16 : index
      %swap3A_106 = tpu.vector_load %arg8[%swap3A_104, %swap3A_105] {strides = array<i32>} : memref<128x128xf32, #tpu.memory_space<vmem>>, vector<1x16xf32>,
      %swap3A_107 = vector.shape_cast %swap3A_106 : vector<1x16xf32> to vector<16xf32>
      %swap3A_108 = vector.shape_cast %broadcast_in_dim3A_3 : vector<16xf32> to vector<1x16xf32>
      tpu.vector_store %arg8[%swap3A_104, %swap3A_105], %swap3A_108 {strides = array<i32>} : memref<128x128xf32, #tpu.memory_space<vmem>>, vector<1x16xf32>,
      %swap3A_109 = arith.index_cast %scan3A_98 : i32 to index
      %swap3A_110 = arith.constant 32 : index
      %swap3A_111 = tpu.vector_load %arg8[%swap3A_109, %swap3A_110] {strides = array<i32>} : memref<128x128xf32, #tpu.memory_space<vmem>>, vector<1x16xf32>,
      %swap3A_112 = vector.shape_cast %swap3A_111 : vector<1x16xf32> to vector<16xf32>
      %swap3A_113 = vector.shape_cast %broadcast_in_dim3A_3 : vector<16xf32> to vector<1x16xf32>
      tpu.vector_store %arg8[%swap3A_109, %swap3A_110], %swap3A_113 {strides = array<i32>} : memref<128x128xf32, #tpu.memory_space<vmem>>, vector<1x16xf32>,
      %swap3A_114 = arith.index_cast %scan3A_98 : i32 to index
      %swap3A_115 = arith.constant 48 : index
      %swap3A_116 = tpu.vector_load %arg8[%swap3A_114, %swap3A_115] {strides = array<i32>} : memref<128x128xf32, #tpu.memory_space<vmem>>, vector<1x16xf32>,
      %swap3A_117 = vector.shape_cast %swap3A_116 : vector<1x16xf32> to vector<16xf32>
      %swap3A_118 = vector.shape_cast %broadcast_in_dim3A_3 : vector<16xf32> to vector<1x16xf32>
      tpu.vector_store %arg8[%swap3A_114, %swap3A_115], %swap3A_118 {strides = array<i32>} : memref<128x128xf32, #tpu.memory_space<vmem>>, vector<1x16xf32>,
      %swap3A_119 = arith.index_cast %scan3A_98 : i32 to index
      %swap3A_120 = arith.constant 64 : index
      %swap3A_121 = tpu.vector_load %arg8[%swap3A_119, %swap3A_120] {strides = array<i32>} : memref<128x128xf32, #tpu.memory_space<vmem>>, vector<1x16xf32>,
      %swap3A_122 = vector.shape_cast %swap3A_121 : vector<1x16xf32> to vector<16xf32>
      %swap3A_123 = vector.shape_cast %broadcast_in_dim3A_3 : vector<16xf32> to vector<1x16xf32>
      tpu.vector_store %arg8[%swap3A_119, %swap3A_120], %swap3A_123 {strides = array<i32>} : memref<128x128xf32, #tpu.memory_space<vmem>>, vector<1x16xf32>,
      %swap3A_124 = arith.index_cast %scan3A_98 : i32 to index
      %swap3A_125 = arith.constant 80 : index
      %swap3A_126 = tpu.vector_load %arg8[%swap3A_124, %swap3A_125] {strides = array<i32>} : memref<128x128xf32, #tpu.memory_space<vmem>>, vector<1x16xf32>,
      %swap3A_127 = vector.shape_cast %swap3A_126 : vector<1x16xf32> to vector<16xf32>
      %swap3A_128 = vector.shape_cast %broadcast_in_dim3A_3 : vector<16xf32> to vector<1x16xf32>
      tpu.vector_store %arg8[%swap3A_124, %swap3A_125], %swap3A_128 {strides = array<i32>} : memref<128x128xf32, #tpu.memory_space<vmem>>, vector<1x16xf32>,
      %swap3A_129 = arith.index_cast %scan3A_98 : i32 to index
      %swap3A_130 = arith.constant 96 : index
      %swap3A_131 = tpu.vector_load %arg8[%swap3A_129, %swap3A_130] {strides = array<i32>} : memref<128x128xf32, #tpu.memory_space<vmem>>, vector<1x16xf32>,
      %swap3A_132 = vector.shape_cast %swap3A_131 : vector<1x16xf32> to vector<16xf32>
      %swap3A_133 = vector.shape_cast %broadcast_in_dim3A_3 : vector<16xf32> to vector<1x16xf32>
      tpu.vector_store %arg8[%swap3A_129, %swap3A_130], %swap3A_133 {strides = array<i32>} : memref<128x128xf32, #tpu.memory_space<vmem>>, vector<1x16xf32>,
      %swap3A_134 = arith.index_cast %scan3A_98 : i32 to index
      %swap3A_135 = arith.constant 112 : index
      %swap3A_136 = tpu.vector_load %arg8[%swap3A_134, %swap3A_135] {strides = array<i32>} : memref<128x128xf32, #tpu.memory_space<vmem>>, vector<1x16xf32>,
      %swap3A_137 = vector.shape_cast %swap3A_136 : vector<1x16xf32> to vector<16xf32>
      %swap3A_138 = vector.shape_cast %broadcast_in_dim3A_3 : vector<16xf32> to vector<1x16xf32>
      tpu.vector_store %arg8[%swap3A_134, %swap3A_135], %swap3A_138 {strides = array<i32>} : memref<128x128xf32, #tpu.memory_space<vmem>>, vector<1x16xf32>,
      %scan3A_139 = arith.constant 0 : i32
      %scan3A_140 = arith.constant 2 : i32
      %scan3A_141 = arith.addi %scan3A_55, %scan3A_140 : i32
      %swap3A_142 = arith.index_cast %scan3A_141 : i32 to index
      %swap3A_143 = arith.constant 0 : index
      %swap3A_144 = tpu.vector_load %arg8[%swap3A_142, %swap3A_143] {strides = array<i32>} : memref<128x128xf32, #tpu.memory_space<vmem>>, vector<1x16xf32>,
      %swap3A_145 = vector.shape_cast %swap3A_144 : vector<1x16xf32> to vector<16xf32>
      %swap3A_146 = vector.shape_cast %broadcast_in_dim3A_3 : vector<16xf32> to vector<1x16xf32>
      tpu.vector_store %arg8[%swap3A_142, %swap3A_143], %swap3A_146 {strides = array<i32>} : memref<128x128xf32, #tpu.memory_space<vmem>>, vector<1x16xf32>,
      %swap3A_147 = arith.index_cast %scan3A_141 : i32 to index
      %swap3A_148 = arith.constant 16 : index
      %swap3A_149 = tpu.vector_load %arg8[%swap3A_147, %swap3A_148] {strides = array<i32>} : memref<128x128xf32, #tpu.memory_space<vmem>>, vector<1x16xf32>,
      %swap3A_150 = vector.shape_cast %swap3A_149 : vector<1x16xf32> to vector<16xf32>
      %swap3A_151 = vector.shape_cast %broadcast_in_dim3A_3 : vector<16xf32> to vector<1x16xf32>
      tpu.vector_store %arg8[%swap3A_147, %swap3A_148], %swap3A_151 {strides = array<i32>} : memref<128x128xf32, #tpu.memory_space<vmem>>, vector<1x16xf32>,
      %swap3A_152 = arith.index_cast %scan3A_141 : i32 to index
      %swap3A_153 = arith.constant 32 : index
      %swap3A_154 = tpu.vector_load %arg8[%swap3A_152, %swap3A_153] {strides = array<i32>} : memref<128x128xf32, #tpu.memory_space<vmem>>, vector<1x16xf32>,
      %swap3A_155 = vector.shape_cast %swap3A_154 : vector<1x16xf32> to vector<16xf32>
      %swap3A_156 = vector.shape_cast %broadcast_in_dim3A_3 : vector<16xf32> to vector<1x16xf32>
      tpu.vector_store %arg8[%swap3A_152, %swap3A_153], %swap3A_156 {strides = array<i32>} : memref<128x128xf32, #tpu.memory_space<vmem>>, vector<1x16xf32>,
      %swap3A_157 = arith.index_cast %scan3A_141 : i32 to index
      %swap3A_158 = arith.constant 48 : index
      %swap3A_159 = tpu.vector_load %arg8[%swap3A_157, %swap3A_158] {strides = array<i32>} : memref<128x128xf32, #tpu.memory_space<vmem>>, vector<1x16xf32>,
      %swap3A_160 = vector.shape_cast %swap3A_159 : vector<1x16xf32> to vector<16xf32>
      %swap3A_161 = vector.shape_cast %broadcast_in_dim3A_3 : vector<16xf32> to vector<1x16xf32>
      tpu.vector_store %arg8[%swap3A_157, %swap3A_158], %swap3A_161 {strides = array<i32>} : memref<128x128xf32, #tpu.memory_space<vmem>>, vector<1x16xf32>,
      %swap3A_162 = arith.index_cast %scan3A_141 : i32 to index
      %swap3A_163 = arith.constant 64 : index
      %swap3A_164 = tpu.vector_load %arg8[%swap3A_162, %swap3A_163] {strides = array<i32>} : memref<128x128xf32, #tpu.memory_space<vmem>>, vector<1x16xf32>,
      %swap3A_165 = vector.shape_cast %swap3A_164 : vector<1x16xf32> to vector<16xf32>
      %swap3A_166 = vector.shape_cast %broadcast_in_dim3A_3 : vector<16xf32> to vector<1x16xf32>
      tpu.vector_store %arg8[%swap3A_162, %swap3A_163], %swap3A_166 {strides = array<i32>} : memref<128x128xf32, #tpu.memory_space<vmem>>, vector<1x16xf32>,
      %swap3A_167 = arith.index_cast %scan3A_141 : i32 to index
      %swap3A_168 = arith.constant 80 : index
      %swap3A_169 = tpu.vector_load %arg8[%swap3A_167, %swap3A_168] {strides = array<i32>} : memref<128x128xf32, #tpu.memory_space<vmem>>, vector<1x16xf32>,
      %swap3A_170 = vector.shape_cast %swap3A_169 : vector<1x16xf32> to vector<16xf32>
      %swap3A_171 = vector.shape_cast %broadcast_in_dim3A_3 : vector<16xf32> to vector<1x16xf32>
      tpu.vector_store %arg8[%swap3A_167, %swap3A_168], %swap3A_171 {strides = array<i32>} : memref<128x128xf32, #tpu.memory_space<vmem>>, vector<1x16xf32>,
      %swap3A_172 = arith.index_cast %scan3A_141 : i32 to index
      %swap3A_173 = arith.constant 96 : index
      %swap3A_174 = tpu.vector_load %arg8[%swap3A_172, %swap3A_173] {strides = array<i32>} : memref<128x128xf32, #tpu.memory_space<vmem>>, vector<1x16xf32>,
      %swap3A_175 = vector.shape_cast %swap3A_174 : vector<1x16xf32> to vector<16xf32>
      %swap3A_176 = vector.shape_cast %broadcast_in_dim3A_3 : vector<16xf32> to vector<1x16xf32>
      tpu.vector_store %arg8[%swap3A_172, %swap3A_173], %swap3A_176 {strides = array<i32>} : memref<128x128xf32, #tpu.memory_space<vmem>>, vector<1x16xf32>,
      %swap3A_177 = arith.index_cast %scan3A_141 : i32 to index
      %swap3A_178 = arith.constant 112 : index
      %swap3A_179 = tpu.vector_load %arg8[%swap3A_177, %swap3A_178] {strides = array<i32>} : memref<128x128xf32, #tpu.memory_space<vmem>>, vector<1x16xf32>,
      %swap3A_180 = vector.shape_cast %swap3A_179 : vector<1x16xf32> to vector<16xf32>
      %swap3A_181 = vector.shape_cast %broadcast_in_dim3A_3 : vector<16xf32> to vector<1x16xf32>
      tpu.vector_store %arg8[%swap3A_177, %swap3A_178], %swap3A_181 {strides = array<i32>} : memref<128x128xf32, #tpu.memory_space<vmem>>, vector<1x16xf32>,
      %scan3A_182 = arith.constant 0 : i32
      %scan3A_183 = arith.constant 3 : i32
      %scan3A_184 = arith.addi %scan3A_55, %scan3A_183 : i32
      %swap3A_185 = arith.index_cast %scan3A_184 : i32 to index
      %swap3A_186 = arith.constant 0 : index
      %swap3A_187 = tpu.vector_load %arg8[%swap3A_185, %swap3A_186] {strides = array<i32>} : memref<128x128xf32, #tpu.memory_space<vmem>>, vector<1x16xf32>,
      %swap3A_188 = vector.shape_cast %swap3A_187 : vector<1x16xf32> to vector<16xf32>
      %swap3A_189 = vector.shape_cast %broadcast_in_dim3A_3 : vector<16xf32> to vector<1x16xf32>
      tpu.vector_store %arg8[%swap3A_185, %swap3A_186], %swap3A_189 {strides = array<i32>} : memref<128x128xf32, #tpu.memory_space<vmem>>, vector<1x16xf32>,
      %swap3A_190 = arith.index_cast %scan3A_184 : i32 to index
      %swap3A_191 = arith.constant 16 : index
      %swap3A_192 = tpu.vector_load %arg8[%swap3A_190, %swap3A_191] {strides = array<i32>} : memref<128x128xf32, #tpu.memory_space<vmem>>, vector<1x16xf32>,
      %swap3A_193 = vector.shape_cast %swap3A_192 : vector<1x16xf32> to vector<16xf32>
      %swap3A_194 = vector.shape_cast %broadcast_in_dim3A_3 : vector<16xf32> to vector<1x16xf32>
      tpu.vector_store %arg8[%swap3A_190, %swap3A_191], %swap3A_194 {strides = array<i32>} : memref<128x128xf32, #tpu.memory_space<vmem>>, vector<1x16xf32>,
      %swap3A_195 = arith.index_cast %scan3A_184 : i32 to index
      %swap3A_196 = arith.constant 32 : index
      %swap3A_197 = tpu.vector_load %arg8[%swap3A_195, %swap3A_196] {strides = array<i32>} : memref<128x128xf32, #tpu.memory_space<vmem>>, vector<1x16xf32>,
      %swap3A_198 = vector.shape_cast %swap3A_197 : vector<1x16xf32> to vector<16xf32>
      %swap3A_199 = vector.shape_cast %broadcast_in_dim3A_3 : vector<16xf32> to vector<1x16xf32>
      tpu.vector_store %arg8[%swap3A_195, %swap3A_196], %swap3A_199 {strides = array<i32>} : memref<128x128xf32, #tpu.memory_space<vmem>>, vector<1x16xf32>,
      %swap3A_200 = arith.index_cast %scan3A_184 : i32 to index
      %swap3A_201 = arith.constant 48 : index
      %swap3A_202 = tpu.vector_load %arg8[%swap3A_200, %swap3A_201] {strides = array<i32>} : memref<128x128xf32, #tpu.memory_space<vmem>>, vector<1x16xf32>,
      %swap3A_203 = vector.shape_cast %swap3A_202 : vector<1x16xf32> to vector<16xf32>
      %swap3A_204 = vector.shape_cast %broadcast_in_dim3A_3 : vector<16xf32> to vector<1x16xf32>
      tpu.vector_store %arg8[%swap3A_200, %swap3A_201], %swap3A_204 {strides = array<i32>} : memref<128x128xf32, #tpu.memory_space<vmem>>, vector<1x16xf32>,
      %swap3A_205 = arith.index_cast %scan3A_184 : i32 to index
      %swap3A_206 = arith.constant 64 : index
      %swap3A_207 = tpu.vector_load %arg8[%swap3A_205, %swap3A_206] {strides = array<i32>} : memref<128x128xf32, #tpu.memory_space<vmem>>, vector<1x16xf32>,
      %swap3A_208 = vector.shape_cast %swap3A_207 : vector<1x16xf32> to vector<16xf32>
      %swap3A_209 = vector.shape_cast %broadcast_in_dim3A_3 : vector<16xf32> to vector<1x16xf32>
      tpu.vector_store %arg8[%swap3A_205, %swap3A_206], %swap3A_209 {strides = array<i32>} : memref<128x128xf32, #tpu.memory_space<vmem>>, vector<1x16xf32>,
      %swap3A_210 = arith.index_cast %scan3A_184 : i32 to index
      %swap3A_211 = arith.constant 80 : index
      %swap3A_212 = tpu.vector_load %arg8[%swap3A_210, %swap3A_211] {strides = array<i32>} : memref<128x128xf32, #tpu.memory_space<vmem>>, vector<1x16xf32>,
      %swap3A_213 = vector.shape_cast %swap3A_212 : vector<1x16xf32> to vector<16xf32>
      %swap3A_214 = vector.shape_cast %broadcast_in_dim3A_3 : vector<16xf32> to vector<1x16xf32>
      tpu.vector_store %arg8[%swap3A_210, %swap3A_211], %swap3A_214 {strides = array<i32>} : memref<128x128xf32, #tpu.memory_space<vmem>>, vector<1x16xf32>,
      %swap3A_215 = arith.index_cast %scan3A_184 : i32 to index
      %swap3A_216 = arith.constant 96 : index
      %swap3A_217 = tpu.vector_load %arg8[%swap3A_215, %swap3A_216] {strides = array<i32>} : memref<128x128xf32, #tpu.memory_space<vmem>>, vector<1x16xf32>,
      %swap3A_218 = vector.shape_cast %swap3A_217 : vector<1x16xf32> to vector<16xf32>
      %swap3A_219 = vector.shape_cast %broadcast_in_dim3A_3 : vector<16xf32> to vector<1x16xf32>
      tpu.vector_store %arg8[%swap3A_215, %swap3A_216], %swap3A_219 {strides = array<i32>} : memref<128x128xf32, #tpu.memory_space<vmem>>, vector<1x16xf32>,
      %swap3A_220 = arith.index_cast %scan3A_184 : i32 to index
      %swap3A_221 = arith.constant 112 : index
      %swap3A_222 = tpu.vector_load %arg8[%swap3A_220, %swap3A_221] {strides = array<i32>} : memref<128x128xf32, #tpu.memory_space<vmem>>, vector<1x16xf32>,
      %swap3A_223 = vector.shape_cast %swap3A_222 : vector<1x16xf32> to vector<16xf32>
      %swap3A_224 = vector.shape_cast %broadcast_in_dim3A_3 : vector<16xf32> to vector<1x16xf32>
      tpu.vector_store %arg8[%swap3A_220, %swap3A_221], %swap3A_224 {strides = array<i32>} : memref<128x128xf32, #tpu.memory_space<vmem>>, vector<1x16xf32>,
      %scan3A_225 = arith.constant 0 : i32
      scf.yield %scan3A_225 : i32
    }
    %scan3A_9 = arith.constant 128 : i32
    %mul3A_10 = arith.constant 640 : i32
    %mul3A_11 = arith.muli %arg1, %mul3A_10 : i32
    %add3A_12 = arith.constant 0 : i32
    %add3A_13 = arith.addi %mul3A_11, %add3A_12 : i32
    "tpu.region"() ({
      %run_scoped3A_55 = tpu.sem_alloc : memref<!tpu.dma_semaphore, #tpu.memory_space<semaphore_mem>>
      %dma_start3A_56 = arith.constant 0 : i32
      %dma_start3A_57 = tpu.memref_slice %arg10[%add3A_13, %dma_start3A_56] : memref<10240x128xf32, #tpu.memory_space<vmem_shared>> -> memref<128x128xf32, #tpu.memory_space<vmem_shared>>
      %dma_start3A_58 = arith.constant 0 : i32
      %dma_start3A_59 = tpu.memref_slice %arg10[%add3A_13, %dma_start3A_58] : memref<10240x128xf32, #tpu.memory_space<vmem_shared>> -> memref<128x128xf32, #tpu.memory_space<vmem_shared>>
      tpu.enqueue_dma source(%arg8 : memref<128x128xf32, #tpu.memory_space<vmem>>) target(%dma_start3A_59 : memref<128x128xf32, #tpu.memory_space<vmem_shared>>) target_semaphore(%run_scoped3A_55 : memref<!tpu.dma_semaphore, #tpu.memory_space<semaphore_mem>>)
      %dma_wait3A_60 = arith.constant 0 : i32
      %dma_wait3A_61 = tpu.memref_slice %arg10[%add3A_13, %dma_wait3A_60] : memref<10240x128xf32, #tpu.memory_space<vmem_shared>> -> memref<128x128xf32, #tpu.memory_space<vmem_shared>>
      %dma_wait3A_62 = arith.constant 0 : i32
      %dma_wait3A_63 = tpu.memref_slice %arg10[%add3A_13, %dma_wait3A_62] : memref<10240x128xf32, #tpu.memory_space<vmem_shared>> -> memref<128x128xf32, #tpu.memory_space<vmem_shared>>
      tpu.wait_dma2 semaphore(%run_scoped3A_55 : memref<!tpu.dma_semaphore, #tpu.memory_space<semaphore_mem>>) src(%arg8 : memref<128x128xf32, #tpu.memory_space<vmem>>) dst(%dma_wait3A_63 : memref<128x128xf32, #tpu.memory_space<vmem_shared>>)
      tpu.yield
    }) : () -> ()
    %mul3A_14 = arith.constant 640 : i32
    %mul3A_15 = arith.muli %arg1, %mul3A_14 : i32
    %add3A_16 = arith.constant 128 : i32
    %add3A_17 = arith.addi %mul3A_15, %add3A_16 : i32
    "tpu.region"() ({
      %run_scoped3A_55 = tpu.sem_alloc : memref<!tpu.dma_semaphore, #tpu.memory_space<semaphore_mem>>
      %dma_start3A_56 = arith.constant 0 : i32
      %dma_start3A_57 = tpu.memref_slice %arg10[%add3A_17, %dma_start3A_56] : memref<10240x128xf32, #tpu.memory_space<vmem_shared>> -> memref<128x128xf32, #tpu.memory_space<vmem_shared>>
      %dma_start3A_58 = arith.constant 0 : i32
      %dma_start3A_59 = tpu.memref_slice %arg10[%add3A_17, %dma_start3A_58] : memref<10240x128xf32, #tpu.memory_space<vmem_shared>> -> memref<128x128xf32, #tpu.memory_space<vmem_shared>>
      tpu.enqueue_dma source(%arg8 : memref<128x128xf32, #tpu.memory_space<vmem>>) target(%dma_start3A_59 : memref<128x128xf32, #tpu.memory_space<vmem_shared>>) target_semaphore(%run_scoped3A_55 : memref<!tpu.dma_semaphore, #tpu.memory_space<semaphore_mem>>)
      %dma_wait3A_60 = arith.constant 0 : i32
      %dma_wait3A_61 = tpu.memref_slice %arg10[%add3A_17, %dma_wait3A_60] : memref<10240x128xf32, #tpu.memory_space<vmem_shared>> -> memref<128x128xf32, #tpu.memory_space<vmem_shared>>
      %dma_wait3A_62 = arith.constant 0 : i32
      %dma_wait3A_63 = tpu.memref_slice %arg10[%add3A_17, %dma_wait3A_62] : memref<10240x128xf32, #tpu.memory_space<vmem_shared>> -> memref<128x128xf32, #tpu.memory_space<vmem_shared>>
      tpu.wait_dma2 semaphore(%run_scoped3A_55 : memref<!tpu.dma_semaphore, #tpu.memory_space<semaphore_mem>>) src(%arg8 : memref<128x128xf32, #tpu.memory_space<vmem>>) dst(%dma_wait3A_63 : memref<128x128xf32, #tpu.memory_space<vmem_shared>>)
      tpu.yield
    }) : () -> ()
    %mul3A_18 = arith.constant 640 : i32
    %mul3A_19 = arith.muli %arg1, %mul3A_18 : i32
    %add3A_20 = arith.constant 256 : i32
    %add3A_21 = arith.addi %mul3A_19, %add3A_20 : i32
    "tpu.region"() ({
      %run_scoped3A_55 = tpu.sem_alloc : memref<!tpu.dma_semaphore, #tpu.memory_space<semaphore_mem>>
      %dma_start3A_56 = arith.constant 0 : i32
      %dma_start3A_57 = tpu.memref_slice %arg10[%add3A_21, %dma_start3A_56] : memref<10240x128xf32, #tpu.memory_space<vmem_shared>> -> memref<128x128xf32, #tpu.memory_space<vmem_shared>>
      %dma_start3A_58 = arith.constant 0 : i32
      %dma_start3A_59 = tpu.memref_slice %arg10[%add3A_21, %dma_start3A_58] : memref<10240x128xf32, #tpu.memory_space<vmem_shared>> -> memref<128x128xf32, #tpu.memory_space<vmem_shared>>
      tpu.enqueue_dma source(%arg8 : memref<128x128xf32, #tpu.memory_space<vmem>>) target(%dma_start3A_59 : memref<128x128xf32, #tpu.memory_space<vmem_shared>>) target_semaphore(%run_scoped3A_55 : memref<!tpu.dma_semaphore, #tpu.memory_space<semaphore_mem>>)
      %dma_wait3A_60 = arith.constant 0 : i32
      %dma_wait3A_61 = tpu.memref_slice %arg10[%add3A_21, %dma_wait3A_60] : memref<10240x128xf32, #tpu.memory_space<vmem_shared>> -> memref<128x128xf32, #tpu.memory_space<vmem_shared>>
      %dma_wait3A_62 = arith.constant 0 : i32
      %dma_wait3A_63 = tpu.memref_slice %arg10[%add3A_21, %dma_wait3A_62] : memref<10240x128xf32, #tpu.memory_space<vmem_shared>> -> memref<128x128xf32, #tpu.memory_space<vmem_shared>>
      tpu.wait_dma2 semaphore(%run_scoped3A_55 : memref<!tpu.dma_semaphore, #tpu.memory_space<semaphore_mem>>) src(%arg8 : memref<128x128xf32, #tpu.memory_space<vmem>>) dst(%dma_wait3A_63 : memref<128x128xf32, #tpu.memory_space<vmem_shared>>)
      tpu.yield
    }) : () -> ()
    %mul3A_22 = arith.constant 640 : i32
    %mul3A_23 = arith.muli %arg1, %mul3A_22 : i32
    %add3A_24 = arith.constant 384 : i32
    %add3A_25 = arith.addi %mul3A_23, %add3A_24 : i32
    "tpu.region"() ({
      %run_scoped3A_55 = tpu.sem_alloc : memref<!tpu.dma_semaphore, #tpu.memory_space<semaphore_mem>>
      %dma_start3A_56 = arith.constant 0 : i32
      %dma_start3A_57 = tpu.memref_slice %arg10[%add3A_25, %dma_start3A_56] : memref<10240x128xf32, #tpu.memory_space<vmem_shared>> -> memref<128x128xf32, #tpu.memory_space<vmem_shared>>
      %dma_start3A_58 = arith.constant 0 : i32
      %dma_start3A_59 = tpu.memref_slice %arg10[%add3A_25, %dma_start3A_58] : memref<10240x128xf32, #tpu.memory_space<vmem_shared>> -> memref<128x128xf32, #tpu.memory_space<vmem_shared>>
      tpu.enqueue_dma source(%arg8 : memref<128x128xf32, #tpu.memory_space<vmem>>) target(%dma_start3A_59 : memref<128x128xf32, #tpu.memory_space<vmem_shared>>) target_semaphore(%run_scoped3A_55 : memref<!tpu.dma_semaphore, #tpu.memory_space<semaphore_mem>>)
      %dma_wait3A_60 = arith.constant 0 : i32
      %dma_wait3A_61 = tpu.memref_slice %arg10[%add3A_25, %dma_wait3A_60] : memref<10240x128xf32, #tpu.memory_space<vmem_shared>> -> memref<128x128xf32, #tpu.memory_space<vmem_shared>>
      %dma_wait3A_62 = arith.constant 0 : i32
      %dma_wait3A_63 = tpu.memref_slice %arg10[%add3A_25, %dma_wait3A_62] : memref<10240x128xf32, #tpu.memory_space<vmem_shared>> -> memref<128x128xf32, #tpu.memory_space<vmem_shared>>
      tpu.wait_dma2 semaphore(%run_scoped3A_55 : memref<!tpu.dma_semaphore, #tpu.memory_space<semaphore_mem>>) src(%arg8 : memref<128x128xf32, #tpu.memory_space<vmem>>) dst(%dma_wait3A_63 : memref<128x128xf32, #tpu.memory_space<vmem_shared>>)
      tpu.yield
    }) : () -> ()
    %mul3A_26 = arith.constant 640 : i32
    %mul3A_27 = arith.muli %arg1, %mul3A_26 : i32
    %add3A_28 = arith.constant 512 : i32
    %add3A_29 = arith.addi %mul3A_27, %add3A_28 : i32
    "tpu.region"() ({
      %run_scoped3A_55 = tpu.sem_alloc : memref<!tpu.dma_semaphore, #tpu.memory_space<semaphore_mem>>
      %dma_start3A_56 = arith.constant 0 : i32
      %dma_start3A_57 = tpu.memref_slice %arg10[%add3A_29, %dma_start3A_56] : memref<10240x128xf32, #tpu.memory_space<vmem_shared>> -> memref<128x128xf32, #tpu.memory_space<vmem_shared>>
      %dma_start3A_58 = arith.constant 0 : i32
      %dma_start3A_59 = tpu.memref_slice %arg10[%add3A_29, %dma_start3A_58] : memref<10240x128xf32, #tpu.memory_space<vmem_shared>> -> memref<128x128xf32, #tpu.memory_space<vmem_shared>>
      tpu.enqueue_dma source(%arg8 : memref<128x128xf32, #tpu.memory_space<vmem>>) target(%dma_start3A_59 : memref<128x128xf32, #tpu.memory_space<vmem_shared>>) target_semaphore(%run_scoped3A_55 : memref<!tpu.dma_semaphore, #tpu.memory_space<semaphore_mem>>)
      %dma_wait3A_60 = arith.constant 0 : i32
      %dma_wait3A_61 = tpu.memref_slice %arg10[%add3A_29, %dma_wait3A_60] : memref<10240x128xf32, #tpu.memory_space<vmem_shared>> -> memref<128x128xf32, #tpu.memory_space<vmem_shared>>
      %dma_wait3A_62 = arith.constant 0 : i32
      %dma_wait3A_63 = tpu.memref_slice %arg10[%add3A_29, %dma_wait3A_62] : memref<10240x128xf32, #tpu.memory_space<vmem_shared>> -> memref<128x128xf32, #tpu.memory_space<vmem_shared>>
      tpu.wait_dma2 semaphore(%run_scoped3A_55 : memref<!tpu.dma_semaphore, #tpu.memory_space<semaphore_mem>>) src(%arg8 : memref<128x128xf32, #tpu.memory_space<vmem>>) dst(%dma_wait3A_63 : memref<128x128xf32, #tpu.memory_space<vmem_shared>>)
      tpu.yield
    }) : () -> ()
    %barrier3A = arith.constant 0 : index
    tpu.barrier barrier_id(%barrier3A)
    %run_scoped3A_30 = arith.constant 0 : i32
    "tpu.region"() ({
      %run_scoped3A_55 = tpu.sem_alloc : memref<!tpu.dma_semaphore, #tpu.memory_space<semaphore_mem>>
      %dma_start3A_56 = arith.constant 0 : i32
      %dma_start3A_57 = tpu.memref_slice %arg3[%run_scoped3A_30, %mul3A_2, %dma_start3A_56] : memref<2x2560x128xi32, #tpu.memory_space<hbm>> -> memref<1x8x128xi32, #tpu.memory_space<hbm>>
      %dma_start3A_58 = tpu.memref_squeeze %dma_start3A_57 : memref<1x8x128xi32, #tpu.memory_space<hbm>> -> memref<8x128xi32, #tpu.memory_space<hbm>>
      %dma_start3A_59 = arith.constant 0 : i32
      %dma_start3A_60 = tpu.memref_slice %arg3[%run_scoped3A_30, %mul3A_2, %dma_start3A_59] : memref<2x2560x128xi32, #tpu.memory_space<hbm>> -> memref<1x8x128xi32, #tpu.memory_space<hbm>>
      %dma_start3A_61 = tpu.memref_squeeze %dma_start3A_60 : memref<1x8x128xi32, #tpu.memory_space<hbm>> -> memref<8x128xi32, #tpu.memory_space<hbm>>
      tpu.enqueue_dma source(%dma_start3A_61 : memref<8x128xi32, #tpu.memory_space<hbm>>) target(%arg6 : memref<8x128xi32, #tpu.memory_space<vmem>>) target_semaphore(%run_scoped3A_55 : memref<!tpu.dma_semaphore, #tpu.memory_space<semaphore_mem>>)
      %dma_wait3A_62 = arith.constant 0 : i32
      %dma_wait3A_63 = tpu.memref_slice %arg3[%run_scoped3A_30, %mul3A_2, %dma_wait3A_62] : memref<2x2560x128xi32, #tpu.memory_space<hbm>> -> memref<1x8x128xi32, #tpu.memory_space<hbm>>
      %dma_wait3A_64 = tpu.memref_squeeze %dma_wait3A_63 : memref<1x8x128xi32, #tpu.memory_space<hbm>> -> memref<8x128xi32, #tpu.memory_space<hbm>>
      %dma_wait3A_65 = arith.constant 0 : i32
      %dma_wait3A_66 = tpu.memref_slice %arg3[%run_scoped3A_30, %mul3A_2, %dma_wait3A_65] : memref<2x2560x128xi32, #tpu.memory_space<hbm>> -> memref<1x8x128xi32, #tpu.memory_space<hbm>>
      %dma_wait3A_67 = tpu.memref_squeeze %dma_wait3A_66 : memref<1x8x128xi32, #tpu.memory_space<hbm>> -> memref<8x128xi32, #tpu.memory_space<hbm>>
      tpu.wait_dma2 semaphore(%run_scoped3A_55 : memref<!tpu.dma_semaphore, #tpu.memory_space<semaphore_mem>>) src(%dma_wait3A_67 : memref<8x128xi32, #tpu.memory_space<hbm>>) dst(%arg6 : memref<8x128xi32, #tpu.memory_space<vmem>>)
      tpu.yield
    }) : () -> ()
    %dma_start3A = arith.constant 0 : i32
    %dma_start3A_31 = arith.constant 0 : i32
    %dma_start3A_32 = tpu.memref_slice %arg6[%dma_start3A, %dma_start3A_31] : memref<8x128xi32, #tpu.memory_space<vmem>> -> memref<1x128xi32, #tpu.memory_space<vmem>>
    %dma_start3A_33 = tpu.memref_squeeze %dma_start3A_32 : memref<1x128xi32, #tpu.memory_space<vmem>> -> memref<128xi32, #tpu.memory_space<vmem>>
    %dma_start3A_34 = arith.constant 0 : i32
    %dma_start3A_35 = arith.constant 0 : i32
    %dma_start3A_36 = tpu.memref_slice %arg2[%dma_start3A_34, %dma_start3A_35] : memref<10000x128xf32, #tpu.memory_space<hbm>> -> memref<10000x128xf32, #tpu.memory_space<hbm>>
    tpu.enqueue_indirect_dma source(%dma_start3A_36 : memref<10000x128xf32, #tpu.memory_space<hbm>>) target(%arg8 : memref<128x128xf32, #tpu.memory_space<vmem>>) offsets(%dma_start3A_33 : memref<128xi32, #tpu.memory_space<vmem>>) semaphore(%arg11 : memref<!tpu.dma_semaphore, #tpu.memory_space<semaphore_mem>>)
    %scan3A_37 = arith.constant 0 : i32
    %scan3A_38 = arith.constant 0 : i32
    %scan3A_39 = arith.constant 5 : i32
    %scan3A_40 = arith.addi %scan3A_38, %scan3A_39 : i32
    %scan3A_41 = arith.constant 1 : i32
    %scan3A_42 = scf.for %scan3A_55 = %scan3A_38 to %scan3A_40 step %scan3A_41 iter_args(%scan3A_56 = %scan3A_37) -> (i32)  : i32 {
      %mul3A_57 = arith.constant 2 : i32
      %mul3A_58 = arith.muli %mul3A_57, %scan3A_55 : i32
      %add3A_59 = arith.constant 1 : i32
      %add3A_60 = arith.addi %mul3A_58, %add3A_59 : i32
      %mul3A_61 = arith.constant 8 : i32
      %mul3A_62 = arith.muli %add3A_60, %mul3A_61 : i32
      %add3A_63 = arith.addi %mul3A_2, %mul3A_62 : i32
      %lt3A = arith.constant 9 : i32
      %lt3A_64 = arith.cmpi slt, %mul3A_58, %lt3A : i32
      %convert_element_type3A = arith.extui %lt3A_64 : i1 to i32
      %cond3A = arith.constant 0 : i32
      %cond3A_65 = arith.constant 0 : i32
      %cond3A_66 = arith.cmpi ne, %convert_element_type3A, %cond3A_65 : i32
      scf.if %cond3A_66 {
        %dma_start3A_544 = arith.constant 0 : i32
        %dma_start3A_545 = tpu.memref_slice %arg3[%cond3A, %add3A_63, %dma_start3A_544] : memref<2x2560x128xi32, #tpu.memory_space<hbm>> -> memref<1x8x128xi32, #tpu.memory_space<hbm>>
        %dma_start3A_546 = tpu.memref_squeeze %dma_start3A_545 : memref<1x8x128xi32, #tpu.memory_space<hbm>> -> memref<8x128xi32, #tpu.memory_space<hbm>>
        %dma_start3A_547 = arith.constant 0 : i32
        %dma_start3A_548 = tpu.memref_slice %arg3[%cond3A, %add3A_63, %dma_start3A_547] : memref<2x2560x128xi32, #tpu.memory_space<hbm>> -> memref<1x8x128xi32, #tpu.memory_space<hbm>>
        %dma_start3A_549 = tpu.memref_squeeze %dma_start3A_548 : memref<1x8x128xi32, #tpu.memory_space<hbm>> -> memref<8x128xi32, #tpu.memory_space<hbm>>
        tpu.enqueue_dma source(%dma_start3A_549 : memref<8x128xi32, #tpu.memory_space<hbm>>) target(%arg7 : memref<8x128xi32, #tpu.memory_space<vmem>>) target_semaphore(%arg14 : memref<!tpu.dma_semaphore, #tpu.memory_space<semaphore_mem>>)
      } else {
      }
      %mul3A_67 = arith.constant 8 : i32
      %mul3A_68 = arith.muli %mul3A_58, %mul3A_67 : i32
      %add3A_69 = arith.constant 0 : i32
      %add3A_70 = arith.addi %mul3A_68, %add3A_69 : i32
      %dma_wait3A_71 = arith.constant 0 : i32
      %dma_wait3A_72 = arith.constant 0 : i32
      %dma_wait3A_73 = tpu.memref_slice %arg6[%dma_wait3A_71, %dma_wait3A_72] : memref<8x128xi32, #tpu.memory_space<vmem>> -> memref<1x128xi32, #tpu.memory_space<vmem>>
      %dma_wait3A_74 = tpu.memref_squeeze %dma_wait3A_73 : memref<1x128xi32, #tpu.memory_space<vmem>> -> memref<128xi32, #tpu.memory_space<vmem>>
      %dma_wait3A_75 = arith.constant 0 : i32
      %dma_wait3A_76 = arith.constant 0 : i32
      %dma_wait3A_77 = tpu.memref_slice %arg2[%dma_wait3A_75, %dma_wait3A_76] : memref<10000x128xf32, #tpu.memory_space<hbm>> -> memref<10000x128xf32, #tpu.memory_space<hbm>>
      tpu.wait_indirect_dma semaphore(%arg11 : memref<!tpu.dma_semaphore, #tpu.memory_space<semaphore_mem>>) src(%dma_wait3A_77 : memref<10000x128xf32, #tpu.memory_space<hbm>>) dst(%arg8 : memref<128x128xf32, #tpu.memory_space<vmem>>)
      %ge3A = arith.constant 1 : i32
      %ge3A_78 = arith.cmpi sge, %add3A_70, %ge3A : i32
      %convert_element_type3A_79 = arith.extui %ge3A_78 : i1 to i32
      %cond3A_80 = arith.constant 0 : i32
      %cond3A_81 = arith.cmpi ne, %convert_element_type3A_79, %cond3A_80 : i32
      scf.if %cond3A_81 {
        %sub3A = arith.constant 1 : i32
        %sub3A_544 = arith.subi %add3A_70, %sub3A : i32
        %dma_wait3A_545 = arith.constant 0 : i32
        %dma_wait3A_546 = tpu.memref_slice %arg5[%sub3A_544, %dma_wait3A_545] : memref<80x128xi32, #tpu.memory_space<vmem>> -> memref<1x128xi32, #tpu.memory_space<vmem>>
        %dma_wait3A_547 = tpu.memref_squeeze %dma_wait3A_546 : memref<1x128xi32, #tpu.memory_space<vmem>> -> memref<128xi32, #tpu.memory_space<vmem>>
        %dma_wait3A_548 = arith.constant 0 : i32
        %dma_wait3A_549 = arith.constant 0 : i32
        %dma_wait3A_550 = tpu.memref_slice %arg10[%dma_wait3A_548, %dma_wait3A_549] : memref<10240x128xf32, #tpu.memory_space<vmem_shared>> -> memref<10240x128xf32, #tpu.memory_space<vmem_shared>>
        tpu.wait_indirect_dma semaphore(%arg16 : memref<!tpu.dma_semaphore, #tpu.memory_space<semaphore_mem>>) src(%arg9 : memref<128x128xf32, #tpu.memory_space<vmem>>) dst(%dma_wait3A_550 : memref<10240x128xf32, #tpu.memory_space<vmem_shared>>)
      } else {
      }
      %dma_start3A_82 = arith.constant 1 : i32
      %dma_start3A_83 = arith.constant 0 : i32
      %dma_start3A_84 = tpu.memref_slice %arg6[%dma_start3A_82, %dma_start3A_83] : memref<8x128xi32, #tpu.memory_space<vmem>> -> memref<1x128xi32, #tpu.memory_space<vmem>>
      %dma_start3A_85 = tpu.memref_squeeze %dma_start3A_84 : memref<1x128xi32, #tpu.memory_space<vmem>> -> memref<128xi32, #tpu.memory_space<vmem>>
      %dma_start3A_86 = arith.constant 0 : i32
      %dma_start3A_87 = arith.constant 0 : i32
      %dma_start3A_88 = tpu.memref_slice %arg2[%dma_start3A_86, %dma_start3A_87] : memref<10000x128xf32, #tpu.memory_space<hbm>> -> memref<10000x128xf32, #tpu.memory_space<hbm>>
      tpu.enqueue_indirect_dma source(%dma_start3A_88 : memref<10000x128xf32, #tpu.memory_space<hbm>>) target(%arg9 : memref<128x128xf32, #tpu.memory_space<vmem>>) offsets(%dma_start3A_85 : memref<128xi32, #tpu.memory_space<vmem>>) semaphore(%arg12 : memref<!tpu.dma_semaphore, #tpu.memory_space<semaphore_mem>>)
      %dma_start3A_89 = arith.constant 0 : i32
      %dma_start3A_90 = tpu.memref_slice %arg5[%add3A_70, %dma_start3A_89] : memref<80x128xi32, #tpu.memory_space<vmem>> -> memref<1x128xi32, #tpu.memory_space<vmem>>
      %dma_start3A_91 = tpu.memref_squeeze %dma_start3A_90 : memref<1x128xi32, #tpu.memory_space<vmem>> -> memref<128xi32, #tpu.memory_space<vmem>>
      %dma_start3A_92 = arith.constant 0 : i32
      %dma_start3A_93 = arith.constant 0 : i32
      %dma_start3A_94 = tpu.memref_slice %arg10[%dma_start3A_92, %dma_start3A_93] : memref<10240x128xf32, #tpu.memory_space<vmem_shared>> -> memref<10240x128xf32, #tpu.memory_space<vmem_shared>>
      tpu.enqueue_indirect_dma source(%arg8 : memref<128x128xf32, #tpu.memory_space<vmem>>) target(%dma_start3A_94 : memref<10240x128xf32, #tpu.memory_space<vmem_shared>>) offsets(%dma_start3A_91 : memref<128xi32, #tpu.memory_space<vmem>>) semaphore(%arg15 : memref<!tpu.dma_semaphore, #tpu.memory_space<semaphore_mem>>) {add = true}
      %mul3A_95 = arith.constant 8 : i32
      %mul3A_96 = arith.muli %mul3A_58, %mul3A_95 : i32
      %add3A_97 = arith.constant 1 : i32
      %add3A_98 = arith.addi %mul3A_96, %add3A_97 : i32
      %dma_wait3A_99 = arith.constant 1 : i32
      %dma_wait3A_100 = arith.constant 0 : i32
      %dma_wait3A_101 = tpu.memref_slice %arg6[%dma_wait3A_99, %dma_wait3A_100] : memref<8x128xi32, #tpu.memory_space<vmem>> -> memref<1x128xi32, #tpu.memory_space<vmem>>
      %dma_wait3A_102 = tpu.memref_squeeze %dma_wait3A_101 : memref<1x128xi32, #tpu.memory_space<vmem>> -> memref<128xi32, #tpu.memory_space<vmem>>
      %dma_wait3A_103 = arith.constant 0 : i32
      %dma_wait3A_104 = arith.constant 0 : i32
      %dma_wait3A_105 = tpu.memref_slice %arg2[%dma_wait3A_103, %dma_wait3A_104] : memref<10000x128xf32, #tpu.memory_space<hbm>> -> memref<10000x128xf32, #tpu.memory_space<hbm>>
      tpu.wait_indirect_dma semaphore(%arg12 : memref<!tpu.dma_semaphore, #tpu.memory_space<semaphore_mem>>) src(%dma_wait3A_105 : memref<10000x128xf32, #tpu.memory_space<hbm>>) dst(%arg9 : memref<128x128xf32, #tpu.memory_space<vmem>>)
      %ge3A_106 = arith.constant 1 : i32
      %ge3A_107 = arith.cmpi sge, %add3A_98, %ge3A_106 : i32
      %convert_element_type3A_108 = arith.extui %ge3A_107 : i1 to i32
      %cond3A_109 = arith.constant 0 : i32
      %cond3A_110 = arith.cmpi ne, %convert_element_type3A_108, %cond3A_109 : i32
      scf.if %cond3A_110 {
        %sub3A = arith.constant 1 : i32
        %sub3A_544 = arith.subi %add3A_98, %sub3A : i32
        %dma_wait3A_545 = arith.constant 0 : i32
        %dma_wait3A_546 = tpu.memref_slice %arg5[%sub3A_544, %dma_wait3A_545] : memref<80x128xi32, #tpu.memory_space<vmem>> -> memref<1x128xi32, #tpu.memory_space<vmem>>
        %dma_wait3A_547 = tpu.memref_squeeze %dma_wait3A_546 : memref<1x128xi32, #tpu.memory_space<vmem>> -> memref<128xi32, #tpu.memory_space<vmem>>
        %dma_wait3A_548 = arith.constant 0 : i32
        %dma_wait3A_549 = arith.constant 0 : i32
        %dma_wait3A_550 = tpu.memref_slice %arg10[%dma_wait3A_548, %dma_wait3A_549] : memref<10240x128xf32, #tpu.memory_space<vmem_shared>> -> memref<10240x128xf32, #tpu.memory_space<vmem_shared>>
        tpu.wait_indirect_dma semaphore(%arg15 : memref<!tpu.dma_semaphore, #tpu.memory_space<semaphore_mem>>) src(%arg8 : memref<128x128xf32, #tpu.memory_space<vmem>>) dst(%dma_wait3A_550 : memref<10240x128xf32, #tpu.memory_space<vmem_shared>>)
      } else {
      }
      %dma_start3A_111 = arith.constant 2 : i32
      %dma_start3A_112 = arith.constant 0 : i32
      %dma_start3A_113 = tpu.memref_slice %arg6[%dma_start3A_111, %dma_start3A_112] : memref<8x128xi32, #tpu.memory_space<vmem>> -> memref<1x128xi32, #tpu.memory_space<vmem>>
      %dma_start3A_114 = tpu.memref_squeeze %dma_start3A_113 : memref<1x128xi32, #tpu.memory_space<vmem>> -> memref<128xi32, #tpu.memory_space<vmem>>
      %dma_start3A_115 = arith.constant 0 : i32
      %dma_start3A_116 = arith.constant 0 : i32
      %dma_start3A_117 = tpu.memref_slice %arg2[%dma_start3A_115, %dma_start3A_116] : memref<10000x128xf32, #tpu.memory_space<hbm>> -> memref<10000x128xf32, #tpu.memory_space<hbm>>
      tpu.enqueue_indirect_dma source(%dma_start3A_117 : memref<10000x128xf32, #tpu.memory_space<hbm>>) target(%arg8 : memref<128x128xf32, #tpu.memory_space<vmem>>) offsets(%dma_start3A_114 : memref<128xi32, #tpu.memory_space<vmem>>) semaphore(%arg11 : memref<!tpu.dma_semaphore, #tpu.memory_space<semaphore_mem>>)
      %dma_start3A_118 = arith.constant 0 : i32
      %dma_start3A_119 = tpu.memref_slice %arg5[%add3A_98, %dma_start3A_118] : memref<80x128xi32, #tpu.memory_space<vmem>> -> memref<1x128xi32, #tpu.memory_space<vmem>>
      %dma_start3A_120 = tpu.memref_squeeze %dma_start3A_119 : memref<1x128xi32, #tpu.memory_space<vmem>> -> memref<128xi32, #tpu.memory_space<vmem>>
      %dma_start3A_121 = arith.constant 0 : i32
      %dma_start3A_122 = arith.constant 0 : i32
      %dma_start3A_123 = tpu.memref_slice %arg10[%dma_start3A_121, %dma_start3A_122] : memref<10240x128xf32, #tpu.memory_space<vmem_shared>> -> memref<10240x128xf32, #tpu.memory_space<vmem_shared>>
      tpu.enqueue_indirect_dma source(%arg9 : memref<128x128xf32, #tpu.memory_space<vmem>>) target(%dma_start3A_123 : memref<10240x128xf32, #tpu.memory_space<vmem_shared>>) offsets(%dma_start3A_120 : memref<128xi32, #tpu.memory_space<vmem>>) semaphore(%arg16 : memref<!tpu.dma_semaphore, #tpu.memory_space<semaphore_mem>>) {add = true}
      %mul3A_124 = arith.constant 8 : i32
      %mul3A_125 = arith.muli %mul3A_58, %mul3A_124 : i32
      %add3A_126 = arith.constant 2 : i32
      %add3A_127 = arith.addi %mul3A_125, %add3A_126 : i32
      %dma_wait3A_128 = arith.constant 2 : i32
      %dma_wait3A_129 = arith.constant 0 : i32
      %dma_wait3A_130 = tpu.memref_slice %arg6[%dma_wait3A_128, %dma_wait3A_129] : memref<8x128xi32, #tpu.memory_space<vmem>> -> memref<1x128xi32, #tpu.memory_space<vmem>>
      %dma_wait3A_131 = tpu.memref_squeeze %dma_wait3A_130 : memref<1x128xi32, #tpu.memory_space<vmem>> -> memref<128xi32, #tpu.memory_space<vmem>>
      %dma_wait3A_132 = arith.constant 0 : i32
      %dma_wait3A_133 = arith.constant 0 : i32
      %dma_wait3A_134 = tpu.memref_slice %arg2[%dma_wait3A_132, %dma_wait3A_133] : memref<10000x128xf32, #tpu.memory_space<hbm>> -> memref<10000x128xf32, #tpu.memory_space<hbm>>
      tpu.wait_indirect_dma semaphore(%arg11 : memref<!tpu.dma_semaphore, #tpu.memory_space<semaphore_mem>>) src(%dma_wait3A_134 : memref<10000x128xf32, #tpu.memory_space<hbm>>) dst(%arg8 : memref<128x128xf32, #tpu.memory_space<vmem>>)
      %ge3A_135 = arith.constant 1 : i32
      %ge3A_136 = arith.cmpi sge, %add3A_127, %ge3A_135 : i32
      %convert_element_type3A_137 = arith.extui %ge3A_136 : i1 to i32
      %cond3A_138 = arith.constant 0 : i32
      %cond3A_139 = arith.cmpi ne, %convert_element_type3A_137, %cond3A_138 : i32
      scf.if %cond3A_139 {
        %sub3A = arith.constant 1 : i32
        %sub3A_544 = arith.subi %add3A_127, %sub3A : i32
        %dma_wait3A_545 = arith.constant 0 : i32
        %dma_wait3A_546 = tpu.memref_slice %arg5[%sub3A_544, %dma_wait3A_545] : memref<80x128xi32, #tpu.memory_space<vmem>> -> memref<1x128xi32, #tpu.memory_space<vmem>>
        %dma_wait3A_547 = tpu.memref_squeeze %dma_wait3A_546 : memref<1x128xi32, #tpu.memory_space<vmem>> -> memref<128xi32, #tpu.memory_space<vmem>>
        %dma_wait3A_548 = arith.constant 0 : i32
        %dma_wait3A_549 = arith.constant 0 : i32
        %dma_wait3A_550 = tpu.memref_slice %arg10[%dma_wait3A_548, %dma_wait3A_549] : memref<10240x128xf32, #tpu.memory_space<vmem_shared>> -> memref<10240x128xf32, #tpu.memory_space<vmem_shared>>
        tpu.wait_indirect_dma semaphore(%arg16 : memref<!tpu.dma_semaphore, #tpu.memory_space<semaphore_mem>>) src(%arg9 : memref<128x128xf32, #tpu.memory_space<vmem>>) dst(%dma_wait3A_550 : memref<10240x128xf32, #tpu.memory_space<vmem_shared>>)
      } else {
      }
      %dma_start3A_140 = arith.constant 3 : i32
      %dma_start3A_141 = arith.constant 0 : i32
      %dma_start3A_142 = tpu.memref_slice %arg6[%dma_start3A_140, %dma_start3A_141] : memref<8x128xi32, #tpu.memory_space<vmem>> -> memref<1x128xi32, #tpu.memory_space<vmem>>
      %dma_start3A_143 = tpu.memref_squeeze %dma_start3A_142 : memref<1x128xi32, #tpu.memory_space<vmem>> -> memref<128xi32, #tpu.memory_space<vmem>>
      %dma_start3A_144 = arith.constant 0 : i32
      %dma_start3A_145 = arith.constant 0 : i32
      %dma_start3A_146 = tpu.memref_slice %arg2[%dma_start3A_144, %dma_start3A_145] : memref<10000x128xf32, #tpu.memory_space<hbm>> -> memref<10000x128xf32, #tpu.memory_space<hbm>>
      tpu.enqueue_indirect_dma source(%dma_start3A_146 : memref<10000x128xf32, #tpu.memory_space<hbm>>) target(%arg9 : memref<128x128xf32, #tpu.memory_space<vmem>>) offsets(%dma_start3A_143 : memref<128xi32, #tpu.memory_space<vmem>>) semaphore(%arg12 : memref<!tpu.dma_semaphore, #tpu.memory_space<semaphore_mem>>)
      %dma_start3A_147 = arith.constant 0 : i32
      %dma_start3A_148 = tpu.memref_slice %arg5[%add3A_127, %dma_start3A_147] : memref<80x128xi32, #tpu.memory_space<vmem>> -> memref<1x128xi32, #tpu.memory_space<vmem>>
      %dma_start3A_149 = tpu.memref_squeeze %dma_start3A_148 : memref<1x128xi32, #tpu.memory_space<vmem>> -> memref<128xi32, #tpu.memory_space<vmem>>
      %dma_start3A_150 = arith.constant 0 : i32
      %dma_start3A_151 = arith.constant 0 : i32
      %dma_start3A_152 = tpu.memref_slice %arg10[%dma_start3A_150, %dma_start3A_151] : memref<10240x128xf32, #tpu.memory_space<vmem_shared>> -> memref<10240x128xf32, #tpu.memory_space<vmem_shared>>
      tpu.enqueue_indirect_dma source(%arg8 : memref<128x128xf32, #tpu.memory_space<vmem>>) target(%dma_start3A_152 : memref<10240x128xf32, #tpu.memory_space<vmem_shared>>) offsets(%dma_start3A_149 : memref<128xi32, #tpu.memory_space<vmem>>) semaphore(%arg15 : memref<!tpu.dma_semaphore, #tpu.memory_space<semaphore_mem>>) {add = true}
      %mul3A_153 = arith.constant 8 : i32
      %mul3A_154 = arith.muli %mul3A_58, %mul3A_153 : i32
      %add3A_155 = arith.constant 3 : i32
      %add3A_156 = arith.addi %mul3A_154, %add3A_155 : i32
      %dma_wait3A_157 = arith.constant 3 : i32
      %dma_wait3A_158 = arith.constant 0 : i32
      %dma_wait3A_159 = tpu.memref_slice %arg6[%dma_wait3A_157, %dma_wait3A_158] : memref<8x128xi32, #tpu.memory_space<vmem>> -> memref<1x128xi32, #tpu.memory_space<vmem>>
      %dma_wait3A_160 = tpu.memref_squeeze %dma_wait3A_159 : memref<1x128xi32, #tpu.memory_space<vmem>> -> memref<128xi32, #tpu.memory_space<vmem>>
      %dma_wait3A_161 = arith.constant 0 : i32
      %dma_wait3A_162 = arith.constant 0 : i32
      %dma_wait3A_163 = tpu.memref_slice %arg2[%dma_wait3A_161, %dma_wait3A_162] : memref<10000x128xf32, #tpu.memory_space<hbm>> -> memref<10000x128xf32, #tpu.memory_space<hbm>>
      tpu.wait_indirect_dma semaphore(%arg12 : memref<!tpu.dma_semaphore, #tpu.memory_space<semaphore_mem>>) src(%dma_wait3A_163 : memref<10000x128xf32, #tpu.memory_space<hbm>>) dst(%arg9 : memref<128x128xf32, #tpu.memory_space<vmem>>)
      %ge3A_164 = arith.constant 1 : i32
      %ge3A_165 = arith.cmpi sge, %add3A_156, %ge3A_164 : i32
      %convert_element_type3A_166 = arith.extui %ge3A_165 : i1 to i32
      %cond3A_167 = arith.constant 0 : i32
      %cond3A_168 = arith.cmpi ne, %convert_element_type3A_166, %cond3A_167 : i32
      scf.if %cond3A_168 {
        %sub3A = arith.constant 1 : i32
        %sub3A_544 = arith.subi %add3A_156, %sub3A : i32
        %dma_wait3A_545 = arith.constant 0 : i32
        %dma_wait3A_546 = tpu.memref_slice %arg5[%sub3A_544, %dma_wait3A_545] : memref<80x128xi32, #tpu.memory_space<vmem>> -> memref<1x128xi32, #tpu.memory_space<vmem>>
        %dma_wait3A_547 = tpu.memref_squeeze %dma_wait3A_546 : memref<1x128xi32, #tpu.memory_space<vmem>> -> memref<128xi32, #tpu.memory_space<vmem>>
        %dma_wait3A_548 = arith.constant 0 : i32
        %dma_wait3A_549 = arith.constant 0 : i32
        %dma_wait3A_550 = tpu.memref_slice %arg10[%dma_wait3A_548, %dma_wait3A_549] : memref<10240x128xf32, #tpu.memory_space<vmem_shared>> -> memref<10240x128xf32, #tpu.memory_space<vmem_shared>>
        tpu.wait_indirect_dma semaphore(%arg15 : memref<!tpu.dma_semaphore, #tpu.memory_space<semaphore_mem>>) src(%arg8 : memref<128x128xf32, #tpu.memory_space<vmem>>) dst(%dma_wait3A_550 : memref<10240x128xf32, #tpu.memory_space<vmem_shared>>)
      } else {
      }
      %dma_start3A_169 = arith.constant 4 : i32
      %dma_start3A_170 = arith.constant 0 : i32
      %dma_start3A_171 = tpu.memref_slice %arg6[%dma_start3A_169, %dma_start3A_170] : memref<8x128xi32, #tpu.memory_space<vmem>> -> memref<1x128xi32, #tpu.memory_space<vmem>>
      %dma_start3A_172 = tpu.memref_squeeze %dma_start3A_171 : memref<1x128xi32, #tpu.memory_space<vmem>> -> memref<128xi32, #tpu.memory_space<vmem>>
      %dma_start3A_173 = arith.constant 0 : i32
      %dma_start3A_174 = arith.constant 0 : i32
      %dma_start3A_175 = tpu.memref_slice %arg2[%dma_start3A_173, %dma_start3A_174] : memref<10000x128xf32, #tpu.memory_space<hbm>> -> memref<10000x128xf32, #tpu.memory_space<hbm>>
      tpu.enqueue_indirect_dma source(%dma_start3A_175 : memref<10000x128xf32, #tpu.memory_space<hbm>>) target(%arg8 : memref<128x128xf32, #tpu.memory_space<vmem>>) offsets(%dma_start3A_172 : memref<128xi32, #tpu.memory_space<vmem>>) semaphore(%arg11 : memref<!tpu.dma_semaphore, #tpu.memory_space<semaphore_mem>>)
      %dma_start3A_176 = arith.constant 0 : i32
      %dma_start3A_177 = tpu.memref_slice %arg5[%add3A_156, %dma_start3A_176] : memref<80x128xi32, #tpu.memory_space<vmem>> -> memref<1x128xi32, #tpu.memory_space<vmem>>
      %dma_start3A_178 = tpu.memref_squeeze %dma_start3A_177 : memref<1x128xi32, #tpu.memory_space<vmem>> -> memref<128xi32, #tpu.memory_space<vmem>>
      %dma_start3A_179 = arith.constant 0 : i32
      %dma_start3A_180 = arith.constant 0 : i32
      %dma_start3A_181 = tpu.memref_slice %arg10[%dma_start3A_179, %dma_start3A_180] : memref<10240x128xf32, #tpu.memory_space<vmem_shared>> -> memref<10240x128xf32, #tpu.memory_space<vmem_shared>>
      tpu.enqueue_indirect_dma source(%arg9 : memref<128x128xf32, #tpu.memory_space<vmem>>) target(%dma_start3A_181 : memref<10240x128xf32, #tpu.memory_space<vmem_shared>>) offsets(%dma_start3A_178 : memref<128xi32, #tpu.memory_space<vmem>>) semaphore(%arg16 : memref<!tpu.dma_semaphore, #tpu.memory_space<semaphore_mem>>) {add = true}
      %mul3A_182 = arith.constant 8 : i32
      %mul3A_183 = arith.muli %mul3A_58, %mul3A_182 : i32
      %add3A_184 = arith.constant 4 : i32
      %add3A_185 = arith.addi %mul3A_183, %add3A_184 : i32
      %dma_wait3A_186 = arith.constant 4 : i32
      %dma_wait3A_187 = arith.constant 0 : i32
      %dma_wait3A_188 = tpu.memref_slice %arg6[%dma_wait3A_186, %dma_wait3A_187] : memref<8x128xi32, #tpu.memory_space<vmem>> -> memref<1x128xi32, #tpu.memory_space<vmem>>
      %dma_wait3A_189 = tpu.memref_squeeze %dma_wait3A_188 : memref<1x128xi32, #tpu.memory_space<vmem>> -> memref<128xi32, #tpu.memory_space<vmem>>
      %dma_wait3A_190 = arith.constant 0 : i32
      %dma_wait3A_191 = arith.constant 0 : i32
      %dma_wait3A_192 = tpu.memref_slice %arg2[%dma_wait3A_190, %dma_wait3A_191] : memref<10000x128xf32, #tpu.memory_space<hbm>> -> memref<10000x128xf32, #tpu.memory_space<hbm>>
      tpu.wait_indirect_dma semaphore(%arg11 : memref<!tpu.dma_semaphore, #tpu.memory_space<semaphore_mem>>) src(%dma_wait3A_192 : memref<10000x128xf32, #tpu.memory_space<hbm>>) dst(%arg8 : memref<128x128xf32, #tpu.memory_space<vmem>>)
      %ge3A_193 = arith.constant 1 : i32
      %ge3A_194 = arith.cmpi sge, %add3A_185, %ge3A_193 : i32
      %convert_element_type3A_195 = arith.extui %ge3A_194 : i1 to i32
      %cond3A_196 = arith.constant 0 : i32
      %cond3A_197 = arith.cmpi ne, %convert_element_type3A_195, %cond3A_196 : i32
      scf.if %cond3A_197 {
        %sub3A = arith.constant 1 : i32
        %sub3A_544 = arith.subi %add3A_185, %sub3A : i32
        %dma_wait3A_545 = arith.constant 0 : i32
        %dma_wait3A_546 = tpu.memref_slice %arg5[%sub3A_544, %dma_wait3A_545] : memref<80x128xi32, #tpu.memory_space<vmem>> -> memref<1x128xi32, #tpu.memory_space<vmem>>
        %dma_wait3A_547 = tpu.memref_squeeze %dma_wait3A_546 : memref<1x128xi32, #tpu.memory_space<vmem>> -> memref<128xi32, #tpu.memory_space<vmem>>
        %dma_wait3A_548 = arith.constant 0 : i32
        %dma_wait3A_549 = arith.constant 0 : i32
        %dma_wait3A_550 = tpu.memref_slice %arg10[%dma_wait3A_548, %dma_wait3A_549] : memref<10240x128xf32, #tpu.memory_space<vmem_shared>> -> memref<10240x128xf32, #tpu.memory_space<vmem_shared>>
        tpu.wait_indirect_dma semaphore(%arg16 : memref<!tpu.dma_semaphore, #tpu.memory_space<semaphore_mem>>) src(%arg9 : memref<128x128xf32, #tpu.memory_space<vmem>>) dst(%dma_wait3A_550 : memref<10240x128xf32, #tpu.memory_space<vmem_shared>>)
      } else {
      }
      %dma_start3A_198 = arith.constant 5 : i32
      %dma_start3A_199 = arith.constant 0 : i32
      %dma_start3A_200 = tpu.memref_slice %arg6[%dma_start3A_198, %dma_start3A_199] : memref<8x128xi32, #tpu.memory_space<vmem>> -> memref<1x128xi32, #tpu.memory_space<vmem>>
      %dma_start3A_201 = tpu.memref_squeeze %dma_start3A_200 : memref<1x128xi32, #tpu.memory_space<vmem>> -> memref<128xi32, #tpu.memory_space<vmem>>
      %dma_start3A_202 = arith.constant 0 : i32
      %dma_start3A_203 = arith.constant 0 : i32
      %dma_start3A_204 = tpu.memref_slice %arg2[%dma_start3A_202, %dma_start3A_203] : memref<10000x128xf32, #tpu.memory_space<hbm>> -> memref<10000x128xf32, #tpu.memory_space<hbm>>
      tpu.enqueue_indirect_dma source(%dma_start3A_204 : memref<10000x128xf32, #tpu.memory_space<hbm>>) target(%arg9 : memref<128x128xf32, #tpu.memory_space<vmem>>) offsets(%dma_start3A_201 : memref<128xi32, #tpu.memory_space<vmem>>) semaphore(%arg12 : memref<!tpu.dma_semaphore, #tpu.memory_space<semaphore_mem>>)
      %dma_start3A_205 = arith.constant 0 : i32
      %dma_start3A_206 = tpu.memref_slice %arg5[%add3A_185, %dma_start3A_205] : memref<80x128xi32, #tpu.memory_space<vmem>> -> memref<1x128xi32, #tpu.memory_space<vmem>>
      %dma_start3A_207 = tpu.memref_squeeze %dma_start3A_206 : memref<1x128xi32, #tpu.memory_space<vmem>> -> memref<128xi32, #tpu.memory_space<vmem>>
      %dma_start3A_208 = arith.constant 0 : i32
      %dma_start3A_209 = arith.constant 0 : i32
      %dma_start3A_210 = tpu.memref_slice %arg10[%dma_start3A_208, %dma_start3A_209] : memref<10240x128xf32, #tpu.memory_space<vmem_shared>> -> memref<10240x128xf32, #tpu.memory_space<vmem_shared>>
      tpu.enqueue_indirect_dma source(%arg8 : memref<128x128xf32, #tpu.memory_space<vmem>>) target(%dma_start3A_210 : memref<10240x128xf32, #tpu.memory_space<vmem_shared>>) offsets(%dma_start3A_207 : memref<128xi32, #tpu.memory_space<vmem>>) semaphore(%arg15 : memref<!tpu.dma_semaphore, #tpu.memory_space<semaphore_mem>>) {add = true}
      %mul3A_211 = arith.constant 8 : i32
      %mul3A_212 = arith.muli %mul3A_58, %mul3A_211 : i32
      %add3A_213 = arith.constant 5 : i32
      %add3A_214 = arith.addi %mul3A_212, %add3A_213 : i32
      %dma_wait3A_215 = arith.constant 5 : i32
      %dma_wait3A_216 = arith.constant 0 : i32
      %dma_wait3A_217 = tpu.memref_slice %arg6[%dma_wait3A_215, %dma_wait3A_216] : memref<8x128xi32, #tpu.memory_space<vmem>> -> memref<1x128xi32, #tpu.memory_space<vmem>>
      %dma_wait3A_218 = tpu.memref_squeeze %dma_wait3A_217 : memref<1x128xi32, #tpu.memory_space<vmem>> -> memref<128xi32, #tpu.memory_space<vmem>>
      %dma_wait3A_219 = arith.constant 0 : i32
      %dma_wait3A_220 = arith.constant 0 : i32
      %dma_wait3A_221 = tpu.memref_slice %arg2[%dma_wait3A_219, %dma_wait3A_220] : memref<10000x128xf32, #tpu.memory_space<hbm>> -> memref<10000x128xf32, #tpu.memory_space<hbm>>
      tpu.wait_indirect_dma semaphore(%arg12 : memref<!tpu.dma_semaphore, #tpu.memory_space<semaphore_mem>>) src(%dma_wait3A_221 : memref<10000x128xf32, #tpu.memory_space<hbm>>) dst(%arg9 : memref<128x128xf32, #tpu.memory_space<vmem>>)
      %ge3A_222 = arith.constant 1 : i32
      %ge3A_223 = arith.cmpi sge, %add3A_214, %ge3A_222 : i32
      %convert_element_type3A_224 = arith.extui %ge3A_223 : i1 to i32
      %cond3A_225 = arith.constant 0 : i32
      %cond3A_226 = arith.cmpi ne, %convert_element_type3A_224, %cond3A_225 : i32
      scf.if %cond3A_226 {
        %sub3A = arith.constant 1 : i32
        %sub3A_544 = arith.subi %add3A_214, %sub3A : i32
        %dma_wait3A_545 = arith.constant 0 : i32
        %dma_wait3A_546 = tpu.memref_slice %arg5[%sub3A_544, %dma_wait3A_545] : memref<80x128xi32, #tpu.memory_space<vmem>> -> memref<1x128xi32, #tpu.memory_space<vmem>>
        %dma_wait3A_547 = tpu.memref_squeeze %dma_wait3A_546 : memref<1x128xi32, #tpu.memory_space<vmem>> -> memref<128xi32, #tpu.memory_space<vmem>>
        %dma_wait3A_548 = arith.constant 0 : i32
        %dma_wait3A_549 = arith.constant 0 : i32
        %dma_wait3A_550 = tpu.memref_slice %arg10[%dma_wait3A_548, %dma_wait3A_549] : memref<10240x128xf32, #tpu.memory_space<vmem_shared>> -> memref<10240x128xf32, #tpu.memory_space<vmem_shared>>
        tpu.wait_indirect_dma semaphore(%arg15 : memref<!tpu.dma_semaphore, #tpu.memory_space<semaphore_mem>>) src(%arg8 : memref<128x128xf32, #tpu.memory_space<vmem>>) dst(%dma_wait3A_550 : memref<10240x128xf32, #tpu.memory_space<vmem_shared>>)
      } else {
      }
      %dma_start3A_227 = arith.constant 6 : i32
      %dma_start3A_228 = arith.constant 0 : i32
      %dma_start3A_229 = tpu.memref_slice %arg6[%dma_start3A_227, %dma_start3A_228] : memref<8x128xi32, #tpu.memory_space<vmem>> -> memref<1x128xi32, #tpu.memory_space<vmem>>
      %dma_start3A_230 = tpu.memref_squeeze %dma_start3A_229 : memref<1x128xi32, #tpu.memory_space<vmem>> -> memref<128xi32, #tpu.memory_space<vmem>>
      %dma_start3A_231 = arith.constant 0 : i32
      %dma_start3A_232 = arith.constant 0 : i32
      %dma_start3A_233 = tpu.memref_slice %arg2[%dma_start3A_231, %dma_start3A_232] : memref<10000x128xf32, #tpu.memory_space<hbm>> -> memref<10000x128xf32, #tpu.memory_space<hbm>>
      tpu.enqueue_indirect_dma source(%dma_start3A_233 : memref<10000x128xf32, #tpu.memory_space<hbm>>) target(%arg8 : memref<128x128xf32, #tpu.memory_space<vmem>>) offsets(%dma_start3A_230 : memref<128xi32, #tpu.memory_space<vmem>>) semaphore(%arg11 : memref<!tpu.dma_semaphore, #tpu.memory_space<semaphore_mem>>)
      %dma_start3A_234 = arith.constant 0 : i32
      %dma_start3A_235 = tpu.memref_slice %arg5[%add3A_214, %dma_start3A_234] : memref<80x128xi32, #tpu.memory_space<vmem>> -> memref<1x128xi32, #tpu.memory_space<vmem>>
      %dma_start3A_236 = tpu.memref_squeeze %dma_start3A_235 : memref<1x128xi32, #tpu.memory_space<vmem>> -> memref<128xi32, #tpu.memory_space<vmem>>
      %dma_start3A_237 = arith.constant 0 : i32
      %dma_start3A_238 = arith.constant 0 : i32
      %dma_start3A_239 = tpu.memref_slice %arg10[%dma_start3A_237, %dma_start3A_238] : memref<10240x128xf32, #tpu.memory_space<vmem_shared>> -> memref<10240x128xf32, #tpu.memory_space<vmem_shared>>
      tpu.enqueue_indirect_dma source(%arg9 : memref<128x128xf32, #tpu.memory_space<vmem>>) target(%dma_start3A_239 : memref<10240x128xf32, #tpu.memory_space<vmem_shared>>) offsets(%dma_start3A_236 : memref<128xi32, #tpu.memory_space<vmem>>) semaphore(%arg16 : memref<!tpu.dma_semaphore, #tpu.memory_space<semaphore_mem>>) {add = true}
      %mul3A_240 = arith.constant 8 : i32
      %mul3A_241 = arith.muli %mul3A_58, %mul3A_240 : i32
      %add3A_242 = arith.constant 6 : i32
      %add3A_243 = arith.addi %mul3A_241, %add3A_242 : i32
      %dma_wait3A_244 = arith.constant 6 : i32
      %dma_wait3A_245 = arith.constant 0 : i32
      %dma_wait3A_246 = tpu.memref_slice %arg6[%dma_wait3A_244, %dma_wait3A_245] : memref<8x128xi32, #tpu.memory_space<vmem>> -> memref<1x128xi32, #tpu.memory_space<vmem>>
      %dma_wait3A_247 = tpu.memref_squeeze %dma_wait3A_246 : memref<1x128xi32, #tpu.memory_space<vmem>> -> memref<128xi32, #tpu.memory_space<vmem>>
      %dma_wait3A_248 = arith.constant 0 : i32
      %dma_wait3A_249 = arith.constant 0 : i32
      %dma_wait3A_250 = tpu.memref_slice %arg2[%dma_wait3A_248, %dma_wait3A_249] : memref<10000x128xf32, #tpu.memory_space<hbm>> -> memref<10000x128xf32, #tpu.memory_space<hbm>>
      tpu.wait_indirect_dma semaphore(%arg11 : memref<!tpu.dma_semaphore, #tpu.memory_space<semaphore_mem>>) src(%dma_wait3A_250 : memref<10000x128xf32, #tpu.memory_space<hbm>>) dst(%arg8 : memref<128x128xf32, #tpu.memory_space<vmem>>)
      %ge3A_251 = arith.constant 1 : i32
      %ge3A_252 = arith.cmpi sge, %add3A_243, %ge3A_251 : i32
      %convert_element_type3A_253 = arith.extui %ge3A_252 : i1 to i32
      %cond3A_254 = arith.constant 0 : i32
      %cond3A_255 = arith.cmpi ne, %convert_element_type3A_253, %cond3A_254 : i32
      scf.if %cond3A_255 {
        %sub3A = arith.constant 1 : i32
        %sub3A_544 = arith.subi %add3A_243, %sub3A : i32
        %dma_wait3A_545 = arith.constant 0 : i32
        %dma_wait3A_546 = tpu.memref_slice %arg5[%sub3A_544, %dma_wait3A_545] : memref<80x128xi32, #tpu.memory_space<vmem>> -> memref<1x128xi32, #tpu.memory_space<vmem>>
        %dma_wait3A_547 = tpu.memref_squeeze %dma_wait3A_546 : memref<1x128xi32, #tpu.memory_space<vmem>> -> memref<128xi32, #tpu.memory_space<vmem>>
        %dma_wait3A_548 = arith.constant 0 : i32
        %dma_wait3A_549 = arith.constant 0 : i32
        %dma_wait3A_550 = tpu.memref_slice %arg10[%dma_wait3A_548, %dma_wait3A_549] : memref<10240x128xf32, #tpu.memory_space<vmem_shared>> -> memref<10240x128xf32, #tpu.memory_space<vmem_shared>>
        tpu.wait_indirect_dma semaphore(%arg16 : memref<!tpu.dma_semaphore, #tpu.memory_space<semaphore_mem>>) src(%arg9 : memref<128x128xf32, #tpu.memory_space<vmem>>) dst(%dma_wait3A_550 : memref<10240x128xf32, #tpu.memory_space<vmem_shared>>)
      } else {
      }
      %dma_start3A_256 = arith.constant 7 : i32
      %dma_start3A_257 = arith.constant 0 : i32
      %dma_start3A_258 = tpu.memref_slice %arg6[%dma_start3A_256, %dma_start3A_257] : memref<8x128xi32, #tpu.memory_space<vmem>> -> memref<1x128xi32, #tpu.memory_space<vmem>>
      %dma_start3A_259 = tpu.memref_squeeze %dma_start3A_258 : memref<1x128xi32, #tpu.memory_space<vmem>> -> memref<128xi32, #tpu.memory_space<vmem>>
      %dma_start3A_260 = arith.constant 0 : i32
      %dma_start3A_261 = arith.constant 0 : i32
      %dma_start3A_262 = tpu.memref_slice %arg2[%dma_start3A_260, %dma_start3A_261] : memref<10000x128xf32, #tpu.memory_space<hbm>> -> memref<10000x128xf32, #tpu.memory_space<hbm>>
      tpu.enqueue_indirect_dma source(%dma_start3A_262 : memref<10000x128xf32, #tpu.memory_space<hbm>>) target(%arg9 : memref<128x128xf32, #tpu.memory_space<vmem>>) offsets(%dma_start3A_259 : memref<128xi32, #tpu.memory_space<vmem>>) semaphore(%arg12 : memref<!tpu.dma_semaphore, #tpu.memory_space<semaphore_mem>>)
      %dma_start3A_263 = arith.constant 0 : i32
      %dma_start3A_264 = tpu.memref_slice %arg5[%add3A_243, %dma_start3A_263] : memref<80x128xi32, #tpu.memory_space<vmem>> -> memref<1x128xi32, #tpu.memory_space<vmem>>
      %dma_start3A_265 = tpu.memref_squeeze %dma_start3A_264 : memref<1x128xi32, #tpu.memory_space<vmem>> -> memref<128xi32, #tpu.memory_space<vmem>>
      %dma_start3A_266 = arith.constant 0 : i32
      %dma_start3A_267 = arith.constant 0 : i32
      %dma_start3A_268 = tpu.memref_slice %arg10[%dma_start3A_266, %dma_start3A_267] : memref<10240x128xf32, #tpu.memory_space<vmem_shared>> -> memref<10240x128xf32, #tpu.memory_space<vmem_shared>>
      tpu.enqueue_indirect_dma source(%arg8 : memref<128x128xf32, #tpu.memory_space<vmem>>) target(%dma_start3A_268 : memref<10240x128xf32, #tpu.memory_space<vmem_shared>>) offsets(%dma_start3A_265 : memref<128xi32, #tpu.memory_space<vmem>>) semaphore(%arg15 : memref<!tpu.dma_semaphore, #tpu.memory_space<semaphore_mem>>) {add = true}
      %mul3A_269 = arith.constant 8 : i32
      %mul3A_270 = arith.muli %mul3A_58, %mul3A_269 : i32
      %add3A_271 = arith.constant 7 : i32
      %add3A_272 = arith.addi %mul3A_270, %add3A_271 : i32
      %dma_wait3A_273 = arith.constant 7 : i32
      %dma_wait3A_274 = arith.constant 0 : i32
      %dma_wait3A_275 = tpu.memref_slice %arg6[%dma_wait3A_273, %dma_wait3A_274] : memref<8x128xi32, #tpu.memory_space<vmem>> -> memref<1x128xi32, #tpu.memory_space<vmem>>
      %dma_wait3A_276 = tpu.memref_squeeze %dma_wait3A_275 : memref<1x128xi32, #tpu.memory_space<vmem>> -> memref<128xi32, #tpu.memory_space<vmem>>
      %dma_wait3A_277 = arith.constant 0 : i32
      %dma_wait3A_278 = arith.constant 0 : i32
      %dma_wait3A_279 = tpu.memref_slice %arg2[%dma_wait3A_277, %dma_wait3A_278] : memref<10000x128xf32, #tpu.memory_space<hbm>> -> memref<10000x128xf32, #tpu.memory_space<hbm>>
      tpu.wait_indirect_dma semaphore(%arg12 : memref<!tpu.dma_semaphore, #tpu.memory_space<semaphore_mem>>) src(%dma_wait3A_279 : memref<10000x128xf32, #tpu.memory_space<hbm>>) dst(%arg9 : memref<128x128xf32, #tpu.memory_space<vmem>>)
      %ge3A_280 = arith.constant 1 : i32
      %ge3A_281 = arith.cmpi sge, %add3A_272, %ge3A_280 : i32
      %convert_element_type3A_282 = arith.extui %ge3A_281 : i1 to i32
      %cond3A_283 = arith.constant 0 : i32
      %cond3A_284 = arith.cmpi ne, %convert_element_type3A_282, %cond3A_283 : i32
      scf.if %cond3A_284 {
        %sub3A = arith.constant 1 : i32
        %sub3A_544 = arith.subi %add3A_272, %sub3A : i32
        %dma_wait3A_545 = arith.constant 0 : i32
        %dma_wait3A_546 = tpu.memref_slice %arg5[%sub3A_544, %dma_wait3A_545] : memref<80x128xi32, #tpu.memory_space<vmem>> -> memref<1x128xi32, #tpu.memory_space<vmem>>
        %dma_wait3A_547 = tpu.memref_squeeze %dma_wait3A_546 : memref<1x128xi32, #tpu.memory_space<vmem>> -> memref<128xi32, #tpu.memory_space<vmem>>
        %dma_wait3A_548 = arith.constant 0 : i32
        %dma_wait3A_549 = arith.constant 0 : i32
        %dma_wait3A_550 = tpu.memref_slice %arg10[%dma_wait3A_548, %dma_wait3A_549] : memref<10240x128xf32, #tpu.memory_space<vmem_shared>> -> memref<10240x128xf32, #tpu.memory_space<vmem_shared>>
        tpu.wait_indirect_dma semaphore(%arg15 : memref<!tpu.dma_semaphore, #tpu.memory_space<semaphore_mem>>) src(%arg8 : memref<128x128xf32, #tpu.memory_space<vmem>>) dst(%dma_wait3A_550 : memref<10240x128xf32, #tpu.memory_space<vmem_shared>>)
      } else {
      }
      %lt3A_285 = arith.constant 9 : i32
      %lt3A_286 = arith.cmpi slt, %mul3A_58, %lt3A_285 : i32
      %convert_element_type3A_287 = arith.extui %lt3A_286 : i1 to i32
      %cond3A_288 = arith.constant 0 : i32
      %cond3A_289 = arith.constant 0 : i32
      %cond3A_290 = arith.cmpi ne, %convert_element_type3A_287, %cond3A_289 : i32
      scf.if %cond3A_290 {
        %dma_wait3A_544 = arith.constant 0 : i32
        %dma_wait3A_545 = tpu.memref_slice %arg3[%cond3A_288, %add3A_63, %dma_wait3A_544] : memref<2x2560x128xi32, #tpu.memory_space<hbm>> -> memref<1x8x128xi32, #tpu.memory_space<hbm>>
        %dma_wait3A_546 = tpu.memref_squeeze %dma_wait3A_545 : memref<1x8x128xi32, #tpu.memory_space<hbm>> -> memref<8x128xi32, #tpu.memory_space<hbm>>
        %dma_wait3A_547 = arith.constant 0 : i32
        %dma_wait3A_548 = tpu.memref_slice %arg3[%cond3A_288, %add3A_63, %dma_wait3A_547] : memref<2x2560x128xi32, #tpu.memory_space<hbm>> -> memref<1x8x128xi32, #tpu.memory_space<hbm>>
        %dma_wait3A_549 = tpu.memref_squeeze %dma_wait3A_548 : memref<1x8x128xi32, #tpu.memory_space<hbm>> -> memref<8x128xi32, #tpu.memory_space<hbm>>
        tpu.wait_dma2 semaphore(%arg14 : memref<!tpu.dma_semaphore, #tpu.memory_space<semaphore_mem>>) src(%dma_wait3A_549 : memref<8x128xi32, #tpu.memory_space<hbm>>) dst(%arg7 : memref<8x128xi32, #tpu.memory_space<vmem>>)
        %dma_start3A_550 = arith.constant 0 : i32
        %dma_start3A_551 = arith.constant 0 : i32
        %dma_start3A_552 = tpu.memref_slice %arg7[%dma_start3A_550, %dma_start3A_551] : memref<8x128xi32, #tpu.memory_space<vmem>> -> memref<1x128xi32, #tpu.memory_space<vmem>>
        %dma_start3A_553 = tpu.memref_squeeze %dma_start3A_552 : memref<1x128xi32, #tpu.memory_space<vmem>> -> memref<128xi32, #tpu.memory_space<vmem>>
        %dma_start3A_554 = arith.constant 0 : i32
        %dma_start3A_555 = arith.constant 0 : i32
        %dma_start3A_556 = tpu.memref_slice %arg2[%dma_start3A_554, %dma_start3A_555] : memref<10000x128xf32, #tpu.memory_space<hbm>> -> memref<10000x128xf32, #tpu.memory_space<hbm>>
        tpu.enqueue_indirect_dma source(%dma_start3A_556 : memref<10000x128xf32, #tpu.memory_space<hbm>>) target(%arg8 : memref<128x128xf32, #tpu.memory_space<vmem>>) offsets(%dma_start3A_553 : memref<128xi32, #tpu.memory_space<vmem>>) semaphore(%arg11 : memref<!tpu.dma_semaphore, #tpu.memory_space<semaphore_mem>>)
      } else {
      }
      %dma_start3A_291 = arith.constant 0 : i32
      %dma_start3A_292 = tpu.memref_slice %arg5[%add3A_272, %dma_start3A_291] : memref<80x128xi32, #tpu.memory_space<vmem>> -> memref<1x128xi32, #tpu.memory_space<vmem>>
      %dma_start3A_293 = tpu.memref_squeeze %dma_start3A_292 : memref<1x128xi32, #tpu.memory_space<vmem>> -> memref<128xi32, #tpu.memory_space<vmem>>
      %dma_start3A_294 = arith.constant 0 : i32
      %dma_start3A_295 = arith.constant 0 : i32
      %dma_start3A_296 = tpu.memref_slice %arg10[%dma_start3A_294, %dma_start3A_295] : memref<10240x128xf32, #tpu.memory_space<vmem_shared>> -> memref<10240x128xf32, #tpu.memory_space<vmem_shared>>
      tpu.enqueue_indirect_dma source(%arg9 : memref<128x128xf32, #tpu.memory_space<vmem>>) target(%dma_start3A_296 : memref<10240x128xf32, #tpu.memory_space<vmem_shared>>) offsets(%dma_start3A_293 : memref<128xi32, #tpu.memory_space<vmem>>) semaphore(%arg16 : memref<!tpu.dma_semaphore, #tpu.memory_space<semaphore_mem>>) {add = true}
      %mul3A_297 = arith.constant 2 : i32
      %mul3A_298 = arith.muli %mul3A_297, %scan3A_55 : i32
      %add3A_299 = arith.constant 1 : i32
      %add3A_300 = arith.addi %mul3A_298, %add3A_299 : i32
      %add3A_301 = arith.constant 1 : i32
      %add3A_302 = arith.addi %add3A_300, %add3A_301 : i32
      %mul3A_303 = arith.constant 8 : i32
      %mul3A_304 = arith.muli %add3A_302, %mul3A_303 : i32
      %add3A_305 = arith.addi %mul3A_2, %mul3A_304 : i32
      %lt3A_306 = arith.constant 9 : i32
      %lt3A_307 = arith.cmpi slt, %add3A_300, %lt3A_306 : i32
      %convert_element_type3A_308 = arith.extui %lt3A_307 : i1 to i32
      %cond3A_309 = arith.constant 0 : i32
      %cond3A_310 = arith.constant 0 : i32
      %cond3A_311 = arith.cmpi ne, %convert_element_type3A_308, %cond3A_310 : i32
      scf.if %cond3A_311 {
        %dma_start3A_544 = arith.constant 0 : i32
        %dma_start3A_545 = tpu.memref_slice %arg3[%cond3A_309, %add3A_305, %dma_start3A_544] : memref<2x2560x128xi32, #tpu.memory_space<hbm>> -> memref<1x8x128xi32, #tpu.memory_space<hbm>>
        %dma_start3A_546 = tpu.memref_squeeze %dma_start3A_545 : memref<1x8x128xi32, #tpu.memory_space<hbm>> -> memref<8x128xi32, #tpu.memory_space<hbm>>
        %dma_start3A_547 = arith.constant 0 : i32
        %dma_start3A_548 = tpu.memref_slice %arg3[%cond3A_309, %add3A_305, %dma_start3A_547] : memref<2x2560x128xi32, #tpu.memory_space<hbm>> -> memref<1x8x128xi32, #tpu.memory_space<hbm>>
        %dma_start3A_549 = tpu.memref_squeeze %dma_start3A_548 : memref<1x8x128xi32, #tpu.memory_space<hbm>> -> memref<8x128xi32, #tpu.memory_space<hbm>>
        tpu.enqueue_dma source(%dma_start3A_549 : memref<8x128xi32, #tpu.memory_space<hbm>>) target(%arg6 : memref<8x128xi32, #tpu.memory_space<vmem>>) target_semaphore(%arg13 : memref<!tpu.dma_semaphore, #tpu.memory_space<semaphore_mem>>)
      } else {
      }
      %mul3A_312 = arith.constant 8 : i32
      %mul3A_313 = arith.muli %add3A_300, %mul3A_312 : i32
      %add3A_314 = arith.constant 0 : i32
      %add3A_315 = arith.addi %mul3A_313, %add3A_314 : i32
      %dma_wait3A_316 = arith.constant 0 : i32
      %dma_wait3A_317 = arith.constant 0 : i32
      %dma_wait3A_318 = tpu.memref_slice %arg7[%dma_wait3A_316, %dma_wait3A_317] : memref<8x128xi32, #tpu.memory_space<vmem>> -> memref<1x128xi32, #tpu.memory_space<vmem>>
      %dma_wait3A_319 = tpu.memref_squeeze %dma_wait3A_318 : memref<1x128xi32, #tpu.memory_space<vmem>> -> memref<128xi32, #tpu.memory_space<vmem>>
      %dma_wait3A_320 = arith.constant 0 : i32
      %dma_wait3A_321 = arith.constant 0 : i32
      %dma_wait3A_322 = tpu.memref_slice %arg2[%dma_wait3A_320, %dma_wait3A_321] : memref<10000x128xf32, #tpu.memory_space<hbm>> -> memref<10000x128xf32, #tpu.memory_space<hbm>>
      tpu.wait_indirect_dma semaphore(%arg11 : memref<!tpu.dma_semaphore, #tpu.memory_space<semaphore_mem>>) src(%dma_wait3A_322 : memref<10000x128xf32, #tpu.memory_space<hbm>>) dst(%arg8 : memref<128x128xf32, #tpu.memory_space<vmem>>)
      %ge3A_323 = arith.constant 1 : i32
      %ge3A_324 = arith.cmpi sge, %add3A_315, %ge3A_323 : i32
      %convert_element_type3A_325 = arith.extui %ge3A_324 : i1 to i32
      %cond3A_326 = arith.constant 0 : i32
      %cond3A_327 = arith.cmpi ne, %convert_element_type3A_325, %cond3A_326 : i32
      scf.if %cond3A_327 {
        %sub3A = arith.constant 1 : i32
        %sub3A_544 = arith.subi %add3A_315, %sub3A : i32
        %dma_wait3A_545 = arith.constant 0 : i32
        %dma_wait3A_546 = tpu.memref_slice %arg5[%sub3A_544, %dma_wait3A_545] : memref<80x128xi32, #tpu.memory_space<vmem>> -> memref<1x128xi32, #tpu.memory_space<vmem>>
        %dma_wait3A_547 = tpu.memref_squeeze %dma_wait3A_546 : memref<1x128xi32, #tpu.memory_space<vmem>> -> memref<128xi32, #tpu.memory_space<vmem>>
        %dma_wait3A_548 = arith.constant 0 : i32
        %dma_wait3A_549 = arith.constant 0 : i32
        %dma_wait3A_550 = tpu.memref_slice %arg10[%dma_wait3A_548, %dma_wait3A_549] : memref<10240x128xf32, #tpu.memory_space<vmem_shared>> -> memref<10240x128xf32, #tpu.memory_space<vmem_shared>>
        tpu.wait_indirect_dma semaphore(%arg16 : memref<!tpu.dma_semaphore, #tpu.memory_space<semaphore_mem>>) src(%arg9 : memref<128x128xf32, #tpu.memory_space<vmem>>) dst(%dma_wait3A_550 : memref<10240x128xf32, #tpu.memory_space<vmem_shared>>)
      } else {
      }
      %dma_start3A_328 = arith.constant 1 : i32
      %dma_start3A_329 = arith.constant 0 : i32
      %dma_start3A_330 = tpu.memref_slice %arg7[%dma_start3A_328, %dma_start3A_329] : memref<8x128xi32, #tpu.memory_space<vmem>> -> memref<1x128xi32, #tpu.memory_space<vmem>>
      %dma_start3A_331 = tpu.memref_squeeze %dma_start3A_330 : memref<1x128xi32, #tpu.memory_space<vmem>> -> memref<128xi32, #tpu.memory_space<vmem>>
      %dma_start3A_332 = arith.constant 0 : i32
      %dma_start3A_333 = arith.constant 0 : i32
      %dma_start3A_334 = tpu.memref_slice %arg2[%dma_start3A_332, %dma_start3A_333] : memref<10000x128xf32, #tpu.memory_space<hbm>> -> memref<10000x128xf32, #tpu.memory_space<hbm>>
      tpu.enqueue_indirect_dma source(%dma_start3A_334 : memref<10000x128xf32, #tpu.memory_space<hbm>>) target(%arg9 : memref<128x128xf32, #tpu.memory_space<vmem>>) offsets(%dma_start3A_331 : memref<128xi32, #tpu.memory_space<vmem>>) semaphore(%arg12 : memref<!tpu.dma_semaphore, #tpu.memory_space<semaphore_mem>>)
      %dma_start3A_335 = arith.constant 0 : i32
      %dma_start3A_336 = tpu.memref_slice %arg5[%add3A_315, %dma_start3A_335] : memref<80x128xi32, #tpu.memory_space<vmem>> -> memref<1x128xi32, #tpu.memory_space<vmem>>
      %dma_start3A_337 = tpu.memref_squeeze %dma_start3A_336 : memref<1x128xi32, #tpu.memory_space<vmem>> -> memref<128xi32, #tpu.memory_space<vmem>>
      %dma_start3A_338 = arith.constant 0 : i32
      %dma_start3A_339 = arith.constant 0 : i32
      %dma_start3A_340 = tpu.memref_slice %arg10[%dma_start3A_338, %dma_start3A_339] : memref<10240x128xf32, #tpu.memory_space<vmem_shared>> -> memref<10240x128xf32, #tpu.memory_space<vmem_shared>>
      tpu.enqueue_indirect_dma source(%arg8 : memref<128x128xf32, #tpu.memory_space<vmem>>) target(%dma_start3A_340 : memref<10240x128xf32, #tpu.memory_space<vmem_shared>>) offsets(%dma_start3A_337 : memref<128xi32, #tpu.memory_space<vmem>>) semaphore(%arg15 : memref<!tpu.dma_semaphore, #tpu.memory_space<semaphore_mem>>) {add = true}
      %mul3A_341 = arith.constant 8 : i32
      %mul3A_342 = arith.muli %add3A_300, %mul3A_341 : i32
      %add3A_343 = arith.constant 1 : i32
      %add3A_344 = arith.addi %mul3A_342, %add3A_343 : i32
      %dma_wait3A_345 = arith.constant 1 : i32
      %dma_wait3A_346 = arith.constant 0 : i32
      %dma_wait3A_347 = tpu.memref_slice %arg7[%dma_wait3A_345, %dma_wait3A_346] : memref<8x128xi32, #tpu.memory_space<vmem>> -> memref<1x128xi32, #tpu.memory_space<vmem>>
      %dma_wait3A_348 = tpu.memref_squeeze %dma_wait3A_347 : memref<1x128xi32, #tpu.memory_space<vmem>> -> memref<128xi32, #tpu.memory_space<vmem>>
      %dma_wait3A_349 = arith.constant 0 : i32
      %dma_wait3A_350 = arith.constant 0 : i32
      %dma_wait3A_351 = tpu.memref_slice %arg2[%dma_wait3A_349, %dma_wait3A_350] : memref<10000x128xf32, #tpu.memory_space<hbm>> -> memref<10000x128xf32, #tpu.memory_space<hbm>>
      tpu.wait_indirect_dma semaphore(%arg12 : memref<!tpu.dma_semaphore, #tpu.memory_space<semaphore_mem>>) src(%dma_wait3A_351 : memref<10000x128xf32, #tpu.memory_space<hbm>>) dst(%arg9 : memref<128x128xf32, #tpu.memory_space<vmem>>)
      %ge3A_352 = arith.constant 1 : i32
      %ge3A_353 = arith.cmpi sge, %add3A_344, %ge3A_352 : i32
      %convert_element_type3A_354 = arith.extui %ge3A_353 : i1 to i32
      %cond3A_355 = arith.constant 0 : i32
      %cond3A_356 = arith.cmpi ne, %convert_element_type3A_354, %cond3A_355 : i32
      scf.if %cond3A_356 {
        %sub3A = arith.constant 1 : i32
        %sub3A_544 = arith.subi %add3A_344, %sub3A : i32
        %dma_wait3A_545 = arith.constant 0 : i32
        %dma_wait3A_546 = tpu.memref_slice %arg5[%sub3A_544, %dma_wait3A_545] : memref<80x128xi32, #tpu.memory_space<vmem>> -> memref<1x128xi32, #tpu.memory_space<vmem>>
        %dma_wait3A_547 = tpu.memref_squeeze %dma_wait3A_546 : memref<1x128xi32, #tpu.memory_space<vmem>> -> memref<128xi32, #tpu.memory_space<vmem>>
        %dma_wait3A_548 = arith.constant 0 : i32
        %dma_wait3A_549 = arith.constant 0 : i32
        %dma_wait3A_550 = tpu.memref_slice %arg10[%dma_wait3A_548, %dma_wait3A_549] : memref<10240x128xf32, #tpu.memory_space<vmem_shared>> -> memref<10240x128xf32, #tpu.memory_space<vmem_shared>>
        tpu.wait_indirect_dma semaphore(%arg15 : memref<!tpu.dma_semaphore, #tpu.memory_space<semaphore_mem>>) src(%arg8 : memref<128x128xf32, #tpu.memory_space<vmem>>) dst(%dma_wait3A_550 : memref<10240x128xf32, #tpu.memory_space<vmem_shared>>)
      } else {
      }
      %dma_start3A_357 = arith.constant 2 : i32
      %dma_start3A_358 = arith.constant 0 : i32
      %dma_start3A_359 = tpu.memref_slice %arg7[%dma_start3A_357, %dma_start3A_358] : memref<8x128xi32, #tpu.memory_space<vmem>> -> memref<1x128xi32, #tpu.memory_space<vmem>>
      %dma_start3A_360 = tpu.memref_squeeze %dma_start3A_359 : memref<1x128xi32, #tpu.memory_space<vmem>> -> memref<128xi32, #tpu.memory_space<vmem>>
      %dma_start3A_361 = arith.constant 0 : i32
      %dma_start3A_362 = arith.constant 0 : i32
      %dma_start3A_363 = tpu.memref_slice %arg2[%dma_start3A_361, %dma_start3A_362] : memref<10000x128xf32, #tpu.memory_space<hbm>> -> memref<10000x128xf32, #tpu.memory_space<hbm>>
      tpu.enqueue_indirect_dma source(%dma_start3A_363 : memref<10000x128xf32, #tpu.memory_space<hbm>>) target(%arg8 : memref<128x128xf32, #tpu.memory_space<vmem>>) offsets(%dma_start3A_360 : memref<128xi32, #tpu.memory_space<vmem>>) semaphore(%arg11 : memref<!tpu.dma_semaphore, #tpu.memory_space<semaphore_mem>>)
      %dma_start3A_364 = arith.constant 0 : i32
      %dma_start3A_365 = tpu.memref_slice %arg5[%add3A_344, %dma_start3A_364] : memref<80x128xi32, #tpu.memory_space<vmem>> -> memref<1x128xi32, #tpu.memory_space<vmem>>
      %dma_start3A_366 = tpu.memref_squeeze %dma_start3A_365 : memref<1x128xi32, #tpu.memory_space<vmem>> -> memref<128xi32, #tpu.memory_space<vmem>>
      %dma_start3A_367 = arith.constant 0 : i32
      %dma_start3A_368 = arith.constant 0 : i32
      %dma_start3A_369 = tpu.memref_slice %arg10[%dma_start3A_367, %dma_start3A_368] : memref<10240x128xf32, #tpu.memory_space<vmem_shared>> -> memref<10240x128xf32, #tpu.memory_space<vmem_shared>>
      tpu.enqueue_indirect_dma source(%arg9 : memref<128x128xf32, #tpu.memory_space<vmem>>) target(%dma_start3A_369 : memref<10240x128xf32, #tpu.memory_space<vmem_shared>>) offsets(%dma_start3A_366 : memref<128xi32, #tpu.memory_space<vmem>>) semaphore(%arg16 : memref<!tpu.dma_semaphore, #tpu.memory_space<semaphore_mem>>) {add = true}
      %mul3A_370 = arith.constant 8 : i32
      %mul3A_371 = arith.muli %add3A_300, %mul3A_370 : i32
      %add3A_372 = arith.constant 2 : i32
      %add3A_373 = arith.addi %mul3A_371, %add3A_372 : i32
      %dma_wait3A_374 = arith.constant 2 : i32
      %dma_wait3A_375 = arith.constant 0 : i32
      %dma_wait3A_376 = tpu.memref_slice %arg7[%dma_wait3A_374, %dma_wait3A_375] : memref<8x128xi32, #tpu.memory_space<vmem>> -> memref<1x128xi32, #tpu.memory_space<vmem>>
      %dma_wait3A_377 = tpu.memref_squeeze %dma_wait3A_376 : memref<1x128xi32, #tpu.memory_space<vmem>> -> memref<128xi32, #tpu.memory_space<vmem>>
      %dma_wait3A_378 = arith.constant 0 : i32
      %dma_wait3A_379 = arith.constant 0 : i32
      %dma_wait3A_380 = tpu.memref_slice %arg2[%dma_wait3A_378, %dma_wait3A_379] : memref<10000x128xf32, #tpu.memory_space<hbm>> -> memref<10000x128xf32, #tpu.memory_space<hbm>>
      tpu.wait_indirect_dma semaphore(%arg11 : memref<!tpu.dma_semaphore, #tpu.memory_space<semaphore_mem>>) src(%dma_wait3A_380 : memref<10000x128xf32, #tpu.memory_space<hbm>>) dst(%arg8 : memref<128x128xf32, #tpu.memory_space<vmem>>)
      %ge3A_381 = arith.constant 1 : i32
      %ge3A_382 = arith.cmpi sge, %add3A_373, %ge3A_381 : i32
      %convert_element_type3A_383 = arith.extui %ge3A_382 : i1 to i32
      %cond3A_384 = arith.constant 0 : i32
      %cond3A_385 = arith.cmpi ne, %convert_element_type3A_383, %cond3A_384 : i32
      scf.if %cond3A_385 {
        %sub3A = arith.constant 1 : i32
        %sub3A_544 = arith.subi %add3A_373, %sub3A : i32
        %dma_wait3A_545 = arith.constant 0 : i32
        %dma_wait3A_546 = tpu.memref_slice %arg5[%sub3A_544, %dma_wait3A_545] : memref<80x128xi32, #tpu.memory_space<vmem>> -> memref<1x128xi32, #tpu.memory_space<vmem>>
        %dma_wait3A_547 = tpu.memref_squeeze %dma_wait3A_546 : memref<1x128xi32, #tpu.memory_space<vmem>> -> memref<128xi32, #tpu.memory_space<vmem>>
        %dma_wait3A_548 = arith.constant 0 : i32
        %dma_wait3A_549 = arith.constant 0 : i32
        %dma_wait3A_550 = tpu.memref_slice %arg10[%dma_wait3A_548, %dma_wait3A_549] : memref<10240x128xf32, #tpu.memory_space<vmem_shared>> -> memref<10240x128xf32, #tpu.memory_space<vmem_shared>>
        tpu.wait_indirect_dma semaphore(%arg16 : memref<!tpu.dma_semaphore, #tpu.memory_space<semaphore_mem>>) src(%arg9 : memref<128x128xf32, #tpu.memory_space<vmem>>) dst(%dma_wait3A_550 : memref<10240x128xf32, #tpu.memory_space<vmem_shared>>)
      } else {
      }
      %dma_start3A_386 = arith.constant 3 : i32
      %dma_start3A_387 = arith.constant 0 : i32
      %dma_start3A_388 = tpu.memref_slice %arg7[%dma_start3A_386, %dma_start3A_387] : memref<8x128xi32, #tpu.memory_space<vmem>> -> memref<1x128xi32, #tpu.memory_space<vmem>>
      %dma_start3A_389 = tpu.memref_squeeze %dma_start3A_388 : memref<1x128xi32, #tpu.memory_space<vmem>> -> memref<128xi32, #tpu.memory_space<vmem>>
      %dma_start3A_390 = arith.constant 0 : i32
      %dma_start3A_391 = arith.constant 0 : i32
      %dma_start3A_392 = tpu.memref_slice %arg2[%dma_start3A_390, %dma_start3A_391] : memref<10000x128xf32, #tpu.memory_space<hbm>> -> memref<10000x128xf32, #tpu.memory_space<hbm>>
      tpu.enqueue_indirect_dma source(%dma_start3A_392 : memref<10000x128xf32, #tpu.memory_space<hbm>>) target(%arg9 : memref<128x128xf32, #tpu.memory_space<vmem>>) offsets(%dma_start3A_389 : memref<128xi32, #tpu.memory_space<vmem>>) semaphore(%arg12 : memref<!tpu.dma_semaphore, #tpu.memory_space<semaphore_mem>>)
      %dma_start3A_393 = arith.constant 0 : i32
      %dma_start3A_394 = tpu.memref_slice %arg5[%add3A_373, %dma_start3A_393] : memref<80x128xi32, #tpu.memory_space<vmem>> -> memref<1x128xi32, #tpu.memory_space<vmem>>
      %dma_start3A_395 = tpu.memref_squeeze %dma_start3A_394 : memref<1x128xi32, #tpu.memory_space<vmem>> -> memref<128xi32, #tpu.memory_space<vmem>>
      %dma_start3A_396 = arith.constant 0 : i32
      %dma_start3A_397 = arith.constant 0 : i32
      %dma_start3A_398 = tpu.memref_slice %arg10[%dma_start3A_396, %dma_start3A_397] : memref<10240x128xf32, #tpu.memory_space<vmem_shared>> -> memref<10240x128xf32, #tpu.memory_space<vmem_shared>>
      tpu.enqueue_indirect_dma source(%arg8 : memref<128x128xf32, #tpu.memory_space<vmem>>) target(%dma_start3A_398 : memref<10240x128xf32, #tpu.memory_space<vmem_shared>>) offsets(%dma_start3A_395 : memref<128xi32, #tpu.memory_space<vmem>>) semaphore(%arg15 : memref<!tpu.dma_semaphore, #tpu.memory_space<semaphore_mem>>) {add = true}
      %mul3A_399 = arith.constant 8 : i32
      %mul3A_400 = arith.muli %add3A_300, %mul3A_399 : i32
      %add3A_401 = arith.constant 3 : i32
      %add3A_402 = arith.addi %mul3A_400, %add3A_401 : i32
      %dma_wait3A_403 = arith.constant 3 : i32
      %dma_wait3A_404 = arith.constant 0 : i32
      %dma_wait3A_405 = tpu.memref_slice %arg7[%dma_wait3A_403, %dma_wait3A_404] : memref<8x128xi32, #tpu.memory_space<vmem>> -> memref<1x128xi32, #tpu.memory_space<vmem>>
      %dma_wait3A_406 = tpu.memref_squeeze %dma_wait3A_405 : memref<1x128xi32, #tpu.memory_space<vmem>> -> memref<128xi32, #tpu.memory_space<vmem>>
      %dma_wait3A_407 = arith.constant 0 : i32
      %dma_wait3A_408 = arith.constant 0 : i32
      %dma_wait3A_409 = tpu.memref_slice %arg2[%dma_wait3A_407, %dma_wait3A_408] : memref<10000x128xf32, #tpu.memory_space<hbm>> -> memref<10000x128xf32, #tpu.memory_space<hbm>>
      tpu.wait_indirect_dma semaphore(%arg12 : memref<!tpu.dma_semaphore, #tpu.memory_space<semaphore_mem>>) src(%dma_wait3A_409 : memref<10000x128xf32, #tpu.memory_space<hbm>>) dst(%arg9 : memref<128x128xf32, #tpu.memory_space<vmem>>)
      %ge3A_410 = arith.constant 1 : i32
      %ge3A_411 = arith.cmpi sge, %add3A_402, %ge3A_410 : i32
      %convert_element_type3A_412 = arith.extui %ge3A_411 : i1 to i32
      %cond3A_413 = arith.constant 0 : i32
      %cond3A_414 = arith.cmpi ne, %convert_element_type3A_412, %cond3A_413 : i32
      scf.if %cond3A_414 {
        %sub3A = arith.constant 1 : i32
        %sub3A_544 = arith.subi %add3A_402, %sub3A : i32
        %dma_wait3A_545 = arith.constant 0 : i32
        %dma_wait3A_546 = tpu.memref_slice %arg5[%sub3A_544, %dma_wait3A_545] : memref<80x128xi32, #tpu.memory_space<vmem>> -> memref<1x128xi32, #tpu.memory_space<vmem>>
        %dma_wait3A_547 = tpu.memref_squeeze %dma_wait3A_546 : memref<1x128xi32, #tpu.memory_space<vmem>> -> memref<128xi32, #tpu.memory_space<vmem>>
        %dma_wait3A_548 = arith.constant 0 : i32
        %dma_wait3A_549 = arith.constant 0 : i32
        %dma_wait3A_550 = tpu.memref_slice %arg10[%dma_wait3A_548, %dma_wait3A_549] : memref<10240x128xf32, #tpu.memory_space<vmem_shared>> -> memref<10240x128xf32, #tpu.memory_space<vmem_shared>>
        tpu.wait_indirect_dma semaphore(%arg15 : memref<!tpu.dma_semaphore, #tpu.memory_space<semaphore_mem>>) src(%arg8 : memref<128x128xf32, #tpu.memory_space<vmem>>) dst(%dma_wait3A_550 : memref<10240x128xf32, #tpu.memory_space<vmem_shared>>)
      } else {
      }
      %dma_start3A_415 = arith.constant 4 : i32
      %dma_start3A_416 = arith.constant 0 : i32
      %dma_start3A_417 = tpu.memref_slice %arg7[%dma_start3A_415, %dma_start3A_416] : memref<8x128xi32, #tpu.memory_space<vmem>> -> memref<1x128xi32, #tpu.memory_space<vmem>>
      %dma_start3A_418 = tpu.memref_squeeze %dma_start3A_417 : memref<1x128xi32, #tpu.memory_space<vmem>> -> memref<128xi32, #tpu.memory_space<vmem>>
      %dma_start3A_419 = arith.constant 0 : i32
      %dma_start3A_420 = arith.constant 0 : i32
      %dma_start3A_421 = tpu.memref_slice %arg2[%dma_start3A_419, %dma_start3A_420] : memref<10000x128xf32, #tpu.memory_space<hbm>> -> memref<10000x128xf32, #tpu.memory_space<hbm>>
      tpu.enqueue_indirect_dma source(%dma_start3A_421 : memref<10000x128xf32, #tpu.memory_space<hbm>>) target(%arg8 : memref<128x128xf32, #tpu.memory_space<vmem>>) offsets(%dma_start3A_418 : memref<128xi32, #tpu.memory_space<vmem>>) semaphore(%arg11 : memref<!tpu.dma_semaphore, #tpu.memory_space<semaphore_mem>>)
      %dma_start3A_422 = arith.constant 0 : i32
      %dma_start3A_423 = tpu.memref_slice %arg5[%add3A_402, %dma_start3A_422] : memref<80x128xi32, #tpu.memory_space<vmem>> -> memref<1x128xi32, #tpu.memory_space<vmem>>
      %dma_start3A_424 = tpu.memref_squeeze %dma_start3A_423 : memref<1x128xi32, #tpu.memory_space<vmem>> -> memref<128xi32, #tpu.memory_space<vmem>>
      %dma_start3A_425 = arith.constant 0 : i32
      %dma_start3A_426 = arith.constant 0 : i32
      %dma_start3A_427 = tpu.memref_slice %arg10[%dma_start3A_425, %dma_start3A_426] : memref<10240x128xf32, #tpu.memory_space<vmem_shared>> -> memref<10240x128xf32, #tpu.memory_space<vmem_shared>>
      tpu.enqueue_indirect_dma source(%arg9 : memref<128x128xf32, #tpu.memory_space<vmem>>) target(%dma_start3A_427 : memref<10240x128xf32, #tpu.memory_space<vmem_shared>>) offsets(%dma_start3A_424 : memref<128xi32, #tpu.memory_space<vmem>>) semaphore(%arg16 : memref<!tpu.dma_semaphore, #tpu.memory_space<semaphore_mem>>) {add = true}
      %mul3A_428 = arith.constant 8 : i32
      %mul3A_429 = arith.muli %add3A_300, %mul3A_428 : i32
      %add3A_430 = arith.constant 4 : i32
      %add3A_431 = arith.addi %mul3A_429, %add3A_430 : i32
      %dma_wait3A_432 = arith.constant 4 : i32
      %dma_wait3A_433 = arith.constant 0 : i32
      %dma_wait3A_434 = tpu.memref_slice %arg7[%dma_wait3A_432, %dma_wait3A_433] : memref<8x128xi32, #tpu.memory_space<vmem>> -> memref<1x128xi32, #tpu.memory_space<vmem>>
      %dma_wait3A_435 = tpu.memref_squeeze %dma_wait3A_434 : memref<1x128xi32, #tpu.memory_space<vmem>> -> memref<128xi32, #tpu.memory_space<vmem>>
      %dma_wait3A_436 = arith.constant 0 : i32
      %dma_wait3A_437 = arith.constant 0 : i32
      %dma_wait3A_438 = tpu.memref_slice %arg2[%dma_wait3A_436, %dma_wait3A_437] : memref<10000x128xf32, #tpu.memory_space<hbm>> -> memref<10000x128xf32, #tpu.memory_space<hbm>>
      tpu.wait_indirect_dma semaphore(%arg11 : memref<!tpu.dma_semaphore, #tpu.memory_space<semaphore_mem>>) src(%dma_wait3A_438 : memref<10000x128xf32, #tpu.memory_space<hbm>>) dst(%arg8 : memref<128x128xf32, #tpu.memory_space<vmem>>)
      %ge3A_439 = arith.constant 1 : i32
      %ge3A_440 = arith.cmpi sge, %add3A_431, %ge3A_439 : i32
      %convert_element_type3A_441 = arith.extui %ge3A_440 : i1 to i32
      %cond3A_442 = arith.constant 0 : i32
      %cond3A_443 = arith.cmpi ne, %convert_element_type3A_441, %cond3A_442 : i32
      scf.if %cond3A_443 {
        %sub3A = arith.constant 1 : i32
        %sub3A_544 = arith.subi %add3A_431, %sub3A : i32
        %dma_wait3A_545 = arith.constant 0 : i32
        %dma_wait3A_546 = tpu.memref_slice %arg5[%sub3A_544, %dma_wait3A_545] : memref<80x128xi32, #tpu.memory_space<vmem>> -> memref<1x128xi32, #tpu.memory_space<vmem>>
        %dma_wait3A_547 = tpu.memref_squeeze %dma_wait3A_546 : memref<1x128xi32, #tpu.memory_space<vmem>> -> memref<128xi32, #tpu.memory_space<vmem>>
        %dma_wait3A_548 = arith.constant 0 : i32
        %dma_wait3A_549 = arith.constant 0 : i32
        %dma_wait3A_550 = tpu.memref_slice %arg10[%dma_wait3A_548, %dma_wait3A_549] : memref<10240x128xf32, #tpu.memory_space<vmem_shared>> -> memref<10240x128xf32, #tpu.memory_space<vmem_shared>>
        tpu.wait_indirect_dma semaphore(%arg16 : memref<!tpu.dma_semaphore, #tpu.memory_space<semaphore_mem>>) src(%arg9 : memref<128x128xf32, #tpu.memory_space<vmem>>) dst(%dma_wait3A_550 : memref<10240x128xf32, #tpu.memory_space<vmem_shared>>)
      } else {
      }
      %dma_start3A_444 = arith.constant 5 : i32
      %dma_start3A_445 = arith.constant 0 : i32
      %dma_start3A_446 = tpu.memref_slice %arg7[%dma_start3A_444, %dma_start3A_445] : memref<8x128xi32, #tpu.memory_space<vmem>> -> memref<1x128xi32, #tpu.memory_space<vmem>>
      %dma_start3A_447 = tpu.memref_squeeze %dma_start3A_446 : memref<1x128xi32, #tpu.memory_space<vmem>> -> memref<128xi32, #tpu.memory_space<vmem>>
      %dma_start3A_448 = arith.constant 0 : i32
      %dma_start3A_449 = arith.constant 0 : i32
      %dma_start3A_450 = tpu.memref_slice %arg2[%dma_start3A_448, %dma_start3A_449] : memref<10000x128xf32, #tpu.memory_space<hbm>> -> memref<10000x128xf32, #tpu.memory_space<hbm>>
      tpu.enqueue_indirect_dma source(%dma_start3A_450 : memref<10000x128xf32, #tpu.memory_space<hbm>>) target(%arg9 : memref<128x128xf32, #tpu.memory_space<vmem>>) offsets(%dma_start3A_447 : memref<128xi32, #tpu.memory_space<vmem>>) semaphore(%arg12 : memref<!tpu.dma_semaphore, #tpu.memory_space<semaphore_mem>>)
      %dma_start3A_451 = arith.constant 0 : i32
      %dma_start3A_452 = tpu.memref_slice %arg5[%add3A_431, %dma_start3A_451] : memref<80x128xi32, #tpu.memory_space<vmem>> -> memref<1x128xi32, #tpu.memory_space<vmem>>
      %dma_start3A_453 = tpu.memref_squeeze %dma_start3A_452 : memref<1x128xi32, #tpu.memory_space<vmem>> -> memref<128xi32, #tpu.memory_space<vmem>>
      %dma_start3A_454 = arith.constant 0 : i32
      %dma_start3A_455 = arith.constant 0 : i32
      %dma_start3A_456 = tpu.memref_slice %arg10[%dma_start3A_454, %dma_start3A_455] : memref<10240x128xf32, #tpu.memory_space<vmem_shared>> -> memref<10240x128xf32, #tpu.memory_space<vmem_shared>>
      tpu.enqueue_indirect_dma source(%arg8 : memref<128x128xf32, #tpu.memory_space<vmem>>) target(%dma_start3A_456 : memref<10240x128xf32, #tpu.memory_space<vmem_shared>>) offsets(%dma_start3A_453 : memref<128xi32, #tpu.memory_space<vmem>>) semaphore(%arg15 : memref<!tpu.dma_semaphore, #tpu.memory_space<semaphore_mem>>) {add = true}
      %mul3A_457 = arith.constant 8 : i32
      %mul3A_458 = arith.muli %add3A_300, %mul3A_457 : i32
      %add3A_459 = arith.constant 5 : i32
      %add3A_460 = arith.addi %mul3A_458, %add3A_459 : i32
      %dma_wait3A_461 = arith.constant 5 : i32
      %dma_wait3A_462 = arith.constant 0 : i32
      %dma_wait3A_463 = tpu.memref_slice %arg7[%dma_wait3A_461, %dma_wait3A_462] : memref<8x128xi32, #tpu.memory_space<vmem>> -> memref<1x128xi32, #tpu.memory_space<vmem>>
      %dma_wait3A_464 = tpu.memref_squeeze %dma_wait3A_463 : memref<1x128xi32, #tpu.memory_space<vmem>> -> memref<128xi32, #tpu.memory_space<vmem>>
      %dma_wait3A_465 = arith.constant 0 : i32
      %dma_wait3A_466 = arith.constant 0 : i32
      %dma_wait3A_467 = tpu.memref_slice %arg2[%dma_wait3A_465, %dma_wait3A_466] : memref<10000x128xf32, #tpu.memory_space<hbm>> -> memref<10000x128xf32, #tpu.memory_space<hbm>>
      tpu.wait_indirect_dma semaphore(%arg12 : memref<!tpu.dma_semaphore, #tpu.memory_space<semaphore_mem>>) src(%dma_wait3A_467 : memref<10000x128xf32, #tpu.memory_space<hbm>>) dst(%arg9 : memref<128x128xf32, #tpu.memory_space<vmem>>)
      %ge3A_468 = arith.constant 1 : i32
      %ge3A_469 = arith.cmpi sge, %add3A_460, %ge3A_468 : i32
      %convert_element_type3A_470 = arith.extui %ge3A_469 : i1 to i32
      %cond3A_471 = arith.constant 0 : i32
      %cond3A_472 = arith.cmpi ne, %convert_element_type3A_470, %cond3A_471 : i32
      scf.if %cond3A_472 {
        %sub3A = arith.constant 1 : i32
        %sub3A_544 = arith.subi %add3A_460, %sub3A : i32
        %dma_wait3A_545 = arith.constant 0 : i32
        %dma_wait3A_546 = tpu.memref_slice %arg5[%sub3A_544, %dma_wait3A_545] : memref<80x128xi32, #tpu.memory_space<vmem>> -> memref<1x128xi32, #tpu.memory_space<vmem>>
        %dma_wait3A_547 = tpu.memref_squeeze %dma_wait3A_546 : memref<1x128xi32, #tpu.memory_space<vmem>> -> memref<128xi32, #tpu.memory_space<vmem>>
        %dma_wait3A_548 = arith.constant 0 : i32
        %dma_wait3A_549 = arith.constant 0 : i32
        %dma_wait3A_550 = tpu.memref_slice %arg10[%dma_wait3A_548, %dma_wait3A_549] : memref<10240x128xf32, #tpu.memory_space<vmem_shared>> -> memref<10240x128xf32, #tpu.memory_space<vmem_shared>>
        tpu.wait_indirect_dma semaphore(%arg15 : memref<!tpu.dma_semaphore, #tpu.memory_space<semaphore_mem>>) src(%arg8 : memref<128x128xf32, #tpu.memory_space<vmem>>) dst(%dma_wait3A_550 : memref<10240x128xf32, #tpu.memory_space<vmem_shared>>)
      } else {
      }
      %dma_start3A_473 = arith.constant 6 : i32
      %dma_start3A_474 = arith.constant 0 : i32
      %dma_start3A_475 = tpu.memref_slice %arg7[%dma_start3A_473, %dma_start3A_474] : memref<8x128xi32, #tpu.memory_space<vmem>> -> memref<1x128xi32, #tpu.memory_space<vmem>>
      %dma_start3A_476 = tpu.memref_squeeze %dma_start3A_475 : memref<1x128xi32, #tpu.memory_space<vmem>> -> memref<128xi32, #tpu.memory_space<vmem>>
      %dma_start3A_477 = arith.constant 0 : i32
      %dma_start3A_478 = arith.constant 0 : i32
      %dma_start3A_479 = tpu.memref_slice %arg2[%dma_start3A_477, %dma_start3A_478] : memref<10000x128xf32, #tpu.memory_space<hbm>> -> memref<10000x128xf32, #tpu.memory_space<hbm>>
      tpu.enqueue_indirect_dma source(%dma_start3A_479 : memref<10000x128xf32, #tpu.memory_space<hbm>>) target(%arg8 : memref<128x128xf32, #tpu.memory_space<vmem>>) offsets(%dma_start3A_476 : memref<128xi32, #tpu.memory_space<vmem>>) semaphore(%arg11 : memref<!tpu.dma_semaphore, #tpu.memory_space<semaphore_mem>>)
      %dma_start3A_480 = arith.constant 0 : i32
      %dma_start3A_481 = tpu.memref_slice %arg5[%add3A_460, %dma_start3A_480] : memref<80x128xi32, #tpu.memory_space<vmem>> -> memref<1x128xi32, #tpu.memory_space<vmem>>
      %dma_start3A_482 = tpu.memref_squeeze %dma_start3A_481 : memref<1x128xi32, #tpu.memory_space<vmem>> -> memref<128xi32, #tpu.memory_space<vmem>>
      %dma_start3A_483 = arith.constant 0 : i32
      %dma_start3A_484 = arith.constant 0 : i32
      %dma_start3A_485 = tpu.memref_slice %arg10[%dma_start3A_483, %dma_start3A_484] : memref<10240x128xf32, #tpu.memory_space<vmem_shared>> -> memref<10240x128xf32, #tpu.memory_space<vmem_shared>>
      tpu.enqueue_indirect_dma source(%arg9 : memref<128x128xf32, #tpu.memory_space<vmem>>) target(%dma_start3A_485 : memref<10240x128xf32, #tpu.memory_space<vmem_shared>>) offsets(%dma_start3A_482 : memref<128xi32, #tpu.memory_space<vmem>>) semaphore(%arg16 : memref<!tpu.dma_semaphore, #tpu.memory_space<semaphore_mem>>) {add = true}
      %mul3A_486 = arith.constant 8 : i32
      %mul3A_487 = arith.muli %add3A_300, %mul3A_486 : i32
      %add3A_488 = arith.constant 6 : i32
      %add3A_489 = arith.addi %mul3A_487, %add3A_488 : i32
      %dma_wait3A_490 = arith.constant 6 : i32
      %dma_wait3A_491 = arith.constant 0 : i32
      %dma_wait3A_492 = tpu.memref_slice %arg7[%dma_wait3A_490, %dma_wait3A_491] : memref<8x128xi32, #tpu.memory_space<vmem>> -> memref<1x128xi32, #tpu.memory_space<vmem>>
      %dma_wait3A_493 = tpu.memref_squeeze %dma_wait3A_492 : memref<1x128xi32, #tpu.memory_space<vmem>> -> memref<128xi32, #tpu.memory_space<vmem>>
      %dma_wait3A_494 = arith.constant 0 : i32
      %dma_wait3A_495 = arith.constant 0 : i32
      %dma_wait3A_496 = tpu.memref_slice %arg2[%dma_wait3A_494, %dma_wait3A_495] : memref<10000x128xf32, #tpu.memory_space<hbm>> -> memref<10000x128xf32, #tpu.memory_space<hbm>>
      tpu.wait_indirect_dma semaphore(%arg11 : memref<!tpu.dma_semaphore, #tpu.memory_space<semaphore_mem>>) src(%dma_wait3A_496 : memref<10000x128xf32, #tpu.memory_space<hbm>>) dst(%arg8 : memref<128x128xf32, #tpu.memory_space<vmem>>)
      %ge3A_497 = arith.constant 1 : i32
      %ge3A_498 = arith.cmpi sge, %add3A_489, %ge3A_497 : i32
      %convert_element_type3A_499 = arith.extui %ge3A_498 : i1 to i32
      %cond3A_500 = arith.constant 0 : i32
      %cond3A_501 = arith.cmpi ne, %convert_element_type3A_499, %cond3A_500 : i32
      scf.if %cond3A_501 {
        %sub3A = arith.constant 1 : i32
        %sub3A_544 = arith.subi %add3A_489, %sub3A : i32
        %dma_wait3A_545 = arith.constant 0 : i32
        %dma_wait3A_546 = tpu.memref_slice %arg5[%sub3A_544, %dma_wait3A_545] : memref<80x128xi32, #tpu.memory_space<vmem>> -> memref<1x128xi32, #tpu.memory_space<vmem>>
        %dma_wait3A_547 = tpu.memref_squeeze %dma_wait3A_546 : memref<1x128xi32, #tpu.memory_space<vmem>> -> memref<128xi32, #tpu.memory_space<vmem>>
        %dma_wait3A_548 = arith.constant 0 : i32
        %dma_wait3A_549 = arith.constant 0 : i32
        %dma_wait3A_550 = tpu.memref_slice %arg10[%dma_wait3A_548, %dma_wait3A_549] : memref<10240x128xf32, #tpu.memory_space<vmem_shared>> -> memref<10240x128xf32, #tpu.memory_space<vmem_shared>>
        tpu.wait_indirect_dma semaphore(%arg16 : memref<!tpu.dma_semaphore, #tpu.memory_space<semaphore_mem>>) src(%arg9 : memref<128x128xf32, #tpu.memory_space<vmem>>) dst(%dma_wait3A_550 : memref<10240x128xf32, #tpu.memory_space<vmem_shared>>)
      } else {
      }
      %dma_start3A_502 = arith.constant 7 : i32
      %dma_start3A_503 = arith.constant 0 : i32
      %dma_start3A_504 = tpu.memref_slice %arg7[%dma_start3A_502, %dma_start3A_503] : memref<8x128xi32, #tpu.memory_space<vmem>> -> memref<1x128xi32, #tpu.memory_space<vmem>>
      %dma_start3A_505 = tpu.memref_squeeze %dma_start3A_504 : memref<1x128xi32, #tpu.memory_space<vmem>> -> memref<128xi32, #tpu.memory_space<vmem>>
      %dma_start3A_506 = arith.constant 0 : i32
      %dma_start3A_507 = arith.constant 0 : i32
      %dma_start3A_508 = tpu.memref_slice %arg2[%dma_start3A_506, %dma_start3A_507] : memref<10000x128xf32, #tpu.memory_space<hbm>> -> memref<10000x128xf32, #tpu.memory_space<hbm>>
      tpu.enqueue_indirect_dma source(%dma_start3A_508 : memref<10000x128xf32, #tpu.memory_space<hbm>>) target(%arg9 : memref<128x128xf32, #tpu.memory_space<vmem>>) offsets(%dma_start3A_505 : memref<128xi32, #tpu.memory_space<vmem>>) semaphore(%arg12 : memref<!tpu.dma_semaphore, #tpu.memory_space<semaphore_mem>>)
      %dma_start3A_509 = arith.constant 0 : i32
      %dma_start3A_510 = tpu.memref_slice %arg5[%add3A_489, %dma_start3A_509] : memref<80x128xi32, #tpu.memory_space<vmem>> -> memref<1x128xi32, #tpu.memory_space<vmem>>
      %dma_start3A_511 = tpu.memref_squeeze %dma_start3A_510 : memref<1x128xi32, #tpu.memory_space<vmem>> -> memref<128xi32, #tpu.memory_space<vmem>>
      %dma_start3A_512 = arith.constant 0 : i32
      %dma_start3A_513 = arith.constant 0 : i32
      %dma_start3A_514 = tpu.memref_slice %arg10[%dma_start3A_512, %dma_start3A_513] : memref<10240x128xf32, #tpu.memory_space<vmem_shared>> -> memref<10240x128xf32, #tpu.memory_space<vmem_shared>>
      tpu.enqueue_indirect_dma source(%arg8 : memref<128x128xf32, #tpu.memory_space<vmem>>) target(%dma_start3A_514 : memref<10240x128xf32, #tpu.memory_space<vmem_shared>>) offsets(%dma_start3A_511 : memref<128xi32, #tpu.memory_space<vmem>>) semaphore(%arg15 : memref<!tpu.dma_semaphore, #tpu.memory_space<semaphore_mem>>) {add = true}
      %mul3A_515 = arith.constant 8 : i32
      %mul3A_516 = arith.muli %add3A_300, %mul3A_515 : i32
      %add3A_517 = arith.constant 7 : i32
      %add3A_518 = arith.addi %mul3A_516, %add3A_517 : i32
      %dma_wait3A_519 = arith.constant 7 : i32
      %dma_wait3A_520 = arith.constant 0 : i32
      %dma_wait3A_521 = tpu.memref_slice %arg7[%dma_wait3A_519, %dma_wait3A_520] : memref<8x128xi32, #tpu.memory_space<vmem>> -> memref<1x128xi32, #tpu.memory_space<vmem>>
      %dma_wait3A_522 = tpu.memref_squeeze %dma_wait3A_521 : memref<1x128xi32, #tpu.memory_space<vmem>> -> memref<128xi32, #tpu.memory_space<vmem>>
      %dma_wait3A_523 = arith.constant 0 : i32
      %dma_wait3A_524 = arith.constant 0 : i32
      %dma_wait3A_525 = tpu.memref_slice %arg2[%dma_wait3A_523, %dma_wait3A_524] : memref<10000x128xf32, #tpu.memory_space<hbm>> -> memref<10000x128xf32, #tpu.memory_space<hbm>>
      tpu.wait_indirect_dma semaphore(%arg12 : memref<!tpu.dma_semaphore, #tpu.memory_space<semaphore_mem>>) src(%dma_wait3A_525 : memref<10000x128xf32, #tpu.memory_space<hbm>>) dst(%arg9 : memref<128x128xf32, #tpu.memory_space<vmem>>)
      %ge3A_526 = arith.constant 1 : i32
      %ge3A_527 = arith.cmpi sge, %add3A_518, %ge3A_526 : i32
      %convert_element_type3A_528 = arith.extui %ge3A_527 : i1 to i32
      %cond3A_529 = arith.constant 0 : i32
      %cond3A_530 = arith.cmpi ne, %convert_element_type3A_528, %cond3A_529 : i32
      scf.if %cond3A_530 {
        %sub3A = arith.constant 1 : i32
        %sub3A_544 = arith.subi %add3A_518, %sub3A : i32
        %dma_wait3A_545 = arith.constant 0 : i32
        %dma_wait3A_546 = tpu.memref_slice %arg5[%sub3A_544, %dma_wait3A_545] : memref<80x128xi32, #tpu.memory_space<vmem>> -> memref<1x128xi32, #tpu.memory_space<vmem>>
        %dma_wait3A_547 = tpu.memref_squeeze %dma_wait3A_546 : memref<1x128xi32, #tpu.memory_space<vmem>> -> memref<128xi32, #tpu.memory_space<vmem>>
        %dma_wait3A_548 = arith.constant 0 : i32
        %dma_wait3A_549 = arith.constant 0 : i32
        %dma_wait3A_550 = tpu.memref_slice %arg10[%dma_wait3A_548, %dma_wait3A_549] : memref<10240x128xf32, #tpu.memory_space<vmem_shared>> -> memref<10240x128xf32, #tpu.memory_space<vmem_shared>>
        tpu.wait_indirect_dma semaphore(%arg15 : memref<!tpu.dma_semaphore, #tpu.memory_space<semaphore_mem>>) src(%arg8 : memref<128x128xf32, #tpu.memory_space<vmem>>) dst(%dma_wait3A_550 : memref<10240x128xf32, #tpu.memory_space<vmem_shared>>)
      } else {
      }
      %lt3A_531 = arith.constant 9 : i32
      %lt3A_532 = arith.cmpi slt, %add3A_300, %lt3A_531 : i32
      %convert_element_type3A_533 = arith.extui %lt3A_532 : i1 to i32
      %cond3A_534 = arith.constant 0 : i32
      %cond3A_535 = arith.constant 0 : i32
      %cond3A_536 = arith.cmpi ne, %convert_element_type3A_533, %cond3A_535 : i32
      scf.if %cond3A_536 {
        %dma_wait3A_544 = arith.constant 0 : i32
        %dma_wait3A_545 = tpu.memref_slice %arg3[%cond3A_534, %add3A_305, %dma_wait3A_544] : memref<2x2560x128xi32, #tpu.memory_space<hbm>> -> memref<1x8x128xi32, #tpu.memory_space<hbm>>
        %dma_wait3A_546 = tpu.memref_squeeze %dma_wait3A_545 : memref<1x8x128xi32, #tpu.memory_space<hbm>> -> memref<8x128xi32, #tpu.memory_space<hbm>>
        %dma_wait3A_547 = arith.constant 0 : i32
        %dma_wait3A_548 = tpu.memref_slice %arg3[%cond3A_534, %add3A_305, %dma_wait3A_547] : memref<2x2560x128xi32, #tpu.memory_space<hbm>> -> memref<1x8x128xi32, #tpu.memory_space<hbm>>
        %dma_wait3A_549 = tpu.memref_squeeze %dma_wait3A_548 : memref<1x8x128xi32, #tpu.memory_space<hbm>> -> memref<8x128xi32, #tpu.memory_space<hbm>>
        tpu.wait_dma2 semaphore(%arg13 : memref<!tpu.dma_semaphore, #tpu.memory_space<semaphore_mem>>) src(%dma_wait3A_549 : memref<8x128xi32, #tpu.memory_space<hbm>>) dst(%arg6 : memref<8x128xi32, #tpu.memory_space<vmem>>)
        %dma_start3A_550 = arith.constant 0 : i32
        %dma_start3A_551 = arith.constant 0 : i32
        %dma_start3A_552 = tpu.memref_slice %arg6[%dma_start3A_550, %dma_start3A_551] : memref<8x128xi32, #tpu.memory_space<vmem>> -> memref<1x128xi32, #tpu.memory_space<vmem>>
        %dma_start3A_553 = tpu.memref_squeeze %dma_start3A_552 : memref<1x128xi32, #tpu.memory_space<vmem>> -> memref<128xi32, #tpu.memory_space<vmem>>
        %dma_start3A_554 = arith.constant 0 : i32
        %dma_start3A_555 = arith.constant 0 : i32
        %dma_start3A_556 = tpu.memref_slice %arg2[%dma_start3A_554, %dma_start3A_555] : memref<10000x128xf32, #tpu.memory_space<hbm>> -> memref<10000x128xf32, #tpu.memory_space<hbm>>
        tpu.enqueue_indirect_dma source(%dma_start3A_556 : memref<10000x128xf32, #tpu.memory_space<hbm>>) target(%arg8 : memref<128x128xf32, #tpu.memory_space<vmem>>) offsets(%dma_start3A_553 : memref<128xi32, #tpu.memory_space<vmem>>) semaphore(%arg11 : memref<!tpu.dma_semaphore, #tpu.memory_space<semaphore_mem>>)
      } else {
      }
      %dma_start3A_537 = arith.constant 0 : i32
      %dma_start3A_538 = tpu.memref_slice %arg5[%add3A_518, %dma_start3A_537] : memref<80x128xi32, #tpu.memory_space<vmem>> -> memref<1x128xi32, #tpu.memory_space<vmem>>
      %dma_start3A_539 = tpu.memref_squeeze %dma_start3A_538 : memref<1x128xi32, #tpu.memory_space<vmem>> -> memref<128xi32, #tpu.memory_space<vmem>>
      %dma_start3A_540 = arith.constant 0 : i32
      %dma_start3A_541 = arith.constant 0 : i32
      %dma_start3A_542 = tpu.memref_slice %arg10[%dma_start3A_540, %dma_start3A_541] : memref<10240x128xf32, #tpu.memory_space<vmem_shared>> -> memref<10240x128xf32, #tpu.memory_space<vmem_shared>>
      tpu.enqueue_indirect_dma source(%arg9 : memref<128x128xf32, #tpu.memory_space<vmem>>) target(%dma_start3A_542 : memref<10240x128xf32, #tpu.memory_space<vmem_shared>>) offsets(%dma_start3A_539 : memref<128xi32, #tpu.memory_space<vmem>>) semaphore(%arg16 : memref<!tpu.dma_semaphore, #tpu.memory_space<semaphore_mem>>) {add = true}
      %scan3A_543 = arith.constant 0 : i32
      scf.yield %scan3A_543 : i32
    }
    %scan3A_43 = arith.constant 5 : i32
    %dma_wait3A = arith.constant 79 : i32
    %dma_wait3A_44 = arith.constant 0 : i32
    %dma_wait3A_45 = tpu.memref_slice %arg5[%dma_wait3A, %dma_wait3A_44] : memref<80x128xi32, #tpu.memory_space<vmem>> -> memref<1x128xi32, #tpu.memory_space<vmem>>
    %dma_wait3A_46 = tpu.memref_squeeze %dma_wait3A_45 : memref<1x128xi32, #tpu.memory_space<vmem>> -> memref<128xi32, #tpu.memory_space<vmem>>
    %dma_wait3A_47 = arith.constant 0 : i32
    %dma_wait3A_48 = arith.constant 0 : i32
    %dma_wait3A_49 = tpu.memref_slice %arg10[%dma_wait3A_47, %dma_wait3A_48] : memref<10240x128xf32, #tpu.memory_space<vmem_shared>> -> memref<10240x128xf32, #tpu.memory_space<vmem_shared>>
    tpu.wait_indirect_dma semaphore(%arg16 : memref<!tpu.dma_semaphore, #tpu.memory_space<semaphore_mem>>) src(%arg9 : memref<128x128xf32, #tpu.memory_space<vmem>>) dst(%dma_wait3A_49 : memref<10240x128xf32, #tpu.memory_space<vmem_shared>>)
    %barrier3A_50 = arith.constant 0 : index
    tpu.barrier barrier_id(%barrier3A_50)
    %mul3A_51 = arith.constant 640 : i32
    %mul3A_52 = arith.muli %arg1, %mul3A_51 : i32
    %mul3A_53 = arith.constant 640 : i32
    %mul3A_54 = arith.muli %arg1, %mul3A_53 : i32
    "tpu.region"() ({
      %run_scoped3A_55 = tpu.sem_alloc : memref<!tpu.dma_semaphore, #tpu.memory_space<semaphore_mem>>
      %dma_start3A_56 = arith.constant 0 : i32
      %dma_start3A_57 = tpu.memref_slice %arg4[%arg0, %mul3A_54, %dma_start3A_56] : memref<2x10240x128xf32, #tpu.memory_space<hbm>> -> memref<1x640x128xf32, #tpu.memory_space<hbm>>
      %dma_start3A_58 = tpu.memref_squeeze %dma_start3A_57 : memref<1x640x128xf32, #tpu.memory_space<hbm>> -> memref<640x128xf32, #tpu.memory_space<hbm>>
      %dma_start3A_59 = arith.constant 0 : i32
      %dma_start3A_60 = tpu.memref_slice %arg10[%mul3A_52, %dma_start3A_59] : memref<10240x128xf32, #tpu.memory_space<vmem_shared>> -> memref<640x128xf32, #tpu.memory_space<vmem_shared>>
      tpu.enqueue_dma source(%dma_start3A_60 : memref<640x128xf32, #tpu.memory_space<vmem_shared>>) target(%dma_start3A_58 : memref<640x128xf32, #tpu.memory_space<hbm>>) target_semaphore(%run_scoped3A_55 : memref<!tpu.dma_semaphore, #tpu.memory_space<semaphore_mem>>)
      %dma_wait3A_61 = arith.constant 0 : i32
      %dma_wait3A_62 = tpu.memref_slice %arg4[%arg0, %mul3A_54, %dma_wait3A_61] : memref<2x10240x128xf32, #tpu.memory_space<hbm>> -> memref<1x640x128xf32, #tpu.memory_space<hbm>>
      %dma_wait3A_63 = tpu.memref_squeeze %dma_wait3A_62 : memref<1x640x128xf32, #tpu.memory_space<hbm>> -> memref<640x128xf32, #tpu.memory_space<hbm>>
      %dma_wait3A_64 = arith.constant 0 : i32
      %dma_wait3A_65 = tpu.memref_slice %arg10[%mul3A_52, %dma_wait3A_64] : memref<10240x128xf32, #tpu.memory_space<vmem_shared>> -> memref<640x128xf32, #tpu.memory_space<vmem_shared>>
      tpu.wait_dma2 semaphore(%run_scoped3A_55 : memref<!tpu.dma_semaphore, #tpu.memory_space<semaphore_mem>>) src(%dma_wait3A_65 : memref<640x128xf32, #tpu.memory_space<vmem_shared>>) dst(%dma_wait3A_63 : memref<640x128xf32, #tpu.memory_space<hbm>>)
      tpu.yield
    }) : () -> ()
    return
  }
}

#map = affine_map<(d0, d1) -> (0, 0, 0)>
#map1 = affine_map<(d0, d1) -> (0)>
module attributes {stable_mosaic.version = 14 : i64} {
  func.func @_count_kernel(%arg0: i32, %arg1: i32, %arg2: memref<2x2560x128xi32, #tpu.memory_space<hbm>>, %arg3: memref<20480xf32, #tpu.memory_space<hbm>>, %arg4: memref<80x128xi32, #tpu.memory_space<vmem>>, %arg5: memref<128xf32, #tpu.memory_space<vmem>>, %arg6: memref<640xf32, #tpu.memory_space<vmem>>, %arg7: memref<10240xf32, #tpu.memory_space<vmem_shared>>, %arg8: memref<!tpu.dma_semaphore, #tpu.memory_space<semaphore_mem>>) attributes {dimension_semantics = [#tpu.dimension_semantics<core_parallel>, #tpu.dimension_semantics<subcore_parallel>], iteration_bounds = array<i64: 2, 16>, scalar_prefetch = 0 : i64, scratch_operands = 5 : i64, tpu.core_type = #tpu.core_type<sc_vector_subcore>, window_params = [{transform_indices = #map}, {transform_indices = #map1}]} {
    %mul3A = arith.constant 16 : i32
    %mul3A_0 = arith.muli %arg0, %mul3A : i32
    %add3A = arith.addi %mul3A_0, %arg1 : i32
    %mul3A_1 = arith.constant 80 : i32
    %mul3A_2 = arith.muli %add3A, %mul3A_1 : i32
    %run_scoped3A = arith.constant 1 : i32
    "tpu.region"() ({
      %run_scoped3A_82 = tpu.sem_alloc : memref<!tpu.dma_semaphore, #tpu.memory_space<semaphore_mem>>
      %dma_start3A = arith.constant 0 : i32
      %dma_start3A_83 = tpu.memref_slice %arg2[%run_scoped3A, %mul3A_2, %dma_start3A] : memref<2x2560x128xi32, #tpu.memory_space<hbm>> -> memref<1x80x128xi32, #tpu.memory_space<hbm>>
      %dma_start3A_84 = tpu.memref_squeeze %dma_start3A_83 : memref<1x80x128xi32, #tpu.memory_space<hbm>> -> memref<80x128xi32, #tpu.memory_space<hbm>>
      %dma_start3A_85 = arith.constant 0 : i32
      %dma_start3A_86 = tpu.memref_slice %arg2[%run_scoped3A, %mul3A_2, %dma_start3A_85] : memref<2x2560x128xi32, #tpu.memory_space<hbm>> -> memref<1x80x128xi32, #tpu.memory_space<hbm>>
      %dma_start3A_87 = tpu.memref_squeeze %dma_start3A_86 : memref<1x80x128xi32, #tpu.memory_space<hbm>> -> memref<80x128xi32, #tpu.memory_space<hbm>>
      tpu.enqueue_dma source(%dma_start3A_87 : memref<80x128xi32, #tpu.memory_space<hbm>>) target(%arg4 : memref<80x128xi32, #tpu.memory_space<vmem>>) target_semaphore(%run_scoped3A_82 : memref<!tpu.dma_semaphore, #tpu.memory_space<semaphore_mem>>)
      %dma_wait3A = arith.constant 0 : i32
      %dma_wait3A_88 = tpu.memref_slice %arg2[%run_scoped3A, %mul3A_2, %dma_wait3A] : memref<2x2560x128xi32, #tpu.memory_space<hbm>> -> memref<1x80x128xi32, #tpu.memory_space<hbm>>
      %dma_wait3A_89 = tpu.memref_squeeze %dma_wait3A_88 : memref<1x80x128xi32, #tpu.memory_space<hbm>> -> memref<80x128xi32, #tpu.memory_space<hbm>>
      %dma_wait3A_90 = arith.constant 0 : i32
      %dma_wait3A_91 = tpu.memref_slice %arg2[%run_scoped3A, %mul3A_2, %dma_wait3A_90] : memref<2x2560x128xi32, #tpu.memory_space<hbm>> -> memref<1x80x128xi32, #tpu.memory_space<hbm>>
      %dma_wait3A_92 = tpu.memref_squeeze %dma_wait3A_91 : memref<1x80x128xi32, #tpu.memory_space<hbm>> -> memref<80x128xi32, #tpu.memory_space<hbm>>
      tpu.wait_dma2 semaphore(%run_scoped3A_82 : memref<!tpu.dma_semaphore, #tpu.memory_space<semaphore_mem>>) src(%dma_wait3A_92 : memref<80x128xi32, #tpu.memory_space<hbm>>) dst(%arg4 : memref<80x128xi32, #tpu.memory_space<vmem>>)
      tpu.yield
    }) : () -> ()
    %broadcast_in_dim3A = arith.constant 0.000000e+00 : f32
    %broadcast_in_dim3A_3 = vector.broadcast %broadcast_in_dim3A : f32 to vector<16xf32>
    %scan3A = arith.constant 0 : i32
    %scan3A_4 = arith.constant 0 : i32
    %scan3A_5 = arith.constant 40 : i32
    %scan3A_6 = arith.addi %scan3A_4, %scan3A_5 : i32
    %scan3A_7 = arith.constant 8 : i32
    %scan3A_8 = scf.for %scan3A_82 = %scan3A_4 to %scan3A_6 step %scan3A_7 iter_args(%scan3A_83 = %scan3A) -> (i32)  : i32 {
      %mul3A_84 = arith.constant 16 : i32
      %mul3A_85 = arith.muli %scan3A_82, %mul3A_84 : i32
      %swap3A_86 = arith.index_cast %mul3A_85 : i32 to index
      %swap3A_87 = tpu.vector_load %arg6[%swap3A_86] {strides = array<i32>} : memref<640xf32, #tpu.memory_space<vmem>>, vector<16xf32>,
      %swap3A_88 = vector.shape_cast %swap3A_87 : vector<16xf32> to vector<16xf32>
      %swap3A_89 = vector.shape_cast %broadcast_in_dim3A_3 : vector<16xf32> to vector<16xf32>
      tpu.vector_store %arg6[%swap3A_86], %swap3A_89 {strides = array<i32>} : memref<640xf32, #tpu.memory_space<vmem>>, vector<16xf32>,
      %scan3A_90 = arith.constant 0 : i32
      %scan3A_91 = arith.constant 1 : i32
      %scan3A_92 = arith.addi %scan3A_82, %scan3A_91 : i32
      %mul3A_93 = arith.constant 16 : i32
      %mul3A_94 = arith.muli %scan3A_92, %mul3A_93 : i32
      %swap3A_95 = arith.index_cast %mul3A_94 : i32 to index
      %swap3A_96 = tpu.vector_load %arg6[%swap3A_95] {strides = array<i32>} : memref<640xf32, #tpu.memory_space<vmem>>, vector<16xf32>,
      %swap3A_97 = vector.shape_cast %swap3A_96 : vector<16xf32> to vector<16xf32>
      %swap3A_98 = vector.shape_cast %broadcast_in_dim3A_3 : vector<16xf32> to vector<16xf32>
      tpu.vector_store %arg6[%swap3A_95], %swap3A_98 {strides = array<i32>} : memref<640xf32, #tpu.memory_space<vmem>>, vector<16xf32>,
      %scan3A_99 = arith.constant 0 : i32
      %scan3A_100 = arith.constant 2 : i32
      %scan3A_101 = arith.addi %scan3A_82, %scan3A_100 : i32
      %mul3A_102 = arith.constant 16 : i32
      %mul3A_103 = arith.muli %scan3A_101, %mul3A_102 : i32
      %swap3A_104 = arith.index_cast %mul3A_103 : i32 to index
      %swap3A_105 = tpu.vector_load %arg6[%swap3A_104] {strides = array<i32>} : memref<640xf32, #tpu.memory_space<vmem>>, vector<16xf32>,
      %swap3A_106 = vector.shape_cast %swap3A_105 : vector<16xf32> to vector<16xf32>
      %swap3A_107 = vector.shape_cast %broadcast_in_dim3A_3 : vector<16xf32> to vector<16xf32>
      tpu.vector_store %arg6[%swap3A_104], %swap3A_107 {strides = array<i32>} : memref<640xf32, #tpu.memory_space<vmem>>, vector<16xf32>,
      %scan3A_108 = arith.constant 0 : i32
      %scan3A_109 = arith.constant 3 : i32
      %scan3A_110 = arith.addi %scan3A_82, %scan3A_109 : i32
      %mul3A_111 = arith.constant 16 : i32
      %mul3A_112 = arith.muli %scan3A_110, %mul3A_111 : i32
      %swap3A_113 = arith.index_cast %mul3A_112 : i32 to index
      %swap3A_114 = tpu.vector_load %arg6[%swap3A_113] {strides = array<i32>} : memref<640xf32, #tpu.memory_space<vmem>>, vector<16xf32>,
      %swap3A_115 = vector.shape_cast %swap3A_114 : vector<16xf32> to vector<16xf32>
      %swap3A_116 = vector.shape_cast %broadcast_in_dim3A_3 : vector<16xf32> to vector<16xf32>
      tpu.vector_store %arg6[%swap3A_113], %swap3A_116 {strides = array<i32>} : memref<640xf32, #tpu.memory_space<vmem>>, vector<16xf32>,
      %scan3A_117 = arith.constant 0 : i32
      %scan3A_118 = arith.constant 4 : i32
      %scan3A_119 = arith.addi %scan3A_82, %scan3A_118 : i32
      %mul3A_120 = arith.constant 16 : i32
      %mul3A_121 = arith.muli %scan3A_119, %mul3A_120 : i32
      %swap3A_122 = arith.index_cast %mul3A_121 : i32 to index
      %swap3A_123 = tpu.vector_load %arg6[%swap3A_122] {strides = array<i32>} : memref<640xf32, #tpu.memory_space<vmem>>, vector<16xf32>,
      %swap3A_124 = vector.shape_cast %swap3A_123 : vector<16xf32> to vector<16xf32>
      %swap3A_125 = vector.shape_cast %broadcast_in_dim3A_3 : vector<16xf32> to vector<16xf32>
      tpu.vector_store %arg6[%swap3A_122], %swap3A_125 {strides = array<i32>} : memref<640xf32, #tpu.memory_space<vmem>>, vector<16xf32>,
      %scan3A_126 = arith.constant 0 : i32
      %scan3A_127 = arith.constant 5 : i32
      %scan3A_128 = arith.addi %scan3A_82, %scan3A_127 : i32
      %mul3A_129 = arith.constant 16 : i32
      %mul3A_130 = arith.muli %scan3A_128, %mul3A_129 : i32
      %swap3A_131 = arith.index_cast %mul3A_130 : i32 to index
      %swap3A_132 = tpu.vector_load %arg6[%swap3A_131] {strides = array<i32>} : memref<640xf32, #tpu.memory_space<vmem>>, vector<16xf32>,
      %swap3A_133 = vector.shape_cast %swap3A_132 : vector<16xf32> to vector<16xf32>
      %swap3A_134 = vector.shape_cast %broadcast_in_dim3A_3 : vector<16xf32> to vector<16xf32>
      tpu.vector_store %arg6[%swap3A_131], %swap3A_134 {strides = array<i32>} : memref<640xf32, #tpu.memory_space<vmem>>, vector<16xf32>,
      %scan3A_135 = arith.constant 0 : i32
      %scan3A_136 = arith.constant 6 : i32
      %scan3A_137 = arith.addi %scan3A_82, %scan3A_136 : i32
      %mul3A_138 = arith.constant 16 : i32
      %mul3A_139 = arith.muli %scan3A_137, %mul3A_138 : i32
      %swap3A_140 = arith.index_cast %mul3A_139 : i32 to index
      %swap3A_141 = tpu.vector_load %arg6[%swap3A_140] {strides = array<i32>} : memref<640xf32, #tpu.memory_space<vmem>>, vector<16xf32>,
      %swap3A_142 = vector.shape_cast %swap3A_141 : vector<16xf32> to vector<16xf32>
      %swap3A_143 = vector.shape_cast %broadcast_in_dim3A_3 : vector<16xf32> to vector<16xf32>
      tpu.vector_store %arg6[%swap3A_140], %swap3A_143 {strides = array<i32>} : memref<640xf32, #tpu.memory_space<vmem>>, vector<16xf32>,
      %scan3A_144 = arith.constant 0 : i32
      %scan3A_145 = arith.constant 7 : i32
      %scan3A_146 = arith.addi %scan3A_82, %scan3A_145 : i32
      %mul3A_147 = arith.constant 16 : i32
      %mul3A_148 = arith.muli %scan3A_146, %mul3A_147 : i32
      %swap3A_149 = arith.index_cast %mul3A_148 : i32 to index
      %swap3A_150 = tpu.vector_load %arg6[%swap3A_149] {strides = array<i32>} : memref<640xf32, #tpu.memory_space<vmem>>, vector<16xf32>,
      %swap3A_151 = vector.shape_cast %swap3A_150 : vector<16xf32> to vector<16xf32>
      %swap3A_152 = vector.shape_cast %broadcast_in_dim3A_3 : vector<16xf32> to vector<16xf32>
      tpu.vector_store %arg6[%swap3A_149], %swap3A_152 {strides = array<i32>} : memref<640xf32, #tpu.memory_space<vmem>>, vector<16xf32>,
      %scan3A_153 = arith.constant 0 : i32
      scf.yield %scan3A_153 : i32
    }
    %scan3A_9 = arith.constant 40 : i32
    %add3A_10 = arith.constant 1.000000e+00 : f32
    %add3A_11 = vector.broadcast %add3A_10 : f32 to vector<16xf32>
    %add3A_12 = arith.addf %broadcast_in_dim3A_3, %add3A_11 : vector<16xf32>
    %swap3A = arith.constant 0 : index
    %swap3A_13 = tpu.vector_load %arg5[%swap3A] {strides = array<i32>} : memref<128xf32, #tpu.memory_space<vmem>>, vector<16xf32>,
    %swap3A_14 = vector.shape_cast %swap3A_13 : vector<16xf32> to vector<16xf32>
    %swap3A_15 = vector.shape_cast %add3A_12 : vector<16xf32> to vector<16xf32>
    tpu.vector_store %arg5[%swap3A], %swap3A_15 {strides = array<i32>} : memref<128xf32, #tpu.memory_space<vmem>>, vector<16xf32>,
    %add3A_16 = arith.constant 1.000000e+00 : f32
    %add3A_17 = vector.broadcast %add3A_16 : f32 to vector<16xf32>
    %add3A_18 = arith.addf %broadcast_in_dim3A_3, %add3A_17 : vector<16xf32>
    %swap3A_19 = arith.constant 16 : index
    %swap3A_20 = tpu.vector_load %arg5[%swap3A_19] {strides = array<i32>} : memref<128xf32, #tpu.memory_space<vmem>>, vector<16xf32>,
    %swap3A_21 = vector.shape_cast %swap3A_20 : vector<16xf32> to vector<16xf32>
    %swap3A_22 = vector.shape_cast %add3A_18 : vector<16xf32> to vector<16xf32>
    tpu.vector_store %arg5[%swap3A_19], %swap3A_22 {strides = array<i32>} : memref<128xf32, #tpu.memory_space<vmem>>, vector<16xf32>,
    %add3A_23 = arith.constant 1.000000e+00 : f32
    %add3A_24 = vector.broadcast %add3A_23 : f32 to vector<16xf32>
    %add3A_25 = arith.addf %broadcast_in_dim3A_3, %add3A_24 : vector<16xf32>
    %swap3A_26 = arith.constant 32 : index
    %swap3A_27 = tpu.vector_load %arg5[%swap3A_26] {strides = array<i32>} : memref<128xf32, #tpu.memory_space<vmem>>, vector<16xf32>,
    %swap3A_28 = vector.shape_cast %swap3A_27 : vector<16xf32> to vector<16xf32>
    %swap3A_29 = vector.shape_cast %add3A_25 : vector<16xf32> to vector<16xf32>
    tpu.vector_store %arg5[%swap3A_26], %swap3A_29 {strides = array<i32>} : memref<128xf32, #tpu.memory_space<vmem>>, vector<16xf32>,
    %add3A_30 = arith.constant 1.000000e+00 : f32
    %add3A_31 = vector.broadcast %add3A_30 : f32 to vector<16xf32>
    %add3A_32 = arith.addf %broadcast_in_dim3A_3, %add3A_31 : vector<16xf32>
    %swap3A_33 = arith.constant 48 : index
    %swap3A_34 = tpu.vector_load %arg5[%swap3A_33] {strides = array<i32>} : memref<128xf32, #tpu.memory_space<vmem>>, vector<16xf32>,
    %swap3A_35 = vector.shape_cast %swap3A_34 : vector<16xf32> to vector<16xf32>
    %swap3A_36 = vector.shape_cast %add3A_32 : vector<16xf32> to vector<16xf32>
    tpu.vector_store %arg5[%swap3A_33], %swap3A_36 {strides = array<i32>} : memref<128xf32, #tpu.memory_space<vmem>>, vector<16xf32>,
    %add3A_37 = arith.constant 1.000000e+00 : f32
    %add3A_38 = vector.broadcast %add3A_37 : f32 to vector<16xf32>
    %add3A_39 = arith.addf %broadcast_in_dim3A_3, %add3A_38 : vector<16xf32>
    %swap3A_40 = arith.constant 64 : index
    %swap3A_41 = tpu.vector_load %arg5[%swap3A_40] {strides = array<i32>} : memref<128xf32, #tpu.memory_space<vmem>>, vector<16xf32>,
    %swap3A_42 = vector.shape_cast %swap3A_41 : vector<16xf32> to vector<16xf32>
    %swap3A_43 = vector.shape_cast %add3A_39 : vector<16xf32> to vector<16xf32>
    tpu.vector_store %arg5[%swap3A_40], %swap3A_43 {strides = array<i32>} : memref<128xf32, #tpu.memory_space<vmem>>, vector<16xf32>,
    %add3A_44 = arith.constant 1.000000e+00 : f32
    %add3A_45 = vector.broadcast %add3A_44 : f32 to vector<16xf32>
    %add3A_46 = arith.addf %broadcast_in_dim3A_3, %add3A_45 : vector<16xf32>
    %swap3A_47 = arith.constant 80 : index
    %swap3A_48 = tpu.vector_load %arg5[%swap3A_47] {strides = array<i32>} : memref<128xf32, #tpu.memory_space<vmem>>, vector<16xf32>,
    %swap3A_49 = vector.shape_cast %swap3A_48 : vector<16xf32> to vector<16xf32>
    %swap3A_50 = vector.shape_cast %add3A_46 : vector<16xf32> to vector<16xf32>
    tpu.vector_store %arg5[%swap3A_47], %swap3A_50 {strides = array<i32>} : memref<128xf32, #tpu.memory_space<vmem>>, vector<16xf32>,
    %add3A_51 = arith.constant 1.000000e+00 : f32
    %add3A_52 = vector.broadcast %add3A_51 : f32 to vector<16xf32>
    %add3A_53 = arith.addf %broadcast_in_dim3A_3, %add3A_52 : vector<16xf32>
    %swap3A_54 = arith.constant 96 : index
    %swap3A_55 = tpu.vector_load %arg5[%swap3A_54] {strides = array<i32>} : memref<128xf32, #tpu.memory_space<vmem>>, vector<16xf32>,
    %swap3A_56 = vector.shape_cast %swap3A_55 : vector<16xf32> to vector<16xf32>
    %swap3A_57 = vector.shape_cast %add3A_53 : vector<16xf32> to vector<16xf32>
    tpu.vector_store %arg5[%swap3A_54], %swap3A_57 {strides = array<i32>} : memref<128xf32, #tpu.memory_space<vmem>>, vector<16xf32>,
    %add3A_58 = arith.constant 1.000000e+00 : f32
    %add3A_59 = vector.broadcast %add3A_58 : f32 to vector<16xf32>
    %add3A_60 = arith.addf %broadcast_in_dim3A_3, %add3A_59 : vector<16xf32>
    %swap3A_61 = arith.constant 112 : index
    %swap3A_62 = tpu.vector_load %arg5[%swap3A_61] {strides = array<i32>} : memref<128xf32, #tpu.memory_space<vmem>>, vector<16xf32>,
    %swap3A_63 = vector.shape_cast %swap3A_62 : vector<16xf32> to vector<16xf32>
    %swap3A_64 = vector.shape_cast %add3A_60 : vector<16xf32> to vector<16xf32>
    tpu.vector_store %arg5[%swap3A_61], %swap3A_64 {strides = array<i32>} : memref<128xf32, #tpu.memory_space<vmem>>, vector<16xf32>,
    %mul3A_65 = arith.constant 640 : i32
    %mul3A_66 = arith.muli %arg1, %mul3A_65 : i32
    "tpu.region"() ({
      %run_scoped3A_82 = tpu.sem_alloc : memref<!tpu.dma_semaphore, #tpu.memory_space<semaphore_mem>>
      %dma_start3A = tpu.memref_slice %arg7[%mul3A_66] : memref<10240xf32, #tpu.memory_space<vmem_shared>> -> memref<640xf32, #tpu.memory_space<vmem_shared>>
      %dma_start3A_83 = tpu.memref_slice %arg7[%mul3A_66] : memref<10240xf32, #tpu.memory_space<vmem_shared>> -> memref<640xf32, #tpu.memory_space<vmem_shared>>
      tpu.enqueue_dma source(%arg6 : memref<640xf32, #tpu.memory_space<vmem>>) target(%dma_start3A_83 : memref<640xf32, #tpu.memory_space<vmem_shared>>) target_semaphore(%run_scoped3A_82 : memref<!tpu.dma_semaphore, #tpu.memory_space<semaphore_mem>>)
      %dma_wait3A = tpu.memref_slice %arg7[%mul3A_66] : memref<10240xf32, #tpu.memory_space<vmem_shared>> -> memref<640xf32, #tpu.memory_space<vmem_shared>>
      %dma_wait3A_84 = tpu.memref_slice %arg7[%mul3A_66] : memref<10240xf32, #tpu.memory_space<vmem_shared>> -> memref<640xf32, #tpu.memory_space<vmem_shared>>
      tpu.wait_dma2 semaphore(%run_scoped3A_82 : memref<!tpu.dma_semaphore, #tpu.memory_space<semaphore_mem>>) src(%arg6 : memref<640xf32, #tpu.memory_space<vmem>>) dst(%dma_wait3A_84 : memref<640xf32, #tpu.memory_space<vmem_shared>>)
      tpu.yield
    }) : () -> ()
    %barrier3A = arith.constant 0 : index
    tpu.barrier barrier_id(%barrier3A)
    %scan3A_67 = arith.constant 0 : i32
    %scan3A_68 = arith.constant 0 : i32
    %scan3A_69 = arith.constant 80 : i32
    %scan3A_70 = arith.addi %scan3A_68, %scan3A_69 : i32
    %scan3A_71 = arith.constant 1 : i32
    %scan3A_72 = scf.for %scan3A_82 = %scan3A_68 to %scan3A_70 step %scan3A_71 iter_args(%scan3A_83 = %scan3A_67) -> (i32)  : i32 {
      "tpu.region"() ({
        %run_scoped3A_85 = tpu.sem_alloc : memref<!tpu.dma_semaphore, #tpu.memory_space<semaphore_mem>>
        %dma_start3A = arith.constant 0 : i32
        %dma_start3A_86 = tpu.memref_slice %arg4[%scan3A_82, %dma_start3A] : memref<80x128xi32, #tpu.memory_space<vmem>> -> memref<1x128xi32, #tpu.memory_space<vmem>>
        %dma_start3A_87 = tpu.memref_squeeze %dma_start3A_86 : memref<1x128xi32, #tpu.memory_space<vmem>> -> memref<128xi32, #tpu.memory_space<vmem>>
        %dma_start3A_88 = arith.constant 0 : i32
        %dma_start3A_89 = tpu.memref_slice %arg7[%dma_start3A_88] : memref<10240xf32, #tpu.memory_space<vmem_shared>> -> memref<10240xf32, #tpu.memory_space<vmem_shared>>
        tpu.enqueue_indirect_dma source(%arg5 : memref<128xf32, #tpu.memory_space<vmem>>) target(%dma_start3A_89 : memref<10240xf32, #tpu.memory_space<vmem_shared>>) offsets(%dma_start3A_87 : memref<128xi32, #tpu.memory_space<vmem>>) semaphore(%run_scoped3A_85 : memref<!tpu.dma_semaphore, #tpu.memory_space<semaphore_mem>>) {add = true}
        %dma_wait3A = arith.constant 0 : i32
        %dma_wait3A_90 = tpu.memref_slice %arg4[%scan3A_82, %dma_wait3A] : memref<80x128xi32, #tpu.memory_space<vmem>> -> memref<1x128xi32, #tpu.memory_space<vmem>>
        %dma_wait3A_91 = tpu.memref_squeeze %dma_wait3A_90 : memref<1x128xi32, #tpu.memory_space<vmem>> -> memref<128xi32, #tpu.memory_space<vmem>>
        %dma_wait3A_92 = arith.constant 0 : i32
        %dma_wait3A_93 = tpu.memref_slice %arg7[%dma_wait3A_92] : memref<10240xf32, #tpu.memory_space<vmem_shared>> -> memref<10240xf32, #tpu.memory_space<vmem_shared>>
        tpu.wait_indirect_dma semaphore(%run_scoped3A_85 : memref<!tpu.dma_semaphore, #tpu.memory_space<semaphore_mem>>) src(%arg5 : memref<128xf32, #tpu.memory_space<vmem>>) dst(%dma_wait3A_93 : memref<10240xf32, #tpu.memory_space<vmem_shared>>)
        tpu.yield
      }) : () -> ()
      %scan3A_84 = arith.constant 0 : i32
      scf.yield %scan3A_84 : i32
    }
    %scan3A_73 = arith.constant 80 : i32
    %barrier3A_74 = arith.constant 0 : index
    tpu.barrier barrier_id(%barrier3A_74)
    %mul3A_75 = arith.constant 640 : i32
    %mul3A_76 = arith.muli %arg1, %mul3A_75 : i32
    %mul3A_77 = arith.constant 10240 : i32
    %mul3A_78 = arith.muli %arg0, %mul3A_77 : i32
    %mul3A_79 = arith.constant 640 : i32
    %mul3A_80 = arith.muli %arg1, %mul3A_79 : i32
    %add3A_81 = arith.addi %mul3A_78, %mul3A_80 : i32
    "tpu.region"() ({
      %run_scoped3A_82 = tpu.sem_alloc : memref<!tpu.dma_semaphore, #tpu.memory_space<semaphore_mem>>
      %dma_start3A = tpu.memref_slice %arg3[%add3A_81] : memref<20480xf32, #tpu.memory_space<hbm>> -> memref<640xf32, #tpu.memory_space<hbm>>
      %dma_start3A_83 = tpu.memref_slice %arg7[%mul3A_76] : memref<10240xf32, #tpu.memory_space<vmem_shared>> -> memref<640xf32, #tpu.memory_space<vmem_shared>>
      tpu.enqueue_dma source(%dma_start3A_83 : memref<640xf32, #tpu.memory_space<vmem_shared>>) target(%dma_start3A : memref<640xf32, #tpu.memory_space<hbm>>) target_semaphore(%run_scoped3A_82 : memref<!tpu.dma_semaphore, #tpu.memory_space<semaphore_mem>>)
      %dma_wait3A = tpu.memref_slice %arg3[%add3A_81] : memref<20480xf32, #tpu.memory_space<hbm>> -> memref<640xf32, #tpu.memory_space<hbm>>
      %dma_wait3A_84 = tpu.memref_slice %arg7[%mul3A_76] : memref<10240xf32, #tpu.memory_space<vmem_shared>> -> memref<640xf32, #tpu.memory_space<vmem_shared>>
      tpu.wait_dma2 semaphore(%run_scoped3A_82 : memref<!tpu.dma_semaphore, #tpu.memory_space<semaphore_mem>>) src(%dma_wait3A_84 : memref<640xf32, #tpu.memory_space<vmem_shared>>) dst(%dma_wait3A : memref<640xf32, #tpu.memory_space<hbm>>)
      tpu.yield
    }) : () -> ()
    return
  }
}

#map = affine_map<(d0, d1) -> (0, 0)>
#map1 = affine_map<(d0, d1) -> (0, 0, 0)>
module attributes {stable_mosaic.version = 14 : i64} {
  func.func @_scatter_kernel(%arg0: i32, %arg1: i32, %arg2: memref<10000x128xf32, #tpu.memory_space<hbm>>, %arg3: memref<2x2560x128xi32, #tpu.memory_space<hbm>>, %arg4: memref<2x10240x128xf32, #tpu.memory_space<hbm>>, %arg5: memref<80x128xi32, #tpu.memory_space<vmem>>, %arg6: memref<8x128xi32, #tpu.memory_space<vmem>>, %arg7: memref<8x128xi32, #tpu.memory_space<vmem>>, %arg8: memref<128x128xf32, #tpu.memory_space<vmem>>, %arg9: memref<128x128xf32, #tpu.memory_space<vmem>>, %arg10: memref<10240x128xf32, #tpu.memory_space<vmem_shared>>, %arg11: memref<!tpu.dma_semaphore, #tpu.memory_space<semaphore_mem>>, %arg12: memref<!tpu.dma_semaphore, #tpu.memory_space<semaphore_mem>>, %arg13: memref<!tpu.dma_semaphore, #tpu.memory_space<semaphore_mem>>, %arg14: memref<!tpu.dma_semaphore, #tpu.memory_space<semaphore_mem>>, %arg15: memref<!tpu.dma_semaphore, #tpu.memory_space<semaphore_mem>>, %arg16: memref<!tpu.dma_semaphore, #tpu.memory_space<semaphore_mem>>) attributes {dimension_semantics = [#tpu.dimension_semantics<core_parallel>, #tpu.dimension_semantics<subcore_parallel>], iteration_bounds = array<i64: 2, 16>, scalar_prefetch = 0 : i64, scratch_operands = 12 : i64, tpu.core_type = #tpu.core_type<sc_vector_subcore>, window_params = [{transform_indices = #map}, {transform_indices = #map1}, {transform_indices = #map1}]} {
    %mul3A = arith.constant 16 : i32
    %mul3A_0 = arith.muli %arg0, %mul3A : i32
    %add3A = arith.addi %mul3A_0, %arg1 : i32
    %mul3A_1 = arith.constant 80 : i32
    %mul3A_2 = arith.muli %add3A, %mul3A_1 : i32
    %run_scoped3A = arith.constant 1 : i32
    "tpu.region"() ({
      %run_scoped3A_55 = tpu.sem_alloc : memref<!tpu.dma_semaphore, #tpu.memory_space<semaphore_mem>>
      %dma_start3A_56 = arith.constant 0 : i32
      %dma_start3A_57 = tpu.memref_slice %arg3[%run_scoped3A, %mul3A_2, %dma_start3A_56] : memref<2x2560x128xi32, #tpu.memory_space<hbm>> -> memref<1x80x128xi32, #tpu.memory_space<hbm>>
      %dma_start3A_58 = tpu.memref_squeeze %dma_start3A_57 : memref<1x80x128xi32, #tpu.memory_space<hbm>> -> memref<80x128xi32, #tpu.memory_space<hbm>>
      %dma_start3A_59 = arith.constant 0 : i32
      %dma_start3A_60 = tpu.memref_slice %arg3[%run_scoped3A, %mul3A_2, %dma_start3A_59] : memref<2x2560x128xi32, #tpu.memory_space<hbm>> -> memref<1x80x128xi32, #tpu.memory_space<hbm>>
      %dma_start3A_61 = tpu.memref_squeeze %dma_start3A_60 : memref<1x80x128xi32, #tpu.memory_space<hbm>> -> memref<80x128xi32, #tpu.memory_space<hbm>>
      tpu.enqueue_dma source(%dma_start3A_61 : memref<80x128xi32, #tpu.memory_space<hbm>>) target(%arg5 : memref<80x128xi32, #tpu.memory_space<vmem>>) target_semaphore(%run_scoped3A_55 : memref<!tpu.dma_semaphore, #tpu.memory_space<semaphore_mem>>)
      %dma_wait3A_62 = arith.constant 0 : i32
      %dma_wait3A_63 = tpu.memref_slice %arg3[%run_scoped3A, %mul3A_2, %dma_wait3A_62] : memref<2x2560x128xi32, #tpu.memory_space<hbm>> -> memref<1x80x128xi32, #tpu.memory_space<hbm>>
      %dma_wait3A_64 = tpu.memref_squeeze %dma_wait3A_63 : memref<1x80x128xi32, #tpu.memory_space<hbm>> -> memref<80x128xi32, #tpu.memory_space<hbm>>
      %dma_wait3A_65 = arith.constant 0 : i32
      %dma_wait3A_66 = tpu.memref_slice %arg3[%run_scoped3A, %mul3A_2, %dma_wait3A_65] : memref<2x2560x128xi32, #tpu.memory_space<hbm>> -> memref<1x80x128xi32, #tpu.memory_space<hbm>>
      %dma_wait3A_67 = tpu.memref_squeeze %dma_wait3A_66 : memref<1x80x128xi32, #tpu.memory_space<hbm>> -> memref<80x128xi32, #tpu.memory_space<hbm>>
      tpu.wait_dma2 semaphore(%run_scoped3A_55 : memref<!tpu.dma_semaphore, #tpu.memory_space<semaphore_mem>>) src(%dma_wait3A_67 : memref<80x128xi32, #tpu.memory_space<hbm>>) dst(%arg5 : memref<80x128xi32, #tpu.memory_space<vmem>>)
      tpu.yield
    }) : () -> ()
    %broadcast_in_dim3A = arith.constant 0.000000e+00 : f32
    %broadcast_in_dim3A_3 = vector.broadcast %broadcast_in_dim3A : f32 to vector<16xf32>
    %scan3A = arith.constant 0 : i32
    %scan3A_4 = arith.constant 0 : i32
    %scan3A_5 = arith.constant 128 : i32
    %scan3A_6 = arith.addi %scan3A_4, %scan3A_5 : i32
    %scan3A_7 = arith.constant 4 : i32
    %scan3A_8 = scf.for %scan3A_55 = %scan3A_4 to %scan3A_6 step %scan3A_7 iter_args(%scan3A_56 = %scan3A) -> (i32)  : i32 {
      %swap3A = arith.index_cast %scan3A_55 : i32 to index
      %swap3A_57 = arith.constant 0 : index
      %swap3A_58 = tpu.vector_load %arg8[%swap3A, %swap3A_57] {strides = array<i32>} : memref<128x128xf32, #tpu.memory_space<vmem>>, vector<1x16xf32>,
      %swap3A_59 = vector.shape_cast %swap3A_58 : vector<1x16xf32> to vector<16xf32>
      %swap3A_60 = vector.shape_cast %broadcast_in_dim3A_3 : vector<16xf32> to vector<1x16xf32>
      tpu.vector_store %arg8[%swap3A, %swap3A_57], %swap3A_60 {strides = array<i32>} : memref<128x128xf32, #tpu.memory_space<vmem>>, vector<1x16xf32>,
      %swap3A_61 = arith.index_cast %scan3A_55 : i32 to index
      %swap3A_62 = arith.constant 16 : index
      %swap3A_63 = tpu.vector_load %arg8[%swap3A_61, %swap3A_62] {strides = array<i32>} : memref<128x128xf32, #tpu.memory_space<vmem>>, vector<1x16xf32>,
      %swap3A_64 = vector.shape_cast %swap3A_63 : vector<1x16xf32> to vector<16xf32>
      %swap3A_65 = vector.shape_cast %broadcast_in_dim3A_3 : vector<16xf32> to vector<1x16xf32>
      tpu.vector_store %arg8[%swap3A_61, %swap3A_62], %swap3A_65 {strides = array<i32>} : memref<128x128xf32, #tpu.memory_space<vmem>>, vector<1x16xf32>,
      %swap3A_66 = arith.index_cast %scan3A_55 : i32 to index
      %swap3A_67 = arith.constant 32 : index
      %swap3A_68 = tpu.vector_load %arg8[%swap3A_66, %swap3A_67] {strides = array<i32>} : memref<128x128xf32, #tpu.memory_space<vmem>>, vector<1x16xf32>,
      %swap3A_69 = vector.shape_cast %swap3A_68 : vector<1x16xf32> to vector<16xf32>
      %swap3A_70 = vector.shape_cast %broadcast_in_dim3A_3 : vector<16xf32> to vector<1x16xf32>
      tpu.vector_store %arg8[%swap3A_66, %swap3A_67], %swap3A_70 {strides = array<i32>} : memref<128x128xf32, #tpu.memory_space<vmem>>, vector<1x16xf32>,
      %swap3A_71 = arith.index_cast %scan3A_55 : i32 to index
      %swap3A_72 = arith.constant 48 : index
      %swap3A_73 = tpu.vector_load %arg8[%swap3A_71, %swap3A_72] {strides = array<i32>} : memref<128x128xf32, #tpu.memory_space<vmem>>, vector<1x16xf32>,
      %swap3A_74 = vector.shape_cast %swap3A_73 : vector<1x16xf32> to vector<16xf32>
      %swap3A_75 = vector.shape_cast %broadcast_in_dim3A_3 : vector<16xf32> to vector<1x16xf32>
      tpu.vector_store %arg8[%swap3A_71, %swap3A_72], %swap3A_75 {strides = array<i32>} : memref<128x128xf32, #tpu.memory_space<vmem>>, vector<1x16xf32>,
      %swap3A_76 = arith.index_cast %scan3A_55 : i32 to index
      %swap3A_77 = arith.constant 64 : index
      %swap3A_78 = tpu.vector_load %arg8[%swap3A_76, %swap3A_77] {strides = array<i32>} : memref<128x128xf32, #tpu.memory_space<vmem>>, vector<1x16xf32>,
      %swap3A_79 = vector.shape_cast %swap3A_78 : vector<1x16xf32> to vector<16xf32>
      %swap3A_80 = vector.shape_cast %broadcast_in_dim3A_3 : vector<16xf32> to vector<1x16xf32>
      tpu.vector_store %arg8[%swap3A_76, %swap3A_77], %swap3A_80 {strides = array<i32>} : memref<128x128xf32, #tpu.memory_space<vmem>>, vector<1x16xf32>,
      %swap3A_81 = arith.index_cast %scan3A_55 : i32 to index
      %swap3A_82 = arith.constant 80 : index
      %swap3A_83 = tpu.vector_load %arg8[%swap3A_81, %swap3A_82] {strides = array<i32>} : memref<128x128xf32, #tpu.memory_space<vmem>>, vector<1x16xf32>,
      %swap3A_84 = vector.shape_cast %swap3A_83 : vector<1x16xf32> to vector<16xf32>
      %swap3A_85 = vector.shape_cast %broadcast_in_dim3A_3 : vector<16xf32> to vector<1x16xf32>
      tpu.vector_store %arg8[%swap3A_81, %swap3A_82], %swap3A_85 {strides = array<i32>} : memref<128x128xf32, #tpu.memory_space<vmem>>, vector<1x16xf32>,
      %swap3A_86 = arith.index_cast %scan3A_55 : i32 to index
      %swap3A_87 = arith.constant 96 : index
      %swap3A_88 = tpu.vector_load %arg8[%swap3A_86, %swap3A_87] {strides = array<i32>} : memref<128x128xf32, #tpu.memory_space<vmem>>, vector<1x16xf32>,
      %swap3A_89 = vector.shape_cast %swap3A_88 : vector<1x16xf32> to vector<16xf32>
      %swap3A_90 = vector.shape_cast %broadcast_in_dim3A_3 : vector<16xf32> to vector<1x16xf32>
      tpu.vector_store %arg8[%swap3A_86, %swap3A_87], %swap3A_90 {strides = array<i32>} : memref<128x128xf32, #tpu.memory_space<vmem>>, vector<1x16xf32>,
      %swap3A_91 = arith.index_cast %scan3A_55 : i32 to index
      %swap3A_92 = arith.constant 112 : index
      %swap3A_93 = tpu.vector_load %arg8[%swap3A_91, %swap3A_92] {strides = array<i32>} : memref<128x128xf32, #tpu.memory_space<vmem>>, vector<1x16xf32>,
      %swap3A_94 = vector.shape_cast %swap3A_93 : vector<1x16xf32> to vector<16xf32>
      %swap3A_95 = vector.shape_cast %broadcast_in_dim3A_3 : vector<16xf32> to vector<1x16xf32>
      tpu.vector_store %arg8[%swap3A_91, %swap3A_92], %swap3A_95 {strides = array<i32>} : memref<128x128xf32, #tpu.memory_space<vmem>>, vector<1x16xf32>,
      %scan3A_96 = arith.constant 0 : i32
      %scan3A_97 = arith.constant 1 : i32
      %scan3A_98 = arith.addi %scan3A_55, %scan3A_97 : i32
      %swap3A_99 = arith.index_cast %scan3A_98 : i32 to index
      %swap3A_100 = arith.constant 0 : index
      %swap3A_101 = tpu.vector_load %arg8[%swap3A_99, %swap3A_100] {strides = array<i32>} : memref<128x128xf32, #tpu.memory_space<vmem>>, vector<1x16xf32>,
      %swap3A_102 = vector.shape_cast %swap3A_101 : vector<1x16xf32> to vector<16xf32>
      %swap3A_103 = vector.shape_cast %broadcast_in_dim3A_3 : vector<16xf32> to vector<1x16xf32>
      tpu.vector_store %arg8[%swap3A_99, %swap3A_100], %swap3A_103 {strides = array<i32>} : memref<128x128xf32, #tpu.memory_space<vmem>>, vector<1x16xf32>,
      %swap3A_104 = arith.index_cast %scan3A_98 : i32 to index
      %swap3A_105 = arith.constant 16 : index
      %swap3A_106 = tpu.vector_load %arg8[%swap3A_104, %swap3A_105] {strides = array<i32>} : memref<128x128xf32, #tpu.memory_space<vmem>>, vector<1x16xf32>,
      %swap3A_107 = vector.shape_cast %swap3A_106 : vector<1x16xf32> to vector<16xf32>
      %swap3A_108 = vector.shape_cast %broadcast_in_dim3A_3 : vector<16xf32> to vector<1x16xf32>
      tpu.vector_store %arg8[%swap3A_104, %swap3A_105], %swap3A_108 {strides = array<i32>} : memref<128x128xf32, #tpu.memory_space<vmem>>, vector<1x16xf32>,
      %swap3A_109 = arith.index_cast %scan3A_98 : i32 to index
      %swap3A_110 = arith.constant 32 : index
      %swap3A_111 = tpu.vector_load %arg8[%swap3A_109, %swap3A_110] {strides = array<i32>} : memref<128x128xf32, #tpu.memory_space<vmem>>, vector<1x16xf32>,
      %swap3A_112 = vector.shape_cast %swap3A_111 : vector<1x16xf32> to vector<16xf32>
      %swap3A_113 = vector.shape_cast %broadcast_in_dim3A_3 : vector<16xf32> to vector<1x16xf32>
      tpu.vector_store %arg8[%swap3A_109, %swap3A_110], %swap3A_113 {strides = array<i32>} : memref<128x128xf32, #tpu.memory_space<vmem>>, vector<1x16xf32>,
      %swap3A_114 = arith.index_cast %scan3A_98 : i32 to index
      %swap3A_115 = arith.constant 48 : index
      %swap3A_116 = tpu.vector_load %arg8[%swap3A_114, %swap3A_115] {strides = array<i32>} : memref<128x128xf32, #tpu.memory_space<vmem>>, vector<1x16xf32>,
      %swap3A_117 = vector.shape_cast %swap3A_116 : vector<1x16xf32> to vector<16xf32>
      %swap3A_118 = vector.shape_cast %broadcast_in_dim3A_3 : vector<16xf32> to vector<1x16xf32>
      tpu.vector_store %arg8[%swap3A_114, %swap3A_115], %swap3A_118 {strides = array<i32>} : memref<128x128xf32, #tpu.memory_space<vmem>>, vector<1x16xf32>,
      %swap3A_119 = arith.index_cast %scan3A_98 : i32 to index
      %swap3A_120 = arith.constant 64 : index
      %swap3A_121 = tpu.vector_load %arg8[%swap3A_119, %swap3A_120] {strides = array<i32>} : memref<128x128xf32, #tpu.memory_space<vmem>>, vector<1x16xf32>,
      %swap3A_122 = vector.shape_cast %swap3A_121 : vector<1x16xf32> to vector<16xf32>
      %swap3A_123 = vector.shape_cast %broadcast_in_dim3A_3 : vector<16xf32> to vector<1x16xf32>
      tpu.vector_store %arg8[%swap3A_119, %swap3A_120], %swap3A_123 {strides = array<i32>} : memref<128x128xf32, #tpu.memory_space<vmem>>, vector<1x16xf32>,
      %swap3A_124 = arith.index_cast %scan3A_98 : i32 to index
      %swap3A_125 = arith.constant 80 : index
      %swap3A_126 = tpu.vector_load %arg8[%swap3A_124, %swap3A_125] {strides = array<i32>} : memref<128x128xf32, #tpu.memory_space<vmem>>, vector<1x16xf32>,
      %swap3A_127 = vector.shape_cast %swap3A_126 : vector<1x16xf32> to vector<16xf32>
      %swap3A_128 = vector.shape_cast %broadcast_in_dim3A_3 : vector<16xf32> to vector<1x16xf32>
      tpu.vector_store %arg8[%swap3A_124, %swap3A_125], %swap3A_128 {strides = array<i32>} : memref<128x128xf32, #tpu.memory_space<vmem>>, vector<1x16xf32>,
      %swap3A_129 = arith.index_cast %scan3A_98 : i32 to index
      %swap3A_130 = arith.constant 96 : index
      %swap3A_131 = tpu.vector_load %arg8[%swap3A_129, %swap3A_130] {strides = array<i32>} : memref<128x128xf32, #tpu.memory_space<vmem>>, vector<1x16xf32>,
      %swap3A_132 = vector.shape_cast %swap3A_131 : vector<1x16xf32> to vector<16xf32>
      %swap3A_133 = vector.shape_cast %broadcast_in_dim3A_3 : vector<16xf32> to vector<1x16xf32>
      tpu.vector_store %arg8[%swap3A_129, %swap3A_130], %swap3A_133 {strides = array<i32>} : memref<128x128xf32, #tpu.memory_space<vmem>>, vector<1x16xf32>,
      %swap3A_134 = arith.index_cast %scan3A_98 : i32 to index
      %swap3A_135 = arith.constant 112 : index
      %swap3A_136 = tpu.vector_load %arg8[%swap3A_134, %swap3A_135] {strides = array<i32>} : memref<128x128xf32, #tpu.memory_space<vmem>>, vector<1x16xf32>,
      %swap3A_137 = vector.shape_cast %swap3A_136 : vector<1x16xf32> to vector<16xf32>
      %swap3A_138 = vector.shape_cast %broadcast_in_dim3A_3 : vector<16xf32> to vector<1x16xf32>
      tpu.vector_store %arg8[%swap3A_134, %swap3A_135], %swap3A_138 {strides = array<i32>} : memref<128x128xf32, #tpu.memory_space<vmem>>, vector<1x16xf32>,
      %scan3A_139 = arith.constant 0 : i32
      %scan3A_140 = arith.constant 2 : i32
      %scan3A_141 = arith.addi %scan3A_55, %scan3A_140 : i32
      %swap3A_142 = arith.index_cast %scan3A_141 : i32 to index
      %swap3A_143 = arith.constant 0 : index
      %swap3A_144 = tpu.vector_load %arg8[%swap3A_142, %swap3A_143] {strides = array<i32>} : memref<128x128xf32, #tpu.memory_space<vmem>>, vector<1x16xf32>,
      %swap3A_145 = vector.shape_cast %swap3A_144 : vector<1x16xf32> to vector<16xf32>
      %swap3A_146 = vector.shape_cast %broadcast_in_dim3A_3 : vector<16xf32> to vector<1x16xf32>
      tpu.vector_store %arg8[%swap3A_142, %swap3A_143], %swap3A_146 {strides = array<i32>} : memref<128x128xf32, #tpu.memory_space<vmem>>, vector<1x16xf32>,
      %swap3A_147 = arith.index_cast %scan3A_141 : i32 to index
      %swap3A_148 = arith.constant 16 : index
      %swap3A_149 = tpu.vector_load %arg8[%swap3A_147, %swap3A_148] {strides = array<i32>} : memref<128x128xf32, #tpu.memory_space<vmem>>, vector<1x16xf32>,
      %swap3A_150 = vector.shape_cast %swap3A_149 : vector<1x16xf32> to vector<16xf32>
      %swap3A_151 = vector.shape_cast %broadcast_in_dim3A_3 : vector<16xf32> to vector<1x16xf32>
      tpu.vector_store %arg8[%swap3A_147, %swap3A_148], %swap3A_151 {strides = array<i32>} : memref<128x128xf32, #tpu.memory_space<vmem>>, vector<1x16xf32>,
      %swap3A_152 = arith.index_cast %scan3A_141 : i32 to index
      %swap3A_153 = arith.constant 32 : index
      %swap3A_154 = tpu.vector_load %arg8[%swap3A_152, %swap3A_153] {strides = array<i32>} : memref<128x128xf32, #tpu.memory_space<vmem>>, vector<1x16xf32>,
      %swap3A_155 = vector.shape_cast %swap3A_154 : vector<1x16xf32> to vector<16xf32>
      %swap3A_156 = vector.shape_cast %broadcast_in_dim3A_3 : vector<16xf32> to vector<1x16xf32>
      tpu.vector_store %arg8[%swap3A_152, %swap3A_153], %swap3A_156 {strides = array<i32>} : memref<128x128xf32, #tpu.memory_space<vmem>>, vector<1x16xf32>,
      %swap3A_157 = arith.index_cast %scan3A_141 : i32 to index
      %swap3A_158 = arith.constant 48 : index
      %swap3A_159 = tpu.vector_load %arg8[%swap3A_157, %swap3A_158] {strides = array<i32>} : memref<128x128xf32, #tpu.memory_space<vmem>>, vector<1x16xf32>,
      %swap3A_160 = vector.shape_cast %swap3A_159 : vector<1x16xf32> to vector<16xf32>
      %swap3A_161 = vector.shape_cast %broadcast_in_dim3A_3 : vector<16xf32> to vector<1x16xf32>
      tpu.vector_store %arg8[%swap3A_157, %swap3A_158], %swap3A_161 {strides = array<i32>} : memref<128x128xf32, #tpu.memory_space<vmem>>, vector<1x16xf32>,
      %swap3A_162 = arith.index_cast %scan3A_141 : i32 to index
      %swap3A_163 = arith.constant 64 : index
      %swap3A_164 = tpu.vector_load %arg8[%swap3A_162, %swap3A_163] {strides = array<i32>} : memref<128x128xf32, #tpu.memory_space<vmem>>, vector<1x16xf32>,
      %swap3A_165 = vector.shape_cast %swap3A_164 : vector<1x16xf32> to vector<16xf32>
      %swap3A_166 = vector.shape_cast %broadcast_in_dim3A_3 : vector<16xf32> to vector<1x16xf32>
      tpu.vector_store %arg8[%swap3A_162, %swap3A_163], %swap3A_166 {strides = array<i32>} : memref<128x128xf32, #tpu.memory_space<vmem>>, vector<1x16xf32>,
      %swap3A_167 = arith.index_cast %scan3A_141 : i32 to index
      %swap3A_168 = arith.constant 80 : index
      %swap3A_169 = tpu.vector_load %arg8[%swap3A_167, %swap3A_168] {strides = array<i32>} : memref<128x128xf32, #tpu.memory_space<vmem>>, vector<1x16xf32>,
      %swap3A_170 = vector.shape_cast %swap3A_169 : vector<1x16xf32> to vector<16xf32>
      %swap3A_171 = vector.shape_cast %broadcast_in_dim3A_3 : vector<16xf32> to vector<1x16xf32>
      tpu.vector_store %arg8[%swap3A_167, %swap3A_168], %swap3A_171 {strides = array<i32>} : memref<128x128xf32, #tpu.memory_space<vmem>>, vector<1x16xf32>,
      %swap3A_172 = arith.index_cast %scan3A_141 : i32 to index
      %swap3A_173 = arith.constant 96 : index
      %swap3A_174 = tpu.vector_load %arg8[%swap3A_172, %swap3A_173] {strides = array<i32>} : memref<128x128xf32, #tpu.memory_space<vmem>>, vector<1x16xf32>,
      %swap3A_175 = vector.shape_cast %swap3A_174 : vector<1x16xf32> to vector<16xf32>
      %swap3A_176 = vector.shape_cast %broadcast_in_dim3A_3 : vector<16xf32> to vector<1x16xf32>
      tpu.vector_store %arg8[%swap3A_172, %swap3A_173], %swap3A_176 {strides = array<i32>} : memref<128x128xf32, #tpu.memory_space<vmem>>, vector<1x16xf32>,
      %swap3A_177 = arith.index_cast %scan3A_141 : i32 to index
      %swap3A_178 = arith.constant 112 : index
      %swap3A_179 = tpu.vector_load %arg8[%swap3A_177, %swap3A_178] {strides = array<i32>} : memref<128x128xf32, #tpu.memory_space<vmem>>, vector<1x16xf32>,
      %swap3A_180 = vector.shape_cast %swap3A_179 : vector<1x16xf32> to vector<16xf32>
      %swap3A_181 = vector.shape_cast %broadcast_in_dim3A_3 : vector<16xf32> to vector<1x16xf32>
      tpu.vector_store %arg8[%swap3A_177, %swap3A_178], %swap3A_181 {strides = array<i32>} : memref<128x128xf32, #tpu.memory_space<vmem>>, vector<1x16xf32>,
      %scan3A_182 = arith.constant 0 : i32
      %scan3A_183 = arith.constant 3 : i32
      %scan3A_184 = arith.addi %scan3A_55, %scan3A_183 : i32
      %swap3A_185 = arith.index_cast %scan3A_184 : i32 to index
      %swap3A_186 = arith.constant 0 : index
      %swap3A_187 = tpu.vector_load %arg8[%swap3A_185, %swap3A_186] {strides = array<i32>} : memref<128x128xf32, #tpu.memory_space<vmem>>, vector<1x16xf32>,
      %swap3A_188 = vector.shape_cast %swap3A_187 : vector<1x16xf32> to vector<16xf32>
      %swap3A_189 = vector.shape_cast %broadcast_in_dim3A_3 : vector<16xf32> to vector<1x16xf32>
      tpu.vector_store %arg8[%swap3A_185, %swap3A_186], %swap3A_189 {strides = array<i32>} : memref<128x128xf32, #tpu.memory_space<vmem>>, vector<1x16xf32>,
      %swap3A_190 = arith.index_cast %scan3A_184 : i32 to index
      %swap3A_191 = arith.constant 16 : index
      %swap3A_192 = tpu.vector_load %arg8[%swap3A_190, %swap3A_191] {strides = array<i32>} : memref<128x128xf32, #tpu.memory_space<vmem>>, vector<1x16xf32>,
      %swap3A_193 = vector.shape_cast %swap3A_192 : vector<1x16xf32> to vector<16xf32>
      %swap3A_194 = vector.shape_cast %broadcast_in_dim3A_3 : vector<16xf32> to vector<1x16xf32>
      tpu.vector_store %arg8[%swap3A_190, %swap3A_191], %swap3A_194 {strides = array<i32>} : memref<128x128xf32, #tpu.memory_space<vmem>>, vector<1x16xf32>,
      %swap3A_195 = arith.index_cast %scan3A_184 : i32 to index
      %swap3A_196 = arith.constant 32 : index
      %swap3A_197 = tpu.vector_load %arg8[%swap3A_195, %swap3A_196] {strides = array<i32>} : memref<128x128xf32, #tpu.memory_space<vmem>>, vector<1x16xf32>,
      %swap3A_198 = vector.shape_cast %swap3A_197 : vector<1x16xf32> to vector<16xf32>
      %swap3A_199 = vector.shape_cast %broadcast_in_dim3A_3 : vector<16xf32> to vector<1x16xf32>
      tpu.vector_store %arg8[%swap3A_195, %swap3A_196], %swap3A_199 {strides = array<i32>} : memref<128x128xf32, #tpu.memory_space<vmem>>, vector<1x16xf32>,
      %swap3A_200 = arith.index_cast %scan3A_184 : i32 to index
      %swap3A_201 = arith.constant 48 : index
      %swap3A_202 = tpu.vector_load %arg8[%swap3A_200, %swap3A_201] {strides = array<i32>} : memref<128x128xf32, #tpu.memory_space<vmem>>, vector<1x16xf32>,
      %swap3A_203 = vector.shape_cast %swap3A_202 : vector<1x16xf32> to vector<16xf32>
      %swap3A_204 = vector.shape_cast %broadcast_in_dim3A_3 : vector<16xf32> to vector<1x16xf32>
      tpu.vector_store %arg8[%swap3A_200, %swap3A_201], %swap3A_204 {strides = array<i32>} : memref<128x128xf32, #tpu.memory_space<vmem>>, vector<1x16xf32>,
      %swap3A_205 = arith.index_cast %scan3A_184 : i32 to index
      %swap3A_206 = arith.constant 64 : index
      %swap3A_207 = tpu.vector_load %arg8[%swap3A_205, %swap3A_206] {strides = array<i32>} : memref<128x128xf32, #tpu.memory_space<vmem>>, vector<1x16xf32>,
      %swap3A_208 = vector.shape_cast %swap3A_207 : vector<1x16xf32> to vector<16xf32>
      %swap3A_209 = vector.shape_cast %broadcast_in_dim3A_3 : vector<16xf32> to vector<1x16xf32>
      tpu.vector_store %arg8[%swap3A_205, %swap3A_206], %swap3A_209 {strides = array<i32>} : memref<128x128xf32, #tpu.memory_space<vmem>>, vector<1x16xf32>,
      %swap3A_210 = arith.index_cast %scan3A_184 : i32 to index
      %swap3A_211 = arith.constant 80 : index
      %swap3A_212 = tpu.vector_load %arg8[%swap3A_210, %swap3A_211] {strides = array<i32>} : memref<128x128xf32, #tpu.memory_space<vmem>>, vector<1x16xf32>,
      %swap3A_213 = vector.shape_cast %swap3A_212 : vector<1x16xf32> to vector<16xf32>
      %swap3A_214 = vector.shape_cast %broadcast_in_dim3A_3 : vector<16xf32> to vector<1x16xf32>
      tpu.vector_store %arg8[%swap3A_210, %swap3A_211], %swap3A_214 {strides = array<i32>} : memref<128x128xf32, #tpu.memory_space<vmem>>, vector<1x16xf32>,
      %swap3A_215 = arith.index_cast %scan3A_184 : i32 to index
      %swap3A_216 = arith.constant 96 : index
      %swap3A_217 = tpu.vector_load %arg8[%swap3A_215, %swap3A_216] {strides = array<i32>} : memref<128x128xf32, #tpu.memory_space<vmem>>, vector<1x16xf32>,
      %swap3A_218 = vector.shape_cast %swap3A_217 : vector<1x16xf32> to vector<16xf32>
      %swap3A_219 = vector.shape_cast %broadcast_in_dim3A_3 : vector<16xf32> to vector<1x16xf32>
      tpu.vector_store %arg8[%swap3A_215, %swap3A_216], %swap3A_219 {strides = array<i32>} : memref<128x128xf32, #tpu.memory_space<vmem>>, vector<1x16xf32>,
      %swap3A_220 = arith.index_cast %scan3A_184 : i32 to index
      %swap3A_221 = arith.constant 112 : index
      %swap3A_222 = tpu.vector_load %arg8[%swap3A_220, %swap3A_221] {strides = array<i32>} : memref<128x128xf32, #tpu.memory_space<vmem>>, vector<1x16xf32>,
      %swap3A_223 = vector.shape_cast %swap3A_222 : vector<1x16xf32> to vector<16xf32>
      %swap3A_224 = vector.shape_cast %broadcast_in_dim3A_3 : vector<16xf32> to vector<1x16xf32>
      tpu.vector_store %arg8[%swap3A_220, %swap3A_221], %swap3A_224 {strides = array<i32>} : memref<128x128xf32, #tpu.memory_space<vmem>>, vector<1x16xf32>,
      %scan3A_225 = arith.constant 0 : i32
      scf.yield %scan3A_225 : i32
    }
    %scan3A_9 = arith.constant 128 : i32
    %mul3A_10 = arith.constant 640 : i32
    %mul3A_11 = arith.muli %arg1, %mul3A_10 : i32
    %add3A_12 = arith.constant 0 : i32
    %add3A_13 = arith.addi %mul3A_11, %add3A_12 : i32
    "tpu.region"() ({
      %run_scoped3A_55 = tpu.sem_alloc : memref<!tpu.dma_semaphore, #tpu.memory_space<semaphore_mem>>
      %dma_start3A_56 = arith.constant 0 : i32
      %dma_start3A_57 = tpu.memref_slice %arg10[%add3A_13, %dma_start3A_56] : memref<10240x128xf32, #tpu.memory_space<vmem_shared>> -> memref<128x128xf32, #tpu.memory_space<vmem_shared>>
      %dma_start3A_58 = arith.constant 0 : i32
      %dma_start3A_59 = tpu.memref_slice %arg10[%add3A_13, %dma_start3A_58] : memref<10240x128xf32, #tpu.memory_space<vmem_shared>> -> memref<128x128xf32, #tpu.memory_space<vmem_shared>>
      tpu.enqueue_dma source(%arg8 : memref<128x128xf32, #tpu.memory_space<vmem>>) target(%dma_start3A_59 : memref<128x128xf32, #tpu.memory_space<vmem_shared>>) target_semaphore(%run_scoped3A_55 : memref<!tpu.dma_semaphore, #tpu.memory_space<semaphore_mem>>)
      %dma_wait3A_60 = arith.constant 0 : i32
      %dma_wait3A_61 = tpu.memref_slice %arg10[%add3A_13, %dma_wait3A_60] : memref<10240x128xf32, #tpu.memory_space<vmem_shared>> -> memref<128x128xf32, #tpu.memory_space<vmem_shared>>
      %dma_wait3A_62 = arith.constant 0 : i32
      %dma_wait3A_63 = tpu.memref_slice %arg10[%add3A_13, %dma_wait3A_62] : memref<10240x128xf32, #tpu.memory_space<vmem_shared>> -> memref<128x128xf32, #tpu.memory_space<vmem_shared>>
      tpu.wait_dma2 semaphore(%run_scoped3A_55 : memref<!tpu.dma_semaphore, #tpu.memory_space<semaphore_mem>>) src(%arg8 : memref<128x128xf32, #tpu.memory_space<vmem>>) dst(%dma_wait3A_63 : memref<128x128xf32, #tpu.memory_space<vmem_shared>>)
      tpu.yield
    }) : () -> ()
    %mul3A_14 = arith.constant 640 : i32
    %mul3A_15 = arith.muli %arg1, %mul3A_14 : i32
    %add3A_16 = arith.constant 128 : i32
    %add3A_17 = arith.addi %mul3A_15, %add3A_16 : i32
    "tpu.region"() ({
      %run_scoped3A_55 = tpu.sem_alloc : memref<!tpu.dma_semaphore, #tpu.memory_space<semaphore_mem>>
      %dma_start3A_56 = arith.constant 0 : i32
      %dma_start3A_57 = tpu.memref_slice %arg10[%add3A_17, %dma_start3A_56] : memref<10240x128xf32, #tpu.memory_space<vmem_shared>> -> memref<128x128xf32, #tpu.memory_space<vmem_shared>>
      %dma_start3A_58 = arith.constant 0 : i32
      %dma_start3A_59 = tpu.memref_slice %arg10[%add3A_17, %dma_start3A_58] : memref<10240x128xf32, #tpu.memory_space<vmem_shared>> -> memref<128x128xf32, #tpu.memory_space<vmem_shared>>
      tpu.enqueue_dma source(%arg8 : memref<128x128xf32, #tpu.memory_space<vmem>>) target(%dma_start3A_59 : memref<128x128xf32, #tpu.memory_space<vmem_shared>>) target_semaphore(%run_scoped3A_55 : memref<!tpu.dma_semaphore, #tpu.memory_space<semaphore_mem>>)
      %dma_wait3A_60 = arith.constant 0 : i32
      %dma_wait3A_61 = tpu.memref_slice %arg10[%add3A_17, %dma_wait3A_60] : memref<10240x128xf32, #tpu.memory_space<vmem_shared>> -> memref<128x128xf32, #tpu.memory_space<vmem_shared>>
      %dma_wait3A_62 = arith.constant 0 : i32
      %dma_wait3A_63 = tpu.memref_slice %arg10[%add3A_17, %dma_wait3A_62] : memref<10240x128xf32, #tpu.memory_space<vmem_shared>> -> memref<128x128xf32, #tpu.memory_space<vmem_shared>>
      tpu.wait_dma2 semaphore(%run_scoped3A_55 : memref<!tpu.dma_semaphore, #tpu.memory_space<semaphore_mem>>) src(%arg8 : memref<128x128xf32, #tpu.memory_space<vmem>>) dst(%dma_wait3A_63 : memref<128x128xf32, #tpu.memory_space<vmem_shared>>)
      tpu.yield
    }) : () -> ()
    %mul3A_18 = arith.constant 640 : i32
    %mul3A_19 = arith.muli %arg1, %mul3A_18 : i32
    %add3A_20 = arith.constant 256 : i32
    %add3A_21 = arith.addi %mul3A_19, %add3A_20 : i32
    "tpu.region"() ({
      %run_scoped3A_55 = tpu.sem_alloc : memref<!tpu.dma_semaphore, #tpu.memory_space<semaphore_mem>>
      %dma_start3A_56 = arith.constant 0 : i32
      %dma_start3A_57 = tpu.memref_slice %arg10[%add3A_21, %dma_start3A_56] : memref<10240x128xf32, #tpu.memory_space<vmem_shared>> -> memref<128x128xf32, #tpu.memory_space<vmem_shared>>
      %dma_start3A_58 = arith.constant 0 : i32
      %dma_start3A_59 = tpu.memref_slice %arg10[%add3A_21, %dma_start3A_58] : memref<10240x128xf32, #tpu.memory_space<vmem_shared>> -> memref<128x128xf32, #tpu.memory_space<vmem_shared>>
      tpu.enqueue_dma source(%arg8 : memref<128x128xf32, #tpu.memory_space<vmem>>) target(%dma_start3A_59 : memref<128x128xf32, #tpu.memory_space<vmem_shared>>) target_semaphore(%run_scoped3A_55 : memref<!tpu.dma_semaphore, #tpu.memory_space<semaphore_mem>>)
      %dma_wait3A_60 = arith.constant 0 : i32
      %dma_wait3A_61 = tpu.memref_slice %arg10[%add3A_21, %dma_wait3A_60] : memref<10240x128xf32, #tpu.memory_space<vmem_shared>> -> memref<128x128xf32, #tpu.memory_space<vmem_shared>>
      %dma_wait3A_62 = arith.constant 0 : i32
      %dma_wait3A_63 = tpu.memref_slice %arg10[%add3A_21, %dma_wait3A_62] : memref<10240x128xf32, #tpu.memory_space<vmem_shared>> -> memref<128x128xf32, #tpu.memory_space<vmem_shared>>
      tpu.wait_dma2 semaphore(%run_scoped3A_55 : memref<!tpu.dma_semaphore, #tpu.memory_space<semaphore_mem>>) src(%arg8 : memref<128x128xf32, #tpu.memory_space<vmem>>) dst(%dma_wait3A_63 : memref<128x128xf32, #tpu.memory_space<vmem_shared>>)
      tpu.yield
    }) : () -> ()
    %mul3A_22 = arith.constant 640 : i32
    %mul3A_23 = arith.muli %arg1, %mul3A_22 : i32
    %add3A_24 = arith.constant 384 : i32
    %add3A_25 = arith.addi %mul3A_23, %add3A_24 : i32
    "tpu.region"() ({
      %run_scoped3A_55 = tpu.sem_alloc : memref<!tpu.dma_semaphore, #tpu.memory_space<semaphore_mem>>
      %dma_start3A_56 = arith.constant 0 : i32
      %dma_start3A_57 = tpu.memref_slice %arg10[%add3A_25, %dma_start3A_56] : memref<10240x128xf32, #tpu.memory_space<vmem_shared>> -> memref<128x128xf32, #tpu.memory_space<vmem_shared>>
      %dma_start3A_58 = arith.constant 0 : i32
      %dma_start3A_59 = tpu.memref_slice %arg10[%add3A_25, %dma_start3A_58] : memref<10240x128xf32, #tpu.memory_space<vmem_shared>> -> memref<128x128xf32, #tpu.memory_space<vmem_shared>>
      tpu.enqueue_dma source(%arg8 : memref<128x128xf32, #tpu.memory_space<vmem>>) target(%dma_start3A_59 : memref<128x128xf32, #tpu.memory_space<vmem_shared>>) target_semaphore(%run_scoped3A_55 : memref<!tpu.dma_semaphore, #tpu.memory_space<semaphore_mem>>)
      %dma_wait3A_60 = arith.constant 0 : i32
      %dma_wait3A_61 = tpu.memref_slice %arg10[%add3A_25, %dma_wait3A_60] : memref<10240x128xf32, #tpu.memory_space<vmem_shared>> -> memref<128x128xf32, #tpu.memory_space<vmem_shared>>
      %dma_wait3A_62 = arith.constant 0 : i32
      %dma_wait3A_63 = tpu.memref_slice %arg10[%add3A_25, %dma_wait3A_62] : memref<10240x128xf32, #tpu.memory_space<vmem_shared>> -> memref<128x128xf32, #tpu.memory_space<vmem_shared>>
      tpu.wait_dma2 semaphore(%run_scoped3A_55 : memref<!tpu.dma_semaphore, #tpu.memory_space<semaphore_mem>>) src(%arg8 : memref<128x128xf32, #tpu.memory_space<vmem>>) dst(%dma_wait3A_63 : memref<128x128xf32, #tpu.memory_space<vmem_shared>>)
      tpu.yield
    }) : () -> ()
    %mul3A_26 = arith.constant 640 : i32
    %mul3A_27 = arith.muli %arg1, %mul3A_26 : i32
    %add3A_28 = arith.constant 512 : i32
    %add3A_29 = arith.addi %mul3A_27, %add3A_28 : i32
    "tpu.region"() ({
      %run_scoped3A_55 = tpu.sem_alloc : memref<!tpu.dma_semaphore, #tpu.memory_space<semaphore_mem>>
      %dma_start3A_56 = arith.constant 0 : i32
      %dma_start3A_57 = tpu.memref_slice %arg10[%add3A_29, %dma_start3A_56] : memref<10240x128xf32, #tpu.memory_space<vmem_shared>> -> memref<128x128xf32, #tpu.memory_space<vmem_shared>>
      %dma_start3A_58 = arith.constant 0 : i32
      %dma_start3A_59 = tpu.memref_slice %arg10[%add3A_29, %dma_start3A_58] : memref<10240x128xf32, #tpu.memory_space<vmem_shared>> -> memref<128x128xf32, #tpu.memory_space<vmem_shared>>
      tpu.enqueue_dma source(%arg8 : memref<128x128xf32, #tpu.memory_space<vmem>>) target(%dma_start3A_59 : memref<128x128xf32, #tpu.memory_space<vmem_shared>>) target_semaphore(%run_scoped3A_55 : memref<!tpu.dma_semaphore, #tpu.memory_space<semaphore_mem>>)
      %dma_wait3A_60 = arith.constant 0 : i32
      %dma_wait3A_61 = tpu.memref_slice %arg10[%add3A_29, %dma_wait3A_60] : memref<10240x128xf32, #tpu.memory_space<vmem_shared>> -> memref<128x128xf32, #tpu.memory_space<vmem_shared>>
      %dma_wait3A_62 = arith.constant 0 : i32
      %dma_wait3A_63 = tpu.memref_slice %arg10[%add3A_29, %dma_wait3A_62] : memref<10240x128xf32, #tpu.memory_space<vmem_shared>> -> memref<128x128xf32, #tpu.memory_space<vmem_shared>>
      tpu.wait_dma2 semaphore(%run_scoped3A_55 : memref<!tpu.dma_semaphore, #tpu.memory_space<semaphore_mem>>) src(%arg8 : memref<128x128xf32, #tpu.memory_space<vmem>>) dst(%dma_wait3A_63 : memref<128x128xf32, #tpu.memory_space<vmem_shared>>)
      tpu.yield
    }) : () -> ()
    %barrier3A = arith.constant 0 : index
    tpu.barrier barrier_id(%barrier3A)
    %run_scoped3A_30 = arith.constant 0 : i32
    "tpu.region"() ({
      %run_scoped3A_55 = tpu.sem_alloc : memref<!tpu.dma_semaphore, #tpu.memory_space<semaphore_mem>>
      %dma_start3A_56 = arith.constant 0 : i32
      %dma_start3A_57 = tpu.memref_slice %arg3[%run_scoped3A_30, %mul3A_2, %dma_start3A_56] : memref<2x2560x128xi32, #tpu.memory_space<hbm>> -> memref<1x8x128xi32, #tpu.memory_space<hbm>>
      %dma_start3A_58 = tpu.memref_squeeze %dma_start3A_57 : memref<1x8x128xi32, #tpu.memory_space<hbm>> -> memref<8x128xi32, #tpu.memory_space<hbm>>
      %dma_start3A_59 = arith.constant 0 : i32
      %dma_start3A_60 = tpu.memref_slice %arg3[%run_scoped3A_30, %mul3A_2, %dma_start3A_59] : memref<2x2560x128xi32, #tpu.memory_space<hbm>> -> memref<1x8x128xi32, #tpu.memory_space<hbm>>
      %dma_start3A_61 = tpu.memref_squeeze %dma_start3A_60 : memref<1x8x128xi32, #tpu.memory_space<hbm>> -> memref<8x128xi32, #tpu.memory_space<hbm>>
      tpu.enqueue_dma source(%dma_start3A_61 : memref<8x128xi32, #tpu.memory_space<hbm>>) target(%arg6 : memref<8x128xi32, #tpu.memory_space<vmem>>) target_semaphore(%run_scoped3A_55 : memref<!tpu.dma_semaphore, #tpu.memory_space<semaphore_mem>>)
      %dma_wait3A_62 = arith.constant 0 : i32
      %dma_wait3A_63 = tpu.memref_slice %arg3[%run_scoped3A_30, %mul3A_2, %dma_wait3A_62] : memref<2x2560x128xi32, #tpu.memory_space<hbm>> -> memref<1x8x128xi32, #tpu.memory_space<hbm>>
      %dma_wait3A_64 = tpu.memref_squeeze %dma_wait3A_63 : memref<1x8x128xi32, #tpu.memory_space<hbm>> -> memref<8x128xi32, #tpu.memory_space<hbm>>
      %dma_wait3A_65 = arith.constant 0 : i32
      %dma_wait3A_66 = tpu.memref_slice %arg3[%run_scoped3A_30, %mul3A_2, %dma_wait3A_65] : memref<2x2560x128xi32, #tpu.memory_space<hbm>> -> memref<1x8x128xi32, #tpu.memory_space<hbm>>
      %dma_wait3A_67 = tpu.memref_squeeze %dma_wait3A_66 : memref<1x8x128xi32, #tpu.memory_space<hbm>> -> memref<8x128xi32, #tpu.memory_space<hbm>>
      tpu.wait_dma2 semaphore(%run_scoped3A_55 : memref<!tpu.dma_semaphore, #tpu.memory_space<semaphore_mem>>) src(%dma_wait3A_67 : memref<8x128xi32, #tpu.memory_space<hbm>>) dst(%arg6 : memref<8x128xi32, #tpu.memory_space<vmem>>)
      tpu.yield
    }) : () -> ()
    %dma_start3A = arith.constant 0 : i32
    %dma_start3A_31 = arith.constant 0 : i32
    %dma_start3A_32 = tpu.memref_slice %arg6[%dma_start3A, %dma_start3A_31] : memref<8x128xi32, #tpu.memory_space<vmem>> -> memref<1x128xi32, #tpu.memory_space<vmem>>
    %dma_start3A_33 = tpu.memref_squeeze %dma_start3A_32 : memref<1x128xi32, #tpu.memory_space<vmem>> -> memref<128xi32, #tpu.memory_space<vmem>>
    %dma_start3A_34 = arith.constant 0 : i32
    %dma_start3A_35 = arith.constant 0 : i32
    %dma_start3A_36 = tpu.memref_slice %arg2[%dma_start3A_34, %dma_start3A_35] : memref<10000x128xf32, #tpu.memory_space<hbm>> -> memref<10000x128xf32, #tpu.memory_space<hbm>>
    tpu.enqueue_indirect_dma source(%dma_start3A_36 : memref<10000x128xf32, #tpu.memory_space<hbm>>) target(%arg8 : memref<128x128xf32, #tpu.memory_space<vmem>>) offsets(%dma_start3A_33 : memref<128xi32, #tpu.memory_space<vmem>>) semaphore(%arg11 : memref<!tpu.dma_semaphore, #tpu.memory_space<semaphore_mem>>)
    %scan3A_37 = arith.constant 0 : i32
    %scan3A_38 = arith.constant 0 : i32
    %scan3A_39 = arith.constant 5 : i32
    %scan3A_40 = arith.addi %scan3A_38, %scan3A_39 : i32
    %scan3A_41 = arith.constant 1 : i32
    %scan3A_42 = scf.for %scan3A_55 = %scan3A_38 to %scan3A_40 step %scan3A_41 iter_args(%scan3A_56 = %scan3A_37) -> (i32)  : i32 {
      %mul3A_57 = arith.constant 2 : i32
      %mul3A_58 = arith.muli %mul3A_57, %scan3A_55 : i32
      %add3A_59 = arith.constant 1 : i32
      %add3A_60 = arith.addi %mul3A_58, %add3A_59 : i32
      %mul3A_61 = arith.constant 8 : i32
      %mul3A_62 = arith.muli %add3A_60, %mul3A_61 : i32
      %add3A_63 = arith.addi %mul3A_2, %mul3A_62 : i32
      %lt3A = arith.constant 9 : i32
      %lt3A_64 = arith.cmpi slt, %mul3A_58, %lt3A : i32
      %convert_element_type3A = arith.extui %lt3A_64 : i1 to i32
      %cond3A = arith.constant 0 : i32
      %cond3A_65 = arith.constant 0 : i32
      %cond3A_66 = arith.cmpi ne, %convert_element_type3A, %cond3A_65 : i32
      scf.if %cond3A_66 {
        %dma_start3A_544 = arith.constant 0 : i32
        %dma_start3A_545 = tpu.memref_slice %arg3[%cond3A, %add3A_63, %dma_start3A_544] : memref<2x2560x128xi32, #tpu.memory_space<hbm>> -> memref<1x8x128xi32, #tpu.memory_space<hbm>>
        %dma_start3A_546 = tpu.memref_squeeze %dma_start3A_545 : memref<1x8x128xi32, #tpu.memory_space<hbm>> -> memref<8x128xi32, #tpu.memory_space<hbm>>
        %dma_start3A_547 = arith.constant 0 : i32
        %dma_start3A_548 = tpu.memref_slice %arg3[%cond3A, %add3A_63, %dma_start3A_547] : memref<2x2560x128xi32, #tpu.memory_space<hbm>> -> memref<1x8x128xi32, #tpu.memory_space<hbm>>
        %dma_start3A_549 = tpu.memref_squeeze %dma_start3A_548 : memref<1x8x128xi32, #tpu.memory_space<hbm>> -> memref<8x128xi32, #tpu.memory_space<hbm>>
        tpu.enqueue_dma source(%dma_start3A_549 : memref<8x128xi32, #tpu.memory_space<hbm>>) target(%arg7 : memref<8x128xi32, #tpu.memory_space<vmem>>) target_semaphore(%arg14 : memref<!tpu.dma_semaphore, #tpu.memory_space<semaphore_mem>>)
      } else {
      }
      %mul3A_67 = arith.constant 8 : i32
      %mul3A_68 = arith.muli %mul3A_58, %mul3A_67 : i32
      %add3A_69 = arith.constant 0 : i32
      %add3A_70 = arith.addi %mul3A_68, %add3A_69 : i32
      %dma_wait3A_71 = arith.constant 0 : i32
      %dma_wait3A_72 = arith.constant 0 : i32
      %dma_wait3A_73 = tpu.memref_slice %arg6[%dma_wait3A_71, %dma_wait3A_72] : memref<8x128xi32, #tpu.memory_space<vmem>> -> memref<1x128xi32, #tpu.memory_space<vmem>>
      %dma_wait3A_74 = tpu.memref_squeeze %dma_wait3A_73 : memref<1x128xi32, #tpu.memory_space<vmem>> -> memref<128xi32, #tpu.memory_space<vmem>>
      %dma_wait3A_75 = arith.constant 0 : i32
      %dma_wait3A_76 = arith.constant 0 : i32
      %dma_wait3A_77 = tpu.memref_slice %arg2[%dma_wait3A_75, %dma_wait3A_76] : memref<10000x128xf32, #tpu.memory_space<hbm>> -> memref<10000x128xf32, #tpu.memory_space<hbm>>
      tpu.wait_indirect_dma semaphore(%arg11 : memref<!tpu.dma_semaphore, #tpu.memory_space<semaphore_mem>>) src(%dma_wait3A_77 : memref<10000x128xf32, #tpu.memory_space<hbm>>) dst(%arg8 : memref<128x128xf32, #tpu.memory_space<vmem>>)
      %ge3A = arith.constant 1 : i32
      %ge3A_78 = arith.cmpi sge, %add3A_70, %ge3A : i32
      %convert_element_type3A_79 = arith.extui %ge3A_78 : i1 to i32
      %cond3A_80 = arith.constant 0 : i32
      %cond3A_81 = arith.cmpi ne, %convert_element_type3A_79, %cond3A_80 : i32
      scf.if %cond3A_81 {
        %sub3A = arith.constant 1 : i32
        %sub3A_544 = arith.subi %add3A_70, %sub3A : i32
        %dma_wait3A_545 = arith.constant 0 : i32
        %dma_wait3A_546 = tpu.memref_slice %arg5[%sub3A_544, %dma_wait3A_545] : memref<80x128xi32, #tpu.memory_space<vmem>> -> memref<1x128xi32, #tpu.memory_space<vmem>>
        %dma_wait3A_547 = tpu.memref_squeeze %dma_wait3A_546 : memref<1x128xi32, #tpu.memory_space<vmem>> -> memref<128xi32, #tpu.memory_space<vmem>>
        %dma_wait3A_548 = arith.constant 0 : i32
        %dma_wait3A_549 = arith.constant 0 : i32
        %dma_wait3A_550 = tpu.memref_slice %arg10[%dma_wait3A_548, %dma_wait3A_549] : memref<10240x128xf32, #tpu.memory_space<vmem_shared>> -> memref<10240x128xf32, #tpu.memory_space<vmem_shared>>
        tpu.wait_indirect_dma semaphore(%arg16 : memref<!tpu.dma_semaphore, #tpu.memory_space<semaphore_mem>>) src(%arg9 : memref<128x128xf32, #tpu.memory_space<vmem>>) dst(%dma_wait3A_550 : memref<10240x128xf32, #tpu.memory_space<vmem_shared>>)
      } else {
      }
      %dma_start3A_82 = arith.constant 1 : i32
      %dma_start3A_83 = arith.constant 0 : i32
      %dma_start3A_84 = tpu.memref_slice %arg6[%dma_start3A_82, %dma_start3A_83] : memref<8x128xi32, #tpu.memory_space<vmem>> -> memref<1x128xi32, #tpu.memory_space<vmem>>
      %dma_start3A_85 = tpu.memref_squeeze %dma_start3A_84 : memref<1x128xi32, #tpu.memory_space<vmem>> -> memref<128xi32, #tpu.memory_space<vmem>>
      %dma_start3A_86 = arith.constant 0 : i32
      %dma_start3A_87 = arith.constant 0 : i32
      %dma_start3A_88 = tpu.memref_slice %arg2[%dma_start3A_86, %dma_start3A_87] : memref<10000x128xf32, #tpu.memory_space<hbm>> -> memref<10000x128xf32, #tpu.memory_space<hbm>>
      tpu.enqueue_indirect_dma source(%dma_start3A_88 : memref<10000x128xf32, #tpu.memory_space<hbm>>) target(%arg9 : memref<128x128xf32, #tpu.memory_space<vmem>>) offsets(%dma_start3A_85 : memref<128xi32, #tpu.memory_space<vmem>>) semaphore(%arg12 : memref<!tpu.dma_semaphore, #tpu.memory_space<semaphore_mem>>)
      %dma_start3A_89 = arith.constant 0 : i32
      %dma_start3A_90 = tpu.memref_slice %arg5[%add3A_70, %dma_start3A_89] : memref<80x128xi32, #tpu.memory_space<vmem>> -> memref<1x128xi32, #tpu.memory_space<vmem>>
      %dma_start3A_91 = tpu.memref_squeeze %dma_start3A_90 : memref<1x128xi32, #tpu.memory_space<vmem>> -> memref<128xi32, #tpu.memory_space<vmem>>
      %dma_start3A_92 = arith.constant 0 : i32
      %dma_start3A_93 = arith.constant 0 : i32
      %dma_start3A_94 = tpu.memref_slice %arg10[%dma_start3A_92, %dma_start3A_93] : memref<10240x128xf32, #tpu.memory_space<vmem_shared>> -> memref<10240x128xf32, #tpu.memory_space<vmem_shared>>
      tpu.enqueue_indirect_dma source(%arg8 : memref<128x128xf32, #tpu.memory_space<vmem>>) target(%dma_start3A_94 : memref<10240x128xf32, #tpu.memory_space<vmem_shared>>) offsets(%dma_start3A_91 : memref<128xi32, #tpu.memory_space<vmem>>) semaphore(%arg15 : memref<!tpu.dma_semaphore, #tpu.memory_space<semaphore_mem>>) {add = true}
      %mul3A_95 = arith.constant 8 : i32
      %mul3A_96 = arith.muli %mul3A_58, %mul3A_95 : i32
      %add3A_97 = arith.constant 1 : i32
      %add3A_98 = arith.addi %mul3A_96, %add3A_97 : i32
      %dma_wait3A_99 = arith.constant 1 : i32
      %dma_wait3A_100 = arith.constant 0 : i32
      %dma_wait3A_101 = tpu.memref_slice %arg6[%dma_wait3A_99, %dma_wait3A_100] : memref<8x128xi32, #tpu.memory_space<vmem>> -> memref<1x128xi32, #tpu.memory_space<vmem>>
      %dma_wait3A_102 = tpu.memref_squeeze %dma_wait3A_101 : memref<1x128xi32, #tpu.memory_space<vmem>> -> memref<128xi32, #tpu.memory_space<vmem>>
      %dma_wait3A_103 = arith.constant 0 : i32
      %dma_wait3A_104 = arith.constant 0 : i32
      %dma_wait3A_105 = tpu.memref_slice %arg2[%dma_wait3A_103, %dma_wait3A_104] : memref<10000x128xf32, #tpu.memory_space<hbm>> -> memref<10000x128xf32, #tpu.memory_space<hbm>>
      tpu.wait_indirect_dma semaphore(%arg12 : memref<!tpu.dma_semaphore, #tpu.memory_space<semaphore_mem>>) src(%dma_wait3A_105 : memref<10000x128xf32, #tpu.memory_space<hbm>>) dst(%arg9 : memref<128x128xf32, #tpu.memory_space<vmem>>)
      %ge3A_106 = arith.constant 1 : i32
      %ge3A_107 = arith.cmpi sge, %add3A_98, %ge3A_106 : i32
      %convert_element_type3A_108 = arith.extui %ge3A_107 : i1 to i32
      %cond3A_109 = arith.constant 0 : i32
      %cond3A_110 = arith.cmpi ne, %convert_element_type3A_108, %cond3A_109 : i32
      scf.if %cond3A_110 {
        %sub3A = arith.constant 1 : i32
        %sub3A_544 = arith.subi %add3A_98, %sub3A : i32
        %dma_wait3A_545 = arith.constant 0 : i32
        %dma_wait3A_546 = tpu.memref_slice %arg5[%sub3A_544, %dma_wait3A_545] : memref<80x128xi32, #tpu.memory_space<vmem>> -> memref<1x128xi32, #tpu.memory_space<vmem>>
        %dma_wait3A_547 = tpu.memref_squeeze %dma_wait3A_546 : memref<1x128xi32, #tpu.memory_space<vmem>> -> memref<128xi32, #tpu.memory_space<vmem>>
        %dma_wait3A_548 = arith.constant 0 : i32
        %dma_wait3A_549 = arith.constant 0 : i32
        %dma_wait3A_550 = tpu.memref_slice %arg10[%dma_wait3A_548, %dma_wait3A_549] : memref<10240x128xf32, #tpu.memory_space<vmem_shared>> -> memref<10240x128xf32, #tpu.memory_space<vmem_shared>>
        tpu.wait_indirect_dma semaphore(%arg15 : memref<!tpu.dma_semaphore, #tpu.memory_space<semaphore_mem>>) src(%arg8 : memref<128x128xf32, #tpu.memory_space<vmem>>) dst(%dma_wait3A_550 : memref<10240x128xf32, #tpu.memory_space<vmem_shared>>)
      } else {
      }
      %dma_start3A_111 = arith.constant 2 : i32
      %dma_start3A_112 = arith.constant 0 : i32
      %dma_start3A_113 = tpu.memref_slice %arg6[%dma_start3A_111, %dma_start3A_112] : memref<8x128xi32, #tpu.memory_space<vmem>> -> memref<1x128xi32, #tpu.memory_space<vmem>>
      %dma_start3A_114 = tpu.memref_squeeze %dma_start3A_113 : memref<1x128xi32, #tpu.memory_space<vmem>> -> memref<128xi32, #tpu.memory_space<vmem>>
      %dma_start3A_115 = arith.constant 0 : i32
      %dma_start3A_116 = arith.constant 0 : i32
      %dma_start3A_117 = tpu.memref_slice %arg2[%dma_start3A_115, %dma_start3A_116] : memref<10000x128xf32, #tpu.memory_space<hbm>> -> memref<10000x128xf32, #tpu.memory_space<hbm>>
      tpu.enqueue_indirect_dma source(%dma_start3A_117 : memref<10000x128xf32, #tpu.memory_space<hbm>>) target(%arg8 : memref<128x128xf32, #tpu.memory_space<vmem>>) offsets(%dma_start3A_114 : memref<128xi32, #tpu.memory_space<vmem>>) semaphore(%arg11 : memref<!tpu.dma_semaphore, #tpu.memory_space<semaphore_mem>>)
      %dma_start3A_118 = arith.constant 0 : i32
      %dma_start3A_119 = tpu.memref_slice %arg5[%add3A_98, %dma_start3A_118] : memref<80x128xi32, #tpu.memory_space<vmem>> -> memref<1x128xi32, #tpu.memory_space<vmem>>
      %dma_start3A_120 = tpu.memref_squeeze %dma_start3A_119 : memref<1x128xi32, #tpu.memory_space<vmem>> -> memref<128xi32, #tpu.memory_space<vmem>>
      %dma_start3A_121 = arith.constant 0 : i32
      %dma_start3A_122 = arith.constant 0 : i32
      %dma_start3A_123 = tpu.memref_slice %arg10[%dma_start3A_121, %dma_start3A_122] : memref<10240x128xf32, #tpu.memory_space<vmem_shared>> -> memref<10240x128xf32, #tpu.memory_space<vmem_shared>>
      tpu.enqueue_indirect_dma source(%arg9 : memref<128x128xf32, #tpu.memory_space<vmem>>) target(%dma_start3A_123 : memref<10240x128xf32, #tpu.memory_space<vmem_shared>>) offsets(%dma_start3A_120 : memref<128xi32, #tpu.memory_space<vmem>>) semaphore(%arg16 : memref<!tpu.dma_semaphore, #tpu.memory_space<semaphore_mem>>) {add = true}
      %mul3A_124 = arith.constant 8 : i32
      %mul3A_125 = arith.muli %mul3A_58, %mul3A_124 : i32
      %add3A_126 = arith.constant 2 : i32
      %add3A_127 = arith.addi %mul3A_125, %add3A_126 : i32
      %dma_wait3A_128 = arith.constant 2 : i32
      %dma_wait3A_129 = arith.constant 0 : i32
      %dma_wait3A_130 = tpu.memref_slice %arg6[%dma_wait3A_128, %dma_wait3A_129] : memref<8x128xi32, #tpu.memory_space<vmem>> -> memref<1x128xi32, #tpu.memory_space<vmem>>
      %dma_wait3A_131 = tpu.memref_squeeze %dma_wait3A_130 : memref<1x128xi32, #tpu.memory_space<vmem>> -> memref<128xi32, #tpu.memory_space<vmem>>
      %dma_wait3A_132 = arith.constant 0 : i32
      %dma_wait3A_133 = arith.constant 0 : i32
      %dma_wait3A_134 = tpu.memref_slice %arg2[%dma_wait3A_132, %dma_wait3A_133] : memref<10000x128xf32, #tpu.memory_space<hbm>> -> memref<10000x128xf32, #tpu.memory_space<hbm>>
      tpu.wait_indirect_dma semaphore(%arg11 : memref<!tpu.dma_semaphore, #tpu.memory_space<semaphore_mem>>) src(%dma_wait3A_134 : memref<10000x128xf32, #tpu.memory_space<hbm>>) dst(%arg8 : memref<128x128xf32, #tpu.memory_space<vmem>>)
      %ge3A_135 = arith.constant 1 : i32
      %ge3A_136 = arith.cmpi sge, %add3A_127, %ge3A_135 : i32
      %convert_element_type3A_137 = arith.extui %ge3A_136 : i1 to i32
      %cond3A_138 = arith.constant 0 : i32
      %cond3A_139 = arith.cmpi ne, %convert_element_type3A_137, %cond3A_138 : i32
      scf.if %cond3A_139 {
        %sub3A = arith.constant 1 : i32
        %sub3A_544 = arith.subi %add3A_127, %sub3A : i32
        %dma_wait3A_545 = arith.constant 0 : i32
        %dma_wait3A_546 = tpu.memref_slice %arg5[%sub3A_544, %dma_wait3A_545] : memref<80x128xi32, #tpu.memory_space<vmem>> -> memref<1x128xi32, #tpu.memory_space<vmem>>
        %dma_wait3A_547 = tpu.memref_squeeze %dma_wait3A_546 : memref<1x128xi32, #tpu.memory_space<vmem>> -> memref<128xi32, #tpu.memory_space<vmem>>
        %dma_wait3A_548 = arith.constant 0 : i32
        %dma_wait3A_549 = arith.constant 0 : i32
        %dma_wait3A_550 = tpu.memref_slice %arg10[%dma_wait3A_548, %dma_wait3A_549] : memref<10240x128xf32, #tpu.memory_space<vmem_shared>> -> memref<10240x128xf32, #tpu.memory_space<vmem_shared>>
        tpu.wait_indirect_dma semaphore(%arg16 : memref<!tpu.dma_semaphore, #tpu.memory_space<semaphore_mem>>) src(%arg9 : memref<128x128xf32, #tpu.memory_space<vmem>>) dst(%dma_wait3A_550 : memref<10240x128xf32, #tpu.memory_space<vmem_shared>>)
      } else {
      }
      %dma_start3A_140 = arith.constant 3 : i32
      %dma_start3A_141 = arith.constant 0 : i32
      %dma_start3A_142 = tpu.memref_slice %arg6[%dma_start3A_140, %dma_start3A_141] : memref<8x128xi32, #tpu.memory_space<vmem>> -> memref<1x128xi32, #tpu.memory_space<vmem>>
      %dma_start3A_143 = tpu.memref_squeeze %dma_start3A_142 : memref<1x128xi32, #tpu.memory_space<vmem>> -> memref<128xi32, #tpu.memory_space<vmem>>
      %dma_start3A_144 = arith.constant 0 : i32
      %dma_start3A_145 = arith.constant 0 : i32
      %dma_start3A_146 = tpu.memref_slice %arg2[%dma_start3A_144, %dma_start3A_145] : memref<10000x128xf32, #tpu.memory_space<hbm>> -> memref<10000x128xf32, #tpu.memory_space<hbm>>
      tpu.enqueue_indirect_dma source(%dma_start3A_146 : memref<10000x128xf32, #tpu.memory_space<hbm>>) target(%arg9 : memref<128x128xf32, #tpu.memory_space<vmem>>) offsets(%dma_start3A_143 : memref<128xi32, #tpu.memory_space<vmem>>) semaphore(%arg12 : memref<!tpu.dma_semaphore, #tpu.memory_space<semaphore_mem>>)
      %dma_start3A_147 = arith.constant 0 : i32
      %dma_start3A_148 = tpu.memref_slice %arg5[%add3A_127, %dma_start3A_147] : memref<80x128xi32, #tpu.memory_space<vmem>> -> memref<1x128xi32, #tpu.memory_space<vmem>>
      %dma_start3A_149 = tpu.memref_squeeze %dma_start3A_148 : memref<1x128xi32, #tpu.memory_space<vmem>> -> memref<128xi32, #tpu.memory_space<vmem>>
      %dma_start3A_150 = arith.constant 0 : i32
      %dma_start3A_151 = arith.constant 0 : i32
      %dma_start3A_152 = tpu.memref_slice %arg10[%dma_start3A_150, %dma_start3A_151] : memref<10240x128xf32, #tpu.memory_space<vmem_shared>> -> memref<10240x128xf32, #tpu.memory_space<vmem_shared>>
      tpu.enqueue_indirect_dma source(%arg8 : memref<128x128xf32, #tpu.memory_space<vmem>>) target(%dma_start3A_152 : memref<10240x128xf32, #tpu.memory_space<vmem_shared>>) offsets(%dma_start3A_149 : memref<128xi32, #tpu.memory_space<vmem>>) semaphore(%arg15 : memref<!tpu.dma_semaphore, #tpu.memory_space<semaphore_mem>>) {add = true}
      %mul3A_153 = arith.constant 8 : i32
      %mul3A_154 = arith.muli %mul3A_58, %mul3A_153 : i32
      %add3A_155 = arith.constant 3 : i32
      %add3A_156 = arith.addi %mul3A_154, %add3A_155 : i32
      %dma_wait3A_157 = arith.constant 3 : i32
      %dma_wait3A_158 = arith.constant 0 : i32
      %dma_wait3A_159 = tpu.memref_slice %arg6[%dma_wait3A_157, %dma_wait3A_158] : memref<8x128xi32, #tpu.memory_space<vmem>> -> memref<1x128xi32, #tpu.memory_space<vmem>>
      %dma_wait3A_160 = tpu.memref_squeeze %dma_wait3A_159 : memref<1x128xi32, #tpu.memory_space<vmem>> -> memref<128xi32, #tpu.memory_space<vmem>>
      %dma_wait3A_161 = arith.constant 0 : i32
      %dma_wait3A_162 = arith.constant 0 : i32
      %dma_wait3A_163 = tpu.memref_slice %arg2[%dma_wait3A_161, %dma_wait3A_162] : memref<10000x128xf32, #tpu.memory_space<hbm>> -> memref<10000x128xf32, #tpu.memory_space<hbm>>
      tpu.wait_indirect_dma semaphore(%arg12 : memref<!tpu.dma_semaphore, #tpu.memory_space<semaphore_mem>>) src(%dma_wait3A_163 : memref<10000x128xf32, #tpu.memory_space<hbm>>) dst(%arg9 : memref<128x128xf32, #tpu.memory_space<vmem>>)
      %ge3A_164 = arith.constant 1 : i32
      %ge3A_165 = arith.cmpi sge, %add3A_156, %ge3A_164 : i32
      %convert_element_type3A_166 = arith.extui %ge3A_165 : i1 to i32
      %cond3A_167 = arith.constant 0 : i32
      %cond3A_168 = arith.cmpi ne, %convert_element_type3A_166, %cond3A_167 : i32
      scf.if %cond3A_168 {
        %sub3A = arith.constant 1 : i32
        %sub3A_544 = arith.subi %add3A_156, %sub3A : i32
        %dma_wait3A_545 = arith.constant 0 : i32
        %dma_wait3A_546 = tpu.memref_slice %arg5[%sub3A_544, %dma_wait3A_545] : memref<80x128xi32, #tpu.memory_space<vmem>> -> memref<1x128xi32, #tpu.memory_space<vmem>>
        %dma_wait3A_547 = tpu.memref_squeeze %dma_wait3A_546 : memref<1x128xi32, #tpu.memory_space<vmem>> -> memref<128xi32, #tpu.memory_space<vmem>>
        %dma_wait3A_548 = arith.constant 0 : i32
        %dma_wait3A_549 = arith.constant 0 : i32
        %dma_wait3A_550 = tpu.memref_slice %arg10[%dma_wait3A_548, %dma_wait3A_549] : memref<10240x128xf32, #tpu.memory_space<vmem_shared>> -> memref<10240x128xf32, #tpu.memory_space<vmem_shared>>
        tpu.wait_indirect_dma semaphore(%arg15 : memref<!tpu.dma_semaphore, #tpu.memory_space<semaphore_mem>>) src(%arg8 : memref<128x128xf32, #tpu.memory_space<vmem>>) dst(%dma_wait3A_550 : memref<10240x128xf32, #tpu.memory_space<vmem_shared>>)
      } else {
      }
      %dma_start3A_169 = arith.constant 4 : i32
      %dma_start3A_170 = arith.constant 0 : i32
      %dma_start3A_171 = tpu.memref_slice %arg6[%dma_start3A_169, %dma_start3A_170] : memref<8x128xi32, #tpu.memory_space<vmem>> -> memref<1x128xi32, #tpu.memory_space<vmem>>
      %dma_start3A_172 = tpu.memref_squeeze %dma_start3A_171 : memref<1x128xi32, #tpu.memory_space<vmem>> -> memref<128xi32, #tpu.memory_space<vmem>>
      %dma_start3A_173 = arith.constant 0 : i32
      %dma_start3A_174 = arith.constant 0 : i32
      %dma_start3A_175 = tpu.memref_slice %arg2[%dma_start3A_173, %dma_start3A_174] : memref<10000x128xf32, #tpu.memory_space<hbm>> -> memref<10000x128xf32, #tpu.memory_space<hbm>>
      tpu.enqueue_indirect_dma source(%dma_start3A_175 : memref<10000x128xf32, #tpu.memory_space<hbm>>) target(%arg8 : memref<128x128xf32, #tpu.memory_space<vmem>>) offsets(%dma_start3A_172 : memref<128xi32, #tpu.memory_space<vmem>>) semaphore(%arg11 : memref<!tpu.dma_semaphore, #tpu.memory_space<semaphore_mem>>)
      %dma_start3A_176 = arith.constant 0 : i32
      %dma_start3A_177 = tpu.memref_slice %arg5[%add3A_156, %dma_start3A_176] : memref<80x128xi32, #tpu.memory_space<vmem>> -> memref<1x128xi32, #tpu.memory_space<vmem>>
      %dma_start3A_178 = tpu.memref_squeeze %dma_start3A_177 : memref<1x128xi32, #tpu.memory_space<vmem>> -> memref<128xi32, #tpu.memory_space<vmem>>
      %dma_start3A_179 = arith.constant 0 : i32
      %dma_start3A_180 = arith.constant 0 : i32
      %dma_start3A_181 = tpu.memref_slice %arg10[%dma_start3A_179, %dma_start3A_180] : memref<10240x128xf32, #tpu.memory_space<vmem_shared>> -> memref<10240x128xf32, #tpu.memory_space<vmem_shared>>
      tpu.enqueue_indirect_dma source(%arg9 : memref<128x128xf32, #tpu.memory_space<vmem>>) target(%dma_start3A_181 : memref<10240x128xf32, #tpu.memory_space<vmem_shared>>) offsets(%dma_start3A_178 : memref<128xi32, #tpu.memory_space<vmem>>) semaphore(%arg16 : memref<!tpu.dma_semaphore, #tpu.memory_space<semaphore_mem>>) {add = true}
      %mul3A_182 = arith.constant 8 : i32
      %mul3A_183 = arith.muli %mul3A_58, %mul3A_182 : i32
      %add3A_184 = arith.constant 4 : i32
      %add3A_185 = arith.addi %mul3A_183, %add3A_184 : i32
      %dma_wait3A_186 = arith.constant 4 : i32
      %dma_wait3A_187 = arith.constant 0 : i32
      %dma_wait3A_188 = tpu.memref_slice %arg6[%dma_wait3A_186, %dma_wait3A_187] : memref<8x128xi32, #tpu.memory_space<vmem>> -> memref<1x128xi32, #tpu.memory_space<vmem>>
      %dma_wait3A_189 = tpu.memref_squeeze %dma_wait3A_188 : memref<1x128xi32, #tpu.memory_space<vmem>> -> memref<128xi32, #tpu.memory_space<vmem>>
      %dma_wait3A_190 = arith.constant 0 : i32
      %dma_wait3A_191 = arith.constant 0 : i32
      %dma_wait3A_192 = tpu.memref_slice %arg2[%dma_wait3A_190, %dma_wait3A_191] : memref<10000x128xf32, #tpu.memory_space<hbm>> -> memref<10000x128xf32, #tpu.memory_space<hbm>>
      tpu.wait_indirect_dma semaphore(%arg11 : memref<!tpu.dma_semaphore, #tpu.memory_space<semaphore_mem>>) src(%dma_wait3A_192 : memref<10000x128xf32, #tpu.memory_space<hbm>>) dst(%arg8 : memref<128x128xf32, #tpu.memory_space<vmem>>)
      %ge3A_193 = arith.constant 1 : i32
      %ge3A_194 = arith.cmpi sge, %add3A_185, %ge3A_193 : i32
      %convert_element_type3A_195 = arith.extui %ge3A_194 : i1 to i32
      %cond3A_196 = arith.constant 0 : i32
      %cond3A_197 = arith.cmpi ne, %convert_element_type3A_195, %cond3A_196 : i32
      scf.if %cond3A_197 {
        %sub3A = arith.constant 1 : i32
        %sub3A_544 = arith.subi %add3A_185, %sub3A : i32
        %dma_wait3A_545 = arith.constant 0 : i32
        %dma_wait3A_546 = tpu.memref_slice %arg5[%sub3A_544, %dma_wait3A_545] : memref<80x128xi32, #tpu.memory_space<vmem>> -> memref<1x128xi32, #tpu.memory_space<vmem>>
        %dma_wait3A_547 = tpu.memref_squeeze %dma_wait3A_546 : memref<1x128xi32, #tpu.memory_space<vmem>> -> memref<128xi32, #tpu.memory_space<vmem>>
        %dma_wait3A_548 = arith.constant 0 : i32
        %dma_wait3A_549 = arith.constant 0 : i32
        %dma_wait3A_550 = tpu.memref_slice %arg10[%dma_wait3A_548, %dma_wait3A_549] : memref<10240x128xf32, #tpu.memory_space<vmem_shared>> -> memref<10240x128xf32, #tpu.memory_space<vmem_shared>>
        tpu.wait_indirect_dma semaphore(%arg16 : memref<!tpu.dma_semaphore, #tpu.memory_space<semaphore_mem>>) src(%arg9 : memref<128x128xf32, #tpu.memory_space<vmem>>) dst(%dma_wait3A_550 : memref<10240x128xf32, #tpu.memory_space<vmem_shared>>)
      } else {
      }
      %dma_start3A_198 = arith.constant 5 : i32
      %dma_start3A_199 = arith.constant 0 : i32
      %dma_start3A_200 = tpu.memref_slice %arg6[%dma_start3A_198, %dma_start3A_199] : memref<8x128xi32, #tpu.memory_space<vmem>> -> memref<1x128xi32, #tpu.memory_space<vmem>>
      %dma_start3A_201 = tpu.memref_squeeze %dma_start3A_200 : memref<1x128xi32, #tpu.memory_space<vmem>> -> memref<128xi32, #tpu.memory_space<vmem>>
      %dma_start3A_202 = arith.constant 0 : i32
      %dma_start3A_203 = arith.constant 0 : i32
      %dma_start3A_204 = tpu.memref_slice %arg2[%dma_start3A_202, %dma_start3A_203] : memref<10000x128xf32, #tpu.memory_space<hbm>> -> memref<10000x128xf32, #tpu.memory_space<hbm>>
      tpu.enqueue_indirect_dma source(%dma_start3A_204 : memref<10000x128xf32, #tpu.memory_space<hbm>>) target(%arg9 : memref<128x128xf32, #tpu.memory_space<vmem>>) offsets(%dma_start3A_201 : memref<128xi32, #tpu.memory_space<vmem>>) semaphore(%arg12 : memref<!tpu.dma_semaphore, #tpu.memory_space<semaphore_mem>>)
      %dma_start3A_205 = arith.constant 0 : i32
      %dma_start3A_206 = tpu.memref_slice %arg5[%add3A_185, %dma_start3A_205] : memref<80x128xi32, #tpu.memory_space<vmem>> -> memref<1x128xi32, #tpu.memory_space<vmem>>
      %dma_start3A_207 = tpu.memref_squeeze %dma_start3A_206 : memref<1x128xi32, #tpu.memory_space<vmem>> -> memref<128xi32, #tpu.memory_space<vmem>>
      %dma_start3A_208 = arith.constant 0 : i32
      %dma_start3A_209 = arith.constant 0 : i32
      %dma_start3A_210 = tpu.memref_slice %arg10[%dma_start3A_208, %dma_start3A_209] : memref<10240x128xf32, #tpu.memory_space<vmem_shared>> -> memref<10240x128xf32, #tpu.memory_space<vmem_shared>>
      tpu.enqueue_indirect_dma source(%arg8 : memref<128x128xf32, #tpu.memory_space<vmem>>) target(%dma_start3A_210 : memref<10240x128xf32, #tpu.memory_space<vmem_shared>>) offsets(%dma_start3A_207 : memref<128xi32, #tpu.memory_space<vmem>>) semaphore(%arg15 : memref<!tpu.dma_semaphore, #tpu.memory_space<semaphore_mem>>) {add = true}
      %mul3A_211 = arith.constant 8 : i32
      %mul3A_212 = arith.muli %mul3A_58, %mul3A_211 : i32
      %add3A_213 = arith.constant 5 : i32
      %add3A_214 = arith.addi %mul3A_212, %add3A_213 : i32
      %dma_wait3A_215 = arith.constant 5 : i32
      %dma_wait3A_216 = arith.constant 0 : i32
      %dma_wait3A_217 = tpu.memref_slice %arg6[%dma_wait3A_215, %dma_wait3A_216] : memref<8x128xi32, #tpu.memory_space<vmem>> -> memref<1x128xi32, #tpu.memory_space<vmem>>
      %dma_wait3A_218 = tpu.memref_squeeze %dma_wait3A_217 : memref<1x128xi32, #tpu.memory_space<vmem>> -> memref<128xi32, #tpu.memory_space<vmem>>
      %dma_wait3A_219 = arith.constant 0 : i32
      %dma_wait3A_220 = arith.constant 0 : i32
      %dma_wait3A_221 = tpu.memref_slice %arg2[%dma_wait3A_219, %dma_wait3A_220] : memref<10000x128xf32, #tpu.memory_space<hbm>> -> memref<10000x128xf32, #tpu.memory_space<hbm>>
      tpu.wait_indirect_dma semaphore(%arg12 : memref<!tpu.dma_semaphore, #tpu.memory_space<semaphore_mem>>) src(%dma_wait3A_221 : memref<10000x128xf32, #tpu.memory_space<hbm>>) dst(%arg9 : memref<128x128xf32, #tpu.memory_space<vmem>>)
      %ge3A_222 = arith.constant 1 : i32
      %ge3A_223 = arith.cmpi sge, %add3A_214, %ge3A_222 : i32
      %convert_element_type3A_224 = arith.extui %ge3A_223 : i1 to i32
      %cond3A_225 = arith.constant 0 : i32
      %cond3A_226 = arith.cmpi ne, %convert_element_type3A_224, %cond3A_225 : i32
      scf.if %cond3A_226 {
        %sub3A = arith.constant 1 : i32
        %sub3A_544 = arith.subi %add3A_214, %sub3A : i32
        %dma_wait3A_545 = arith.constant 0 : i32
        %dma_wait3A_546 = tpu.memref_slice %arg5[%sub3A_544, %dma_wait3A_545] : memref<80x128xi32, #tpu.memory_space<vmem>> -> memref<1x128xi32, #tpu.memory_space<vmem>>
        %dma_wait3A_547 = tpu.memref_squeeze %dma_wait3A_546 : memref<1x128xi32, #tpu.memory_space<vmem>> -> memref<128xi32, #tpu.memory_space<vmem>>
        %dma_wait3A_548 = arith.constant 0 : i32
        %dma_wait3A_549 = arith.constant 0 : i32
        %dma_wait3A_550 = tpu.memref_slice %arg10[%dma_wait3A_548, %dma_wait3A_549] : memref<10240x128xf32, #tpu.memory_space<vmem_shared>> -> memref<10240x128xf32, #tpu.memory_space<vmem_shared>>
        tpu.wait_indirect_dma semaphore(%arg15 : memref<!tpu.dma_semaphore, #tpu.memory_space<semaphore_mem>>) src(%arg8 : memref<128x128xf32, #tpu.memory_space<vmem>>) dst(%dma_wait3A_550 : memref<10240x128xf32, #tpu.memory_space<vmem_shared>>)
      } else {
      }
      %dma_start3A_227 = arith.constant 6 : i32
      %dma_start3A_228 = arith.constant 0 : i32
      %dma_start3A_229 = tpu.memref_slice %arg6[%dma_start3A_227, %dma_start3A_228] : memref<8x128xi32, #tpu.memory_space<vmem>> -> memref<1x128xi32, #tpu.memory_space<vmem>>
      %dma_start3A_230 = tpu.memref_squeeze %dma_start3A_229 : memref<1x128xi32, #tpu.memory_space<vmem>> -> memref<128xi32, #tpu.memory_space<vmem>>
      %dma_start3A_231 = arith.constant 0 : i32
      %dma_start3A_232 = arith.constant 0 : i32
      %dma_start3A_233 = tpu.memref_slice %arg2[%dma_start3A_231, %dma_start3A_232] : memref<10000x128xf32, #tpu.memory_space<hbm>> -> memref<10000x128xf32, #tpu.memory_space<hbm>>
      tpu.enqueue_indirect_dma source(%dma_start3A_233 : memref<10000x128xf32, #tpu.memory_space<hbm>>) target(%arg8 : memref<128x128xf32, #tpu.memory_space<vmem>>) offsets(%dma_start3A_230 : memref<128xi32, #tpu.memory_space<vmem>>) semaphore(%arg11 : memref<!tpu.dma_semaphore, #tpu.memory_space<semaphore_mem>>)
      %dma_start3A_234 = arith.constant 0 : i32
      %dma_start3A_235 = tpu.memref_slice %arg5[%add3A_214, %dma_start3A_234] : memref<80x128xi32, #tpu.memory_space<vmem>> -> memref<1x128xi32, #tpu.memory_space<vmem>>
      %dma_start3A_236 = tpu.memref_squeeze %dma_start3A_235 : memref<1x128xi32, #tpu.memory_space<vmem>> -> memref<128xi32, #tpu.memory_space<vmem>>
      %dma_start3A_237 = arith.constant 0 : i32
      %dma_start3A_238 = arith.constant 0 : i32
      %dma_start3A_239 = tpu.memref_slice %arg10[%dma_start3A_237, %dma_start3A_238] : memref<10240x128xf32, #tpu.memory_space<vmem_shared>> -> memref<10240x128xf32, #tpu.memory_space<vmem_shared>>
      tpu.enqueue_indirect_dma source(%arg9 : memref<128x128xf32, #tpu.memory_space<vmem>>) target(%dma_start3A_239 : memref<10240x128xf32, #tpu.memory_space<vmem_shared>>) offsets(%dma_start3A_236 : memref<128xi32, #tpu.memory_space<vmem>>) semaphore(%arg16 : memref<!tpu.dma_semaphore, #tpu.memory_space<semaphore_mem>>) {add = true}
      %mul3A_240 = arith.constant 8 : i32
      %mul3A_241 = arith.muli %mul3A_58, %mul3A_240 : i32
      %add3A_242 = arith.constant 6 : i32
      %add3A_243 = arith.addi %mul3A_241, %add3A_242 : i32
      %dma_wait3A_244 = arith.constant 6 : i32
      %dma_wait3A_245 = arith.constant 0 : i32
      %dma_wait3A_246 = tpu.memref_slice %arg6[%dma_wait3A_244, %dma_wait3A_245] : memref<8x128xi32, #tpu.memory_space<vmem>> -> memref<1x128xi32, #tpu.memory_space<vmem>>
      %dma_wait3A_247 = tpu.memref_squeeze %dma_wait3A_246 : memref<1x128xi32, #tpu.memory_space<vmem>> -> memref<128xi32, #tpu.memory_space<vmem>>
      %dma_wait3A_248 = arith.constant 0 : i32
      %dma_wait3A_249 = arith.constant 0 : i32
      %dma_wait3A_250 = tpu.memref_slice %arg2[%dma_wait3A_248, %dma_wait3A_249] : memref<10000x128xf32, #tpu.memory_space<hbm>> -> memref<10000x128xf32, #tpu.memory_space<hbm>>
      tpu.wait_indirect_dma semaphore(%arg11 : memref<!tpu.dma_semaphore, #tpu.memory_space<semaphore_mem>>) src(%dma_wait3A_250 : memref<10000x128xf32, #tpu.memory_space<hbm>>) dst(%arg8 : memref<128x128xf32, #tpu.memory_space<vmem>>)
      %ge3A_251 = arith.constant 1 : i32
      %ge3A_252 = arith.cmpi sge, %add3A_243, %ge3A_251 : i32
      %convert_element_type3A_253 = arith.extui %ge3A_252 : i1 to i32
      %cond3A_254 = arith.constant 0 : i32
      %cond3A_255 = arith.cmpi ne, %convert_element_type3A_253, %cond3A_254 : i32
      scf.if %cond3A_255 {
        %sub3A = arith.constant 1 : i32
        %sub3A_544 = arith.subi %add3A_243, %sub3A : i32
        %dma_wait3A_545 = arith.constant 0 : i32
        %dma_wait3A_546 = tpu.memref_slice %arg5[%sub3A_544, %dma_wait3A_545] : memref<80x128xi32, #tpu.memory_space<vmem>> -> memref<1x128xi32, #tpu.memory_space<vmem>>
        %dma_wait3A_547 = tpu.memref_squeeze %dma_wait3A_546 : memref<1x128xi32, #tpu.memory_space<vmem>> -> memref<128xi32, #tpu.memory_space<vmem>>
        %dma_wait3A_548 = arith.constant 0 : i32
        %dma_wait3A_549 = arith.constant 0 : i32
        %dma_wait3A_550 = tpu.memref_slice %arg10[%dma_wait3A_548, %dma_wait3A_549] : memref<10240x128xf32, #tpu.memory_space<vmem_shared>> -> memref<10240x128xf32, #tpu.memory_space<vmem_shared>>
        tpu.wait_indirect_dma semaphore(%arg16 : memref<!tpu.dma_semaphore, #tpu.memory_space<semaphore_mem>>) src(%arg9 : memref<128x128xf32, #tpu.memory_space<vmem>>) dst(%dma_wait3A_550 : memref<10240x128xf32, #tpu.memory_space<vmem_shared>>)
      } else {
      }
      %dma_start3A_256 = arith.constant 7 : i32
      %dma_start3A_257 = arith.constant 0 : i32
      %dma_start3A_258 = tpu.memref_slice %arg6[%dma_start3A_256, %dma_start3A_257] : memref<8x128xi32, #tpu.memory_space<vmem>> -> memref<1x128xi32, #tpu.memory_space<vmem>>
      %dma_start3A_259 = tpu.memref_squeeze %dma_start3A_258 : memref<1x128xi32, #tpu.memory_space<vmem>> -> memref<128xi32, #tpu.memory_space<vmem>>
      %dma_start3A_260 = arith.constant 0 : i32
      %dma_start3A_261 = arith.constant 0 : i32
      %dma_start3A_262 = tpu.memref_slice %arg2[%dma_start3A_260, %dma_start3A_261] : memref<10000x128xf32, #tpu.memory_space<hbm>> -> memref<10000x128xf32, #tpu.memory_space<hbm>>
      tpu.enqueue_indirect_dma source(%dma_start3A_262 : memref<10000x128xf32, #tpu.memory_space<hbm>>) target(%arg9 : memref<128x128xf32, #tpu.memory_space<vmem>>) offsets(%dma_start3A_259 : memref<128xi32, #tpu.memory_space<vmem>>) semaphore(%arg12 : memref<!tpu.dma_semaphore, #tpu.memory_space<semaphore_mem>>)
      %dma_start3A_263 = arith.constant 0 : i32
      %dma_start3A_264 = tpu.memref_slice %arg5[%add3A_243, %dma_start3A_263] : memref<80x128xi32, #tpu.memory_space<vmem>> -> memref<1x128xi32, #tpu.memory_space<vmem>>
      %dma_start3A_265 = tpu.memref_squeeze %dma_start3A_264 : memref<1x128xi32, #tpu.memory_space<vmem>> -> memref<128xi32, #tpu.memory_space<vmem>>
      %dma_start3A_266 = arith.constant 0 : i32
      %dma_start3A_267 = arith.constant 0 : i32
      %dma_start3A_268 = tpu.memref_slice %arg10[%dma_start3A_266, %dma_start3A_267] : memref<10240x128xf32, #tpu.memory_space<vmem_shared>> -> memref<10240x128xf32, #tpu.memory_space<vmem_shared>>
      tpu.enqueue_indirect_dma source(%arg8 : memref<128x128xf32, #tpu.memory_space<vmem>>) target(%dma_start3A_268 : memref<10240x128xf32, #tpu.memory_space<vmem_shared>>) offsets(%dma_start3A_265 : memref<128xi32, #tpu.memory_space<vmem>>) semaphore(%arg15 : memref<!tpu.dma_semaphore, #tpu.memory_space<semaphore_mem>>) {add = true}
      %mul3A_269 = arith.constant 8 : i32
      %mul3A_270 = arith.muli %mul3A_58, %mul3A_269 : i32
      %add3A_271 = arith.constant 7 : i32
      %add3A_272 = arith.addi %mul3A_270, %add3A_271 : i32
      %dma_wait3A_273 = arith.constant 7 : i32
      %dma_wait3A_274 = arith.constant 0 : i32
      %dma_wait3A_275 = tpu.memref_slice %arg6[%dma_wait3A_273, %dma_wait3A_274] : memref<8x128xi32, #tpu.memory_space<vmem>> -> memref<1x128xi32, #tpu.memory_space<vmem>>
      %dma_wait3A_276 = tpu.memref_squeeze %dma_wait3A_275 : memref<1x128xi32, #tpu.memory_space<vmem>> -> memref<128xi32, #tpu.memory_space<vmem>>
      %dma_wait3A_277 = arith.constant 0 : i32
      %dma_wait3A_278 = arith.constant 0 : i32
      %dma_wait3A_279 = tpu.memref_slice %arg2[%dma_wait3A_277, %dma_wait3A_278] : memref<10000x128xf32, #tpu.memory_space<hbm>> -> memref<10000x128xf32, #tpu.memory_space<hbm>>
      tpu.wait_indirect_dma semaphore(%arg12 : memref<!tpu.dma_semaphore, #tpu.memory_space<semaphore_mem>>) src(%dma_wait3A_279 : memref<10000x128xf32, #tpu.memory_space<hbm>>) dst(%arg9 : memref<128x128xf32, #tpu.memory_space<vmem>>)
      %ge3A_280 = arith.constant 1 : i32
      %ge3A_281 = arith.cmpi sge, %add3A_272, %ge3A_280 : i32
      %convert_element_type3A_282 = arith.extui %ge3A_281 : i1 to i32
      %cond3A_283 = arith.constant 0 : i32
      %cond3A_284 = arith.cmpi ne, %convert_element_type3A_282, %cond3A_283 : i32
      scf.if %cond3A_284 {
        %sub3A = arith.constant 1 : i32
        %sub3A_544 = arith.subi %add3A_272, %sub3A : i32
        %dma_wait3A_545 = arith.constant 0 : i32
        %dma_wait3A_546 = tpu.memref_slice %arg5[%sub3A_544, %dma_wait3A_545] : memref<80x128xi32, #tpu.memory_space<vmem>> -> memref<1x128xi32, #tpu.memory_space<vmem>>
        %dma_wait3A_547 = tpu.memref_squeeze %dma_wait3A_546 : memref<1x128xi32, #tpu.memory_space<vmem>> -> memref<128xi32, #tpu.memory_space<vmem>>
        %dma_wait3A_548 = arith.constant 0 : i32
        %dma_wait3A_549 = arith.constant 0 : i32
        %dma_wait3A_550 = tpu.memref_slice %arg10[%dma_wait3A_548, %dma_wait3A_549] : memref<10240x128xf32, #tpu.memory_space<vmem_shared>> -> memref<10240x128xf32, #tpu.memory_space<vmem_shared>>
        tpu.wait_indirect_dma semaphore(%arg15 : memref<!tpu.dma_semaphore, #tpu.memory_space<semaphore_mem>>) src(%arg8 : memref<128x128xf32, #tpu.memory_space<vmem>>) dst(%dma_wait3A_550 : memref<10240x128xf32, #tpu.memory_space<vmem_shared>>)
      } else {
      }
      %lt3A_285 = arith.constant 9 : i32
      %lt3A_286 = arith.cmpi slt, %mul3A_58, %lt3A_285 : i32
      %convert_element_type3A_287 = arith.extui %lt3A_286 : i1 to i32
      %cond3A_288 = arith.constant 0 : i32
      %cond3A_289 = arith.constant 0 : i32
      %cond3A_290 = arith.cmpi ne, %convert_element_type3A_287, %cond3A_289 : i32
      scf.if %cond3A_290 {
        %dma_wait3A_544 = arith.constant 0 : i32
        %dma_wait3A_545 = tpu.memref_slice %arg3[%cond3A_288, %add3A_63, %dma_wait3A_544] : memref<2x2560x128xi32, #tpu.memory_space<hbm>> -> memref<1x8x128xi32, #tpu.memory_space<hbm>>
        %dma_wait3A_546 = tpu.memref_squeeze %dma_wait3A_545 : memref<1x8x128xi32, #tpu.memory_space<hbm>> -> memref<8x128xi32, #tpu.memory_space<hbm>>
        %dma_wait3A_547 = arith.constant 0 : i32
        %dma_wait3A_548 = tpu.memref_slice %arg3[%cond3A_288, %add3A_63, %dma_wait3A_547] : memref<2x2560x128xi32, #tpu.memory_space<hbm>> -> memref<1x8x128xi32, #tpu.memory_space<hbm>>
        %dma_wait3A_549 = tpu.memref_squeeze %dma_wait3A_548 : memref<1x8x128xi32, #tpu.memory_space<hbm>> -> memref<8x128xi32, #tpu.memory_space<hbm>>
        tpu.wait_dma2 semaphore(%arg14 : memref<!tpu.dma_semaphore, #tpu.memory_space<semaphore_mem>>) src(%dma_wait3A_549 : memref<8x128xi32, #tpu.memory_space<hbm>>) dst(%arg7 : memref<8x128xi32, #tpu.memory_space<vmem>>)
        %dma_start3A_550 = arith.constant 0 : i32
        %dma_start3A_551 = arith.constant 0 : i32
        %dma_start3A_552 = tpu.memref_slice %arg7[%dma_start3A_550, %dma_start3A_551] : memref<8x128xi32, #tpu.memory_space<vmem>> -> memref<1x128xi32, #tpu.memory_space<vmem>>
        %dma_start3A_553 = tpu.memref_squeeze %dma_start3A_552 : memref<1x128xi32, #tpu.memory_space<vmem>> -> memref<128xi32, #tpu.memory_space<vmem>>
        %dma_start3A_554 = arith.constant 0 : i32
        %dma_start3A_555 = arith.constant 0 : i32
        %dma_start3A_556 = tpu.memref_slice %arg2[%dma_start3A_554, %dma_start3A_555] : memref<10000x128xf32, #tpu.memory_space<hbm>> -> memref<10000x128xf32, #tpu.memory_space<hbm>>
        tpu.enqueue_indirect_dma source(%dma_start3A_556 : memref<10000x128xf32, #tpu.memory_space<hbm>>) target(%arg8 : memref<128x128xf32, #tpu.memory_space<vmem>>) offsets(%dma_start3A_553 : memref<128xi32, #tpu.memory_space<vmem>>) semaphore(%arg11 : memref<!tpu.dma_semaphore, #tpu.memory_space<semaphore_mem>>)
      } else {
      }
      %dma_start3A_291 = arith.constant 0 : i32
      %dma_start3A_292 = tpu.memref_slice %arg5[%add3A_272, %dma_start3A_291] : memref<80x128xi32, #tpu.memory_space<vmem>> -> memref<1x128xi32, #tpu.memory_space<vmem>>
      %dma_start3A_293 = tpu.memref_squeeze %dma_start3A_292 : memref<1x128xi32, #tpu.memory_space<vmem>> -> memref<128xi32, #tpu.memory_space<vmem>>
      %dma_start3A_294 = arith.constant 0 : i32
      %dma_start3A_295 = arith.constant 0 : i32
      %dma_start3A_296 = tpu.memref_slice %arg10[%dma_start3A_294, %dma_start3A_295] : memref<10240x128xf32, #tpu.memory_space<vmem_shared>> -> memref<10240x128xf32, #tpu.memory_space<vmem_shared>>
      tpu.enqueue_indirect_dma source(%arg9 : memref<128x128xf32, #tpu.memory_space<vmem>>) target(%dma_start3A_296 : memref<10240x128xf32, #tpu.memory_space<vmem_shared>>) offsets(%dma_start3A_293 : memref<128xi32, #tpu.memory_space<vmem>>) semaphore(%arg16 : memref<!tpu.dma_semaphore, #tpu.memory_space<semaphore_mem>>) {add = true}
      %mul3A_297 = arith.constant 2 : i32
      %mul3A_298 = arith.muli %mul3A_297, %scan3A_55 : i32
      %add3A_299 = arith.constant 1 : i32
      %add3A_300 = arith.addi %mul3A_298, %add3A_299 : i32
      %add3A_301 = arith.constant 1 : i32
      %add3A_302 = arith.addi %add3A_300, %add3A_301 : i32
      %mul3A_303 = arith.constant 8 : i32
      %mul3A_304 = arith.muli %add3A_302, %mul3A_303 : i32
      %add3A_305 = arith.addi %mul3A_2, %mul3A_304 : i32
      %lt3A_306 = arith.constant 9 : i32
      %lt3A_307 = arith.cmpi slt, %add3A_300, %lt3A_306 : i32
      %convert_element_type3A_308 = arith.extui %lt3A_307 : i1 to i32
      %cond3A_309 = arith.constant 0 : i32
      %cond3A_310 = arith.constant 0 : i32
      %cond3A_311 = arith.cmpi ne, %convert_element_type3A_308, %cond3A_310 : i32
      scf.if %cond3A_311 {
        %dma_start3A_544 = arith.constant 0 : i32
        %dma_start3A_545 = tpu.memref_slice %arg3[%cond3A_309, %add3A_305, %dma_start3A_544] : memref<2x2560x128xi32, #tpu.memory_space<hbm>> -> memref<1x8x128xi32, #tpu.memory_space<hbm>>
        %dma_start3A_546 = tpu.memref_squeeze %dma_start3A_545 : memref<1x8x128xi32, #tpu.memory_space<hbm>> -> memref<8x128xi32, #tpu.memory_space<hbm>>
        %dma_start3A_547 = arith.constant 0 : i32
        %dma_start3A_548 = tpu.memref_slice %arg3[%cond3A_309, %add3A_305, %dma_start3A_547] : memref<2x2560x128xi32, #tpu.memory_space<hbm>> -> memref<1x8x128xi32, #tpu.memory_space<hbm>>
        %dma_start3A_549 = tpu.memref_squeeze %dma_start3A_548 : memref<1x8x128xi32, #tpu.memory_space<hbm>> -> memref<8x128xi32, #tpu.memory_space<hbm>>
        tpu.enqueue_dma source(%dma_start3A_549 : memref<8x128xi32, #tpu.memory_space<hbm>>) target(%arg6 : memref<8x128xi32, #tpu.memory_space<vmem>>) target_semaphore(%arg13 : memref<!tpu.dma_semaphore, #tpu.memory_space<semaphore_mem>>)
      } else {
      }
      %mul3A_312 = arith.constant 8 : i32
      %mul3A_313 = arith.muli %add3A_300, %mul3A_312 : i32
      %add3A_314 = arith.constant 0 : i32
      %add3A_315 = arith.addi %mul3A_313, %add3A_314 : i32
      %dma_wait3A_316 = arith.constant 0 : i32
      %dma_wait3A_317 = arith.constant 0 : i32
      %dma_wait3A_318 = tpu.memref_slice %arg7[%dma_wait3A_316, %dma_wait3A_317] : memref<8x128xi32, #tpu.memory_space<vmem>> -> memref<1x128xi32, #tpu.memory_space<vmem>>
      %dma_wait3A_319 = tpu.memref_squeeze %dma_wait3A_318 : memref<1x128xi32, #tpu.memory_space<vmem>> -> memref<128xi32, #tpu.memory_space<vmem>>
      %dma_wait3A_320 = arith.constant 0 : i32
      %dma_wait3A_321 = arith.constant 0 : i32
      %dma_wait3A_322 = tpu.memref_slice %arg2[%dma_wait3A_320, %dma_wait3A_321] : memref<10000x128xf32, #tpu.memory_space<hbm>> -> memref<10000x128xf32, #tpu.memory_space<hbm>>
      tpu.wait_indirect_dma semaphore(%arg11 : memref<!tpu.dma_semaphore, #tpu.memory_space<semaphore_mem>>) src(%dma_wait3A_322 : memref<10000x128xf32, #tpu.memory_space<hbm>>) dst(%arg8 : memref<128x128xf32, #tpu.memory_space<vmem>>)
      %ge3A_323 = arith.constant 1 : i32
      %ge3A_324 = arith.cmpi sge, %add3A_315, %ge3A_323 : i32
      %convert_element_type3A_325 = arith.extui %ge3A_324 : i1 to i32
      %cond3A_326 = arith.constant 0 : i32
      %cond3A_327 = arith.cmpi ne, %convert_element_type3A_325, %cond3A_326 : i32
      scf.if %cond3A_327 {
        %sub3A = arith.constant 1 : i32
        %sub3A_544 = arith.subi %add3A_315, %sub3A : i32
        %dma_wait3A_545 = arith.constant 0 : i32
        %dma_wait3A_546 = tpu.memref_slice %arg5[%sub3A_544, %dma_wait3A_545] : memref<80x128xi32, #tpu.memory_space<vmem>> -> memref<1x128xi32, #tpu.memory_space<vmem>>
        %dma_wait3A_547 = tpu.memref_squeeze %dma_wait3A_546 : memref<1x128xi32, #tpu.memory_space<vmem>> -> memref<128xi32, #tpu.memory_space<vmem>>
        %dma_wait3A_548 = arith.constant 0 : i32
        %dma_wait3A_549 = arith.constant 0 : i32
        %dma_wait3A_550 = tpu.memref_slice %arg10[%dma_wait3A_548, %dma_wait3A_549] : memref<10240x128xf32, #tpu.memory_space<vmem_shared>> -> memref<10240x128xf32, #tpu.memory_space<vmem_shared>>
        tpu.wait_indirect_dma semaphore(%arg16 : memref<!tpu.dma_semaphore, #tpu.memory_space<semaphore_mem>>) src(%arg9 : memref<128x128xf32, #tpu.memory_space<vmem>>) dst(%dma_wait3A_550 : memref<10240x128xf32, #tpu.memory_space<vmem_shared>>)
      } else {
      }
      %dma_start3A_328 = arith.constant 1 : i32
      %dma_start3A_329 = arith.constant 0 : i32
      %dma_start3A_330 = tpu.memref_slice %arg7[%dma_start3A_328, %dma_start3A_329] : memref<8x128xi32, #tpu.memory_space<vmem>> -> memref<1x128xi32, #tpu.memory_space<vmem>>
      %dma_start3A_331 = tpu.memref_squeeze %dma_start3A_330 : memref<1x128xi32, #tpu.memory_space<vmem>> -> memref<128xi32, #tpu.memory_space<vmem>>
      %dma_start3A_332 = arith.constant 0 : i32
      %dma_start3A_333 = arith.constant 0 : i32
      %dma_start3A_334 = tpu.memref_slice %arg2[%dma_start3A_332, %dma_start3A_333] : memref<10000x128xf32, #tpu.memory_space<hbm>> -> memref<10000x128xf32, #tpu.memory_space<hbm>>
      tpu.enqueue_indirect_dma source(%dma_start3A_334 : memref<10000x128xf32, #tpu.memory_space<hbm>>) target(%arg9 : memref<128x128xf32, #tpu.memory_space<vmem>>) offsets(%dma_start3A_331 : memref<128xi32, #tpu.memory_space<vmem>>) semaphore(%arg12 : memref<!tpu.dma_semaphore, #tpu.memory_space<semaphore_mem>>)
      %dma_start3A_335 = arith.constant 0 : i32
      %dma_start3A_336 = tpu.memref_slice %arg5[%add3A_315, %dma_start3A_335] : memref<80x128xi32, #tpu.memory_space<vmem>> -> memref<1x128xi32, #tpu.memory_space<vmem>>
      %dma_start3A_337 = tpu.memref_squeeze %dma_start3A_336 : memref<1x128xi32, #tpu.memory_space<vmem>> -> memref<128xi32, #tpu.memory_space<vmem>>
      %dma_start3A_338 = arith.constant 0 : i32
      %dma_start3A_339 = arith.constant 0 : i32
      %dma_start3A_340 = tpu.memref_slice %arg10[%dma_start3A_338, %dma_start3A_339] : memref<10240x128xf32, #tpu.memory_space<vmem_shared>> -> memref<10240x128xf32, #tpu.memory_space<vmem_shared>>
      tpu.enqueue_indirect_dma source(%arg8 : memref<128x128xf32, #tpu.memory_space<vmem>>) target(%dma_start3A_340 : memref<10240x128xf32, #tpu.memory_space<vmem_shared>>) offsets(%dma_start3A_337 : memref<128xi32, #tpu.memory_space<vmem>>) semaphore(%arg15 : memref<!tpu.dma_semaphore, #tpu.memory_space<semaphore_mem>>) {add = true}
      %mul3A_341 = arith.constant 8 : i32
      %mul3A_342 = arith.muli %add3A_300, %mul3A_341 : i32
      %add3A_343 = arith.constant 1 : i32
      %add3A_344 = arith.addi %mul3A_342, %add3A_343 : i32
      %dma_wait3A_345 = arith.constant 1 : i32
      %dma_wait3A_346 = arith.constant 0 : i32
      %dma_wait3A_347 = tpu.memref_slice %arg7[%dma_wait3A_345, %dma_wait3A_346] : memref<8x128xi32, #tpu.memory_space<vmem>> -> memref<1x128xi32, #tpu.memory_space<vmem>>
      %dma_wait3A_348 = tpu.memref_squeeze %dma_wait3A_347 : memref<1x128xi32, #tpu.memory_space<vmem>> -> memref<128xi32, #tpu.memory_space<vmem>>
      %dma_wait3A_349 = arith.constant 0 : i32
      %dma_wait3A_350 = arith.constant 0 : i32
      %dma_wait3A_351 = tpu.memref_slice %arg2[%dma_wait3A_349, %dma_wait3A_350] : memref<10000x128xf32, #tpu.memory_space<hbm>> -> memref<10000x128xf32, #tpu.memory_space<hbm>>
      tpu.wait_indirect_dma semaphore(%arg12 : memref<!tpu.dma_semaphore, #tpu.memory_space<semaphore_mem>>) src(%dma_wait3A_351 : memref<10000x128xf32, #tpu.memory_space<hbm>>) dst(%arg9 : memref<128x128xf32, #tpu.memory_space<vmem>>)
      %ge3A_352 = arith.constant 1 : i32
      %ge3A_353 = arith.cmpi sge, %add3A_344, %ge3A_352 : i32
      %convert_element_type3A_354 = arith.extui %ge3A_353 : i1 to i32
      %cond3A_355 = arith.constant 0 : i32
      %cond3A_356 = arith.cmpi ne, %convert_element_type3A_354, %cond3A_355 : i32
      scf.if %cond3A_356 {
        %sub3A = arith.constant 1 : i32
        %sub3A_544 = arith.subi %add3A_344, %sub3A : i32
        %dma_wait3A_545 = arith.constant 0 : i32
        %dma_wait3A_546 = tpu.memref_slice %arg5[%sub3A_544, %dma_wait3A_545] : memref<80x128xi32, #tpu.memory_space<vmem>> -> memref<1x128xi32, #tpu.memory_space<vmem>>
        %dma_wait3A_547 = tpu.memref_squeeze %dma_wait3A_546 : memref<1x128xi32, #tpu.memory_space<vmem>> -> memref<128xi32, #tpu.memory_space<vmem>>
        %dma_wait3A_548 = arith.constant 0 : i32
        %dma_wait3A_549 = arith.constant 0 : i32
        %dma_wait3A_550 = tpu.memref_slice %arg10[%dma_wait3A_548, %dma_wait3A_549] : memref<10240x128xf32, #tpu.memory_space<vmem_shared>> -> memref<10240x128xf32, #tpu.memory_space<vmem_shared>>
        tpu.wait_indirect_dma semaphore(%arg15 : memref<!tpu.dma_semaphore, #tpu.memory_space<semaphore_mem>>) src(%arg8 : memref<128x128xf32, #tpu.memory_space<vmem>>) dst(%dma_wait3A_550 : memref<10240x128xf32, #tpu.memory_space<vmem_shared>>)
      } else {
      }
      %dma_start3A_357 = arith.constant 2 : i32
      %dma_start3A_358 = arith.constant 0 : i32
      %dma_start3A_359 = tpu.memref_slice %arg7[%dma_start3A_357, %dma_start3A_358] : memref<8x128xi32, #tpu.memory_space<vmem>> -> memref<1x128xi32, #tpu.memory_space<vmem>>
      %dma_start3A_360 = tpu.memref_squeeze %dma_start3A_359 : memref<1x128xi32, #tpu.memory_space<vmem>> -> memref<128xi32, #tpu.memory_space<vmem>>
      %dma_start3A_361 = arith.constant 0 : i32
      %dma_start3A_362 = arith.constant 0 : i32
      %dma_start3A_363 = tpu.memref_slice %arg2[%dma_start3A_361, %dma_start3A_362] : memref<10000x128xf32, #tpu.memory_space<hbm>> -> memref<10000x128xf32, #tpu.memory_space<hbm>>
      tpu.enqueue_indirect_dma source(%dma_start3A_363 : memref<10000x128xf32, #tpu.memory_space<hbm>>) target(%arg8 : memref<128x128xf32, #tpu.memory_space<vmem>>) offsets(%dma_start3A_360 : memref<128xi32, #tpu.memory_space<vmem>>) semaphore(%arg11 : memref<!tpu.dma_semaphore, #tpu.memory_space<semaphore_mem>>)
      %dma_start3A_364 = arith.constant 0 : i32
      %dma_start3A_365 = tpu.memref_slice %arg5[%add3A_344, %dma_start3A_364] : memref<80x128xi32, #tpu.memory_space<vmem>> -> memref<1x128xi32, #tpu.memory_space<vmem>>
      %dma_start3A_366 = tpu.memref_squeeze %dma_start3A_365 : memref<1x128xi32, #tpu.memory_space<vmem>> -> memref<128xi32, #tpu.memory_space<vmem>>
      %dma_start3A_367 = arith.constant 0 : i32
      %dma_start3A_368 = arith.constant 0 : i32
      %dma_start3A_369 = tpu.memref_slice %arg10[%dma_start3A_367, %dma_start3A_368] : memref<10240x128xf32, #tpu.memory_space<vmem_shared>> -> memref<10240x128xf32, #tpu.memory_space<vmem_shared>>
      tpu.enqueue_indirect_dma source(%arg9 : memref<128x128xf32, #tpu.memory_space<vmem>>) target(%dma_start3A_369 : memref<10240x128xf32, #tpu.memory_space<vmem_shared>>) offsets(%dma_start3A_366 : memref<128xi32, #tpu.memory_space<vmem>>) semaphore(%arg16 : memref<!tpu.dma_semaphore, #tpu.memory_space<semaphore_mem>>) {add = true}
      %mul3A_370 = arith.constant 8 : i32
      %mul3A_371 = arith.muli %add3A_300, %mul3A_370 : i32
      %add3A_372 = arith.constant 2 : i32
      %add3A_373 = arith.addi %mul3A_371, %add3A_372 : i32
      %dma_wait3A_374 = arith.constant 2 : i32
      %dma_wait3A_375 = arith.constant 0 : i32
      %dma_wait3A_376 = tpu.memref_slice %arg7[%dma_wait3A_374, %dma_wait3A_375] : memref<8x128xi32, #tpu.memory_space<vmem>> -> memref<1x128xi32, #tpu.memory_space<vmem>>
      %dma_wait3A_377 = tpu.memref_squeeze %dma_wait3A_376 : memref<1x128xi32, #tpu.memory_space<vmem>> -> memref<128xi32, #tpu.memory_space<vmem>>
      %dma_wait3A_378 = arith.constant 0 : i32
      %dma_wait3A_379 = arith.constant 0 : i32
      %dma_wait3A_380 = tpu.memref_slice %arg2[%dma_wait3A_378, %dma_wait3A_379] : memref<10000x128xf32, #tpu.memory_space<hbm>> -> memref<10000x128xf32, #tpu.memory_space<hbm>>
      tpu.wait_indirect_dma semaphore(%arg11 : memref<!tpu.dma_semaphore, #tpu.memory_space<semaphore_mem>>) src(%dma_wait3A_380 : memref<10000x128xf32, #tpu.memory_space<hbm>>) dst(%arg8 : memref<128x128xf32, #tpu.memory_space<vmem>>)
      %ge3A_381 = arith.constant 1 : i32
      %ge3A_382 = arith.cmpi sge, %add3A_373, %ge3A_381 : i32
      %convert_element_type3A_383 = arith.extui %ge3A_382 : i1 to i32
      %cond3A_384 = arith.constant 0 : i32
      %cond3A_385 = arith.cmpi ne, %convert_element_type3A_383, %cond3A_384 : i32
      scf.if %cond3A_385 {
        %sub3A = arith.constant 1 : i32
        %sub3A_544 = arith.subi %add3A_373, %sub3A : i32
        %dma_wait3A_545 = arith.constant 0 : i32
        %dma_wait3A_546 = tpu.memref_slice %arg5[%sub3A_544, %dma_wait3A_545] : memref<80x128xi32, #tpu.memory_space<vmem>> -> memref<1x128xi32, #tpu.memory_space<vmem>>
        %dma_wait3A_547 = tpu.memref_squeeze %dma_wait3A_546 : memref<1x128xi32, #tpu.memory_space<vmem>> -> memref<128xi32, #tpu.memory_space<vmem>>
        %dma_wait3A_548 = arith.constant 0 : i32
        %dma_wait3A_549 = arith.constant 0 : i32
        %dma_wait3A_550 = tpu.memref_slice %arg10[%dma_wait3A_548, %dma_wait3A_549] : memref<10240x128xf32, #tpu.memory_space<vmem_shared>> -> memref<10240x128xf32, #tpu.memory_space<vmem_shared>>
        tpu.wait_indirect_dma semaphore(%arg16 : memref<!tpu.dma_semaphore, #tpu.memory_space<semaphore_mem>>) src(%arg9 : memref<128x128xf32, #tpu.memory_space<vmem>>) dst(%dma_wait3A_550 : memref<10240x128xf32, #tpu.memory_space<vmem_shared>>)
      } else {
      }
      %dma_start3A_386 = arith.constant 3 : i32
      %dma_start3A_387 = arith.constant 0 : i32
      %dma_start3A_388 = tpu.memref_slice %arg7[%dma_start3A_386, %dma_start3A_387] : memref<8x128xi32, #tpu.memory_space<vmem>> -> memref<1x128xi32, #tpu.memory_space<vmem>>
      %dma_start3A_389 = tpu.memref_squeeze %dma_start3A_388 : memref<1x128xi32, #tpu.memory_space<vmem>> -> memref<128xi32, #tpu.memory_space<vmem>>
      %dma_start3A_390 = arith.constant 0 : i32
      %dma_start3A_391 = arith.constant 0 : i32
      %dma_start3A_392 = tpu.memref_slice %arg2[%dma_start3A_390, %dma_start3A_391] : memref<10000x128xf32, #tpu.memory_space<hbm>> -> memref<10000x128xf32, #tpu.memory_space<hbm>>
      tpu.enqueue_indirect_dma source(%dma_start3A_392 : memref<10000x128xf32, #tpu.memory_space<hbm>>) target(%arg9 : memref<128x128xf32, #tpu.memory_space<vmem>>) offsets(%dma_start3A_389 : memref<128xi32, #tpu.memory_space<vmem>>) semaphore(%arg12 : memref<!tpu.dma_semaphore, #tpu.memory_space<semaphore_mem>>)
      %dma_start3A_393 = arith.constant 0 : i32
      %dma_start3A_394 = tpu.memref_slice %arg5[%add3A_373, %dma_start3A_393] : memref<80x128xi32, #tpu.memory_space<vmem>> -> memref<1x128xi32, #tpu.memory_space<vmem>>
      %dma_start3A_395 = tpu.memref_squeeze %dma_start3A_394 : memref<1x128xi32, #tpu.memory_space<vmem>> -> memref<128xi32, #tpu.memory_space<vmem>>
      %dma_start3A_396 = arith.constant 0 : i32
      %dma_start3A_397 = arith.constant 0 : i32
      %dma_start3A_398 = tpu.memref_slice %arg10[%dma_start3A_396, %dma_start3A_397] : memref<10240x128xf32, #tpu.memory_space<vmem_shared>> -> memref<10240x128xf32, #tpu.memory_space<vmem_shared>>
      tpu.enqueue_indirect_dma source(%arg8 : memref<128x128xf32, #tpu.memory_space<vmem>>) target(%dma_start3A_398 : memref<10240x128xf32, #tpu.memory_space<vmem_shared>>) offsets(%dma_start3A_395 : memref<128xi32, #tpu.memory_space<vmem>>) semaphore(%arg15 : memref<!tpu.dma_semaphore, #tpu.memory_space<semaphore_mem>>) {add = true}
      %mul3A_399 = arith.constant 8 : i32
      %mul3A_400 = arith.muli %add3A_300, %mul3A_399 : i32
      %add3A_401 = arith.constant 3 : i32
      %add3A_402 = arith.addi %mul3A_400, %add3A_401 : i32
      %dma_wait3A_403 = arith.constant 3 : i32
      %dma_wait3A_404 = arith.constant 0 : i32
      %dma_wait3A_405 = tpu.memref_slice %arg7[%dma_wait3A_403, %dma_wait3A_404] : memref<8x128xi32, #tpu.memory_space<vmem>> -> memref<1x128xi32, #tpu.memory_space<vmem>>
      %dma_wait3A_406 = tpu.memref_squeeze %dma_wait3A_405 : memref<1x128xi32, #tpu.memory_space<vmem>> -> memref<128xi32, #tpu.memory_space<vmem>>
      %dma_wait3A_407 = arith.constant 0 : i32
      %dma_wait3A_408 = arith.constant 0 : i32
      %dma_wait3A_409 = tpu.memref_slice %arg2[%dma_wait3A_407, %dma_wait3A_408] : memref<10000x128xf32, #tpu.memory_space<hbm>> -> memref<10000x128xf32, #tpu.memory_space<hbm>>
      tpu.wait_indirect_dma semaphore(%arg12 : memref<!tpu.dma_semaphore, #tpu.memory_space<semaphore_mem>>) src(%dma_wait3A_409 : memref<10000x128xf32, #tpu.memory_space<hbm>>) dst(%arg9 : memref<128x128xf32, #tpu.memory_space<vmem>>)
      %ge3A_410 = arith.constant 1 : i32
      %ge3A_411 = arith.cmpi sge, %add3A_402, %ge3A_410 : i32
      %convert_element_type3A_412 = arith.extui %ge3A_411 : i1 to i32
      %cond3A_413 = arith.constant 0 : i32
      %cond3A_414 = arith.cmpi ne, %convert_element_type3A_412, %cond3A_413 : i32
      scf.if %cond3A_414 {
        %sub3A = arith.constant 1 : i32
        %sub3A_544 = arith.subi %add3A_402, %sub3A : i32
        %dma_wait3A_545 = arith.constant 0 : i32
        %dma_wait3A_546 = tpu.memref_slice %arg5[%sub3A_544, %dma_wait3A_545] : memref<80x128xi32, #tpu.memory_space<vmem>> -> memref<1x128xi32, #tpu.memory_space<vmem>>
        %dma_wait3A_547 = tpu.memref_squeeze %dma_wait3A_546 : memref<1x128xi32, #tpu.memory_space<vmem>> -> memref<128xi32, #tpu.memory_space<vmem>>
        %dma_wait3A_548 = arith.constant 0 : i32
        %dma_wait3A_549 = arith.constant 0 : i32
        %dma_wait3A_550 = tpu.memref_slice %arg10[%dma_wait3A_548, %dma_wait3A_549] : memref<10240x128xf32, #tpu.memory_space<vmem_shared>> -> memref<10240x128xf32, #tpu.memory_space<vmem_shared>>
        tpu.wait_indirect_dma semaphore(%arg15 : memref<!tpu.dma_semaphore, #tpu.memory_space<semaphore_mem>>) src(%arg8 : memref<128x128xf32, #tpu.memory_space<vmem>>) dst(%dma_wait3A_550 : memref<10240x128xf32, #tpu.memory_space<vmem_shared>>)
      } else {
      }
      %dma_start3A_415 = arith.constant 4 : i32
      %dma_start3A_416 = arith.constant 0 : i32
      %dma_start3A_417 = tpu.memref_slice %arg7[%dma_start3A_415, %dma_start3A_416] : memref<8x128xi32, #tpu.memory_space<vmem>> -> memref<1x128xi32, #tpu.memory_space<vmem>>
      %dma_start3A_418 = tpu.memref_squeeze %dma_start3A_417 : memref<1x128xi32, #tpu.memory_space<vmem>> -> memref<128xi32, #tpu.memory_space<vmem>>
      %dma_start3A_419 = arith.constant 0 : i32
      %dma_start3A_420 = arith.constant 0 : i32
      %dma_start3A_421 = tpu.memref_slice %arg2[%dma_start3A_419, %dma_start3A_420] : memref<10000x128xf32, #tpu.memory_space<hbm>> -> memref<10000x128xf32, #tpu.memory_space<hbm>>
      tpu.enqueue_indirect_dma source(%dma_start3A_421 : memref<10000x128xf32, #tpu.memory_space<hbm>>) target(%arg8 : memref<128x128xf32, #tpu.memory_space<vmem>>) offsets(%dma_start3A_418 : memref<128xi32, #tpu.memory_space<vmem>>) semaphore(%arg11 : memref<!tpu.dma_semaphore, #tpu.memory_space<semaphore_mem>>)
      %dma_start3A_422 = arith.constant 0 : i32
      %dma_start3A_423 = tpu.memref_slice %arg5[%add3A_402, %dma_start3A_422] : memref<80x128xi32, #tpu.memory_space<vmem>> -> memref<1x128xi32, #tpu.memory_space<vmem>>
      %dma_start3A_424 = tpu.memref_squeeze %dma_start3A_423 : memref<1x128xi32, #tpu.memory_space<vmem>> -> memref<128xi32, #tpu.memory_space<vmem>>
      %dma_start3A_425 = arith.constant 0 : i32
      %dma_start3A_426 = arith.constant 0 : i32
      %dma_start3A_427 = tpu.memref_slice %arg10[%dma_start3A_425, %dma_start3A_426] : memref<10240x128xf32, #tpu.memory_space<vmem_shared>> -> memref<10240x128xf32, #tpu.memory_space<vmem_shared>>
      tpu.enqueue_indirect_dma source(%arg9 : memref<128x128xf32, #tpu.memory_space<vmem>>) target(%dma_start3A_427 : memref<10240x128xf32, #tpu.memory_space<vmem_shared>>) offsets(%dma_start3A_424 : memref<128xi32, #tpu.memory_space<vmem>>) semaphore(%arg16 : memref<!tpu.dma_semaphore, #tpu.memory_space<semaphore_mem>>) {add = true}
      %mul3A_428 = arith.constant 8 : i32
      %mul3A_429 = arith.muli %add3A_300, %mul3A_428 : i32
      %add3A_430 = arith.constant 4 : i32
      %add3A_431 = arith.addi %mul3A_429, %add3A_430 : i32
      %dma_wait3A_432 = arith.constant 4 : i32
      %dma_wait3A_433 = arith.constant 0 : i32
      %dma_wait3A_434 = tpu.memref_slice %arg7[%dma_wait3A_432, %dma_wait3A_433] : memref<8x128xi32, #tpu.memory_space<vmem>> -> memref<1x128xi32, #tpu.memory_space<vmem>>
      %dma_wait3A_435 = tpu.memref_squeeze %dma_wait3A_434 : memref<1x128xi32, #tpu.memory_space<vmem>> -> memref<128xi32, #tpu.memory_space<vmem>>
      %dma_wait3A_436 = arith.constant 0 : i32
      %dma_wait3A_437 = arith.constant 0 : i32
      %dma_wait3A_438 = tpu.memref_slice %arg2[%dma_wait3A_436, %dma_wait3A_437] : memref<10000x128xf32, #tpu.memory_space<hbm>> -> memref<10000x128xf32, #tpu.memory_space<hbm>>
      tpu.wait_indirect_dma semaphore(%arg11 : memref<!tpu.dma_semaphore, #tpu.memory_space<semaphore_mem>>) src(%dma_wait3A_438 : memref<10000x128xf32, #tpu.memory_space<hbm>>) dst(%arg8 : memref<128x128xf32, #tpu.memory_space<vmem>>)
      %ge3A_439 = arith.constant 1 : i32
      %ge3A_440 = arith.cmpi sge, %add3A_431, %ge3A_439 : i32
      %convert_element_type3A_441 = arith.extui %ge3A_440 : i1 to i32
      %cond3A_442 = arith.constant 0 : i32
      %cond3A_443 = arith.cmpi ne, %convert_element_type3A_441, %cond3A_442 : i32
      scf.if %cond3A_443 {
        %sub3A = arith.constant 1 : i32
        %sub3A_544 = arith.subi %add3A_431, %sub3A : i32
        %dma_wait3A_545 = arith.constant 0 : i32
        %dma_wait3A_546 = tpu.memref_slice %arg5[%sub3A_544, %dma_wait3A_545] : memref<80x128xi32, #tpu.memory_space<vmem>> -> memref<1x128xi32, #tpu.memory_space<vmem>>
        %dma_wait3A_547 = tpu.memref_squeeze %dma_wait3A_546 : memref<1x128xi32, #tpu.memory_space<vmem>> -> memref<128xi32, #tpu.memory_space<vmem>>
        %dma_wait3A_548 = arith.constant 0 : i32
        %dma_wait3A_549 = arith.constant 0 : i32
        %dma_wait3A_550 = tpu.memref_slice %arg10[%dma_wait3A_548, %dma_wait3A_549] : memref<10240x128xf32, #tpu.memory_space<vmem_shared>> -> memref<10240x128xf32, #tpu.memory_space<vmem_shared>>
        tpu.wait_indirect_dma semaphore(%arg16 : memref<!tpu.dma_semaphore, #tpu.memory_space<semaphore_mem>>) src(%arg9 : memref<128x128xf32, #tpu.memory_space<vmem>>) dst(%dma_wait3A_550 : memref<10240x128xf32, #tpu.memory_space<vmem_shared>>)
      } else {
      }
      %dma_start3A_444 = arith.constant 5 : i32
      %dma_start3A_445 = arith.constant 0 : i32
      %dma_start3A_446 = tpu.memref_slice %arg7[%dma_start3A_444, %dma_start3A_445] : memref<8x128xi32, #tpu.memory_space<vmem>> -> memref<1x128xi32, #tpu.memory_space<vmem>>
      %dma_start3A_447 = tpu.memref_squeeze %dma_start3A_446 : memref<1x128xi32, #tpu.memory_space<vmem>> -> memref<128xi32, #tpu.memory_space<vmem>>
      %dma_start3A_448 = arith.constant 0 : i32
      %dma_start3A_449 = arith.constant 0 : i32
      %dma_start3A_450 = tpu.memref_slice %arg2[%dma_start3A_448, %dma_start3A_449] : memref<10000x128xf32, #tpu.memory_space<hbm>> -> memref<10000x128xf32, #tpu.memory_space<hbm>>
      tpu.enqueue_indirect_dma source(%dma_start3A_450 : memref<10000x128xf32, #tpu.memory_space<hbm>>) target(%arg9 : memref<128x128xf32, #tpu.memory_space<vmem>>) offsets(%dma_start3A_447 : memref<128xi32, #tpu.memory_space<vmem>>) semaphore(%arg12 : memref<!tpu.dma_semaphore, #tpu.memory_space<semaphore_mem>>)
      %dma_start3A_451 = arith.constant 0 : i32
      %dma_start3A_452 = tpu.memref_slice %arg5[%add3A_431, %dma_start3A_451] : memref<80x128xi32, #tpu.memory_space<vmem>> -> memref<1x128xi32, #tpu.memory_space<vmem>>
      %dma_start3A_453 = tpu.memref_squeeze %dma_start3A_452 : memref<1x128xi32, #tpu.memory_space<vmem>> -> memref<128xi32, #tpu.memory_space<vmem>>
      %dma_start3A_454 = arith.constant 0 : i32
      %dma_start3A_455 = arith.constant 0 : i32
      %dma_start3A_456 = tpu.memref_slice %arg10[%dma_start3A_454, %dma_start3A_455] : memref<10240x128xf32, #tpu.memory_space<vmem_shared>> -> memref<10240x128xf32, #tpu.memory_space<vmem_shared>>
      tpu.enqueue_indirect_dma source(%arg8 : memref<128x128xf32, #tpu.memory_space<vmem>>) target(%dma_start3A_456 : memref<10240x128xf32, #tpu.memory_space<vmem_shared>>) offsets(%dma_start3A_453 : memref<128xi32, #tpu.memory_space<vmem>>) semaphore(%arg15 : memref<!tpu.dma_semaphore, #tpu.memory_space<semaphore_mem>>) {add = true}
      %mul3A_457 = arith.constant 8 : i32
      %mul3A_458 = arith.muli %add3A_300, %mul3A_457 : i32
      %add3A_459 = arith.constant 5 : i32
      %add3A_460 = arith.addi %mul3A_458, %add3A_459 : i32
      %dma_wait3A_461 = arith.constant 5 : i32
      %dma_wait3A_462 = arith.constant 0 : i32
      %dma_wait3A_463 = tpu.memref_slice %arg7[%dma_wait3A_461, %dma_wait3A_462] : memref<8x128xi32, #tpu.memory_space<vmem>> -> memref<1x128xi32, #tpu.memory_space<vmem>>
      %dma_wait3A_464 = tpu.memref_squeeze %dma_wait3A_463 : memref<1x128xi32, #tpu.memory_space<vmem>> -> memref<128xi32, #tpu.memory_space<vmem>>
      %dma_wait3A_465 = arith.constant 0 : i32
      %dma_wait3A_466 = arith.constant 0 : i32
      %dma_wait3A_467 = tpu.memref_slice %arg2[%dma_wait3A_465, %dma_wait3A_466] : memref<10000x128xf32, #tpu.memory_space<hbm>> -> memref<10000x128xf32, #tpu.memory_space<hbm>>
      tpu.wait_indirect_dma semaphore(%arg12 : memref<!tpu.dma_semaphore, #tpu.memory_space<semaphore_mem>>) src(%dma_wait3A_467 : memref<10000x128xf32, #tpu.memory_space<hbm>>) dst(%arg9 : memref<128x128xf32, #tpu.memory_space<vmem>>)
      %ge3A_468 = arith.constant 1 : i32
      %ge3A_469 = arith.cmpi sge, %add3A_460, %ge3A_468 : i32
      %convert_element_type3A_470 = arith.extui %ge3A_469 : i1 to i32
      %cond3A_471 = arith.constant 0 : i32
      %cond3A_472 = arith.cmpi ne, %convert_element_type3A_470, %cond3A_471 : i32
      scf.if %cond3A_472 {
        %sub3A = arith.constant 1 : i32
        %sub3A_544 = arith.subi %add3A_460, %sub3A : i32
        %dma_wait3A_545 = arith.constant 0 : i32
        %dma_wait3A_546 = tpu.memref_slice %arg5[%sub3A_544, %dma_wait3A_545] : memref<80x128xi32, #tpu.memory_space<vmem>> -> memref<1x128xi32, #tpu.memory_space<vmem>>
        %dma_wait3A_547 = tpu.memref_squeeze %dma_wait3A_546 : memref<1x128xi32, #tpu.memory_space<vmem>> -> memref<128xi32, #tpu.memory_space<vmem>>
        %dma_wait3A_548 = arith.constant 0 : i32
        %dma_wait3A_549 = arith.constant 0 : i32
        %dma_wait3A_550 = tpu.memref_slice %arg10[%dma_wait3A_548, %dma_wait3A_549] : memref<10240x128xf32, #tpu.memory_space<vmem_shared>> -> memref<10240x128xf32, #tpu.memory_space<vmem_shared>>
        tpu.wait_indirect_dma semaphore(%arg15 : memref<!tpu.dma_semaphore, #tpu.memory_space<semaphore_mem>>) src(%arg8 : memref<128x128xf32, #tpu.memory_space<vmem>>) dst(%dma_wait3A_550 : memref<10240x128xf32, #tpu.memory_space<vmem_shared>>)
      } else {
      }
      %dma_start3A_473 = arith.constant 6 : i32
      %dma_start3A_474 = arith.constant 0 : i32
      %dma_start3A_475 = tpu.memref_slice %arg7[%dma_start3A_473, %dma_start3A_474] : memref<8x128xi32, #tpu.memory_space<vmem>> -> memref<1x128xi32, #tpu.memory_space<vmem>>
      %dma_start3A_476 = tpu.memref_squeeze %dma_start3A_475 : memref<1x128xi32, #tpu.memory_space<vmem>> -> memref<128xi32, #tpu.memory_space<vmem>>
      %dma_start3A_477 = arith.constant 0 : i32
      %dma_start3A_478 = arith.constant 0 : i32
      %dma_start3A_479 = tpu.memref_slice %arg2[%dma_start3A_477, %dma_start3A_478] : memref<10000x128xf32, #tpu.memory_space<hbm>> -> memref<10000x128xf32, #tpu.memory_space<hbm>>
      tpu.enqueue_indirect_dma source(%dma_start3A_479 : memref<10000x128xf32, #tpu.memory_space<hbm>>) target(%arg8 : memref<128x128xf32, #tpu.memory_space<vmem>>) offsets(%dma_start3A_476 : memref<128xi32, #tpu.memory_space<vmem>>) semaphore(%arg11 : memref<!tpu.dma_semaphore, #tpu.memory_space<semaphore_mem>>)
      %dma_start3A_480 = arith.constant 0 : i32
      %dma_start3A_481 = tpu.memref_slice %arg5[%add3A_460, %dma_start3A_480] : memref<80x128xi32, #tpu.memory_space<vmem>> -> memref<1x128xi32, #tpu.memory_space<vmem>>
      %dma_start3A_482 = tpu.memref_squeeze %dma_start3A_481 : memref<1x128xi32, #tpu.memory_space<vmem>> -> memref<128xi32, #tpu.memory_space<vmem>>
      %dma_start3A_483 = arith.constant 0 : i32
      %dma_start3A_484 = arith.constant 0 : i32
      %dma_start3A_485 = tpu.memref_slice %arg10[%dma_start3A_483, %dma_start3A_484] : memref<10240x128xf32, #tpu.memory_space<vmem_shared>> -> memref<10240x128xf32, #tpu.memory_space<vmem_shared>>
      tpu.enqueue_indirect_dma source(%arg9 : memref<128x128xf32, #tpu.memory_space<vmem>>) target(%dma_start3A_485 : memref<10240x128xf32, #tpu.memory_space<vmem_shared>>) offsets(%dma_start3A_482 : memref<128xi32, #tpu.memory_space<vmem>>) semaphore(%arg16 : memref<!tpu.dma_semaphore, #tpu.memory_space<semaphore_mem>>) {add = true}
      %mul3A_486 = arith.constant 8 : i32
      %mul3A_487 = arith.muli %add3A_300, %mul3A_486 : i32
      %add3A_488 = arith.constant 6 : i32
      %add3A_489 = arith.addi %mul3A_487, %add3A_488 : i32
      %dma_wait3A_490 = arith.constant 6 : i32
      %dma_wait3A_491 = arith.constant 0 : i32
      %dma_wait3A_492 = tpu.memref_slice %arg7[%dma_wait3A_490, %dma_wait3A_491] : memref<8x128xi32, #tpu.memory_space<vmem>> -> memref<1x128xi32, #tpu.memory_space<vmem>>
      %dma_wait3A_493 = tpu.memref_squeeze %dma_wait3A_492 : memref<1x128xi32, #tpu.memory_space<vmem>> -> memref<128xi32, #tpu.memory_space<vmem>>
      %dma_wait3A_494 = arith.constant 0 : i32
      %dma_wait3A_495 = arith.constant 0 : i32
      %dma_wait3A_496 = tpu.memref_slice %arg2[%dma_wait3A_494, %dma_wait3A_495] : memref<10000x128xf32, #tpu.memory_space<hbm>> -> memref<10000x128xf32, #tpu.memory_space<hbm>>
      tpu.wait_indirect_dma semaphore(%arg11 : memref<!tpu.dma_semaphore, #tpu.memory_space<semaphore_mem>>) src(%dma_wait3A_496 : memref<10000x128xf32, #tpu.memory_space<hbm>>) dst(%arg8 : memref<128x128xf32, #tpu.memory_space<vmem>>)
      %ge3A_497 = arith.constant 1 : i32
      %ge3A_498 = arith.cmpi sge, %add3A_489, %ge3A_497 : i32
      %convert_element_type3A_499 = arith.extui %ge3A_498 : i1 to i32
      %cond3A_500 = arith.constant 0 : i32
      %cond3A_501 = arith.cmpi ne, %convert_element_type3A_499, %cond3A_500 : i32
      scf.if %cond3A_501 {
        %sub3A = arith.constant 1 : i32
        %sub3A_544 = arith.subi %add3A_489, %sub3A : i32
        %dma_wait3A_545 = arith.constant 0 : i32
        %dma_wait3A_546 = tpu.memref_slice %arg5[%sub3A_544, %dma_wait3A_545] : memref<80x128xi32, #tpu.memory_space<vmem>> -> memref<1x128xi32, #tpu.memory_space<vmem>>
        %dma_wait3A_547 = tpu.memref_squeeze %dma_wait3A_546 : memref<1x128xi32, #tpu.memory_space<vmem>> -> memref<128xi32, #tpu.memory_space<vmem>>
        %dma_wait3A_548 = arith.constant 0 : i32
        %dma_wait3A_549 = arith.constant 0 : i32
        %dma_wait3A_550 = tpu.memref_slice %arg10[%dma_wait3A_548, %dma_wait3A_549] : memref<10240x128xf32, #tpu.memory_space<vmem_shared>> -> memref<10240x128xf32, #tpu.memory_space<vmem_shared>>
        tpu.wait_indirect_dma semaphore(%arg16 : memref<!tpu.dma_semaphore, #tpu.memory_space<semaphore_mem>>) src(%arg9 : memref<128x128xf32, #tpu.memory_space<vmem>>) dst(%dma_wait3A_550 : memref<10240x128xf32, #tpu.memory_space<vmem_shared>>)
      } else {
      }
      %dma_start3A_502 = arith.constant 7 : i32
      %dma_start3A_503 = arith.constant 0 : i32
      %dma_start3A_504 = tpu.memref_slice %arg7[%dma_start3A_502, %dma_start3A_503] : memref<8x128xi32, #tpu.memory_space<vmem>> -> memref<1x128xi32, #tpu.memory_space<vmem>>
      %dma_start3A_505 = tpu.memref_squeeze %dma_start3A_504 : memref<1x128xi32, #tpu.memory_space<vmem>> -> memref<128xi32, #tpu.memory_space<vmem>>
      %dma_start3A_506 = arith.constant 0 : i32
      %dma_start3A_507 = arith.constant 0 : i32
      %dma_start3A_508 = tpu.memref_slice %arg2[%dma_start3A_506, %dma_start3A_507] : memref<10000x128xf32, #tpu.memory_space<hbm>> -> memref<10000x128xf32, #tpu.memory_space<hbm>>
      tpu.enqueue_indirect_dma source(%dma_start3A_508 : memref<10000x128xf32, #tpu.memory_space<hbm>>) target(%arg9 : memref<128x128xf32, #tpu.memory_space<vmem>>) offsets(%dma_start3A_505 : memref<128xi32, #tpu.memory_space<vmem>>) semaphore(%arg12 : memref<!tpu.dma_semaphore, #tpu.memory_space<semaphore_mem>>)
      %dma_start3A_509 = arith.constant 0 : i32
      %dma_start3A_510 = tpu.memref_slice %arg5[%add3A_489, %dma_start3A_509] : memref<80x128xi32, #tpu.memory_space<vmem>> -> memref<1x128xi32, #tpu.memory_space<vmem>>
      %dma_start3A_511 = tpu.memref_squeeze %dma_start3A_510 : memref<1x128xi32, #tpu.memory_space<vmem>> -> memref<128xi32, #tpu.memory_space<vmem>>
      %dma_start3A_512 = arith.constant 0 : i32
      %dma_start3A_513 = arith.constant 0 : i32
      %dma_start3A_514 = tpu.memref_slice %arg10[%dma_start3A_512, %dma_start3A_513] : memref<10240x128xf32, #tpu.memory_space<vmem_shared>> -> memref<10240x128xf32, #tpu.memory_space<vmem_shared>>
      tpu.enqueue_indirect_dma source(%arg8 : memref<128x128xf32, #tpu.memory_space<vmem>>) target(%dma_start3A_514 : memref<10240x128xf32, #tpu.memory_space<vmem_shared>>) offsets(%dma_start3A_511 : memref<128xi32, #tpu.memory_space<vmem>>) semaphore(%arg15 : memref<!tpu.dma_semaphore, #tpu.memory_space<semaphore_mem>>) {add = true}
      %mul3A_515 = arith.constant 8 : i32
      %mul3A_516 = arith.muli %add3A_300, %mul3A_515 : i32
      %add3A_517 = arith.constant 7 : i32
      %add3A_518 = arith.addi %mul3A_516, %add3A_517 : i32
      %dma_wait3A_519 = arith.constant 7 : i32
      %dma_wait3A_520 = arith.constant 0 : i32
      %dma_wait3A_521 = tpu.memref_slice %arg7[%dma_wait3A_519, %dma_wait3A_520] : memref<8x128xi32, #tpu.memory_space<vmem>> -> memref<1x128xi32, #tpu.memory_space<vmem>>
      %dma_wait3A_522 = tpu.memref_squeeze %dma_wait3A_521 : memref<1x128xi32, #tpu.memory_space<vmem>> -> memref<128xi32, #tpu.memory_space<vmem>>
      %dma_wait3A_523 = arith.constant 0 : i32
      %dma_wait3A_524 = arith.constant 0 : i32
      %dma_wait3A_525 = tpu.memref_slice %arg2[%dma_wait3A_523, %dma_wait3A_524] : memref<10000x128xf32, #tpu.memory_space<hbm>> -> memref<10000x128xf32, #tpu.memory_space<hbm>>
      tpu.wait_indirect_dma semaphore(%arg12 : memref<!tpu.dma_semaphore, #tpu.memory_space<semaphore_mem>>) src(%dma_wait3A_525 : memref<10000x128xf32, #tpu.memory_space<hbm>>) dst(%arg9 : memref<128x128xf32, #tpu.memory_space<vmem>>)
      %ge3A_526 = arith.constant 1 : i32
      %ge3A_527 = arith.cmpi sge, %add3A_518, %ge3A_526 : i32
      %convert_element_type3A_528 = arith.extui %ge3A_527 : i1 to i32
      %cond3A_529 = arith.constant 0 : i32
      %cond3A_530 = arith.cmpi ne, %convert_element_type3A_528, %cond3A_529 : i32
      scf.if %cond3A_530 {
        %sub3A = arith.constant 1 : i32
        %sub3A_544 = arith.subi %add3A_518, %sub3A : i32
        %dma_wait3A_545 = arith.constant 0 : i32
        %dma_wait3A_546 = tpu.memref_slice %arg5[%sub3A_544, %dma_wait3A_545] : memref<80x128xi32, #tpu.memory_space<vmem>> -> memref<1x128xi32, #tpu.memory_space<vmem>>
        %dma_wait3A_547 = tpu.memref_squeeze %dma_wait3A_546 : memref<1x128xi32, #tpu.memory_space<vmem>> -> memref<128xi32, #tpu.memory_space<vmem>>
        %dma_wait3A_548 = arith.constant 0 : i32
        %dma_wait3A_549 = arith.constant 0 : i32
        %dma_wait3A_550 = tpu.memref_slice %arg10[%dma_wait3A_548, %dma_wait3A_549] : memref<10240x128xf32, #tpu.memory_space<vmem_shared>> -> memref<10240x128xf32, #tpu.memory_space<vmem_shared>>
        tpu.wait_indirect_dma semaphore(%arg15 : memref<!tpu.dma_semaphore, #tpu.memory_space<semaphore_mem>>) src(%arg8 : memref<128x128xf32, #tpu.memory_space<vmem>>) dst(%dma_wait3A_550 : memref<10240x128xf32, #tpu.memory_space<vmem_shared>>)
      } else {
      }
      %lt3A_531 = arith.constant 9 : i32
      %lt3A_532 = arith.cmpi slt, %add3A_300, %lt3A_531 : i32
      %convert_element_type3A_533 = arith.extui %lt3A_532 : i1 to i32
      %cond3A_534 = arith.constant 0 : i32
      %cond3A_535 = arith.constant 0 : i32
      %cond3A_536 = arith.cmpi ne, %convert_element_type3A_533, %cond3A_535 : i32
      scf.if %cond3A_536 {
        %dma_wait3A_544 = arith.constant 0 : i32
        %dma_wait3A_545 = tpu.memref_slice %arg3[%cond3A_534, %add3A_305, %dma_wait3A_544] : memref<2x2560x128xi32, #tpu.memory_space<hbm>> -> memref<1x8x128xi32, #tpu.memory_space<hbm>>
        %dma_wait3A_546 = tpu.memref_squeeze %dma_wait3A_545 : memref<1x8x128xi32, #tpu.memory_space<hbm>> -> memref<8x128xi32, #tpu.memory_space<hbm>>
        %dma_wait3A_547 = arith.constant 0 : i32
        %dma_wait3A_548 = tpu.memref_slice %arg3[%cond3A_534, %add3A_305, %dma_wait3A_547] : memref<2x2560x128xi32, #tpu.memory_space<hbm>> -> memref<1x8x128xi32, #tpu.memory_space<hbm>>
        %dma_wait3A_549 = tpu.memref_squeeze %dma_wait3A_548 : memref<1x8x128xi32, #tpu.memory_space<hbm>> -> memref<8x128xi32, #tpu.memory_space<hbm>>
        tpu.wait_dma2 semaphore(%arg13 : memref<!tpu.dma_semaphore, #tpu.memory_space<semaphore_mem>>) src(%dma_wait3A_549 : memref<8x128xi32, #tpu.memory_space<hbm>>) dst(%arg6 : memref<8x128xi32, #tpu.memory_space<vmem>>)
        %dma_start3A_550 = arith.constant 0 : i32
        %dma_start3A_551 = arith.constant 0 : i32
        %dma_start3A_552 = tpu.memref_slice %arg6[%dma_start3A_550, %dma_start3A_551] : memref<8x128xi32, #tpu.memory_space<vmem>> -> memref<1x128xi32, #tpu.memory_space<vmem>>
        %dma_start3A_553 = tpu.memref_squeeze %dma_start3A_552 : memref<1x128xi32, #tpu.memory_space<vmem>> -> memref<128xi32, #tpu.memory_space<vmem>>
        %dma_start3A_554 = arith.constant 0 : i32
        %dma_start3A_555 = arith.constant 0 : i32
        %dma_start3A_556 = tpu.memref_slice %arg2[%dma_start3A_554, %dma_start3A_555] : memref<10000x128xf32, #tpu.memory_space<hbm>> -> memref<10000x128xf32, #tpu.memory_space<hbm>>
        tpu.enqueue_indirect_dma source(%dma_start3A_556 : memref<10000x128xf32, #tpu.memory_space<hbm>>) target(%arg8 : memref<128x128xf32, #tpu.memory_space<vmem>>) offsets(%dma_start3A_553 : memref<128xi32, #tpu.memory_space<vmem>>) semaphore(%arg11 : memref<!tpu.dma_semaphore, #tpu.memory_space<semaphore_mem>>)
      } else {
      }
      %dma_start3A_537 = arith.constant 0 : i32
      %dma_start3A_538 = tpu.memref_slice %arg5[%add3A_518, %dma_start3A_537] : memref<80x128xi32, #tpu.memory_space<vmem>> -> memref<1x128xi32, #tpu.memory_space<vmem>>
      %dma_start3A_539 = tpu.memref_squeeze %dma_start3A_538 : memref<1x128xi32, #tpu.memory_space<vmem>> -> memref<128xi32, #tpu.memory_space<vmem>>
      %dma_start3A_540 = arith.constant 0 : i32
      %dma_start3A_541 = arith.constant 0 : i32
      %dma_start3A_542 = tpu.memref_slice %arg10[%dma_start3A_540, %dma_start3A_541] : memref<10240x128xf32, #tpu.memory_space<vmem_shared>> -> memref<10240x128xf32, #tpu.memory_space<vmem_shared>>
      tpu.enqueue_indirect_dma source(%arg9 : memref<128x128xf32, #tpu.memory_space<vmem>>) target(%dma_start3A_542 : memref<10240x128xf32, #tpu.memory_space<vmem_shared>>) offsets(%dma_start3A_539 : memref<128xi32, #tpu.memory_space<vmem>>) semaphore(%arg16 : memref<!tpu.dma_semaphore, #tpu.memory_space<semaphore_mem>>) {add = true}
      %scan3A_543 = arith.constant 0 : i32
      scf.yield %scan3A_543 : i32
    }
    %scan3A_43 = arith.constant 5 : i32
    %dma_wait3A = arith.constant 79 : i32
    %dma_wait3A_44 = arith.constant 0 : i32
    %dma_wait3A_45 = tpu.memref_slice %arg5[%dma_wait3A, %dma_wait3A_44] : memref<80x128xi32, #tpu.memory_space<vmem>> -> memref<1x128xi32, #tpu.memory_space<vmem>>
    %dma_wait3A_46 = tpu.memref_squeeze %dma_wait3A_45 : memref<1x128xi32, #tpu.memory_space<vmem>> -> memref<128xi32, #tpu.memory_space<vmem>>
    %dma_wait3A_47 = arith.constant 0 : i32
    %dma_wait3A_48 = arith.constant 0 : i32
    %dma_wait3A_49 = tpu.memref_slice %arg10[%dma_wait3A_47, %dma_wait3A_48] : memref<10240x128xf32, #tpu.memory_space<vmem_shared>> -> memref<10240x128xf32, #tpu.memory_space<vmem_shared>>
    tpu.wait_indirect_dma semaphore(%arg16 : memref<!tpu.dma_semaphore, #tpu.memory_space<semaphore_mem>>) src(%arg9 : memref<128x128xf32, #tpu.memory_space<vmem>>) dst(%dma_wait3A_49 : memref<10240x128xf32, #tpu.memory_space<vmem_shared>>)
    %barrier3A_50 = arith.constant 0 : index
    tpu.barrier barrier_id(%barrier3A_50)
    %mul3A_51 = arith.constant 640 : i32
    %mul3A_52 = arith.muli %arg1, %mul3A_51 : i32
    %mul3A_53 = arith.constant 640 : i32
    %mul3A_54 = arith.muli %arg1, %mul3A_53 : i32
    "tpu.region"() ({
      %run_scoped3A_55 = tpu.sem_alloc : memref<!tpu.dma_semaphore, #tpu.memory_space<semaphore_mem>>
      %dma_start3A_56 = arith.constant 0 : i32
      %dma_start3A_57 = tpu.memref_slice %arg4[%arg0, %mul3A_54, %dma_start3A_56] : memref<2x10240x128xf32, #tpu.memory_space<hbm>> -> memref<1x640x128xf32, #tpu.memory_space<hbm>>
      %dma_start3A_58 = tpu.memref_squeeze %dma_start3A_57 : memref<1x640x128xf32, #tpu.memory_space<hbm>> -> memref<640x128xf32, #tpu.memory_space<hbm>>
      %dma_start3A_59 = arith.constant 0 : i32
      %dma_start3A_60 = tpu.memref_slice %arg10[%mul3A_52, %dma_start3A_59] : memref<10240x128xf32, #tpu.memory_space<vmem_shared>> -> memref<640x128xf32, #tpu.memory_space<vmem_shared>>
      tpu.enqueue_dma source(%dma_start3A_60 : memref<640x128xf32, #tpu.memory_space<vmem_shared>>) target(%dma_start3A_58 : memref<640x128xf32, #tpu.memory_space<hbm>>) target_semaphore(%run_scoped3A_55 : memref<!tpu.dma_semaphore, #tpu.memory_space<semaphore_mem>>)
      %dma_wait3A_61 = arith.constant 0 : i32
      %dma_wait3A_62 = tpu.memref_slice %arg4[%arg0, %mul3A_54, %dma_wait3A_61] : memref<2x10240x128xf32, #tpu.memory_space<hbm>> -> memref<1x640x128xf32, #tpu.memory_space<hbm>>
      %dma_wait3A_63 = tpu.memref_squeeze %dma_wait3A_62 : memref<1x640x128xf32, #tpu.memory_space<hbm>> -> memref<640x128xf32, #tpu.memory_space<hbm>>
      %dma_wait3A_64 = arith.constant 0 : i32
      %dma_wait3A_65 = tpu.memref_slice %arg10[%mul3A_52, %dma_wait3A_64] : memref<10240x128xf32, #tpu.memory_space<vmem_shared>> -> memref<640x128xf32, #tpu.memory_space<vmem_shared>>
      tpu.wait_dma2 semaphore(%run_scoped3A_55 : memref<!tpu.dma_semaphore, #tpu.memory_space<semaphore_mem>>) src(%dma_wait3A_65 : memref<640x128xf32, #tpu.memory_space<vmem_shared>>) dst(%dma_wait3A_63 : memref<640x128xf32, #tpu.memory_space<hbm>>)
      tpu.yield
    }) : () -> ()
    return
  }
}

module attributes {stable_mosaic.version = 14 : i64} {
  func.func @_tc0_body(%arg0: memref<10000x128xf32, #tpu.memory_space<vmem>>, %arg1: memref<128x128xf32, #tpu.memory_space<vmem>>, %arg2: memref<10000x128xf32, #tpu.memory_space<vmem>>) attributes {dimension_semantics = [], scalar_prefetch = 0 : i64, scratch_operands = 0 : i64, tpu.core_type = #tpu.core_type<tc>} {
    %get3A = arith.constant 0 : index
    %get3A_0 = arith.constant 0 : index
    %get3A_1 = vector.load %arg0[%get3A, %get3A_0] : memref<10000x128xf32, #tpu.memory_space<vmem>>, vector<10000x128xf32>
    %get3A_2 = arith.constant 0 : index
    %get3A_3 = arith.constant 0 : index
    %get3A_4 = vector.load %arg1[%get3A_2, %get3A_3] : memref<128x128xf32, #tpu.memory_space<vmem>>, vector<128x128xf32>
    %dot_general3A = arith.constant dense<0.000000e+00> : vector<10000x128xf32>
    %dot_general3A_5 = tpu.matmul %get3A_1, %get3A_4, %dot_general3A {dimension_numbers = #tpu.dot_dimension_numbers<[1], [0], [0], [1], [0, 0, 1, 1], [], []>, transpose_lhs_hint = false} : vector<10000x128xf32>, vector<128x128xf32>, vector<10000x128xf32> -> vector<10000x128xf32>
    %swap3A = arith.constant 0 : index
    %swap3A_6 = arith.constant 0 : index
    %swap3A_7 = vector.load %arg2[%swap3A, %swap3A_6] : memref<10000x128xf32, #tpu.memory_space<vmem>>, vector<10000x128xf32>
    tpu.vector_store %arg2[%swap3A, %swap3A_6], %dot_general3A_5 {strides = array<i32>} : memref<10000x128xf32, #tpu.memory_space<vmem>>, vector<10000x128xf32>,
    return
  }
}

module attributes {stable_mosaic.version = 14 : i64} {
  func.func @_tc1_body(%arg0: memref<2x10240xf32, #tpu.memory_space<vmem>>, %arg1: memref<10000x128xf32, #tpu.memory_space<vmem>>, %arg2: memref<10000x1xf32, #tpu.memory_space<vmem>>, %arg3: memref<10000x128xf32, #tpu.memory_space<vmem>>) attributes {dimension_semantics = [], scalar_prefetch = 0 : i64, scratch_operands = 0 : i64, tpu.core_type = #tpu.core_type<tc>} {
    %get3A = arith.constant 0 : index
    %get3A_0 = arith.constant 0 : index
    %get3A_1 = vector.load %arg0[%get3A, %get3A_0] : memref<2x10240xf32, #tpu.memory_space<vmem>>, vector<2x10240xf32>
    %slice3A = vector.extract_strided_slice %get3A_1 {offsets = [0, 0], sizes = [1, 10000], strides = [1, 1]} : vector<2x10240xf32> to vector<1x10000xf32>
    %squeeze3A = vector.shape_cast %slice3A : vector<1x10000xf32> to vector<10000xf32>
    %slice3A_2 = vector.extract_strided_slice %get3A_1 {offsets = [1, 0], sizes = [1, 10000], strides = [1, 1]} : vector<2x10240xf32> to vector<1x10000xf32>
    %squeeze3A_3 = vector.shape_cast %slice3A_2 : vector<1x10000xf32> to vector<10000xf32>
    %add3A = arith.addf %squeeze3A, %squeeze3A_3 : vector<10000xf32>
    %add3A_4 = arith.constant 1.000000e+00 : f32
    %add3A_5 = vector.broadcast %add3A_4 : f32 to vector<10000xf32>
    %add3A_6 = arith.addf %add3A, %add3A_5 : vector<10000xf32>
    %rsqrt3A = math.rsqrt %add3A_6 : vector<10000xf32>
    %broadcast_in_dim3A = vector.shape_cast %rsqrt3A : vector<10000xf32> to vector<10000x1xf32>
    %swap3A = arith.constant 0 : index
    %swap3A_7 = arith.constant 0 : index
    %swap3A_8 = vector.load %arg2[%swap3A, %swap3A_7] : memref<10000x1xf32, #tpu.memory_space<vmem>>, vector<10000x1xf32>
    tpu.vector_store %arg2[%swap3A, %swap3A_7], %broadcast_in_dim3A {strides = array<i32>} : memref<10000x1xf32, #tpu.memory_space<vmem>>, vector<10000x1xf32>,
    %get3A_9 = arith.constant 0 : index
    %get3A_10 = arith.constant 0 : index
    %get3A_11 = vector.load %arg1[%get3A_9, %get3A_10] : memref<10000x128xf32, #tpu.memory_space<vmem>>, vector<10000x128xf32>
    %mul3A = vector.broadcast %broadcast_in_dim3A : vector<10000x1xf32> to vector<10000x128xf32>
    %mul3A_12 = arith.mulf %mul3A, %get3A_11 : vector<10000x128xf32>
    %swap3A_13 = arith.constant 0 : index
    %swap3A_14 = arith.constant 0 : index
    %swap3A_15 = vector.load %arg3[%swap3A_13, %swap3A_14] : memref<10000x128xf32, #tpu.memory_space<vmem>>, vector<10000x128xf32>
    tpu.vector_store %arg3[%swap3A_13, %swap3A_14], %mul3A_12 {strides = array<i32>} : memref<10000x128xf32, #tpu.memory_space<vmem>>, vector<10000x128xf32>,
    return
  }
}

module attributes {stable_mosaic.version = 14 : i64} {
  func.func @_tc2_body(%arg0: memref<2x10240x128xf32, #tpu.memory_space<vmem>>, %arg1: memref<10000x128xf32, #tpu.memory_space<vmem>>, %arg2: memref<10000x1xf32, #tpu.memory_space<vmem>>, %arg3: memref<128xf32, #tpu.memory_space<vmem>>, %arg4: memref<128x128xf32, #tpu.memory_space<vmem>>, %arg5: memref<10000x128xf32, #tpu.memory_space<vmem>>) attributes {dimension_semantics = [], scalar_prefetch = 0 : i64, scratch_operands = 0 : i64, tpu.core_type = #tpu.core_type<tc>} {
    %get3A = arith.constant 0 : index
    %get3A_0 = arith.constant 0 : index
    %get3A_1 = vector.load %arg2[%get3A, %get3A_0] : memref<10000x1xf32, #tpu.memory_space<vmem>>, vector<10000x1xf32>
    %get3A_2 = arith.constant 0 : index
    %get3A_3 = arith.constant 0 : index
    %get3A_4 = arith.constant 0 : index
    %get3A_5 = vector.load %arg0[%get3A_2, %get3A_3, %get3A_4] : memref<2x10240x128xf32, #tpu.memory_space<vmem>>, vector<1x10000x128xf32>
    %get3A_6 = vector.shape_cast %get3A_5 : vector<1x10000x128xf32> to vector<10000x128xf32>
    %get3A_7 = arith.constant 1 : index
    %get3A_8 = arith.constant 0 : index
    %get3A_9 = arith.constant 0 : index
    %get3A_10 = vector.load %arg0[%get3A_7, %get3A_8, %get3A_9] : memref<2x10240x128xf32, #tpu.memory_space<vmem>>, vector<1x10000x128xf32>
    %get3A_11 = vector.shape_cast %get3A_10 : vector<1x10000x128xf32> to vector<10000x128xf32>
    %add3A = arith.addf %get3A_6, %get3A_11 : vector<10000x128xf32>
    %get3A_12 = arith.constant 0 : index
    %get3A_13 = arith.constant 0 : index
    %get3A_14 = vector.load %arg1[%get3A_12, %get3A_13] : memref<10000x128xf32, #tpu.memory_space<vmem>>, vector<10000x128xf32>
    %add3A_15 = arith.addf %add3A, %get3A_14 : vector<10000x128xf32>
    %mul3A = vector.broadcast %get3A_1 : vector<10000x1xf32> to vector<10000x128xf32>
    %mul3A_16 = arith.mulf %mul3A, %add3A_15 : vector<10000x128xf32>
    %get3A_17 = arith.constant 0 : index
    %get3A_18 = vector.load %arg3[%get3A_17] : memref<128xf32, #tpu.memory_space<vmem>>, vector<128xf32>
    %broadcast_in_dim3A = vector.shape_cast %get3A_18 : vector<128xf32> to vector<1x128xf32>
    %add3A_19 = vector.broadcast %broadcast_in_dim3A : vector<1x128xf32> to vector<10000x128xf32>
    %add3A_20 = arith.addf %mul3A_16, %add3A_19 : vector<10000x128xf32>
    %max3A = arith.constant 0.000000e+00 : f32
    %max3A_21 = vector.broadcast %max3A : f32 to vector<10000x128xf32>
    %max3A_22 = arith.maximumf %add3A_20, %max3A_21 : vector<10000x128xf32>
    %get3A_23 = arith.constant 0 : index
    %get3A_24 = arith.constant 0 : index
    %get3A_25 = vector.load %arg4[%get3A_23, %get3A_24] : memref<128x128xf32, #tpu.memory_space<vmem>>, vector<128x128xf32>
    %dot_general3A = arith.constant dense<0.000000e+00> : vector<10000x128xf32>
    %dot_general3A_26 = tpu.matmul %max3A_22, %get3A_25, %dot_general3A {dimension_numbers = #tpu.dot_dimension_numbers<[1], [0], [0], [1], [0, 0, 1, 1], [], []>, transpose_lhs_hint = false} : vector<10000x128xf32>, vector<128x128xf32>, vector<10000x128xf32> -> vector<10000x128xf32>
    %mul3A_27 = vector.broadcast %get3A_1 : vector<10000x1xf32> to vector<10000x128xf32>
    %mul3A_28 = arith.mulf %mul3A_27, %dot_general3A_26 : vector<10000x128xf32>
    %swap3A = arith.constant 0 : index
    %swap3A_29 = arith.constant 0 : index
    %swap3A_30 = vector.load %arg5[%swap3A, %swap3A_29] : memref<10000x128xf32, #tpu.memory_space<vmem>>, vector<10000x128xf32>
    tpu.vector_store %arg5[%swap3A, %swap3A_29], %mul3A_28 {strides = array<i32>} : memref<10000x128xf32, #tpu.memory_space<vmem>>, vector<10000x128xf32>,
    return
  }
}

module attributes {stable_mosaic.version = 14 : i64} {
  func.func @_tc3_body(%arg0: memref<2x10240x128xf32, #tpu.memory_space<vmem>>, %arg1: memref<10000x128xf32, #tpu.memory_space<vmem>>, %arg2: memref<10000x1xf32, #tpu.memory_space<vmem>>, %arg3: memref<128xf32, #tpu.memory_space<vmem>>, %arg4: memref<10000x128xf32, #tpu.memory_space<vmem>>) attributes {dimension_semantics = [], scalar_prefetch = 0 : i64, scratch_operands = 0 : i64, tpu.core_type = #tpu.core_type<tc>} {
    %get3A = arith.constant 0 : index
    %get3A_0 = arith.constant 0 : index
    %get3A_1 = vector.load %arg2[%get3A, %get3A_0] : memref<10000x1xf32, #tpu.memory_space<vmem>>, vector<10000x1xf32>
    %get3A_2 = arith.constant 0 : index
    %get3A_3 = arith.constant 0 : index
    %get3A_4 = arith.constant 0 : index
    %get3A_5 = vector.load %arg0[%get3A_2, %get3A_3, %get3A_4] : memref<2x10240x128xf32, #tpu.memory_space<vmem>>, vector<1x10000x128xf32>
    %get3A_6 = vector.shape_cast %get3A_5 : vector<1x10000x128xf32> to vector<10000x128xf32>
    %get3A_7 = arith.constant 1 : index
    %get3A_8 = arith.constant 0 : index
    %get3A_9 = arith.constant 0 : index
    %get3A_10 = vector.load %arg0[%get3A_7, %get3A_8, %get3A_9] : memref<2x10240x128xf32, #tpu.memory_space<vmem>>, vector<1x10000x128xf32>
    %get3A_11 = vector.shape_cast %get3A_10 : vector<1x10000x128xf32> to vector<10000x128xf32>
    %add3A = arith.addf %get3A_6, %get3A_11 : vector<10000x128xf32>
    %get3A_12 = arith.constant 0 : index
    %get3A_13 = arith.constant 0 : index
    %get3A_14 = vector.load %arg1[%get3A_12, %get3A_13] : memref<10000x128xf32, #tpu.memory_space<vmem>>, vector<10000x128xf32>
    %add3A_15 = arith.addf %add3A, %get3A_14 : vector<10000x128xf32>
    %mul3A = vector.broadcast %get3A_1 : vector<10000x1xf32> to vector<10000x128xf32>
    %mul3A_16 = arith.mulf %mul3A, %add3A_15 : vector<10000x128xf32>
    %get3A_17 = arith.constant 0 : index
    %get3A_18 = vector.load %arg3[%get3A_17] : memref<128xf32, #tpu.memory_space<vmem>>, vector<128xf32>
    %broadcast_in_dim3A = vector.shape_cast %get3A_18 : vector<128xf32> to vector<1x128xf32>
    %add3A_19 = vector.broadcast %broadcast_in_dim3A : vector<1x128xf32> to vector<10000x128xf32>
    %add3A_20 = arith.addf %mul3A_16, %add3A_19 : vector<10000x128xf32>
    %swap3A = arith.constant 0 : index
    %swap3A_21 = arith.constant 0 : index
    %swap3A_22 = vector.load %arg4[%swap3A, %swap3A_21] : memref<10000x128xf32, #tpu.memory_space<vmem>>, vector<10000x128xf32>
    tpu.vector_store %arg4[%swap3A, %swap3A_21], %add3A_20 {strides = array<i32>} : memref<10000x128xf32, #tpu.memory_space<vmem>>, vector<10000x128xf32>,
    return
  }
}

</mosaic_0001>

<sc_bundles>
// kernel: kernel.12.cloned.1.call-start
scs
__scs_entry_jumppad:
0x0: {  	(pc) =	sbr.rel $0x88, $3  }
0x1: {  	(tag) =	ssettag $0x0;
	lr =	simm.s32 $0x1  }
0x2: {  	[smem:$0x3F9B] =	sst lr;
	_ =	strace $0xD0000000  }
0x3: {  	_ = 	snop  }
0x4: {  	_ = 	snop  }
0x5: {  	_ = 	snop  }
0x6: {  	_ = 	snop  }
0x7: {  	_ = 	snop  }
__scs_overlays_trampoline_lowered:
0x8: {  	[smem:$0x3FAA] =	sst s0  }
0x9: {  	[smem:$0x3FAB] =	sst s1  }
0xa: {  	[smem:$0x3FAC] =	sst s2  }
0xb: {  	[smem:$0x3FAD] =	sst s3  }
0xc: {  	[smem:$0x3FAE] =	sst s4  }
0xd: {  	[smem:$0x3FAF] =	sst s5  }
0xe: {  	[smem:$0x3FB0] =	sst s6  }
0xf: {  	[smem:$0x3FB1] =	sst s7  }
0x10: {  	[smem:$0x3FB2] =	sst s8  }
0x11: {  	[smem:$0x3FB3] =	sst s9;
	s0 =	simm.s32 @!p0 $0x0  }
0x12: {  	s1 =	sld [smem:$0x3F99];
	s0 =	simm.s32 @p0 $0x1  }
0x13: {  	[smem:$0x3FB4] =	sst s0;
	s0 =	simm.s32 @!p1 $0x0  }
0x14: {  	s2 =	sld [smem:$0x3F98];
	s0 =	simm.s32 @p1 $0x1  }
0x15: {  	[smem:$0x3FB5] =	sst s0;
	s0 =	simm.s32 @!p2 $0x0  }
0x16: {  	s3 =	sld [smem:$0x3FDB];
	s0 =	simm.s32 @p2 $0x1  }
0x17: {  	s4 =	simm.s32 $0x1BF5;
	[smem:$0x3FB7] =	sst s0  }
0x18: {  	s0 =	sld [smem:$0x3F9A];
	_ =	swait.ge [sflag:s4], $0x0  }
0x19: {  	s7 =	sld [smem:$0x3F9B]  }
0x1a: {  	s8 =	sadd.s32 $0xFFFFE003, lr  }
0x1b: {  	s9 =	sadd.s32 $0xFFFFFEF7, lr;
	s5 =	simm.s32 $0xFFFFFFFF;
	p2 =	slt.u32 s8, $0xFFFFF086  }
0x1c: {  	p1 =	slt.u32 s9, $0xF7A;
	s5 =	simm.s32 @!p2 $0x0  }
0x1d: {  	s5 =	simm.s32 @p1 $0x1;
	p0 =	seq.s32 s7, s2  }
0x1e: {  	s7 =	smul.u32 @!p0 $0xF7A, s2;
	p2 =	seq.s32 @!p0 s5, $0x0  }
0x1f: {  	s9 =	smul.u32 $0xF7A, s1;
	s8 =	simm.s32 @!p0 $0x1BF5;
	p2 =	por !p2, p0  }
0x20: {  	[sflag:s8] =	ssyncset.s32 @!p0 $0xFFFFF086;
	s6 =	sadd.s32 @!p0 s3, s7;
	s7 =	simm.s32 @!p0 $0x108  }
0x21: {  	s3 =	sadd.s32 s3, s9;
	s6 =	sadd.s32 @!p0 $0x88, s6;
	s7 =	simm.s32 @p2 $0x1082  }
0x22: {  	[simem:s7], [sflag:s8] =	dma.local @!p0 [hbm:s6], $0xF7A  }
0x23: {  	s9 =	sor.u32 $0xD0000000, s2;
	s6 =	simm.s32 $0x108;
	_ =	swait.ge @!p0 [sflag:s8], $0x0  }
0x24: {  	s3 =	sadd.s32 $0x88, s3;
	s6 =	simm.s32 @!p1 $0x1082;
	[sflag:s4] =	ssyncset.s32 $0xFFFFF086  }
0x25: {  	[simem:s6], [sflag:s4] =	dma.local [hbm:s3], $0xF7A  }
0x26: {  	[smem:$0x3F9B] =	sst s1;
	(tag) =	ssettag s2;
	_ =	strace s9  }
0x27: {  	s1 =	sld [smem:$0x3FAB]  }
0x28: {  	s2 =	sld [smem:$0x3FAC]  }
0x29: {  	s4 =	sld [smem:$0x3FAE]  }
0x2a: {  	p0 =	seq.s32 s5, $0x0;
	s5 =	sld [smem:$0x3FAF]  }
0x2b: {  	s6 =	sld [smem:$0x3FB0]  }
0x2c: {  	s7 =	sld [smem:$0x3FB1]  }
0x2d: {  	s3 =	simm.s32 $0x108;
	s8 =	sld [smem:$0x3FB2]  }
0x2e: {  	s3 =	simm.s32 @!p0 $0x1082;
	s9 =	sld [smem:$0x3FB3]  }
0x2f: {  	lr =	sadd.s32 s0, s3;
	s0 =	sld [smem:$0x3FAA]  }
0x30: {  	s3 =	sld [smem:$0x3FAD]  }
0x31: {  	[smem:$0x3FB6] =	sst s10  }
0x32: {  	s10 =	sld [smem:$0x3FB4];
	_ =	sdelay $0x3  }
0x33: {  	p0 =	seq.s32 s10, $0x1;
	s10 =	sld [smem:$0x3FB6];
	_ =	sdelay $0x3  }
0x34: {  	[smem:$0x3FB6] =	sst s10  }
0x35: {  	s10 =	sld [smem:$0x3FB5];
	_ =	sdelay $0x3  }
0x36: {  	p1 =	seq.s32 s10, $0x1;
	s10 =	sld [smem:$0x3FB6];
	_ =	sdelay $0x3  }
0x37: {  	[smem:$0x3FB6] =	sst s10  }
0x38: {  	s10 =	sld [smem:$0x3FB7]  }
0x39: {  	_ = 	snop;
	(pc) =	sbr.ind lr, $3  }
0x3a: {  	_ = 	snop  }
0x3b: {  	_ = 	snop  }
0x3c: {  	p2 =	seq.s32 s10, $0x1;
	s10 =	sld [smem:$0x3FB6]  }
0x3d: {  	_ =	shalt  }
0x3e: {  	_ =	shalt  }
0x3f: {  	_ =	shalt  }
0x40: {  	_ =	shalt  }
0x41: {  	_ =	shalt  }
0x42: {  	_ =	shalt  }
0x43: {  	_ =	shalt  }
0x44: {  	_ =	shalt  }
0x45: {  	_ =	shalt  }
0x46: {  	_ =	shalt  }
0x47: {  	_ =	shalt  }
0x48: {  	_ =	shalt  }
0x49: {  	_ =	shalt  }
0x4a: {  	_ =	shalt  }
0x4b: {  	_ =	shalt  }
0x4c: {  	_ =	shalt  }
0x4d: {  	_ =	shalt  }
0x4e: {  	_ =	shalt  }
0x4f: {  	_ =	shalt  }
0x50: {  	_ =	shalt  }
0x51: {  	_ =	shalt  }
0x52: {  	_ =	shalt  }
0x53: {  	_ =	shalt  }
0x54: {  	_ =	shalt  }
0x55: {  	_ =	shalt  }
0x56: {  	_ =	shalt  }
0x57: {  	_ =	shalt  }
0x58: {  	_ =	shalt  }
0x59: {  	_ =	shalt  }
0x5a: {  	_ =	shalt  }
0x5b: {  	_ =	shalt  }
0x5c: {  	_ =	shalt  }
0x5d: {  	_ =	shalt  }
0x5e: {  	_ =	shalt  }
0x5f: {  	_ =	shalt  }
0x60: {  	_ =	shalt  }
0x61: {  	_ =	shalt  }
0x62: {  	_ =	shalt  }
0x63: {  	_ =	shalt  }
0x64: {  	_ =	shalt  }
0x65: {  	_ =	shalt  }
0x66: {  	_ =	shalt  }
0x67: {  	_ =	shalt  }
0x68: {  	_ =	shalt  }
0x69: {  	_ =	shalt  }
0x6a: {  	_ =	shalt  }
0x6b: {  	_ =	shalt  }
0x6c: {  	_ =	shalt  }
0x6d: {  	_ =	shalt  }
0x6e: {  	_ =	shalt  }
0x6f: {  	_ =	shalt  }
0x70: {  	_ =	shalt  }
0x71: {  	_ =	shalt  }
0x72: {  	_ =	shalt  }
0x73: {  	_ =	shalt  }
0x74: {  	_ =	shalt  }
0x75: {  	_ =	shalt  }
0x76: {  	_ =	shalt  }
0x77: {  	_ =	shalt  }
0x78: {  	_ =	shalt  }
0x79: {  	_ =	shalt  }
0x7a: {  	_ =	shalt  }
0x7b: {  	_ =	shalt  }
0x7c: {  	_ =	shalt  }
0x7d: {  	_ =	shalt  }
0x7e: {  	_ =	shalt  }
0x7f: {  	_ =	shalt  }
0x80: {  	_ =	shalt  }
0x81: {  	_ =	shalt  }
0x82: {  	_ =	shalt  }
0x83: {  	_ =	shalt  }
0x84: {  	_ =	shalt  }
0x85: {  	_ =	shalt  }
0x86: {  	_ =	shalt  }
0x87: {  	_ =	shalt  }
.Lfunc_end0:
.L_simem_size_0:
called_computation.1_lowered:
.L_overlay_start_0:
0x88: {  	s2 =	sld [smem:$0x3FD9]  }
0x89: {  	s3 =	sld [smem:$0x3FFE];
	_ =	sdelay $0x1  }
0x8a: {  	s1 =	srdreg.scid  }
0x8b: {  	s0 =	sand.u32 $0x1, s1  }
0x8c: {  	s17 =	sshll.u32 s0, $0xA;
	s2 =	sadd.s32 s3, s2  }
0x8d: {  	s2 =	sadd.s32 s2, s17  }
0x8e: {  	[smem:$0x3FC2] =	sst s2  }
0x8f: {  	_ = 	snop  }
0x90: {  	s2 =	sld [smem:$0x3FD0];
	(tm) =	ssettm $0x1  }
0x91: {  	s18 =	sld [smem:$0x3FFB];
	_ =	sdelay $0x3  }
0x92: {  	_ =	strace s18  }
0x93: {  	s3 =	sld [smem:$0x3FFC];
	_ =	sdelay $0x3  }
0x94: {  	_ =	strace s3  }
0x95: {  	s3 =	sld [smem:$0x3FFD];
	_ =	sdelay $0x3  }
0x96: {  	_ =	strace s3  }
0x97: {  	_ =	strace $0x8FFFFFFF  }
0x98: {  	s19 =	sld [smem:$0x3FDB];
	_ =	sdelay $0x1  }
0x99: {  	s4 =	simm.s32 $_scs_section_size  }
0x9a: {  	s5 =	simm.s32 $_size__tile_overlayer_lowered;
	s6 =	simm.s32 $_tile_overlayer_lowered  }
0x9b: {  	s22 =	simm.s32 $0x1BFF;
	s21 =	sshll.u32 s6, $0x1;
	s3 =	sadd.s32 s4, s19  }
0x9c: {  	s7 =	simm.s32 $0x0;
	s20 =	sshll.u32 s5, $0x1;
	s5 =	sadd.s32 s21, s3  }
0x9d: {  	[timem:s7], [sflag:s22] =	dma.local [hbm:s5], s20  }
0x9e: {  	_ =	swait.ge [sflag:s22], s20  }
0x9f: {  	s4 =	ssub.s32 $0x0, s20;
	[sflag:s22] =	ssyncset.done $0x0  }
0xa0: {  	[sflag:s22] =	ssyncadd.s32 s4;
	_ =	sdelay $0x1  }
0xa1: {  	s23 =	simm.s32 $0x1B8B  }
0xa2: {  	_ =	swait.ge [sflag:s23], $0x1  }
0xa3: {  	[sflag:s23] =	ssyncset.done $0x0  }
0xa4: {  	s25 =	simm.s32 $0x1B8E;
	s24 =	sld [smem:$0x3FFE];
	[sflag:s23] =	ssyncadd.s32 $0xFFFFFFFF  }
0xa5: {  	s26 =	simm.s32 $execute0_lowered;
	[smem:$0x3FD2] =	sst s25  }
0xa6: {  	s5 =	sshll.u32 s26, $0x1;
	_ =	strace $0x80000049;
	[dreg:$0x1] =	wrdreg $0xFFFFFFFF  }
0xa7: {  	s28 =	simm.s32 $_size_execute0_lowered;
	s3 =	sadd.s32 s3, s5;
	[dreg:$0x0] =	wrdreg $0x0  }
0xa8: {  	s5 =	sshll.u32 s28, $0x1;
	[dreg:$0x2] =	wrdreg s3  }
0xa9: {  	[dreg:$0x3] =	wrdreg s5  }
0xaa: {  	[dreg:$0x4] =	wrdreg $0xC0  }
0xab: {  	_ =	task [dreg:s7], $0x5FFFF  }
0xac: {  	[dreg:$0x1] =	wrdreg $0xFFFFFFFF  }
0xad: {  	[dreg:$0x0] =	wrdreg $0x60  }
0xae: {  	[dreg:$0x2] =	wrdreg s2  }
0xaf: {  	[dreg:$0x3] =	wrdreg s24  }
0xb0: {  	[dreg:$0x4] =	wrdreg $0xB0000  }
0xb1: {  	[dreg:$0x5] =	wrdreg $0x9  }
0xb2: {  	_ =	task.clear_ibuf [dreg:s7], $0x6FFFF;
	_ =	strace $0x90000049  }
0xb3: {  	s29 =	simm.s32 $0x9;
	_ =	strace $0x8000004B  }
0xb4: {  	_ =	swait.ge [sflag:s29], $0x1  }
0xb5: {  	[sflag:s29] =	ssyncadd.s32 $0xFFFFFFFF  }
0xb6: {  	_ =	strace $0x9000004B  }
0xb7: {  	_ =	sfence  }
0xb8: {  	s30 =	sld [smem:$0x0];
	_ =	sdelay $0x2  }
0xb9: {  	s31 =	sshll.u32 s1, $0xD;
	s1 =	sshrl.u32 s1, $0x2  }
0xba: {  	s3 =	sand.u32 $0x4000, s31;
	s1 =	sadd.s32 s1, s30  }
0xbb: {  	s0 =	sor.u32 s3, s0;
	s1 =	sshll.u32 s1, $0x11  }
0xbc: {  	s0 =	sor.u32 s1, s0  }
0xbd: {  	s0 =	sadd.s32 $0x8F2B, s0  }
0xbe: {  	[sflag:s0] =	ssyncadd.remote.s32 $0x1  }
0xbf: {  	_ =	sfence.sel $0xFFFF  }
0xc0: {  	[dreg:$0x0] =	wrdreg $0xFFFFFFFF;
	(pc) =	sbr.abs _section_cstart, $3  }
0xc1: {  	[dreg:$0x1] =	wrdreg $0xFFFFFFFF  }
0xc2: {  	_ =	task.clear_ibuf [dreg:s7], $0x2FFFF;
	_ =	strace $0x9FFFFFFF  }
0xc3: {  	(tm) =	ssettm $0x7FFFFFFF  }
tec
execute0_lowered:
.L_overlay_start_1:
0x0: {  	(tag) =	ssettag $0x1  }
0x1: {  	s1 =	rddreg [dreg:$0x0]  }
0x2: {  	s0 =	rddreg [dreg:$0x1]  }
0x3: {  	s3 =	rddreg [dreg:$0x2];
	s2 =	srdreg.scid  }
0x4: {  	s25 =	stileid.u32;
	s4 =	simm.s32 $0x0;
	s16 =	simm.s32 $0x2880  }
0x5: {  	s18 =	simm.s32 $0x2900;
	s19 =	simm.s32 $0x2980;
	s20 =	simm.s32 $0x2A00  }
0x6: {  	s21 =	simm.s32 $0x2A80;
	s22 =	simm.s32 $0x2B00;
	[smem:$0x7FF] =	sst s4  }
0x7: {  	s23 =	simm.s32 $0x2B80;
	_ =	strace $0x8000004A;
	[dreg:$0x4] =	wrdreg s16  }
0x8: {  	s24 =	simm.s32 $0x2C80;
	s6 =	smul.u32 $0x14000, s25;
	[dreg:$0x5] =	wrdreg s18  }
0x9: {  	s13 =	sand.u32 $0x1, s2;
	s28 =	smul.u32 $0x50000, s25;
	[dreg:$0x6] =	wrdreg s19  }
0xa: {  	s14 =	sadd.s32 $0x3000, s0;
	s17 =	smul.u32 $0x500, s25;
	[dreg:$0x7] =	wrdreg s20  }
0xb: {  	s5 =	smul.u32 $0x140000, s13;
	s7 =	sshll.u32 s13, $0x4;
	[dreg:$0x8] =	wrdreg s21  }
0xc: {  	s8 =	ssub.s32 $0x2, s13;
	s16 =	simm.s32 $0x3000;
	[dreg:$0x9] =	wrdreg s22  }
0xd: {  	s18 =	simm.s32 $0x80;
	[dreg:$0xa] =	wrdreg s23;
	s19 =	simm.s32 $0x2C00  }
0xe: {  	[dreg:$0xb] =	wrdreg s24;
	s20 =	simm.s32 $0x1;
	s21 =	simm.s32 $0x7000  }
0xf: {  	s22 =	simm.s32 $0x2;
	s23 =	simm.s32 $0x5;
	s24 =	simm.s32 $0x6  }
0x10: {  	s7 =	sor.u32 s25, s7;
	s30 =	sshrl.u32 s8, $0x1;
	s25 =	simm.s32 $0x2D00  }
0x11: {  	s5 =	sadd.s32 s6, s5;
	s26 =	smul.u32 $0x2800, s7;
	s7 =	sshrl.u32 s28, $0x2  }
0x12: {  	s15 =	ssub.s32 s8, s30;
	s6 =	smul.u32 $0x5000, s13;
	[dreg:$0xc] =	wrdreg s25  }
0x13: {  	s28 =	simm.s32 $0x2E00;
	s30 =	simm.s32 $0x2F00;
	s25 =	simm.s32 $0x4  }
0x14: {  	s5 =	sshrl.u32 s5, $0x3;
	s7 =	sadd.s32 s7, s3;
	[dreg:$0xe] =	wrdreg s28  }
0x15: {  	s13 =	smax.u32 s15, $0x1;
	s15 =	simm.s32 $0x7;
	[dreg:$0x10] =	wrdreg s30  }
0x16: {  	s0 =	sadd.s32 s5, s0;
	s29 =	sshrl.u32 s26, $0x3;
	s8 =	sadd.s32 $0x4000, s7  }
0x17: {  	s9 =	sadd.s32 $0x8000, s7;
	s10 =	sadd.s32 $0xC000, s7;
	s11 =	sadd.s32 $0x10000, s7  }
0x18: {  	s26 =	simm.s32 $0x2D80;
	s5 =	sadd.s32 s14, s29;
	s12 =	sadd.s32 $0x17000, s0  }
0x19: {  	s0 =	sadd.s32 s6, s14;
	[dreg:$0xd] =	wrdreg s26;
	s29 =	simm.s32 $0x2E80  }
0x1a: {  	s26 =	simm.s32 $0x0;
	s31 =	sadd.s32 $0xA000, s5;
	[dreg:$0xf] =	wrdreg s29  }
0x1b: {  	s0 =	sadd.s32 s17, s0;
	[dreg:$0x12] =	wrdreg s31;
	s31 =	simm.s32 $0x2F80  }
0x1c: {  	v0 =	vimm.f32 $0.0e+00;
	s17 =	simm.s32 $0x2800;
	s14 =	sadd.s32 $0x100, s0;
	[dreg:$0x11] =	wrdreg s31  }
.LBB2_1:
0x1d: {  	s0 =	rddreg [dreg:$0x12]  }
0x1e: {  	[tilespmem:s4], [sflag:$0x7] =	stream.linear.gather [hbm4b:s0+s4], $0x2800, $0x38;
	[tilespmem:$0x1F000] =	vst v63  }
0x1f: {  	_ =	swait.ge [sflag:s15], $0x2800  }
0x20: {  	[sflag:s15] =	ssyncset.done $0x0  }
0x21: {  	s0 =	simm.s32 $0x3100;
	[sflag:s15] =	ssyncadd.s32 $0xFFFFD800  }
0x22: {  	[tilespmem:s0+$0xFFFFFF00] =	vst v0  }
0x23: {  	[tilespmem:s0+$0xF0] =	vst v0  }
0x24: {  	[tilespmem:s0+$0xE0] =	vst v0  }
0x25: {  	[tilespmem:s0+$0xD0] =	vst v0  }
0x26: {  	[tilespmem:s0+$0xC0] =	vst v0  }
0x27: {  	[tilespmem:s0+$0xB0] =	vst v0  }
0x28: {  	[tilespmem:s0+$0xA0] =	vst v0  }
0x29: {  	[tilespmem:s0+$0x90] =	vst v0  }
0x2a: {  	[tilespmem:s0+$0x80] =	vst v0  }
0x2b: {  	[tilespmem:s0+$0x70] =	vst v0  }
0x2c: {  	[tilespmem:s0+$0x60] =	vst v0  }
0x2d: {  	[tilespmem:s0+$0x50] =	vst v0  }
0x2e: {  	[tilespmem:s0+$0x40] =	vst v0  }
0x2f: {  	[tilespmem:s0+$0x30] =	vst v0  }
0x30: {  	[tilespmem:s0+$0x20] =	vst v0  }
0x31: {  	[tilespmem:s0+$0x10] =	vst v0  }
0x32: {  	[tilespmem:s0+$0x0] =	vst v0  }
0x33: {  	[tilespmem:s0+$0xFFFFFFF0] =	vst v0  }
0x34: {  	[tilespmem:s0+$0xFFFFFFE0] =	vst v0  }
0x35: {  	[tilespmem:s0+$0xFFFFFFD0] =	vst v0  }
0x36: {  	[tilespmem:s0+$0xFFFFFFC0] =	vst v0  }
0x37: {  	[tilespmem:s0+$0xFFFFFFB0] =	vst v0  }
0x38: {  	[tilespmem:s0+$0xFFFFFFA0] =	vst v0  }
0x39: {  	[tilespmem:s0+$0xFFFFFF90] =	vst v0  }
0x3a: {  	[tilespmem:s0+$0xFFFFFF80] =	vst v0  }
0x3b: {  	[tilespmem:s0+$0xFFFFFF70] =	vst v0  }
0x3c: {  	[tilespmem:s0+$0xFFFFFF60] =	vst v0  }
0x3d: {  	[tilespmem:s0+$0xFFFFFF50] =	vst v0  }
0x3e: {  	[tilespmem:s0+$0xFFFFFF40] =	vst v0  }
0x3f: {  	[tilespmem:s0+$0xFFFFFF30] =	vst v0  }
0x40: {  	s28 =	simm.s32 $0x0;
	[tilespmem:s0+$0xFFFFFF20] =	vst v0  }
.LBB2_2:
0x41: {  	s28 =	sadd.s32 $0x4, s28;
	[tilespmem:s0+$0xFFFFFF10] =	vst v0;
	s0 =	sadd.s32 $0x200, s0  }
0x42: {  	[tilespmem:s0+$0xFFFFFF00] =	vst v0;
	p0 =	slt.u32 s28, $0x7C  }
0x43: {  	[tilespmem:s0+$0xF0] =	vst v0  }
0x44: {  	[tilespmem:s0+$0xE0] =	vst v0  }
0x45: {  	[tilespmem:s0+$0xD0] =	vst v0  }
0x46: {  	[tilespmem:s0+$0xC0] =	vst v0  }
0x47: {  	[tilespmem:s0+$0xB0] =	vst v0  }
0x48: {  	[tilespmem:s0+$0xA0] =	vst v0  }
0x49: {  	[tilespmem:s0+$0x90] =	vst v0  }
0x4a: {  	[tilespmem:s0+$0x80] =	vst v0  }
0x4b: {  	[tilespmem:s0+$0x70] =	vst v0  }
0x4c: {  	[tilespmem:s0+$0x60] =	vst v0  }
0x4d: {  	[tilespmem:s0+$0x50] =	vst v0  }
0x4e: {  	[tilespmem:s0+$0x40] =	vst v0  }
0x4f: {  	[tilespmem:s0+$0x30] =	vst v0  }
0x50: {  	[tilespmem:s0+$0x20] =	vst v0  }
0x51: {  	[tilespmem:s0+$0x10] =	vst v0  }
0x52: {  	[tilespmem:s0+$0x0] =	vst v0  }
0x53: {  	[tilespmem:s0+$0xFFFFFFF0] =	vst v0  }
0x54: {  	[tilespmem:s0+$0xFFFFFFE0] =	vst v0  }
0x55: {  	[tilespmem:s0+$0xFFFFFFD0] =	vst v0  }
0x56: {  	[tilespmem:s0+$0xFFFFFFC0] =	vst v0  }
0x57: {  	[tilespmem:s0+$0xFFFFFFB0] =	vst v0  }
0x58: {  	[tilespmem:s0+$0xFFFFFFA0] =	vst v0  }
0x59: {  	[tilespmem:s0+$0xFFFFFF90] =	vst v0  }
0x5a: {  	[tilespmem:s0+$0xFFFFFF80] =	vst v0  }
0x5b: {  	[tilespmem:s0+$0xFFFFFF70] =	vst v0  }
.Ltmp0:
0x5c: {  	[tilespmem:s0+$0xFFFFFF60] =	vst v0;
	(pc) =	sbr.rel @p0 .LBB2_2-.Ltmp0, $4  }
0x5d: {  	[tilespmem:s0+$0xFFFFFF50] =	vst v0  }
0x5e: {  	[tilespmem:s0+$0xFFFFFF40] =	vst v0  }
0x5f: {  	[tilespmem:s0+$0xFFFFFF30] =	vst v0  }
0x60: {  	[tilespmem:s0+$0xFFFFFF20] =	vst v0  }
0x61: {  	[tilespmem:s0+$0xFFFFFF10] =	vst v0  }
0x62: {  	[spmem:s7] =	stream.linear.scatter [tilespmem:s16], [sflag:$0x7], $0x4000, $0x38;
	[tilespmem:$0x1F000] =	vst v63  }
0x63: {  	_ =	swait.ge [sflag:s15], $0x4000  }
0x64: {  	[sflag:s15] =	ssyncset.done $0x0  }
0x65: {  	[sflag:s15] =	ssyncadd.s32 $0xFFFFC000  }
0x66: {  	[spmem:s8] =	stream.linear.scatter [tilespmem:s16], [sflag:$0x7], $0x4000, $0x38;
	[tilespmem:$0x1F000] =	vst v63  }
0x67: {  	_ =	swait.ge [sflag:s15], $0x4000  }
0x68: {  	[sflag:s15] =	ssyncset.done $0x0  }
0x69: {  	[sflag:s15] =	ssyncadd.s32 $0xFFFFC000  }
0x6a: {  	[spmem:s9] =	stream.linear.scatter [tilespmem:s16], [sflag:$0x7], $0x4000, $0x38;
	[tilespmem:$0x1F000] =	vst v63  }
0x6b: {  	_ =	swait.ge [sflag:s15], $0x4000  }
0x6c: {  	[sflag:s15] =	ssyncset.done $0x0  }
0x6d: {  	[sflag:s15] =	ssyncadd.s32 $0xFFFFC000  }
0x6e: {  	[spmem:s10] =	stream.linear.scatter [tilespmem:s16], [sflag:$0x7], $0x4000, $0x38;
	[tilespmem:$0x1F000] =	vst v63  }
0x6f: {  	_ =	swait.ge [sflag:s15], $0x4000  }
0x70: {  	[sflag:s15] =	ssyncset.done $0x0  }
0x71: {  	[sflag:s15] =	ssyncadd.s32 $0xFFFFC000  }
0x72: {  	[spmem:s11] =	stream.linear.scatter [tilespmem:s16], [sflag:$0x7], $0x4000, $0x38;
	[tilespmem:$0x1F000] =	vst v63  }
0x73: {  	_ =	swait.ge [sflag:s15], $0x4000  }
0x74: {  	[sflag:s15] =	ssyncset.done $0x0  }
0x75: {  	[sflag:s15] =	ssyncadd.s32 $0xFFFFC000  }
0x76: {  	s31 =	simm.s32 $0x0;
	[bflag:$0x0] =	sbarrier.arrive $0xFFFF  }
0x77: {  	[tilespmem:s17], [sflag:$0x7] =	stream.linear.gather [hbm4b:s5+s31], $0x400, $0x38;
	[tilespmem:$0x1F000] =	vst v63  }
0x78: {  	_ =	swait.ge [sflag:s15], $0x400  }
0x79: {  	[sflag:s15] =	ssyncset.done $0x0  }
0x7a: {  	[sflag:s15] =	ssyncadd.s32 $0xFFFFFC00  }
0x7b: {  	[tilespmem:s16], [sflag:$0x1] =	stream.indirect.gather [hbm4b:s1+s18], $0x80, s17, s18, $0xb8;
	[tilespmem:$0x1F000] =	vst v63  }
0x7c: {  	s2 =	sadd.s32 $0xFFFFFF80, s14  }
0x7d: {  	[tilespmem:s19], [sflag:$0x4] =	stream.linear.gather [hbm4b:s2+s4], $0x400, $0x38;
	[tilespmem:$0x1F000] =	vst v63  }
0x7e: {  	_ =	swait.ge [sflag:s20], $0x4000  }
0x7f: {  	p0 =	por $0x1, $0x1;
	[sflag:s20] =	ssyncset.done $0x0  }
0x80: {  	s0 =	simm.s32 @!p0 $0x6;
	[sflag:s20] =	ssyncadd.s32 $0xFFFFC000  }
0x81: {  	_ =	swait.ge @!p0 [sflag:s0], $0x4000  }
0x82: {  	[sflag:s0] =	ssyncset.done @!p0 $0x0  }
0x83: {  	s28 =	rddreg [dreg:$0x4];
	[sflag:s0] =	ssyncadd.s32 @!p0 $0xFFFFC000  }
0x84: {  	[tilespmem:s21], [sflag:$0x2] =	stream.indirect.gather [hbm4b:s1+s18], $0x80, s28, s18, $0xb8;
	[tilespmem:$0x1F000] =	vst v63  }
0x85: {  	s6 =	simm.s32 $0x0  }
0x86: {  	[spmem:s3] =	stream.indirect.scatter.add.f32 [tilespmem:s16], [sflag:$0x5], $0x80, s6, s18, $0xb8;
	[tilespmem:$0x1F000] =	vst v63  }
0x87: {  	_ =	swait.ge [sflag:s22], $0x4000  }
0x88: {  	[sflag:s22] =	ssyncset.done $0x0  }
0x89: {  	[sflag:s22] =	ssyncadd.s32 $0xFFFFC000  }
0x8a: {  	_ =	swait.ge [sflag:s23], $0x4000  }
0x8b: {  	[sflag:s23] =	ssyncset.done $0x0  }
0x8c: {  	s31 =	rddreg [dreg:$0x5];
	[sflag:s23] =	ssyncadd.s32 $0xFFFFC000  }
0x8d: {  	[tilespmem:s16], [sflag:$0x1] =	stream.indirect.gather [hbm4b:s1+s18], $0x80, s31, s18, $0xb8;
	[tilespmem:$0x1F000] =	vst v63  }
0x8e: {  	s2 =	simm.s32 $0x80  }
0x8f: {  	[spmem:s3] =	stream.indirect.scatter.add.f32 [tilespmem:s21], [sflag:$0x6], $0x80, s2, s18, $0xb8;
	[tilespmem:$0x1F000] =	vst v63  }
0x90: {  	_ =	swait.ge [sflag:s20], $0x4000  }
0x91: {  	[sflag:s20] =	ssyncset.done $0x0  }
0x92: {  	[sflag:s20] =	ssyncadd.s32 $0xFFFFC000  }
0x93: {  	_ =	swait.ge [sflag:s24], $0x4000  }
0x94: {  	[sflag:s24] =	ssyncset.done $0x0  }
0x95: {  	s6 =	rddreg [dreg:$0x6];
	[sflag:s24] =	ssyncadd.s32 $0xFFFFC000  }
0x96: {  	[tilespmem:s21], [sflag:$0x2] =	stream.indirect.gather [hbm4b:s1+s18], $0x80, s6, s18, $0xb8;
	[tilespmem:$0x1F000] =	vst v63  }
0x97: {  	s31 =	simm.s32 $0x100  }
0x98: {  	[spmem:s3] =	stream.indirect.scatter.add.f32 [tilespmem:s16], [sflag:$0x5], $0x80, s31, s18, $0xb8;
	[tilespmem:$0x1F000] =	vst v63  }
0x99: {  	_ =	swait.ge [sflag:s22], $0x4000  }
0x9a: {  	[sflag:s22] =	ssyncset.done $0x0  }
0x9b: {  	[sflag:s22] =	ssyncadd.s32 $0xFFFFC000  }
0x9c: {  	_ =	swait.ge [sflag:s23], $0x4000  }
0x9d: {  	[sflag:s23] =	ssyncset.done $0x0  }
0x9e: {  	s2 =	rddreg [dreg:$0x7];
	[sflag:s23] =	ssyncadd.s32 $0xFFFFC000  }
0x9f: {  	[tilespmem:s16], [sflag:$0x1] =	stream.indirect.gather [hbm4b:s1+s18], $0x80, s2, s18, $0xb8;
	[tilespmem:$0x1F000] =	vst v63  }
0xa0: {  	s6 =	simm.s32 $0x180  }
0xa1: {  	[spmem:s3] =	stream.indirect.scatter.add.f32 [tilespmem:s21], [sflag:$0x6], $0x80, s6, s18, $0xb8;
	[tilespmem:$0x1F000] =	vst v63  }
0xa2: {  	_ =	swait.ge [sflag:s20], $0x4000  }
0xa3: {  	[sflag:s20] =	ssyncset.done $0x0  }
0xa4: {  	[sflag:s20] =	ssyncadd.s32 $0xFFFFC000  }
0xa5: {  	_ =	swait.ge [sflag:s24], $0x4000  }
0xa6: {  	[sflag:s24] =	ssyncset.done $0x0  }
0xa7: {  	s31 =	rddreg [dreg:$0x8];
	[sflag:s24] =	ssyncadd.s32 $0xFFFFC000  }
0xa8: {  	[tilespmem:s21], [sflag:$0x2] =	stream.indirect.gather [hbm4b:s1+s18], $0x80, s31, s18, $0xb8;
	[tilespmem:$0x1F000] =	vst v63  }
0xa9: {  	s2 =	simm.s32 $0x200  }
0xaa: {  	[spmem:s3] =	stream.indirect.scatter.add.f32 [tilespmem:s16], [sflag:$0x5], $0x80, s2, s18, $0xb8;
	[tilespmem:$0x1F000] =	vst v63  }
0xab: {  	_ =	swait.ge [sflag:s22], $0x4000  }
0xac: {  	[sflag:s22] =	ssyncset.done $0x0  }
0xad: {  	[sflag:s22] =	ssyncadd.s32 $0xFFFFC000  }
0xae: {  	_ =	swait.ge [sflag:s23], $0x4000  }
0xaf: {  	[sflag:s23] =	ssyncset.done $0x0  }
0xb0: {  	s6 =	rddreg [dreg:$0x9];
	[sflag:s23] =	ssyncadd.s32 $0xFFFFC000  }
0xb1: {  	[tilespmem:s16], [sflag:$0x1] =	stream.indirect.gather [hbm4b:s1+s18], $0x80, s6, s18, $0xb8;
	[tilespmem:$0x1F000] =	vst v63  }
0xb2: {  	s31 =	simm.s32 $0x280  }
0xb3: {  	[spmem:s3] =	stream.indirect.scatter.add.f32 [tilespmem:s21], [sflag:$0x6], $0x80, s31, s18, $0xb8;
	[tilespmem:$0x1F000] =	vst v63  }
0xb4: {  	_ =	swait.ge [sflag:s20], $0x4000  }
0xb5: {  	[sflag:s20] =	ssyncset.done $0x0  }
0xb6: {  	[sflag:s20] =	ssyncadd.s32 $0xFFFFC000  }
0xb7: {  	_ =	swait.ge [sflag:s24], $0x4000  }
0xb8: {  	[sflag:s24] =	ssyncset.done $0x0  }
0xb9: {  	s2 =	rddreg [dreg:$0xa];
	[sflag:s24] =	ssyncadd.s32 $0xFFFFC000  }
0xba: {  	[tilespmem:s21], [sflag:$0x2] =	stream.indirect.gather [hbm4b:s1+s18], $0x80, s2, s18, $0xb8;
	[tilespmem:$0x1F000] =	vst v63  }
0xbb: {  	s6 =	simm.s32 $0x300  }
0xbc: {  	[spmem:s3] =	stream.indirect.scatter.add.f32 [tilespmem:s16], [sflag:$0x5], $0x80, s6, s18, $0xb8;
	[tilespmem:$0x1F000] =	vst v63  }
0xbd: {  	_ =	swait.ge [sflag:s22], $0x4000  }
0xbe: {  	[sflag:s22] =	ssyncset.done $0x0  }
0xbf: {  	[sflag:s22] =	ssyncadd.s32 $0xFFFFC000  }
0xc0: {  	_ =	swait.ge [sflag:s23], $0x4000  }
0xc1: {  	[sflag:s23] =	ssyncset.done $0x0  }
0xc2: {  	[sflag:s23] =	ssyncadd.s32 $0xFFFFC000  }
0xc3: {  	_ =	swait.ge [sflag:s25], $0x400  }
0xc4: {  	[sflag:s25] =	ssyncset.done $0x0  }
0xc5: {  	[sflag:s25] =	ssyncadd.s32 $0xFFFFFC00  }
0xc6: {  	[tilespmem:s16], [sflag:$0x1] =	stream.indirect.gather [hbm4b:s1+s18], $0x80, s19, s18, $0xb8;
	[tilespmem:$0x1F000] =	vst v63  }
0xc7: {  	p0 =	por $0x0, $0x0;
	s31 =	simm.s32 $0x380  }
0xc8: {  	[spmem:s3] =	stream.indirect.scatter.add.f32 [tilespmem:s21], [sflag:$0x6], $0x80, s31, s18, $0xb8;
	[tilespmem:$0x1F000] =	vst v63  }
0xc9: {  	s28 =	simm.s32 @!p0 $0x0;
	s0 =	simm.s32 @!p0 $0x2800  }
0xca: {  	[tilespmem:s0], [sflag:$0x3] =	stream.linear.gather @!p0 [hbm4b:s14+s28], $0x400, $0x38;
	[tilespmem:$0x1F000] =	vst v63  }
0xcb: {  	_ =	swait.ge [sflag:s20], $0x4000  }
0xcc: {  	[sflag:s20] =	ssyncset.done $0x0  }
0xcd: {  	[sflag:s20] =	ssyncadd.s32 $0xFFFFC000  }
0xce: {  	_ =	swait.ge [sflag:s24], $0x4000  }
0xcf: {  	[sflag:s24] =	ssyncset.done $0x0  }
0xd0: {  	s28 =	rddreg [dreg:$0xb];
	[sflag:s24] =	ssyncadd.s32 $0xFFFFC000  }
0xd1: {  	[tilespmem:s21], [sflag:$0x2] =	stream.indirect.gather [hbm4b:s1+s18], $0x80, s28, s18, $0xb8;
	[tilespmem:$0x1F000] =	vst v63  }
0xd2: {  	s28 =	simm.s32 $0x400  }
0xd3: {  	[spmem:s3] =	stream.indirect.scatter.add.f32 [tilespmem:s16], [sflag:$0x5], $0x80, s28, s18, $0xb8;
	[tilespmem:$0x1F000] =	vst v63  }
0xd4: {  	_ =	swait.ge [sflag:s22], $0x4000  }
0xd5: {  	[sflag:s22] =	ssyncset.done $0x0  }
0xd6: {  	[sflag:s22] =	ssyncadd.s32 $0xFFFFC000  }
0xd7: {  	_ =	swait.ge [sflag:s23], $0x4000  }
0xd8: {  	[sflag:s23] =	ssyncset.done $0x0  }
0xd9: {  	s28 =	rddreg [dreg:$0xc];
	[sflag:s23] =	ssyncadd.s32 $0xFFFFC000  }
0xda: {  	[tilespmem:s16], [sflag:$0x1] =	stream.indirect.gather [hbm4b:s1+s18], $0x80, s28, s18, $0xb8;
	[tilespmem:$0x1F000] =	vst v63  }
0xdb: {  	s28 =	simm.s32 $0x480  }
0xdc: {  	[spmem:s3] =	stream.indirect.scatter.add.f32 [tilespmem:s21], [sflag:$0x6], $0x80, s28, s18, $0xb8;
	[tilespmem:$0x1F000] =	vst v63  }
0xdd: {  	_ =	swait.ge [sflag:s20], $0x4000  }
0xde: {  	[sflag:s20] =	ssyncset.done $0x0  }
0xdf: {  	[sflag:s20] =	ssyncadd.s32 $0xFFFFC000  }
0xe0: {  	_ =	swait.ge [sflag:s24], $0x4000  }
0xe1: {  	[sflag:s24] =	ssyncset.done $0x0  }
0xe2: {  	s28 =	rddreg [dreg:$0xd];
	[sflag:s24] =	ssyncadd.s32 $0xFFFFC000  }
0xe3: {  	[tilespmem:s21], [sflag:$0x2] =	stream.indirect.gather [hbm4b:s1+s18], $0x80, s28, s18, $0xb8;
	[tilespmem:$0x1F000] =	vst v63  }
0xe4: {  	s28 =	simm.s32 $0x500  }
0xe5: {  	[spmem:s3] =	stream.indirect.scatter.add.f32 [tilespmem:s16], [sflag:$0x5], $0x80, s28, s18, $0xb8;
	[tilespmem:$0x1F000] =	vst v63  }
0xe6: {  	_ =	swait.ge [sflag:s22], $0x4000  }
0xe7: {  	[sflag:s22] =	ssyncset.done $0x0  }
0xe8: {  	[sflag:s22] =	ssyncadd.s32 $0xFFFFC000  }
0xe9: {  	_ =	swait.ge [sflag:s23], $0x4000  }
0xea: {  	[sflag:s23] =	ssyncset.done $0x0  }
0xeb: {  	s28 =	rddreg [dreg:$0xe];
	[sflag:s23] =	ssyncadd.s32 $0xFFFFC000  }
0xec: {  	[tilespmem:s16], [sflag:$0x1] =	stream.indirect.gather [hbm4b:s1+s18], $0x80, s28, s18, $0xb8;
	[tilespmem:$0x1F000] =	vst v63  }
0xed: {  	s28 =	simm.s32 $0x580  }
0xee: {  	[spmem:s3] =	stream.indirect.scatter.add.f32 [tilespmem:s21], [sflag:$0x6], $0x80, s28, s18, $0xb8;
	[tilespmem:$0x1F000] =	vst v63  }
0xef: {  	_ =	swait.ge [sflag:s20], $0x4000  }
0xf0: {  	[sflag:s20] =	ssyncset.done $0x0  }
0xf1: {  	[sflag:s20] =	ssyncadd.s32 $0xFFFFC000  }
0xf2: {  	_ =	swait.ge [sflag:s24], $0x4000  }
0xf3: {  	[sflag:s24] =	ssyncset.done $0x0  }
0xf4: {  	s28 =	rddreg [dreg:$0xf];
	[sflag:s24] =	ssyncadd.s32 $0xFFFFC000  }
0xf5: {  	[tilespmem:s21], [sflag:$0x2] =	stream.indirect.gather [hbm4b:s1+s18], $0x80, s28, s18, $0xb8;
	[tilespmem:$0x1F000] =	vst v63  }
0xf6: {  	s28 =	simm.s32 $0x600  }
0xf7: {  	[spmem:s3] =	stream.indirect.scatter.add.f32 [tilespmem:s16], [sflag:$0x5], $0x80, s28, s18, $0xb8;
	[tilespmem:$0x1F000] =	vst v63  }
0xf8: {  	_ =	swait.ge [sflag:s22], $0x4000  }
0xf9: {  	[sflag:s22] =	ssyncset.done $0x0  }
0xfa: {  	[sflag:s22] =	ssyncadd.s32 $0xFFFFC000  }
0xfb: {  	_ =	swait.ge [sflag:s23], $0x4000  }
0xfc: {  	[sflag:s23] =	ssyncset.done $0x0  }
0xfd: {  	s28 =	rddreg [dreg:$0x10];
	[sflag:s23] =	ssyncadd.s32 $0xFFFFC000  }
0xfe: {  	[tilespmem:s16], [sflag:$0x1] =	stream.indirect.gather [hbm4b:s1+s18], $0x80, s28, s18, $0xb8;
	[tilespmem:$0x1F000] =	vst v63  }
0xff: {  	s28 =	simm.s32 $0x680  }
0x100: {  	[spmem:s3] =	stream.indirect.scatter.add.f32 [tilespmem:s21], [sflag:$0x6], $0x80, s28, s18, $0xb8;
	[tilespmem:$0x1F000] =	vst v63  }
0x101: {  	_ =	swait.ge [sflag:s20], $0x4000  }
0x102: {  	[sflag:s20] =	ssyncset.done $0x0  }
0x103: {  	[sflag:s20] =	ssyncadd.s32 $0xFFFFC000  }
0x104: {  	_ =	swait.ge [sflag:s24], $0x4000  }
0x105: {  	[sflag:s24] =	ssyncset.done $0x0  }
0x106: {  	s28 =	rddreg [dreg:$0x11];
	[sflag:s24] =	ssyncadd.s32 $0xFFFFC000  }
0x107: {  	[tilespmem:s21], [sflag:$0x2] =	stream.indirect.gather [hbm4b:s1+s18], $0x80, s28, s18, $0xb8;
	[tilespmem:$0x1F000] =	vst v63  }
0x108: {  	s28 =	simm.s32 $0x700  }
0x109: {  	[spmem:s3] =	stream.indirect.scatter.add.f32 [tilespmem:s16], [sflag:$0x5], $0x80, s28, s18, $0xb8;
	[tilespmem:$0x1F000] =	vst v63  }
0x10a: {  	_ =	swait.ge [sflag:s22], $0x4000  }
0x10b: {  	[sflag:s22] =	ssyncset.done $0x0  }
0x10c: {  	[sflag:s22] =	ssyncadd.s32 $0xFFFFC000  }
0x10d: {  	_ =	swait.ge [sflag:s23], $0x4000  }
0x10e: {  	[sflag:s23] =	ssyncset.done $0x0  }
0x10f: {  	s28 =	simm.s32 @!p0 $0x3;
	[sflag:s23] =	ssyncadd.s32 $0xFFFFC000  }
0x110: {  	_ =	swait.ge @!p0 [sflag:s28], $0x400  }
0x111: {  	s30 =	simm.s32 $0x3;
	[sflag:s28] =	ssyncset.done @!p0 $0x0  }
0x112: {  	s29 =	simm.s32 @!p0 $0x3000;
	[sflag:s28] =	ssyncadd.s32 @!p0 $0xFFFFFC00;
	s28 =	simm.s32 @!p0 $0x80  }
0x113: {  	[tilespmem:s29], [sflag:$0x1] =	stream.indirect.gather @!p0 [hbm4b:s1+s28], $0x80, s0, s28, $0xb8;
	[tilespmem:$0x1F000] =	vst v63  }
0x114: {  	s28 =	simm.s32 $0x2000;
	s0 =	simm.s32 $0x780;
	s29 =	sadd.s32 $0x100, s14  }
.LBB2_4:
0x115: {  	[spmem:s3] =	stream.indirect.scatter.add.f32 [tilespmem:s21], [sflag:$0x6], $0x80, s0, s18, $0xb8;
	[tilespmem:$0x1F000] =	vst v63  }
0x116: {  	s6 =	sadd.s32 $0xFFFFFF80, s29  }
0x117: {  	[tilespmem:s19], [sflag:$0x4] =	stream.linear.gather [hbm4b:s6+s4], $0x400, $0x38;
	[tilespmem:$0x1F000] =	vst v63  }
0x118: {  	s31 =	smov.u32 s28;
	_ =	swait.ge [sflag:s20], $0x4000  }
0x119: {  	p1 =	seq.s32 s31, $0x0;
	[sflag:s20] =	ssyncset.done $0x0  }
0x11a: {  	s0 =	simm.s32 @!p1 $0x6;
	[sflag:s20] =	ssyncadd.s32 $0xFFFFC000  }
0x11b: {  	_ =	swait.ge @!p1 [sflag:s0], $0x4000  }
0x11c: {  	[sflag:s0] =	ssyncset.done @!p1 $0x0  }
0x11d: {  	s2 =	rddreg [dreg:$0x4];
	[sflag:s0] =	ssyncadd.s32 @!p1 $0xFFFFC000  }
0x11e: {  	[tilespmem:s21], [sflag:$0x2] =	stream.indirect.gather [hbm4b:s1+s18], $0x80, s2, s18, $0xb8;
	[tilespmem:$0x1F000] =	vst v63  }
0x11f: {  	s31 =	sshra.s32 s31, $0x2  }
0x120: {  	[spmem:s3] =	stream.indirect.scatter.add.f32 [tilespmem:s16], [sflag:$0x5], $0x80, s31, s18, $0xb8;
	[tilespmem:$0x1F000] =	vst v63  }
0x121: {  	_ =	swait.ge [sflag:s22], $0x4000  }
0x122: {  	[sflag:s22] =	ssyncset.done $0x0  }
0x123: {  	[sflag:s22] =	ssyncadd.s32 $0xFFFFC000  }
0x124: {  	_ =	swait.ge [sflag:s23], $0x4000  }
0x125: {  	[sflag:s23] =	ssyncset.done $0x0  }
0x126: {  	s2 =	rddreg [dreg:$0x5];
	[sflag:s23] =	ssyncadd.s32 $0xFFFFC000  }
0x127: {  	[tilespmem:s16], [sflag:$0x1] =	stream.indirect.gather [hbm4b:s1+s18], $0x80, s2, s18, $0xb8;
	[tilespmem:$0x1F000] =	vst v63  }
0x128: {  	s6 =	sadd.s32 $0x80, s31  }
0x129: {  	[spmem:s3] =	stream.indirect.scatter.add.f32 [tilespmem:s21], [sflag:$0x6], $0x80, s6, s18, $0xb8;
	[tilespmem:$0x1F000] =	vst v63  }
0x12a: {  	_ =	swait.ge [sflag:s20], $0x4000  }
0x12b: {  	[sflag:s20] =	ssyncset.done $0x0  }
0x12c: {  	[sflag:s20] =	ssyncadd.s32 $0xFFFFC000  }
0x12d: {  	_ =	swait.ge [sflag:s24], $0x4000  }
0x12e: {  	[sflag:s24] =	ssyncset.done $0x0  }
0x12f: {  	s2 =	rddreg [dreg:$0x6];
	[sflag:s24] =	ssyncadd.s32 $0xFFFFC000  }
0x130: {  	[tilespmem:s21], [sflag:$0x2] =	stream.indirect.gather [hbm4b:s1+s18], $0x80, s2, s18, $0xb8;
	[tilespmem:$0x1F000] =	vst v63  }
0x131: {  	s6 =	sadd.s32 $0x100, s31  }
0x132: {  	[spmem:s3] =	stream.indirect.scatter.add.f32 [tilespmem:s16], [sflag:$0x5], $0x80, s6, s18, $0xb8;
	[tilespmem:$0x1F000] =	vst v63  }
0x133: {  	_ =	swait.ge [sflag:s22], $0x4000  }
0x134: {  	[sflag:s22] =	ssyncset.done $0x0  }
0x135: {  	[sflag:s22] =	ssyncadd.s32 $0xFFFFC000  }
0x136: {  	_ =	swait.ge [sflag:s23], $0x4000  }
0x137: {  	[sflag:s23] =	ssyncset.done $0x0  }
0x138: {  	s2 =	rddreg [dreg:$0x7];
	[sflag:s23] =	ssyncadd.s32 $0xFFFFC000  }
0x139: {  	[tilespmem:s16], [sflag:$0x1] =	stream.indirect.gather [hbm4b:s1+s18], $0x80, s2, s18, $0xb8;
	[tilespmem:$0x1F000] =	vst v63  }
0x13a: {  	s6 =	sadd.s32 $0x180, s31  }
0x13b: {  	[spmem:s3] =	stream.indirect.scatter.add.f32 [tilespmem:s21], [sflag:$0x6], $0x80, s6, s18, $0xb8;
	[tilespmem:$0x1F000] =	vst v63  }
0x13c: {  	_ =	swait.ge [sflag:s20], $0x4000  }
0x13d: {  	[sflag:s20] =	ssyncset.done $0x0  }
0x13e: {  	[sflag:s20] =	ssyncadd.s32 $0xFFFFC000  }
0x13f: {  	_ =	swait.ge [sflag:s24], $0x4000  }
0x140: {  	[sflag:s24] =	ssyncset.done $0x0  }
0x141: {  	s2 =	rddreg [dreg:$0x8];
	[sflag:s24] =	ssyncadd.s32 $0xFFFFC000  }
0x142: {  	[tilespmem:s21], [sflag:$0x2] =	stream.indirect.gather [hbm4b:s1+s18], $0x80, s2, s18, $0xb8;
	[tilespmem:$0x1F000] =	vst v63  }
0x143: {  	s6 =	sadd.s32 $0x200, s31  }
0x144: {  	[spmem:s3] =	stream.indirect.scatter.add.f32 [tilespmem:s16], [sflag:$0x5], $0x80, s6, s18, $0xb8;
	[tilespmem:$0x1F000] =	vst v63  }
0x145: {  	_ =	swait.ge [sflag:s22], $0x4000  }
0x146: {  	[sflag:s22] =	ssyncset.done $0x0  }
0x147: {  	[sflag:s22] =	ssyncadd.s32 $0xFFFFC000  }
0x148: {  	_ =	swait.ge [sflag:s23], $0x4000  }
0x149: {  	[sflag:s23] =	ssyncset.done $0x0  }
0x14a: {  	s2 =	rddreg [dreg:$0x9];
	[sflag:s23] =	ssyncadd.s32 $0xFFFFC000  }
0x14b: {  	[tilespmem:s16], [sflag:$0x1] =	stream.indirect.gather [hbm4b:s1+s18], $0x80, s2, s18, $0xb8;
	[tilespmem:$0x1F000] =	vst v63  }
0x14c: {  	s6 =	sadd.s32 $0x280, s31  }
0x14d: {  	[spmem:s3] =	stream.indirect.scatter.add.f32 [tilespmem:s21], [sflag:$0x6], $0x80, s6, s18, $0xb8;
	[tilespmem:$0x1F000] =	vst v63  }
0x14e: {  	_ =	swait.ge [sflag:s20], $0x4000  }
0x14f: {  	[sflag:s20] =	ssyncset.done $0x0  }
0x150: {  	[sflag:s20] =	ssyncadd.s32 $0xFFFFC000  }
0x151: {  	_ =	swait.ge [sflag:s24], $0x4000  }
0x152: {  	[sflag:s24] =	ssyncset.done $0x0  }
0x153: {  	s2 =	rddreg [dreg:$0xa];
	[sflag:s24] =	ssyncadd.s32 $0xFFFFC000  }
0x154: {  	[tilespmem:s21], [sflag:$0x2] =	stream.indirect.gather [hbm4b:s1+s18], $0x80, s2, s18, $0xb8;
	[tilespmem:$0x1F000] =	vst v63  }
0x155: {  	s6 =	sadd.s32 $0x300, s31  }
0x156: {  	[spmem:s3] =	stream.indirect.scatter.add.f32 [tilespmem:s16], [sflag:$0x5], $0x80, s6, s18, $0xb8;
	[tilespmem:$0x1F000] =	vst v63  }
0x157: {  	_ =	swait.ge [sflag:s22], $0x4000  }
0x158: {  	[sflag:s22] =	ssyncset.done $0x0  }
0x159: {  	[sflag:s22] =	ssyncadd.s32 $0xFFFFC000  }
0x15a: {  	_ =	swait.ge [sflag:s23], $0x4000  }
0x15b: {  	[sflag:s23] =	ssyncset.done $0x0  }
0x15c: {  	[sflag:s23] =	ssyncadd.s32 $0xFFFFC000  }
0x15d: {  	_ =	swait.ge [sflag:s25], $0x400  }
0x15e: {  	[sflag:s25] =	ssyncset.done $0x0  }
0x15f: {  	[sflag:s25] =	ssyncadd.s32 $0xFFFFFC00  }
0x160: {  	[tilespmem:s16], [sflag:$0x1] =	stream.indirect.gather [hbm4b:s1+s18], $0x80, s19, s18, $0xb8;
	[tilespmem:$0x1F000] =	vst v63  }
0x161: {  	p1 =	sgt.u32 s30, $0x8;
	s2 =	sadd.s32 $0x380, s31  }
0x162: {  	[spmem:s3] =	stream.indirect.scatter.add.f32 [tilespmem:s21], [sflag:$0x6], $0x80, s2, s18, $0xb8;
	[tilespmem:$0x1F000] =	vst v63  }
0x163: {  	s0 =	simm.s32 @!p1 $0x2800;
	s2 =	simm.s32 @!p1 $0x0  }
0x164: {  	[tilespmem:s0], [sflag:$0x3] =	stream.linear.gather @!p1 [hbm4b:s29+s2], $0x400, $0x38;
	[tilespmem:$0x1F000] =	vst v63  }
0x165: {  	_ =	swait.ge [sflag:s20], $0x4000  }
0x166: {  	[sflag:s20] =	ssyncset.done $0x0  }
0x167: {  	[sflag:s20] =	ssyncadd.s32 $0xFFFFC000  }
0x168: {  	_ =	swait.ge [sflag:s24], $0x4000  }
0x169: {  	[sflag:s24] =	ssyncset.done $0x0  }
0x16a: {  	s6 =	rddreg [dreg:$0xb];
	[sflag:s24] =	ssyncadd.s32 $0xFFFFC000  }
0x16b: {  	[tilespmem:s21], [sflag:$0x2] =	stream.indirect.gather [hbm4b:s1+s18], $0x80, s6, s18, $0xb8;
	[tilespmem:$0x1F000] =	vst v63  }
0x16c: {  	s6 =	sadd.s32 $0x400, s31  }
0x16d: {  	[spmem:s3] =	stream.indirect.scatter.add.f32 [tilespmem:s16], [sflag:$0x5], $0x80, s6, s18, $0xb8;
	[tilespmem:$0x1F000] =	vst v63  }
0x16e: {  	_ =	swait.ge [sflag:s22], $0x4000  }
0x16f: {  	[sflag:s22] =	ssyncset.done $0x0  }
0x170: {  	[sflag:s22] =	ssyncadd.s32 $0xFFFFC000  }
0x171: {  	_ =	swait.ge [sflag:s23], $0x4000  }
0x172: {  	[sflag:s23] =	ssyncset.done $0x0  }
0x173: {  	s6 =	rddreg [dreg:$0xc];
	[sflag:s23] =	ssyncadd.s32 $0xFFFFC000  }
0x174: {  	[tilespmem:s16], [sflag:$0x1] =	stream.indirect.gather [hbm4b:s1+s18], $0x80, s6, s18, $0xb8;
	[tilespmem:$0x1F000] =	vst v63  }
0x175: {  	s6 =	sadd.s32 $0x480, s31  }
0x176: {  	[spmem:s3] =	stream.indirect.scatter.add.f32 [tilespmem:s21], [sflag:$0x6], $0x80, s6, s18, $0xb8;
	[tilespmem:$0x1F000] =	vst v63  }
0x177: {  	_ =	swait.ge [sflag:s20], $0x4000  }
0x178: {  	[sflag:s20] =	ssyncset.done $0x0  }
0x179: {  	[sflag:s20] =	ssyncadd.s32 $0xFFFFC000  }
0x17a: {  	_ =	swait.ge [sflag:s24], $0x4000  }
0x17b: {  	[sflag:s24] =	ssyncset.done $0x0  }
0x17c: {  	s6 =	rddreg [dreg:$0xd];
	[sflag:s24] =	ssyncadd.s32 $0xFFFFC000  }
0x17d: {  	[tilespmem:s21], [sflag:$0x2] =	stream.indirect.gather [hbm4b:s1+s18], $0x80, s6, s18, $0xb8;
	[tilespmem:$0x1F000] =	vst v63  }
0x17e: {  	s6 =	sadd.s32 $0x500, s31  }
0x17f: {  	[spmem:s3] =	stream.indirect.scatter.add.f32 [tilespmem:s16], [sflag:$0x5], $0x80, s6, s18, $0xb8;
	[tilespmem:$0x1F000] =	vst v63  }
0x180: {  	_ =	swait.ge [sflag:s22], $0x4000  }
0x181: {  	[sflag:s22] =	ssyncset.done $0x0  }
0x182: {  	[sflag:s22] =	ssyncadd.s32 $0xFFFFC000  }
0x183: {  	_ =	swait.ge [sflag:s23], $0x4000  }
0x184: {  	[sflag:s23] =	ssyncset.done $0x0  }
0x185: {  	s6 =	rddreg [dreg:$0xe];
	[sflag:s23] =	ssyncadd.s32 $0xFFFFC000  }
0x186: {  	[tilespmem:s16], [sflag:$0x1] =	stream.indirect.gather [hbm4b:s1+s18], $0x80, s6, s18, $0xb8;
	[tilespmem:$0x1F000] =	vst v63  }
0x187: {  	s6 =	sadd.s32 $0x580, s31  }
0x188: {  	[spmem:s3] =	stream.indirect.scatter.add.f32 [tilespmem:s21], [sflag:$0x6], $0x80, s6, s18, $0xb8;
	[tilespmem:$0x1F000] =	vst v63  }
0x189: {  	_ =	swait.ge [sflag:s20], $0x4000  }
0x18a: {  	[sflag:s20] =	ssyncset.done $0x0  }
0x18b: {  	[sflag:s20] =	ssyncadd.s32 $0xFFFFC000  }
0x18c: {  	_ =	swait.ge [sflag:s24], $0x4000  }
0x18d: {  	[sflag:s24] =	ssyncset.done $0x0  }
0x18e: {  	s6 =	rddreg [dreg:$0xf];
	[sflag:s24] =	ssyncadd.s32 $0xFFFFC000  }
0x18f: {  	[tilespmem:s21], [sflag:$0x2] =	stream.indirect.gather [hbm4b:s1+s18], $0x80, s6, s18, $0xb8;
	[tilespmem:$0x1F000] =	vst v63  }
0x190: {  	s6 =	sadd.s32 $0x600, s31  }
0x191: {  	[spmem:s3] =	stream.indirect.scatter.add.f32 [tilespmem:s16], [sflag:$0x5], $0x80, s6, s18, $0xb8;
	[tilespmem:$0x1F000] =	vst v63  }
0x192: {  	_ =	swait.ge [sflag:s22], $0x4000  }
0x193: {  	[sflag:s22] =	ssyncset.done $0x0  }
0x194: {  	[sflag:s22] =	ssyncadd.s32 $0xFFFFC000  }
0x195: {  	_ =	swait.ge [sflag:s23], $0x4000  }
0x196: {  	[sflag:s23] =	ssyncset.done $0x0  }
0x197: {  	s6 =	rddreg [dreg:$0x10];
	[sflag:s23] =	ssyncadd.s32 $0xFFFFC000  }
0x198: {  	[tilespmem:s16], [sflag:$0x1] =	stream.indirect.gather [hbm4b:s1+s18], $0x80, s6, s18, $0xb8;
	[tilespmem:$0x1F000] =	vst v63  }
0x199: {  	s6 =	sadd.s32 $0x680, s31  }
0x19a: {  	[spmem:s3] =	stream.indirect.scatter.add.f32 [tilespmem:s21], [sflag:$0x6], $0x80, s6, s18, $0xb8;
	[tilespmem:$0x1F000] =	vst v63  }
0x19b: {  	_ =	swait.ge [sflag:s20], $0x4000  }
0x19c: {  	[sflag:s20] =	ssyncset.done $0x0  }
0x19d: {  	[sflag:s20] =	ssyncadd.s32 $0xFFFFC000  }
0x19e: {  	_ =	swait.ge [sflag:s24], $0x4000  }
0x19f: {  	[sflag:s24] =	ssyncset.done $0x0  }
0x1a0: {  	s6 =	rddreg [dreg:$0x11];
	[sflag:s24] =	ssyncadd.s32 $0xFFFFC000  }
0x1a1: {  	[tilespmem:s21], [sflag:$0x2] =	stream.indirect.gather [hbm4b:s1+s18], $0x80, s6, s18, $0xb8;
	[tilespmem:$0x1F000] =	vst v63  }
0x1a2: {  	s6 =	sadd.s32 $0x700, s31  }
0x1a3: {  	[spmem:s3] =	stream.indirect.scatter.add.f32 [tilespmem:s16], [sflag:$0x5], $0x80, s6, s18, $0xb8;
	[tilespmem:$0x1F000] =	vst v63  }
0x1a4: {  	_ =	swait.ge [sflag:s22], $0x4000  }
0x1a5: {  	[sflag:s22] =	ssyncset.done $0x0  }
0x1a6: {  	[sflag:s22] =	ssyncadd.s32 $0xFFFFC000  }
0x1a7: {  	_ =	swait.ge [sflag:s23], $0x4000  }
0x1a8: {  	s28 =	sadd.s32 $0x2000, s28;
	[sflag:s23] =	ssyncset.done $0x0  }
0x1a9: {  	p0 =	sne.s32 s28, $0xA000;
	s2 =	simm.s32 @!p1 $0x3;
	[sflag:s23] =	ssyncadd.s32 $0xFFFFC000  }
.Ltmp1:
0x1aa: {  	_ =	swait.ge @!p1 [sflag:s2], $0x400;
	(pc) =	sbr.rel @p0 .LBB2_4-.Ltmp1, $4  }
0x1ab: {  	[sflag:s2] =	ssyncset.done @!p1 $0x0  }
0x1ac: {  	s6 =	simm.s32 @!p1 $0x3000;
	[sflag:s2] =	ssyncadd.s32 @!p1 $0xFFFFFC00;
	s2 =	simm.s32 @!p1 $0x80  }
0x1ad: {  	[tilespmem:s6], [sflag:$0x1] =	stream.indirect.gather @!p1 [hbm4b:s1+s2], $0x80, s0, s2, $0xb8;
	[tilespmem:$0x1F000] =	vst v63  }
0x1ae: {  	s30 =	sadd.s32 $0x2, s30;
	s29 =	sadd.s32 $0x100, s29;
	s0 =	sadd.s32 $0x780, s31  }
0x1af: {  	[spmem:s3] =	stream.indirect.scatter.add.f32 [tilespmem:s21], [sflag:$0x6], $0x80, s0, s18, $0xb8;
	[tilespmem:$0x1F000] =	vst v63  }
0x1b0: {  	s31 =	stileid.u32;
	_ =	swait.ge [sflag:s24], $0x4000  }
0x1b1: {  	s2 =	sshrl.u32 s7, $0x3;
	s26 =	sadd.s32 $0x1, s26;
	[sflag:s24] =	ssyncset.done $0x0  }
0x1b2: {  	s0 =	sshll.u32 s31, $0x6;
	p0 =	sne.s32 s26, s13;
	[sflag:s24] =	ssyncadd.s32 $0xFFFFC000  }
.Ltmp2:
0x1b3: {  	s0 =	sor.u32 $0x1C07, s0;
	[bflag:$0x0] =	sbarrier.arrive $0xFFFF;
	(pc) =	sbr.rel @p0 .LBB2_1-.Ltmp2, $4  }
0x1b4: {  	[hbm:s12], [sflag:s0] =	dma.local [spmem:s2], $0x2800  }
0x1b5: {  	_ =	swait.ge [sflag:s15], $0x2800  }
0x1b6: {  	[sflag:s15] =	ssyncset.done $0x0  }
0x1b7: {  	[sflag:s15] =	ssyncadd.s32 $0xFFFFD800  }
0x1b8: {  	_ =	sfence.sel $0x180000  }
0x1b9: {  	[bflag:$0x0] =	sbarrier.arrive $0xFFFF  }
0x1ba: {  	_ =	strace $0x9000004A  }
0x1bb: {  	s0 =	stileid.u32;
	[bflag:$0x2] =	sbarrier.arrive $0xFFFF  }
0x1bc: {  	p0 =	sne.s32 s0, $0x0;
	s0 =	rddreg [dreg:$0x3]  }
0x1bd: {  	s0 =	sadd.s32 @!p0 $0x100000, s0  }
0x1be: {  	[sflag:s0] =	ssyncadd.tile.s32 @!p0 $0x1;
	_ =	shalt  }
.Lfunc_end2:
_tile_overlayer_lowered:
.L_overlay_start_2:
0x1bf: {  	(tag) =	ssettag $0x2  }
0x1c0: {  	s0 =	rddreg [dreg:$0x0];
	s2 =	stileid.u32  }
0x1c1: {  	s1 =	rddreg [dreg:$0x1];
	p0 =	sne.s32 s2, $0x0  }
0x1c2: {  	s3 =	rddreg [dreg:$0x2];
	[bflag:$0x3] =	sbarrier.arrive $0xFFFF;
	s2 =	simm.s32 @!p0 $0x1C07  }
0x1c3: {  	[timem:s3], [sflag:s2] =	dma.local @!p0 [hbm:s0], s1  }
0x1c4: {  	s0 =	simm.s32 @!p0 $0x7  }
0x1c5: {  	_ =	swait.ge @!p0 [sflag:s0], s1  }
0x1c6: {  	s1 =	ssub.s32 @!p0 $0x0, s1;
	[sflag:s0] =	ssyncset.done @!p0 $0x0  }
0x1c7: {  	[sflag:s0] =	ssyncadd.s32 @!p0 s1  }
0x1c8: {  	[bflag:$0x3] =	sbarrier.arrive $0xFFFF  }
0x1c9: {  	_ =	shalt  }

// kernel: kernel.15.cloned.1.call-start
scs
__scs_entry_jumppad:
0x0: {  	(pc) =	sbr.rel $0x88, $3  }
0x1: {  	(tag) =	ssettag $0x0;
	lr =	simm.s32 $0x1  }
0x2: {  	[smem:$0x3F9B] =	sst lr;
	_ =	strace $0xD0000000  }
0x3: {  	_ = 	snop  }
0x4: {  	_ = 	snop  }
0x5: {  	_ = 	snop  }
0x6: {  	_ = 	snop  }
0x7: {  	_ = 	snop  }
__scs_overlays_trampoline_lowered:
0x8: {  	[smem:$0x3FAA] =	sst s0  }
0x9: {  	[smem:$0x3FAB] =	sst s1  }
0xa: {  	[smem:$0x3FAC] =	sst s2  }
0xb: {  	[smem:$0x3FAD] =	sst s3  }
0xc: {  	[smem:$0x3FAE] =	sst s4  }
0xd: {  	[smem:$0x3FAF] =	sst s5  }
0xe: {  	[smem:$0x3FB0] =	sst s6  }
0xf: {  	[smem:$0x3FB1] =	sst s7  }
0x10: {  	[smem:$0x3FB2] =	sst s8  }
0x11: {  	[smem:$0x3FB3] =	sst s9;
	s0 =	simm.s32 @!p0 $0x0  }
0x12: {  	s1 =	sld [smem:$0x3F99];
	s0 =	simm.s32 @p0 $0x1  }
0x13: {  	[smem:$0x3FB4] =	sst s0;
	s0 =	simm.s32 @!p1 $0x0  }
0x14: {  	s2 =	sld [smem:$0x3F98];
	s0 =	simm.s32 @p1 $0x1  }
0x15: {  	[smem:$0x3FB5] =	sst s0;
	s0 =	simm.s32 @!p2 $0x0  }
0x16: {  	s3 =	sld [smem:$0x3FDB];
	s0 =	simm.s32 @p2 $0x1  }
0x17: {  	s4 =	simm.s32 $0x1BF5;
	[smem:$0x3FB7] =	sst s0  }
0x18: {  	s0 =	sld [smem:$0x3F9A];
	_ =	swait.ge [sflag:s4], $0x0  }
0x19: {  	s7 =	sld [smem:$0x3F9B]  }
0x1a: {  	s8 =	sadd.s32 $0xFFFFE003, lr  }
0x1b: {  	s9 =	sadd.s32 $0xFFFFFEF7, lr;
	s5 =	simm.s32 $0xFFFFFFFF;
	p2 =	slt.u32 s8, $0xFFFFF086  }
0x1c: {  	p1 =	slt.u32 s9, $0xF7A;
	s5 =	simm.s32 @!p2 $0x0  }
0x1d: {  	s5 =	simm.s32 @p1 $0x1;
	p0 =	seq.s32 s7, s2  }
0x1e: {  	s7 =	smul.u32 @!p0 $0xF7A, s2;
	p2 =	seq.s32 @!p0 s5, $0x0  }
0x1f: {  	s9 =	smul.u32 $0xF7A, s1;
	s8 =	simm.s32 @!p0 $0x1BF5;
	p2 =	por !p2, p0  }
0x20: {  	[sflag:s8] =	ssyncset.s32 @!p0 $0xFFFFF086;
	s6 =	sadd.s32 @!p0 s3, s7;
	s7 =	simm.s32 @!p0 $0x108  }
0x21: {  	s3 =	sadd.s32 s3, s9;
	s6 =	sadd.s32 @!p0 $0x88, s6;
	s7 =	simm.s32 @p2 $0x1082  }
0x22: {  	[simem:s7], [sflag:s8] =	dma.local @!p0 [hbm:s6], $0xF7A  }
0x23: {  	s9 =	sor.u32 $0xD0000000, s2;
	s6 =	simm.s32 $0x108;
	_ =	swait.ge @!p0 [sflag:s8], $0x0  }
0x24: {  	s3 =	sadd.s32 $0x88, s3;
	s6 =	simm.s32 @!p1 $0x1082;
	[sflag:s4] =	ssyncset.s32 $0xFFFFF086  }
0x25: {  	[simem:s6], [sflag:s4] =	dma.local [hbm:s3], $0xF7A  }
0x26: {  	[smem:$0x3F9B] =	sst s1;
	(tag) =	ssettag s2;
	_ =	strace s9  }
0x27: {  	s1 =	sld [smem:$0x3FAB]  }
0x28: {  	s2 =	sld [smem:$0x3FAC]  }
0x29: {  	s4 =	sld [smem:$0x3FAE]  }
0x2a: {  	p0 =	seq.s32 s5, $0x0;
	s5 =	sld [smem:$0x3FAF]  }
0x2b: {  	s6 =	sld [smem:$0x3FB0]  }
0x2c: {  	s7 =	sld [smem:$0x3FB1]  }
0x2d: {  	s3 =	simm.s32 $0x108;
	s8 =	sld [smem:$0x3FB2]  }
0x2e: {  	s3 =	simm.s32 @!p0 $0x1082;
	s9 =	sld [smem:$0x3FB3]  }
0x2f: {  	lr =	sadd.s32 s0, s3;
	s0 =	sld [smem:$0x3FAA]  }
0x30: {  	s3 =	sld [smem:$0x3FAD]  }
0x31: {  	[smem:$0x3FB6] =	sst s10  }
0x32: {  	s10 =	sld [smem:$0x3FB4];
	_ =	sdelay $0x3  }
0x33: {  	p0 =	seq.s32 s10, $0x1;
	s10 =	sld [smem:$0x3FB6];
	_ =	sdelay $0x3  }
0x34: {  	[smem:$0x3FB6] =	sst s10  }
0x35: {  	s10 =	sld [smem:$0x3FB5];
	_ =	sdelay $0x3  }
0x36: {  	p1 =	seq.s32 s10, $0x1;
	s10 =	sld [smem:$0x3FB6];
	_ =	sdelay $0x3  }
0x37: {  	[smem:$0x3FB6] =	sst s10  }
0x38: {  	s10 =	sld [smem:$0x3FB7]  }
0x39: {  	_ = 	snop;
	(pc) =	sbr.ind lr, $3  }
0x3a: {  	_ = 	snop  }
0x3b: {  	_ = 	snop  }
0x3c: {  	p2 =	seq.s32 s10, $0x1;
	s10 =	sld [smem:$0x3FB6]  }
0x3d: {  	_ =	shalt  }
0x3e: {  	_ =	shalt  }
0x3f: {  	_ =	shalt  }
0x40: {  	_ =	shalt  }
0x41: {  	_ =	shalt  }
0x42: {  	_ =	shalt  }
0x43: {  	_ =	shalt  }
0x44: {  	_ =	shalt  }
0x45: {  	_ =	shalt  }
0x46: {  	_ =	shalt  }
0x47: {  	_ =	shalt  }
0x48: {  	_ =	shalt  }
0x49: {  	_ =	shalt  }
0x4a: {  	_ =	shalt  }
0x4b: {  	_ =	shalt  }
0x4c: {  	_ =	shalt  }
0x4d: {  	_ =	shalt  }
0x4e: {  	_ =	shalt  }
0x4f: {  	_ =	shalt  }
0x50: {  	_ =	shalt  }
0x51: {  	_ =	shalt  }
0x52: {  	_ =	shalt  }
0x53: {  	_ =	shalt  }
0x54: {  	_ =	shalt  }
0x55: {  	_ =	shalt  }
0x56: {  	_ =	shalt  }
0x57: {  	_ =	shalt  }
0x58: {  	_ =	shalt  }
0x59: {  	_ =	shalt  }
0x5a: {  	_ =	shalt  }
0x5b: {  	_ =	shalt  }
0x5c: {  	_ =	shalt  }
0x5d: {  	_ =	shalt  }
0x5e: {  	_ =	shalt  }
0x5f: {  	_ =	shalt  }
0x60: {  	_ =	shalt  }
0x61: {  	_ =	shalt  }
0x62: {  	_ =	shalt  }
0x63: {  	_ =	shalt  }
0x64: {  	_ =	shalt  }
0x65: {  	_ =	shalt  }
0x66: {  	_ =	shalt  }
0x67: {  	_ =	shalt  }
0x68: {  	_ =	shalt  }
0x69: {  	_ =	shalt  }
0x6a: {  	_ =	shalt  }
0x6b: {  	_ =	shalt  }
0x6c: {  	_ =	shalt  }
0x6d: {  	_ =	shalt  }
0x6e: {  	_ =	shalt  }
0x6f: {  	_ =	shalt  }
0x70: {  	_ =	shalt  }
0x71: {  	_ =	shalt  }
0x72: {  	_ =	shalt  }
0x73: {  	_ =	shalt  }
0x74: {  	_ =	shalt  }
0x75: {  	_ =	shalt  }
0x76: {  	_ =	shalt  }
0x77: {  	_ =	shalt  }
0x78: {  	_ =	shalt  }
0x79: {  	_ =	shalt  }
0x7a: {  	_ =	shalt  }
0x7b: {  	_ =	shalt  }
0x7c: {  	_ =	shalt  }
0x7d: {  	_ =	shalt  }
0x7e: {  	_ =	shalt  }
0x7f: {  	_ =	shalt  }
0x80: {  	_ =	shalt  }
0x81: {  	_ =	shalt  }
0x82: {  	_ =	shalt  }
0x83: {  	_ =	shalt  }
0x84: {  	_ =	shalt  }
0x85: {  	_ =	shalt  }
0x86: {  	_ =	shalt  }
0x87: {  	_ =	shalt  }
.Lfunc_end0:
.L_simem_size_0:
called_computation.2_lowered:
.L_overlay_start_0:
0x88: {  	s2 =	sld [smem:$0x3FD9]  }
0x89: {  	s3 =	sld [smem:$0x3FFE];
	_ =	sdelay $0x1  }
0x8a: {  	s1 =	srdreg.scid  }
0x8b: {  	s0 =	sand.u32 $0x1, s1  }
0x8c: {  	s17 =	sshll.u32 s0, $0xA;
	s2 =	sadd.s32 s3, s2  }
0x8d: {  	s2 =	sadd.s32 s2, s17  }
0x8e: {  	[smem:$0x3FC2] =	sst s2  }
0x8f: {  	_ = 	snop  }
0x90: {  	s2 =	sld [smem:$0x3FD0];
	(tm) =	ssettm $0x1  }
0x91: {  	s18 =	sld [smem:$0x3FFB];
	_ =	sdelay $0x3  }
0x92: {  	_ =	strace s18  }
0x93: {  	s3 =	sld [smem:$0x3FFC];
	_ =	sdelay $0x3  }
0x94: {  	_ =	strace s3  }
0x95: {  	s3 =	sld [smem:$0x3FFD];
	_ =	sdelay $0x3  }
0x96: {  	_ =	strace s3  }
0x97: {  	_ =	strace $0x8FFFFFFF  }
0x98: {  	s19 =	sld [smem:$0x3FDB];
	_ =	sdelay $0x1  }
0x99: {  	s4 =	simm.s32 $_scs_section_size  }
0x9a: {  	s5 =	simm.s32 $_size__tile_overlayer_lowered;
	s6 =	simm.s32 $_tile_overlayer_lowered  }
0x9b: {  	s22 =	simm.s32 $0x1BFF;
	s21 =	sshll.u32 s6, $0x1;
	s3 =	sadd.s32 s4, s19  }
0x9c: {  	s7 =	simm.s32 $0x0;
	s20 =	sshll.u32 s5, $0x1;
	s5 =	sadd.s32 s21, s3  }
0x9d: {  	[timem:s7], [sflag:s22] =	dma.local [hbm:s5], s20  }
0x9e: {  	_ =	swait.ge [sflag:s22], s20  }
0x9f: {  	s4 =	ssub.s32 $0x0, s20;
	[sflag:s22] =	ssyncset.done $0x0  }
0xa0: {  	[sflag:s22] =	ssyncadd.s32 s4;
	_ =	sdelay $0x1  }
0xa1: {  	s23 =	simm.s32 $0x1B8B  }
0xa2: {  	_ =	swait.ge [sflag:s23], $0x1  }
0xa3: {  	[sflag:s23] =	ssyncset.done $0x0  }
0xa4: {  	s25 =	simm.s32 $0x1B8E;
	s24 =	sld [smem:$0x3FFE];
	[sflag:s23] =	ssyncadd.s32 $0xFFFFFFFF  }
0xa5: {  	s26 =	simm.s32 $execute0_lowered;
	[smem:$0x3FD2] =	sst s25  }
0xa6: {  	s5 =	sshll.u32 s26, $0x1;
	_ =	strace $0x8000004C;
	[dreg:$0x1] =	wrdreg $0xFFFFFFFF  }
0xa7: {  	s28 =	simm.s32 $_size_execute0_lowered;
	s3 =	sadd.s32 s3, s5;
	[dreg:$0x0] =	wrdreg $0x0  }
0xa8: {  	s5 =	sshll.u32 s28, $0x1;
	[dreg:$0x2] =	wrdreg s3  }
0xa9: {  	[dreg:$0x3] =	wrdreg s5  }
0xaa: {  	[dreg:$0x4] =	wrdreg $0xC0  }
0xab: {  	_ =	task [dreg:s7], $0x5FFFF  }
0xac: {  	[dreg:$0x1] =	wrdreg $0xFFFFFFFF  }
0xad: {  	[dreg:$0x0] =	wrdreg $0x60  }
0xae: {  	[dreg:$0x2] =	wrdreg s2  }
0xaf: {  	[dreg:$0x3] =	wrdreg s24  }
0xb0: {  	[dreg:$0x4] =	wrdreg $0xB0000  }
0xb1: {  	[dreg:$0x5] =	wrdreg $0x9  }
0xb2: {  	_ =	task.clear_ibuf [dreg:s7], $0x6FFFF;
	_ =	strace $0x9000004C  }
0xb3: {  	s29 =	simm.s32 $0x9;
	_ =	strace $0x8000004E  }
0xb4: {  	_ =	swait.ge [sflag:s29], $0x1  }
0xb5: {  	[sflag:s29] =	ssyncadd.s32 $0xFFFFFFFF  }
0xb6: {  	_ =	strace $0x9000004E  }
0xb7: {  	_ =	sfence  }
0xb8: {  	s30 =	sld [smem:$0x0];
	_ =	sdelay $0x2  }
0xb9: {  	s31 =	sshll.u32 s1, $0xD;
	s1 =	sshrl.u32 s1, $0x2  }
0xba: {  	s3 =	sand.u32 $0x4000, s31;
	s1 =	sadd.s32 s1, s30  }
0xbb: {  	s0 =	sor.u32 s3, s0;
	s1 =	sshll.u32 s1, $0x11  }
0xbc: {  	s0 =	sor.u32 s1, s0  }
0xbd: {  	s0 =	sadd.s32 $0x8F2B, s0  }
0xbe: {  	[sflag:s0] =	ssyncadd.remote.s32 $0x1  }
0xbf: {  	_ =	sfence.sel $0xFFFF  }
0xc0: {  	[dreg:$0x0] =	wrdreg $0xFFFFFFFF;
	(pc) =	sbr.abs _section_cstart, $3  }
0xc1: {  	[dreg:$0x1] =	wrdreg $0xFFFFFFFF  }
0xc2: {  	_ =	task.clear_ibuf [dreg:s7], $0x2FFFF;
	_ =	strace $0x9FFFFFFF  }
0xc3: {  	(tm) =	ssettm $0x7FFFFFFF  }
tec
execute0_lowered:
.L_overlay_start_1:
0x0: {  	(tag) =	ssettag $0x1  }
0x1: {  	s1 =	rddreg [dreg:$0x0]  }
0x2: {  	s0 =	rddreg [dreg:$0x1]  }
0x3: {  	s3 =	rddreg [dreg:$0x2];
	s2 =	srdreg.scid  }
0x4: {  	s25 =	stileid.u32;
	s4 =	simm.s32 $0x0;
	s16 =	simm.s32 $0x2880  }
0x5: {  	s18 =	simm.s32 $0x2900;
	s19 =	simm.s32 $0x2980;
	s20 =	simm.s32 $0x2A00  }
0x6: {  	s21 =	simm.s32 $0x2A80;
	s22 =	simm.s32 $0x2B00;
	[smem:$0x7FF] =	sst s4  }
0x7: {  	s23 =	simm.s32 $0x2B80;
	_ =	strace $0x8000004D;
	[dreg:$0x4] =	wrdreg s16  }
0x8: {  	s24 =	simm.s32 $0x2C80;
	s6 =	smul.u32 $0x14000, s25;
	[dreg:$0x5] =	wrdreg s18  }
0x9: {  	s13 =	sand.u32 $0x1, s2;
	s28 =	smul.u32 $0x50000, s25;
	[dreg:$0x6] =	wrdreg s19  }
0xa: {  	s14 =	sadd.s32 $0x3000, s0;
	s17 =	smul.u32 $0x500, s25;
	[dreg:$0x7] =	wrdreg s20  }
0xb: {  	s5 =	smul.u32 $0x140000, s13;
	s7 =	sshll.u32 s13, $0x4;
	[dreg:$0x8] =	wrdreg s21  }
0xc: {  	s8 =	ssub.s32 $0x2, s13;
	s16 =	simm.s32 $0x3000;
	[dreg:$0x9] =	wrdreg s22  }
0xd: {  	s18 =	simm.s32 $0x80;
	[dreg:$0xa] =	wrdreg s23;
	s19 =	simm.s32 $0x2C00  }
0xe: {  	[dreg:$0xb] =	wrdreg s24;
	s20 =	simm.s32 $0x1;
	s21 =	simm.s32 $0x7000  }
0xf: {  	s22 =	simm.s32 $0x2;
	s23 =	simm.s32 $0x5;
	s24 =	simm.s32 $0x6  }
0x10: {  	s7 =	sor.u32 s25, s7;
	s30 =	sshrl.u32 s8, $0x1;
	s25 =	simm.s32 $0x2D00  }
0x11: {  	s5 =	sadd.s32 s6, s5;
	s26 =	smul.u32 $0x2800, s7;
	s7 =	sshrl.u32 s28, $0x2  }
0x12: {  	s15 =	ssub.s32 s8, s30;
	s6 =	smul.u32 $0x5000, s13;
	[dreg:$0xc] =	wrdreg s25  }
0x13: {  	s28 =	simm.s32 $0x2E00;
	s30 =	simm.s32 $0x2F00;
	s25 =	simm.s32 $0x4  }
0x14: {  	s5 =	sshrl.u32 s5, $0x3;
	s7 =	sadd.s32 s7, s3;
	[dreg:$0xe] =	wrdreg s28  }
0x15: {  	s13 =	smax.u32 s15, $0x1;
	s15 =	simm.s32 $0x7;
	[dreg:$0x10] =	wrdreg s30  }
0x16: {  	s0 =	sadd.s32 s5, s0;
	s29 =	sshrl.u32 s26, $0x3;
	s8 =	sadd.s32 $0x4000, s7  }
0x17: {  	s9 =	sadd.s32 $0x8000, s7;
	s10 =	sadd.s32 $0xC000, s7;
	s11 =	sadd.s32 $0x10000, s7  }
0x18: {  	s26 =	simm.s32 $0x2D80;
	s5 =	sadd.s32 s14, s29;
	s12 =	sadd.s32 $0x17000, s0  }
0x19: {  	s0 =	sadd.s32 s6, s14;
	[dreg:$0xd] =	wrdreg s26;
	s29 =	simm.s32 $0x2E80  }
0x1a: {  	s26 =	simm.s32 $0x0;
	s31 =	sadd.s32 $0xA000, s5;
	[dreg:$0xf] =	wrdreg s29  }
0x1b: {  	s0 =	sadd.s32 s17, s0;
	[dreg:$0x12] =	wrdreg s31;
	s31 =	simm.s32 $0x2F80  }
0x1c: {  	v0 =	vimm.f32 $0.0e+00;
	s17 =	simm.s32 $0x2800;
	s14 =	sadd.s32 $0x100, s0;
	[dreg:$0x11] =	wrdreg s31  }
.LBB2_1:
0x1d: {  	s0 =	rddreg [dreg:$0x12]  }
0x1e: {  	[tilespmem:s4], [sflag:$0x7] =	stream.linear.gather [hbm4b:s0+s4], $0x2800, $0x38;
	[tilespmem:$0x1F000] =	vst v63  }
0x1f: {  	_ =	swait.ge [sflag:s15], $0x2800  }
0x20: {  	[sflag:s15] =	ssyncset.done $0x0  }
0x21: {  	s0 =	simm.s32 $0x3100;
	[sflag:s15] =	ssyncadd.s32 $0xFFFFD800  }
0x22: {  	[tilespmem:s0+$0xFFFFFF00] =	vst v0  }
0x23: {  	[tilespmem:s0+$0xF0] =	vst v0  }
0x24: {  	[tilespmem:s0+$0xE0] =	vst v0  }
0x25: {  	[tilespmem:s0+$0xD0] =	vst v0  }
0x26: {  	[tilespmem:s0+$0xC0] =	vst v0  }
0x27: {  	[tilespmem:s0+$0xB0] =	vst v0  }
0x28: {  	[tilespmem:s0+$0xA0] =	vst v0  }
0x29: {  	[tilespmem:s0+$0x90] =	vst v0  }
0x2a: {  	[tilespmem:s0+$0x80] =	vst v0  }
0x2b: {  	[tilespmem:s0+$0x70] =	vst v0  }
0x2c: {  	[tilespmem:s0+$0x60] =	vst v0  }
0x2d: {  	[tilespmem:s0+$0x50] =	vst v0  }
0x2e: {  	[tilespmem:s0+$0x40] =	vst v0  }
0x2f: {  	[tilespmem:s0+$0x30] =	vst v0  }
0x30: {  	[tilespmem:s0+$0x20] =	vst v0  }
0x31: {  	[tilespmem:s0+$0x10] =	vst v0  }
0x32: {  	[tilespmem:s0+$0x0] =	vst v0  }
0x33: {  	[tilespmem:s0+$0xFFFFFFF0] =	vst v0  }
0x34: {  	[tilespmem:s0+$0xFFFFFFE0] =	vst v0  }
0x35: {  	[tilespmem:s0+$0xFFFFFFD0] =	vst v0  }
0x36: {  	[tilespmem:s0+$0xFFFFFFC0] =	vst v0  }
0x37: {  	[tilespmem:s0+$0xFFFFFFB0] =	vst v0  }
0x38: {  	[tilespmem:s0+$0xFFFFFFA0] =	vst v0  }
0x39: {  	[tilespmem:s0+$0xFFFFFF90] =	vst v0  }
0x3a: {  	[tilespmem:s0+$0xFFFFFF80] =	vst v0  }
0x3b: {  	[tilespmem:s0+$0xFFFFFF70] =	vst v0  }
0x3c: {  	[tilespmem:s0+$0xFFFFFF60] =	vst v0  }
0x3d: {  	[tilespmem:s0+$0xFFFFFF50] =	vst v0  }
0x3e: {  	[tilespmem:s0+$0xFFFFFF40] =	vst v0  }
0x3f: {  	[tilespmem:s0+$0xFFFFFF30] =	vst v0  }
0x40: {  	s28 =	simm.s32 $0x0;
	[tilespmem:s0+$0xFFFFFF20] =	vst v0  }
.LBB2_2:
0x41: {  	s28 =	sadd.s32 $0x4, s28;
	[tilespmem:s0+$0xFFFFFF10] =	vst v0;
	s0 =	sadd.s32 $0x200, s0  }
0x42: {  	[tilespmem:s0+$0xFFFFFF00] =	vst v0;
	p0 =	slt.u32 s28, $0x7C  }
0x43: {  	[tilespmem:s0+$0xF0] =	vst v0  }
0x44: {  	[tilespmem:s0+$0xE0] =	vst v0  }
0x45: {  	[tilespmem:s0+$0xD0] =	vst v0  }
0x46: {  	[tilespmem:s0+$0xC0] =	vst v0  }
0x47: {  	[tilespmem:s0+$0xB0] =	vst v0  }
0x48: {  	[tilespmem:s0+$0xA0] =	vst v0  }
0x49: {  	[tilespmem:s0+$0x90] =	vst v0  }
0x4a: {  	[tilespmem:s0+$0x80] =	vst v0  }
0x4b: {  	[tilespmem:s0+$0x70] =	vst v0  }
0x4c: {  	[tilespmem:s0+$0x60] =	vst v0  }
0x4d: {  	[tilespmem:s0+$0x50] =	vst v0  }
0x4e: {  	[tilespmem:s0+$0x40] =	vst v0  }
0x4f: {  	[tilespmem:s0+$0x30] =	vst v0  }
0x50: {  	[tilespmem:s0+$0x20] =	vst v0  }
0x51: {  	[tilespmem:s0+$0x10] =	vst v0  }
0x52: {  	[tilespmem:s0+$0x0] =	vst v0  }
0x53: {  	[tilespmem:s0+$0xFFFFFFF0] =	vst v0  }
0x54: {  	[tilespmem:s0+$0xFFFFFFE0] =	vst v0  }
0x55: {  	[tilespmem:s0+$0xFFFFFFD0] =	vst v0  }
0x56: {  	[tilespmem:s0+$0xFFFFFFC0] =	vst v0  }
0x57: {  	[tilespmem:s0+$0xFFFFFFB0] =	vst v0  }
0x58: {  	[tilespmem:s0+$0xFFFFFFA0] =	vst v0  }
0x59: {  	[tilespmem:s0+$0xFFFFFF90] =	vst v0  }
0x5a: {  	[tilespmem:s0+$0xFFFFFF80] =	vst v0  }
0x5b: {  	[tilespmem:s0+$0xFFFFFF70] =	vst v0  }
.Ltmp0:
0x5c: {  	[tilespmem:s0+$0xFFFFFF60] =	vst v0;
	(pc) =	sbr.rel @p0 .LBB2_2-.Ltmp0, $4  }
0x5d: {  	[tilespmem:s0+$0xFFFFFF50] =	vst v0  }
0x5e: {  	[tilespmem:s0+$0xFFFFFF40] =	vst v0  }
0x5f: {  	[tilespmem:s0+$0xFFFFFF30] =	vst v0  }
0x60: {  	[tilespmem:s0+$0xFFFFFF20] =	vst v0  }
0x61: {  	[tilespmem:s0+$0xFFFFFF10] =	vst v0  }
0x62: {  	[spmem:s7] =	stream.linear.scatter [tilespmem:s16], [sflag:$0x7], $0x4000, $0x38;
	[tilespmem:$0x1F000] =	vst v63  }
0x63: {  	_ =	swait.ge [sflag:s15], $0x4000  }
0x64: {  	[sflag:s15] =	ssyncset.done $0x0  }
0x65: {  	[sflag:s15] =	ssyncadd.s32 $0xFFFFC000  }
0x66: {  	[spmem:s8] =	stream.linear.scatter [tilespmem:s16], [sflag:$0x7], $0x4000, $0x38;
	[tilespmem:$0x1F000] =	vst v63  }
0x67: {  	_ =	swait.ge [sflag:s15], $0x4000  }
0x68: {  	[sflag:s15] =	ssyncset.done $0x0  }
0x69: {  	[sflag:s15] =	ssyncadd.s32 $0xFFFFC000  }
0x6a: {  	[spmem:s9] =	stream.linear.scatter [tilespmem:s16], [sflag:$0x7], $0x4000, $0x38;
	[tilespmem:$0x1F000] =	vst v63  }
0x6b: {  	_ =	swait.ge [sflag:s15], $0x4000  }
0x6c: {  	[sflag:s15] =	ssyncset.done $0x0  }
0x6d: {  	[sflag:s15] =	ssyncadd.s32 $0xFFFFC000  }
0x6e: {  	[spmem:s10] =	stream.linear.scatter [tilespmem:s16], [sflag:$0x7], $0x4000, $0x38;
	[tilespmem:$0x1F000] =	vst v63  }
0x6f: {  	_ =	swait.ge [sflag:s15], $0x4000  }
0x70: {  	[sflag:s15] =	ssyncset.done $0x0  }
0x71: {  	[sflag:s15] =	ssyncadd.s32 $0xFFFFC000  }
0x72: {  	[spmem:s11] =	stream.linear.scatter [tilespmem:s16], [sflag:$0x7], $0x4000, $0x38;
	[tilespmem:$0x1F000] =	vst v63  }
0x73: {  	_ =	swait.ge [sflag:s15], $0x4000  }
0x74: {  	[sflag:s15] =	ssyncset.done $0x0  }
0x75: {  	[sflag:s15] =	ssyncadd.s32 $0xFFFFC000  }
0x76: {  	s31 =	simm.s32 $0x0;
	[bflag:$0x0] =	sbarrier.arrive $0xFFFF  }
0x77: {  	[tilespmem:s17], [sflag:$0x7] =	stream.linear.gather [hbm4b:s5+s31], $0x400, $0x38;
	[tilespmem:$0x1F000] =	vst v63  }
0x78: {  	_ =	swait.ge [sflag:s15], $0x400  }
0x79: {  	[sflag:s15] =	ssyncset.done $0x0  }
0x7a: {  	[sflag:s15] =	ssyncadd.s32 $0xFFFFFC00  }
0x7b: {  	[tilespmem:s16], [sflag:$0x1] =	stream.indirect.gather [hbm4b:s1+s18], $0x80, s17, s18, $0xb8;
	[tilespmem:$0x1F000] =	vst v63  }
0x7c: {  	s2 =	sadd.s32 $0xFFFFFF80, s14  }
0x7d: {  	[tilespmem:s19], [sflag:$0x4] =	stream.linear.gather [hbm4b:s2+s4], $0x400, $0x38;
	[tilespmem:$0x1F000] =	vst v63  }
0x7e: {  	_ =	swait.ge [sflag:s20], $0x4000  }
0x7f: {  	p0 =	por $0x1, $0x1;
	[sflag:s20] =	ssyncset.done $0x0  }
0x80: {  	s0 =	simm.s32 @!p0 $0x6;
	[sflag:s20] =	ssyncadd.s32 $0xFFFFC000  }
0x81: {  	_ =	swait.ge @!p0 [sflag:s0], $0x4000  }
0x82: {  	[sflag:s0] =	ssyncset.done @!p0 $0x0  }
0x83: {  	s28 =	rddreg [dreg:$0x4];
	[sflag:s0] =	ssyncadd.s32 @!p0 $0xFFFFC000  }
0x84: {  	[tilespmem:s21], [sflag:$0x2] =	stream.indirect.gather [hbm4b:s1+s18], $0x80, s28, s18, $0xb8;
	[tilespmem:$0x1F000] =	vst v63  }
0x85: {  	s6 =	simm.s32 $0x0  }
0x86: {  	[spmem:s3] =	stream.indirect.scatter.add.f32 [tilespmem:s16], [sflag:$0x5], $0x80, s6, s18, $0xb8;
	[tilespmem:$0x1F000] =	vst v63  }
0x87: {  	_ =	swait.ge [sflag:s22], $0x4000  }
0x88: {  	[sflag:s22] =	ssyncset.done $0x0  }
0x89: {  	[sflag:s22] =	ssyncadd.s32 $0xFFFFC000  }
0x8a: {  	_ =	swait.ge [sflag:s23], $0x4000  }
0x8b: {  	[sflag:s23] =	ssyncset.done $0x0  }
0x8c: {  	s31 =	rddreg [dreg:$0x5];
	[sflag:s23] =	ssyncadd.s32 $0xFFFFC000  }
0x8d: {  	[tilespmem:s16], [sflag:$0x1] =	stream.indirect.gather [hbm4b:s1+s18], $0x80, s31, s18, $0xb8;
	[tilespmem:$0x1F000] =	vst v63  }
0x8e: {  	s2 =	simm.s32 $0x80  }
0x8f: {  	[spmem:s3] =	stream.indirect.scatter.add.f32 [tilespmem:s21], [sflag:$0x6], $0x80, s2, s18, $0xb8;
	[tilespmem:$0x1F000] =	vst v63  }
0x90: {  	_ =	swait.ge [sflag:s20], $0x4000  }
0x91: {  	[sflag:s20] =	ssyncset.done $0x0  }
0x92: {  	[sflag:s20] =	ssyncadd.s32 $0xFFFFC000  }
0x93: {  	_ =	swait.ge [sflag:s24], $0x4000  }
0x94: {  	[sflag:s24] =	ssyncset.done $0x0  }
0x95: {  	s6 =	rddreg [dreg:$0x6];
	[sflag:s24] =	ssyncadd.s32 $0xFFFFC000  }
0x96: {  	[tilespmem:s21], [sflag:$0x2] =	stream.indirect.gather [hbm4b:s1+s18], $0x80, s6, s18, $0xb8;
	[tilespmem:$0x1F000] =	vst v63  }
0x97: {  	s31 =	simm.s32 $0x100  }
0x98: {  	[spmem:s3] =	stream.indirect.scatter.add.f32 [tilespmem:s16], [sflag:$0x5], $0x80, s31, s18, $0xb8;
	[tilespmem:$0x1F000] =	vst v63  }
0x99: {  	_ =	swait.ge [sflag:s22], $0x4000  }
0x9a: {  	[sflag:s22] =	ssyncset.done $0x0  }
0x9b: {  	[sflag:s22] =	ssyncadd.s32 $0xFFFFC000  }
0x9c: {  	_ =	swait.ge [sflag:s23], $0x4000  }
0x9d: {  	[sflag:s23] =	ssyncset.done $0x0  }
0x9e: {  	s2 =	rddreg [dreg:$0x7];
	[sflag:s23] =	ssyncadd.s32 $0xFFFFC000  }
0x9f: {  	[tilespmem:s16], [sflag:$0x1] =	stream.indirect.gather [hbm4b:s1+s18], $0x80, s2, s18, $0xb8;
	[tilespmem:$0x1F000] =	vst v63  }
0xa0: {  	s6 =	simm.s32 $0x180  }
0xa1: {  	[spmem:s3] =	stream.indirect.scatter.add.f32 [tilespmem:s21], [sflag:$0x6], $0x80, s6, s18, $0xb8;
	[tilespmem:$0x1F000] =	vst v63  }
0xa2: {  	_ =	swait.ge [sflag:s20], $0x4000  }
0xa3: {  	[sflag:s20] =	ssyncset.done $0x0  }
0xa4: {  	[sflag:s20] =	ssyncadd.s32 $0xFFFFC000  }
0xa5: {  	_ =	swait.ge [sflag:s24], $0x4000  }
0xa6: {  	[sflag:s24] =	ssyncset.done $0x0  }
0xa7: {  	s31 =	rddreg [dreg:$0x8];
	[sflag:s24] =	ssyncadd.s32 $0xFFFFC000  }
0xa8: {  	[tilespmem:s21], [sflag:$0x2] =	stream.indirect.gather [hbm4b:s1+s18], $0x80, s31, s18, $0xb8;
	[tilespmem:$0x1F000] =	vst v63  }
0xa9: {  	s2 =	simm.s32 $0x200  }
0xaa: {  	[spmem:s3] =	stream.indirect.scatter.add.f32 [tilespmem:s16], [sflag:$0x5], $0x80, s2, s18, $0xb8;
	[tilespmem:$0x1F000] =	vst v63  }
0xab: {  	_ =	swait.ge [sflag:s22], $0x4000  }
0xac: {  	[sflag:s22] =	ssyncset.done $0x0  }
0xad: {  	[sflag:s22] =	ssyncadd.s32 $0xFFFFC000  }
0xae: {  	_ =	swait.ge [sflag:s23], $0x4000  }
0xaf: {  	[sflag:s23] =	ssyncset.done $0x0  }
0xb0: {  	s6 =	rddreg [dreg:$0x9];
	[sflag:s23] =	ssyncadd.s32 $0xFFFFC000  }
0xb1: {  	[tilespmem:s16], [sflag:$0x1] =	stream.indirect.gather [hbm4b:s1+s18], $0x80, s6, s18, $0xb8;
	[tilespmem:$0x1F000] =	vst v63  }
0xb2: {  	s31 =	simm.s32 $0x280  }
0xb3: {  	[spmem:s3] =	stream.indirect.scatter.add.f32 [tilespmem:s21], [sflag:$0x6], $0x80, s31, s18, $0xb8;
	[tilespmem:$0x1F000] =	vst v63  }
0xb4: {  	_ =	swait.ge [sflag:s20], $0x4000  }
0xb5: {  	[sflag:s20] =	ssyncset.done $0x0  }
0xb6: {  	[sflag:s20] =	ssyncadd.s32 $0xFFFFC000  }
0xb7: {  	_ =	swait.ge [sflag:s24], $0x4000  }
0xb8: {  	[sflag:s24] =	ssyncset.done $0x0  }
0xb9: {  	s2 =	rddreg [dreg:$0xa];
	[sflag:s24] =	ssyncadd.s32 $0xFFFFC000  }
0xba: {  	[tilespmem:s21], [sflag:$0x2] =	stream.indirect.gather [hbm4b:s1+s18], $0x80, s2, s18, $0xb8;
	[tilespmem:$0x1F000] =	vst v63  }
0xbb: {  	s6 =	simm.s32 $0x300  }
0xbc: {  	[spmem:s3] =	stream.indirect.scatter.add.f32 [tilespmem:s16], [sflag:$0x5], $0x80, s6, s18, $0xb8;
	[tilespmem:$0x1F000] =	vst v63  }
0xbd: {  	_ =	swait.ge [sflag:s22], $0x4000  }
0xbe: {  	[sflag:s22] =	ssyncset.done $0x0  }
0xbf: {  	[sflag:s22] =	ssyncadd.s32 $0xFFFFC000  }
0xc0: {  	_ =	swait.ge [sflag:s23], $0x4000  }
0xc1: {  	[sflag:s23] =	ssyncset.done $0x0  }
0xc2: {  	[sflag:s23] =	ssyncadd.s32 $0xFFFFC000  }
0xc3: {  	_ =	swait.ge [sflag:s25], $0x400  }
0xc4: {  	[sflag:s25] =	ssyncset.done $0x0  }
0xc5: {  	[sflag:s25] =	ssyncadd.s32 $0xFFFFFC00  }
0xc6: {  	[tilespmem:s16], [sflag:$0x1] =	stream.indirect.gather [hbm4b:s1+s18], $0x80, s19, s18, $0xb8;
	[tilespmem:$0x1F000] =	vst v63  }
0xc7: {  	p0 =	por $0x0, $0x0;
	s31 =	simm.s32 $0x380  }
0xc8: {  	[spmem:s3] =	stream.indirect.scatter.add.f32 [tilespmem:s21], [sflag:$0x6], $0x80, s31, s18, $0xb8;
	[tilespmem:$0x1F000] =	vst v63  }
0xc9: {  	s28 =	simm.s32 @!p0 $0x0;
	s0 =	simm.s32 @!p0 $0x2800  }
0xca: {  	[tilespmem:s0], [sflag:$0x3] =	stream.linear.gather @!p0 [hbm4b:s14+s28], $0x400, $0x38;
	[tilespmem:$0x1F000] =	vst v63  }
0xcb: {  	_ =	swait.ge [sflag:s20], $0x4000  }
0xcc: {  	[sflag:s20] =	ssyncset.done $0x0  }
0xcd: {  	[sflag:s20] =	ssyncadd.s32 $0xFFFFC000  }
0xce: {  	_ =	swait.ge [sflag:s24], $0x4000  }
0xcf: {  	[sflag:s24] =	ssyncset.done $0x0  }
0xd0: {  	s28 =	rddreg [dreg:$0xb];
	[sflag:s24] =	ssyncadd.s32 $0xFFFFC000  }
0xd1: {  	[tilespmem:s21], [sflag:$0x2] =	stream.indirect.gather [hbm4b:s1+s18], $0x80, s28, s18, $0xb8;
	[tilespmem:$0x1F000] =	vst v63  }
0xd2: {  	s28 =	simm.s32 $0x400  }
0xd3: {  	[spmem:s3] =	stream.indirect.scatter.add.f32 [tilespmem:s16], [sflag:$0x5], $0x80, s28, s18, $0xb8;
	[tilespmem:$0x1F000] =	vst v63  }
0xd4: {  	_ =	swait.ge [sflag:s22], $0x4000  }
0xd5: {  	[sflag:s22] =	ssyncset.done $0x0  }
0xd6: {  	[sflag:s22] =	ssyncadd.s32 $0xFFFFC000  }
0xd7: {  	_ =	swait.ge [sflag:s23], $0x4000  }
0xd8: {  	[sflag:s23] =	ssyncset.done $0x0  }
0xd9: {  	s28 =	rddreg [dreg:$0xc];
	[sflag:s23] =	ssyncadd.s32 $0xFFFFC000  }
0xda: {  	[tilespmem:s16], [sflag:$0x1] =	stream.indirect.gather [hbm4b:s1+s18], $0x80, s28, s18, $0xb8;
	[tilespmem:$0x1F000] =	vst v63  }
0xdb: {  	s28 =	simm.s32 $0x480  }
0xdc: {  	[spmem:s3] =	stream.indirect.scatter.add.f32 [tilespmem:s21], [sflag:$0x6], $0x80, s28, s18, $0xb8;
	[tilespmem:$0x1F000] =	vst v63  }
0xdd: {  	_ =	swait.ge [sflag:s20], $0x4000  }
0xde: {  	[sflag:s20] =	ssyncset.done $0x0  }
0xdf: {  	[sflag:s20] =	ssyncadd.s32 $0xFFFFC000  }
0xe0: {  	_ =	swait.ge [sflag:s24], $0x4000  }
0xe1: {  	[sflag:s24] =	ssyncset.done $0x0  }
0xe2: {  	s28 =	rddreg [dreg:$0xd];
	[sflag:s24] =	ssyncadd.s32 $0xFFFFC000  }
0xe3: {  	[tilespmem:s21], [sflag:$0x2] =	stream.indirect.gather [hbm4b:s1+s18], $0x80, s28, s18, $0xb8;
	[tilespmem:$0x1F000] =	vst v63  }
0xe4: {  	s28 =	simm.s32 $0x500  }
0xe5: {  	[spmem:s3] =	stream.indirect.scatter.add.f32 [tilespmem:s16], [sflag:$0x5], $0x80, s28, s18, $0xb8;
	[tilespmem:$0x1F000] =	vst v63  }
0xe6: {  	_ =	swait.ge [sflag:s22], $0x4000  }
0xe7: {  	[sflag:s22] =	ssyncset.done $0x0  }
0xe8: {  	[sflag:s22] =	ssyncadd.s32 $0xFFFFC000  }
0xe9: {  	_ =	swait.ge [sflag:s23], $0x4000  }
0xea: {  	[sflag:s23] =	ssyncset.done $0x0  }
0xeb: {  	s28 =	rddreg [dreg:$0xe];
	[sflag:s23] =	ssyncadd.s32 $0xFFFFC000  }
0xec: {  	[tilespmem:s16], [sflag:$0x1] =	stream.indirect.gather [hbm4b:s1+s18], $0x80, s28, s18, $0xb8;
	[tilespmem:$0x1F000] =	vst v63  }
0xed: {  	s28 =	simm.s32 $0x580  }
0xee: {  	[spmem:s3] =	stream.indirect.scatter.add.f32 [tilespmem:s21], [sflag:$0x6], $0x80, s28, s18, $0xb8;
	[tilespmem:$0x1F000] =	vst v63  }
0xef: {  	_ =	swait.ge [sflag:s20], $0x4000  }
0xf0: {  	[sflag:s20] =	ssyncset.done $0x0  }
0xf1: {  	[sflag:s20] =	ssyncadd.s32 $0xFFFFC000  }
0xf2: {  	_ =	swait.ge [sflag:s24], $0x4000  }
0xf3: {  	[sflag:s24] =	ssyncset.done $0x0  }
0xf4: {  	s28 =	rddreg [dreg:$0xf];
	[sflag:s24] =	ssyncadd.s32 $0xFFFFC000  }
0xf5: {  	[tilespmem:s21], [sflag:$0x2] =	stream.indirect.gather [hbm4b:s1+s18], $0x80, s28, s18, $0xb8;
	[tilespmem:$0x1F000] =	vst v63  }
0xf6: {  	s28 =	simm.s32 $0x600  }
0xf7: {  	[spmem:s3] =	stream.indirect.scatter.add.f32 [tilespmem:s16], [sflag:$0x5], $0x80, s28, s18, $0xb8;
	[tilespmem:$0x1F000] =	vst v63  }
0xf8: {  	_ =	swait.ge [sflag:s22], $0x4000  }
0xf9: {  	[sflag:s22] =	ssyncset.done $0x0  }
0xfa: {  	[sflag:s22] =	ssyncadd.s32 $0xFFFFC000  }
0xfb: {  	_ =	swait.ge [sflag:s23], $0x4000  }
0xfc: {  	[sflag:s23] =	ssyncset.done $0x0  }
0xfd: {  	s28 =	rddreg [dreg:$0x10];
	[sflag:s23] =	ssyncadd.s32 $0xFFFFC000  }
0xfe: {  	[tilespmem:s16], [sflag:$0x1] =	stream.indirect.gather [hbm4b:s1+s18], $0x80, s28, s18, $0xb8;
	[tilespmem:$0x1F000] =	vst v63  }
0xff: {  	s28 =	simm.s32 $0x680  }
0x100: {  	[spmem:s3] =	stream.indirect.scatter.add.f32 [tilespmem:s21], [sflag:$0x6], $0x80, s28, s18, $0xb8;
	[tilespmem:$0x1F000] =	vst v63  }
0x101: {  	_ =	swait.ge [sflag:s20], $0x4000  }
0x102: {  	[sflag:s20] =	ssyncset.done $0x0  }
0x103: {  	[sflag:s20] =	ssyncadd.s32 $0xFFFFC000  }
0x104: {  	_ =	swait.ge [sflag:s24], $0x4000  }
0x105: {  	[sflag:s24] =	ssyncset.done $0x0  }
0x106: {  	s28 =	rddreg [dreg:$0x11];
	[sflag:s24] =	ssyncadd.s32 $0xFFFFC000  }
0x107: {  	[tilespmem:s21], [sflag:$0x2] =	stream.indirect.gather [hbm4b:s1+s18], $0x80, s28, s18, $0xb8;
	[tilespmem:$0x1F000] =	vst v63  }
0x108: {  	s28 =	simm.s32 $0x700  }
0x109: {  	[spmem:s3] =	stream.indirect.scatter.add.f32 [tilespmem:s16], [sflag:$0x5], $0x80, s28, s18, $0xb8;
	[tilespmem:$0x1F000] =	vst v63  }
0x10a: {  	_ =	swait.ge [sflag:s22], $0x4000  }
0x10b: {  	[sflag:s22] =	ssyncset.done $0x0  }
0x10c: {  	[sflag:s22] =	ssyncadd.s32 $0xFFFFC000  }
0x10d: {  	_ =	swait.ge [sflag:s23], $0x4000  }
0x10e: {  	[sflag:s23] =	ssyncset.done $0x0  }
0x10f: {  	s28 =	simm.s32 @!p0 $0x3;
	[sflag:s23] =	ssyncadd.s32 $0xFFFFC000  }
0x110: {  	_ =	swait.ge @!p0 [sflag:s28], $0x400  }
0x111: {  	s30 =	simm.s32 $0x3;
	[sflag:s28] =	ssyncset.done @!p0 $0x0  }
0x112: {  	s29 =	simm.s32 @!p0 $0x3000;
	[sflag:s28] =	ssyncadd.s32 @!p0 $0xFFFFFC00;
	s28 =	simm.s32 @!p0 $0x80  }
0x113: {  	[tilespmem:s29], [sflag:$0x1] =	stream.indirect.gather @!p0 [hbm4b:s1+s28], $0x80, s0, s28, $0xb8;
	[tilespmem:$0x1F000] =	vst v63  }
0x114: {  	s28 =	simm.s32 $0x2000;
	s0 =	simm.s32 $0x780;
	s29 =	sadd.s32 $0x100, s14  }
.LBB2_4:
0x115: {  	[spmem:s3] =	stream.indirect.scatter.add.f32 [tilespmem:s21], [sflag:$0x6], $0x80, s0, s18, $0xb8;
	[tilespmem:$0x1F000] =	vst v63  }
0x116: {  	s6 =	sadd.s32 $0xFFFFFF80, s29  }
0x117: {  	[tilespmem:s19], [sflag:$0x4] =	stream.linear.gather [hbm4b:s6+s4], $0x400, $0x38;
	[tilespmem:$0x1F000] =	vst v63  }
0x118: {  	s31 =	smov.u32 s28;
	_ =	swait.ge [sflag:s20], $0x4000  }
0x119: {  	p1 =	seq.s32 s31, $0x0;
	[sflag:s20] =	ssyncset.done $0x0  }
0x11a: {  	s0 =	simm.s32 @!p1 $0x6;
	[sflag:s20] =	ssyncadd.s32 $0xFFFFC000  }
0x11b: {  	_ =	swait.ge @!p1 [sflag:s0], $0x4000  }
0x11c: {  	[sflag:s0] =	ssyncset.done @!p1 $0x0  }
0x11d: {  	s2 =	rddreg [dreg:$0x4];
	[sflag:s0] =	ssyncadd.s32 @!p1 $0xFFFFC000  }
0x11e: {  	[tilespmem:s21], [sflag:$0x2] =	stream.indirect.gather [hbm4b:s1+s18], $0x80, s2, s18, $0xb8;
	[tilespmem:$0x1F000] =	vst v63  }
0x11f: {  	s31 =	sshra.s32 s31, $0x2  }
0x120: {  	[spmem:s3] =	stream.indirect.scatter.add.f32 [tilespmem:s16], [sflag:$0x5], $0x80, s31, s18, $0xb8;
	[tilespmem:$0x1F000] =	vst v63  }
0x121: {  	_ =	swait.ge [sflag:s22], $0x4000  }
0x122: {  	[sflag:s22] =	ssyncset.done $0x0  }
0x123: {  	[sflag:s22] =	ssyncadd.s32 $0xFFFFC000  }
0x124: {  	_ =	swait.ge [sflag:s23], $0x4000  }
0x125: {  	[sflag:s23] =	ssyncset.done $0x0  }
0x126: {  	s2 =	rddreg [dreg:$0x5];
	[sflag:s23] =	ssyncadd.s32 $0xFFFFC000  }
0x127: {  	[tilespmem:s16], [sflag:$0x1] =	stream.indirect.gather [hbm4b:s1+s18], $0x80, s2, s18, $0xb8;
	[tilespmem:$0x1F000] =	vst v63  }
0x128: {  	s6 =	sadd.s32 $0x80, s31  }
0x129: {  	[spmem:s3] =	stream.indirect.scatter.add.f32 [tilespmem:s21], [sflag:$0x6], $0x80, s6, s18, $0xb8;
	[tilespmem:$0x1F000] =	vst v63  }
0x12a: {  	_ =	swait.ge [sflag:s20], $0x4000  }
0x12b: {  	[sflag:s20] =	ssyncset.done $0x0  }
0x12c: {  	[sflag:s20] =	ssyncadd.s32 $0xFFFFC000  }
0x12d: {  	_ =	swait.ge [sflag:s24], $0x4000  }
0x12e: {  	[sflag:s24] =	ssyncset.done $0x0  }
0x12f: {  	s2 =	rddreg [dreg:$0x6];
	[sflag:s24] =	ssyncadd.s32 $0xFFFFC000  }
0x130: {  	[tilespmem:s21], [sflag:$0x2] =	stream.indirect.gather [hbm4b:s1+s18], $0x80, s2, s18, $0xb8;
	[tilespmem:$0x1F000] =	vst v63  }
0x131: {  	s6 =	sadd.s32 $0x100, s31  }
0x132: {  	[spmem:s3] =	stream.indirect.scatter.add.f32 [tilespmem:s16], [sflag:$0x5], $0x80, s6, s18, $0xb8;
	[tilespmem:$0x1F000] =	vst v63  }
0x133: {  	_ =	swait.ge [sflag:s22], $0x4000  }
0x134: {  	[sflag:s22] =	ssyncset.done $0x0  }
0x135: {  	[sflag:s22] =	ssyncadd.s32 $0xFFFFC000  }
0x136: {  	_ =	swait.ge [sflag:s23], $0x4000  }
0x137: {  	[sflag:s23] =	ssyncset.done $0x0  }
0x138: {  	s2 =	rddreg [dreg:$0x7];
	[sflag:s23] =	ssyncadd.s32 $0xFFFFC000  }
0x139: {  	[tilespmem:s16], [sflag:$0x1] =	stream.indirect.gather [hbm4b:s1+s18], $0x80, s2, s18, $0xb8;
	[tilespmem:$0x1F000] =	vst v63  }
0x13a: {  	s6 =	sadd.s32 $0x180, s31  }
0x13b: {  	[spmem:s3] =	stream.indirect.scatter.add.f32 [tilespmem:s21], [sflag:$0x6], $0x80, s6, s18, $0xb8;
	[tilespmem:$0x1F000] =	vst v63  }
0x13c: {  	_ =	swait.ge [sflag:s20], $0x4000  }
0x13d: {  	[sflag:s20] =	ssyncset.done $0x0  }
0x13e: {  	[sflag:s20] =	ssyncadd.s32 $0xFFFFC000  }
0x13f: {  	_ =	swait.ge [sflag:s24], $0x4000  }
0x140: {  	[sflag:s24] =	ssyncset.done $0x0  }
0x141: {  	s2 =	rddreg [dreg:$0x8];
	[sflag:s24] =	ssyncadd.s32 $0xFFFFC000  }
0x142: {  	[tilespmem:s21], [sflag:$0x2] =	stream.indirect.gather [hbm4b:s1+s18], $0x80, s2, s18, $0xb8;
	[tilespmem:$0x1F000] =	vst v63  }
0x143: {  	s6 =	sadd.s32 $0x200, s31  }
0x144: {  	[spmem:s3] =	stream.indirect.scatter.add.f32 [tilespmem:s16], [sflag:$0x5], $0x80, s6, s18, $0xb8;
	[tilespmem:$0x1F000] =	vst v63  }
0x145: {  	_ =	swait.ge [sflag:s22], $0x4000  }
0x146: {  	[sflag:s22] =	ssyncset.done $0x0  }
0x147: {  	[sflag:s22] =	ssyncadd.s32 $0xFFFFC000  }
0x148: {  	_ =	swait.ge [sflag:s23], $0x4000  }
0x149: {  	[sflag:s23] =	ssyncset.done $0x0  }
0x14a: {  	s2 =	rddreg [dreg:$0x9];
	[sflag:s23] =	ssyncadd.s32 $0xFFFFC000  }
0x14b: {  	[tilespmem:s16], [sflag:$0x1] =	stream.indirect.gather [hbm4b:s1+s18], $0x80, s2, s18, $0xb8;
	[tilespmem:$0x1F000] =	vst v63  }
0x14c: {  	s6 =	sadd.s32 $0x280, s31  }
0x14d: {  	[spmem:s3] =	stream.indirect.scatter.add.f32 [tilespmem:s21], [sflag:$0x6], $0x80, s6, s18, $0xb8;
	[tilespmem:$0x1F000] =	vst v63  }
0x14e: {  	_ =	swait.ge [sflag:s20], $0x4000  }
0x14f: {  	[sflag:s20] =	ssyncset.done $0x0  }
0x150: {  	[sflag:s20] =	ssyncadd.s32 $0xFFFFC000  }
0x151: {  	_ =	swait.ge [sflag:s24], $0x4000  }
0x152: {  	[sflag:s24] =	ssyncset.done $0x0  }
0x153: {  	s2 =	rddreg [dreg:$0xa];
	[sflag:s24] =	ssyncadd.s32 $0xFFFFC000  }
0x154: {  	[tilespmem:s21], [sflag:$0x2] =	stream.indirect.gather [hbm4b:s1+s18], $0x80, s2, s18, $0xb8;
	[tilespmem:$0x1F000] =	vst v63  }
0x155: {  	s6 =	sadd.s32 $0x300, s31  }
0x156: {  	[spmem:s3] =	stream.indirect.scatter.add.f32 [tilespmem:s16], [sflag:$0x5], $0x80, s6, s18, $0xb8;
	[tilespmem:$0x1F000] =	vst v63  }
0x157: {  	_ =	swait.ge [sflag:s22], $0x4000  }
0x158: {  	[sflag:s22] =	ssyncset.done $0x0  }
0x159: {  	[sflag:s22] =	ssyncadd.s32 $0xFFFFC000  }
0x15a: {  	_ =	swait.ge [sflag:s23], $0x4000  }
0x15b: {  	[sflag:s23] =	ssyncset.done $0x0  }
0x15c: {  	[sflag:s23] =	ssyncadd.s32 $0xFFFFC000  }
0x15d: {  	_ =	swait.ge [sflag:s25], $0x400  }
0x15e: {  	[sflag:s25] =	ssyncset.done $0x0  }
0x15f: {  	[sflag:s25] =	ssyncadd.s32 $0xFFFFFC00  }
0x160: {  	[tilespmem:s16], [sflag:$0x1] =	stream.indirect.gather [hbm4b:s1+s18], $0x80, s19, s18, $0xb8;
	[tilespmem:$0x1F000] =	vst v63  }
0x161: {  	p1 =	sgt.u32 s30, $0x8;
	s2 =	sadd.s32 $0x380, s31  }
0x162: {  	[spmem:s3] =	stream.indirect.scatter.add.f32 [tilespmem:s21], [sflag:$0x6], $0x80, s2, s18, $0xb8;
	[tilespmem:$0x1F000] =	vst v63  }
0x163: {  	s0 =	simm.s32 @!p1 $0x2800;
	s2 =	simm.s32 @!p1 $0x0  }
0x164: {  	[tilespmem:s0], [sflag:$0x3] =	stream.linear.gather @!p1 [hbm4b:s29+s2], $0x400, $0x38;
	[tilespmem:$0x1F000] =	vst v63  }
0x165: {  	_ =	swait.ge [sflag:s20], $0x4000  }
0x166: {  	[sflag:s20] =	ssyncset.done $0x0  }
0x167: {  	[sflag:s20] =	ssyncadd.s32 $0xFFFFC000  }
0x168: {  	_ =	swait.ge [sflag:s24], $0x4000  }
0x169: {  	[sflag:s24] =	ssyncset.done $0x0  }
0x16a: {  	s6 =	rddreg [dreg:$0xb];
	[sflag:s24] =	ssyncadd.s32 $0xFFFFC000  }
0x16b: {  	[tilespmem:s21], [sflag:$0x2] =	stream.indirect.gather [hbm4b:s1+s18], $0x80, s6, s18, $0xb8;
	[tilespmem:$0x1F000] =	vst v63  }
0x16c: {  	s6 =	sadd.s32 $0x400, s31  }
0x16d: {  	[spmem:s3] =	stream.indirect.scatter.add.f32 [tilespmem:s16], [sflag:$0x5], $0x80, s6, s18, $0xb8;
	[tilespmem:$0x1F000] =	vst v63  }
0x16e: {  	_ =	swait.ge [sflag:s22], $0x4000  }
0x16f: {  	[sflag:s22] =	ssyncset.done $0x0  }
0x170: {  	[sflag:s22] =	ssyncadd.s32 $0xFFFFC000  }
0x171: {  	_ =	swait.ge [sflag:s23], $0x4000  }
0x172: {  	[sflag:s23] =	ssyncset.done $0x0  }
0x173: {  	s6 =	rddreg [dreg:$0xc];
	[sflag:s23] =	ssyncadd.s32 $0xFFFFC000  }
0x174: {  	[tilespmem:s16], [sflag:$0x1] =	stream.indirect.gather [hbm4b:s1+s18], $0x80, s6, s18, $0xb8;
	[tilespmem:$0x1F000] =	vst v63  }
0x175: {  	s6 =	sadd.s32 $0x480, s31  }
0x176: {  	[spmem:s3] =	stream.indirect.scatter.add.f32 [tilespmem:s21], [sflag:$0x6], $0x80, s6, s18, $0xb8;
	[tilespmem:$0x1F000] =	vst v63  }
0x177: {  	_ =	swait.ge [sflag:s20], $0x4000  }
0x178: {  	[sflag:s20] =	ssyncset.done $0x0  }
0x179: {  	[sflag:s20] =	ssyncadd.s32 $0xFFFFC000  }
0x17a: {  	_ =	swait.ge [sflag:s24], $0x4000  }
0x17b: {  	[sflag:s24] =	ssyncset.done $0x0  }
0x17c: {  	s6 =	rddreg [dreg:$0xd];
	[sflag:s24] =	ssyncadd.s32 $0xFFFFC000  }
0x17d: {  	[tilespmem:s21], [sflag:$0x2] =	stream.indirect.gather [hbm4b:s1+s18], $0x80, s6, s18, $0xb8;
	[tilespmem:$0x1F000] =	vst v63  }
0x17e: {  	s6 =	sadd.s32 $0x500, s31  }
0x17f: {  	[spmem:s3] =	stream.indirect.scatter.add.f32 [tilespmem:s16], [sflag:$0x5], $0x80, s6, s18, $0xb8;
	[tilespmem:$0x1F000] =	vst v63  }
0x180: {  	_ =	swait.ge [sflag:s22], $0x4000  }
0x181: {  	[sflag:s22] =	ssyncset.done $0x0  }
0x182: {  	[sflag:s22] =	ssyncadd.s32 $0xFFFFC000  }
0x183: {  	_ =	swait.ge [sflag:s23], $0x4000  }
0x184: {  	[sflag:s23] =	ssyncset.done $0x0  }
0x185: {  	s6 =	rddreg [dreg:$0xe];
	[sflag:s23] =	ssyncadd.s32 $0xFFFFC000  }
0x186: {  	[tilespmem:s16], [sflag:$0x1] =	stream.indirect.gather [hbm4b:s1+s18], $0x80, s6, s18, $0xb8;
	[tilespmem:$0x1F000] =	vst v63  }
0x187: {  	s6 =	sadd.s32 $0x580, s31  }
0x188: {  	[spmem:s3] =	stream.indirect.scatter.add.f32 [tilespmem:s21], [sflag:$0x6], $0x80, s6, s18, $0xb8;
	[tilespmem:$0x1F000] =	vst v63  }
0x189: {  	_ =	swait.ge [sflag:s20], $0x4000  }
0x18a: {  	[sflag:s20] =	ssyncset.done $0x0  }
0x18b: {  	[sflag:s20] =	ssyncadd.s32 $0xFFFFC000  }
0x18c: {  	_ =	swait.ge [sflag:s24], $0x4000  }
0x18d: {  	[sflag:s24] =	ssyncset.done $0x0  }
0x18e: {  	s6 =	rddreg [dreg:$0xf];
	[sflag:s24] =	ssyncadd.s32 $0xFFFFC000  }
0x18f: {  	[tilespmem:s21], [sflag:$0x2] =	stream.indirect.gather [hbm4b:s1+s18], $0x80, s6, s18, $0xb8;
	[tilespmem:$0x1F000] =	vst v63  }
0x190: {  	s6 =	sadd.s32 $0x600, s31  }
0x191: {  	[spmem:s3] =	stream.indirect.scatter.add.f32 [tilespmem:s16], [sflag:$0x5], $0x80, s6, s18, $0xb8;
	[tilespmem:$0x1F000] =	vst v63  }
0x192: {  	_ =	swait.ge [sflag:s22], $0x4000  }
0x193: {  	[sflag:s22] =	ssyncset.done $0x0  }
0x194: {  	[sflag:s22] =	ssyncadd.s32 $0xFFFFC000  }
0x195: {  	_ =	swait.ge [sflag:s23], $0x4000  }
0x196: {  	[sflag:s23] =	ssyncset.done $0x0  }
0x197: {  	s6 =	rddreg [dreg:$0x10];
	[sflag:s23] =	ssyncadd.s32 $0xFFFFC000  }
0x198: {  	[tilespmem:s16], [sflag:$0x1] =	stream.indirect.gather [hbm4b:s1+s18], $0x80, s6, s18, $0xb8;
	[tilespmem:$0x1F000] =	vst v63  }
0x199: {  	s6 =	sadd.s32 $0x680, s31  }
0x19a: {  	[spmem:s3] =	stream.indirect.scatter.add.f32 [tilespmem:s21], [sflag:$0x6], $0x80, s6, s18, $0xb8;
	[tilespmem:$0x1F000] =	vst v63  }
0x19b: {  	_ =	swait.ge [sflag:s20], $0x4000  }
0x19c: {  	[sflag:s20] =	ssyncset.done $0x0  }
0x19d: {  	[sflag:s20] =	ssyncadd.s32 $0xFFFFC000  }
0x19e: {  	_ =	swait.ge [sflag:s24], $0x4000  }
0x19f: {  	[sflag:s24] =	ssyncset.done $0x0  }
0x1a0: {  	s6 =	rddreg [dreg:$0x11];
	[sflag:s24] =	ssyncadd.s32 $0xFFFFC000  }
0x1a1: {  	[tilespmem:s21], [sflag:$0x2] =	stream.indirect.gather [hbm4b:s1+s18], $0x80, s6, s18, $0xb8;
	[tilespmem:$0x1F000] =	vst v63  }
0x1a2: {  	s6 =	sadd.s32 $0x700, s31  }
0x1a3: {  	[spmem:s3] =	stream.indirect.scatter.add.f32 [tilespmem:s16], [sflag:$0x5], $0x80, s6, s18, $0xb8;
	[tilespmem:$0x1F000] =	vst v63  }
0x1a4: {  	_ =	swait.ge [sflag:s22], $0x4000  }
0x1a5: {  	[sflag:s22] =	ssyncset.done $0x0  }
0x1a6: {  	[sflag:s22] =	ssyncadd.s32 $0xFFFFC000  }
0x1a7: {  	_ =	swait.ge [sflag:s23], $0x4000  }
0x1a8: {  	s28 =	sadd.s32 $0x2000, s28;
	[sflag:s23] =	ssyncset.done $0x0  }
0x1a9: {  	p0 =	sne.s32 s28, $0xA000;
	s2 =	simm.s32 @!p1 $0x3;
	[sflag:s23] =	ssyncadd.s32 $0xFFFFC000  }
.Ltmp1:
0x1aa: {  	_ =	swait.ge @!p1 [sflag:s2], $0x400;
	(pc) =	sbr.rel @p0 .LBB2_4-.Ltmp1, $4  }
0x1ab: {  	[sflag:s2] =	ssyncset.done @!p1 $0x0  }
0x1ac: {  	s6 =	simm.s32 @!p1 $0x3000;
	[sflag:s2] =	ssyncadd.s32 @!p1 $0xFFFFFC00;
	s2 =	simm.s32 @!p1 $0x80  }
0x1ad: {  	[tilespmem:s6], [sflag:$0x1] =	stream.indirect.gather @!p1 [hbm4b:s1+s2], $0x80, s0, s2, $0xb8;
	[tilespmem:$0x1F000] =	vst v63  }
0x1ae: {  	s30 =	sadd.s32 $0x2, s30;
	s29 =	sadd.s32 $0x100, s29;
	s0 =	sadd.s32 $0x780, s31  }
0x1af: {  	[spmem:s3] =	stream.indirect.scatter.add.f32 [tilespmem:s21], [sflag:$0x6], $0x80, s0, s18, $0xb8;
	[tilespmem:$0x1F000] =	vst v63  }
0x1b0: {  	s31 =	stileid.u32;
	_ =	swait.ge [sflag:s24], $0x4000  }
0x1b1: {  	s2 =	sshrl.u32 s7, $0x3;
	s26 =	sadd.s32 $0x1, s26;
	[sflag:s24] =	ssyncset.done $0x0  }
0x1b2: {  	s0 =	sshll.u32 s31, $0x6;
	p0 =	sne.s32 s26, s13;
	[sflag:s24] =	ssyncadd.s32 $0xFFFFC000  }
.Ltmp2:
0x1b3: {  	s0 =	sor.u32 $0x1C07, s0;
	[bflag:$0x0] =	sbarrier.arrive $0xFFFF;
	(pc) =	sbr.rel @p0 .LBB2_1-.Ltmp2, $4  }
0x1b4: {  	[hbm:s12], [sflag:s0] =	dma.local [spmem:s2], $0x2800  }
0x1b5: {  	_ =	swait.ge [sflag:s15], $0x2800  }
0x1b6: {  	[sflag:s15] =	ssyncset.done $0x0  }
0x1b7: {  	[sflag:s15] =	ssyncadd.s32 $0xFFFFD800  }
0x1b8: {  	_ =	sfence.sel $0x180000  }
0x1b9: {  	[bflag:$0x0] =	sbarrier.arrive $0xFFFF  }
0x1ba: {  	_ =	strace $0x9000004D  }
0x1bb: {  	s0 =	stileid.u32;
	[bflag:$0x2] =	sbarrier.arrive $0xFFFF  }
0x1bc: {  	p0 =	sne.s32 s0, $0x0;
	s0 =	rddreg [dreg:$0x3]  }
0x1bd: {  	s0 =	sadd.s32 @!p0 $0x100000, s0  }
0x1be: {  	[sflag:s0] =	ssyncadd.tile.s32 @!p0 $0x1;
	_ =	shalt  }
.Lfunc_end2:
_tile_overlayer_lowered:
.L_overlay_start_2:
0x1bf: {  	(tag) =	ssettag $0x2  }
0x1c0: {  	s0 =	rddreg [dreg:$0x0];
	s2 =	stileid.u32  }
0x1c1: {  	s1 =	rddreg [dreg:$0x1];
	p0 =	sne.s32 s2, $0x0  }
0x1c2: {  	s3 =	rddreg [dreg:$0x2];
	[bflag:$0x3] =	sbarrier.arrive $0xFFFF;
	s2 =	simm.s32 @!p0 $0x1C07  }
0x1c3: {  	[timem:s3], [sflag:s2] =	dma.local @!p0 [hbm:s0], s1  }
0x1c4: {  	s0 =	simm.s32 @!p0 $0x7  }
0x1c5: {  	_ =	swait.ge @!p0 [sflag:s0], s1  }
0x1c6: {  	s1 =	ssub.s32 @!p0 $0x0, s1;
	[sflag:s0] =	ssyncset.done @!p0 $0x0  }
0x1c7: {  	[sflag:s0] =	ssyncadd.s32 @!p0 s1  }
0x1c8: {  	[bflag:$0x3] =	sbarrier.arrive $0xFFFF  }
0x1c9: {  	_ =	shalt  }

// kernel: kernel.9.cloned.1.call-start
scs
__scs_entry_jumppad:
0x0: {  	(pc) =	sbr.rel $0x88, $3  }
0x1: {  	(tag) =	ssettag $0x0;
	lr =	simm.s32 $0x1  }
0x2: {  	[smem:$0x3F9B] =	sst lr;
	_ =	strace $0xD0000000  }
0x3: {  	_ = 	snop  }
0x4: {  	_ = 	snop  }
0x5: {  	_ = 	snop  }
0x6: {  	_ = 	snop  }
0x7: {  	_ = 	snop  }
__scs_overlays_trampoline_lowered:
0x8: {  	[smem:$0x3FAA] =	sst s0  }
0x9: {  	[smem:$0x3FAB] =	sst s1  }
0xa: {  	[smem:$0x3FAC] =	sst s2  }
0xb: {  	[smem:$0x3FAD] =	sst s3  }
0xc: {  	[smem:$0x3FAE] =	sst s4  }
0xd: {  	[smem:$0x3FAF] =	sst s5  }
0xe: {  	[smem:$0x3FB0] =	sst s6  }
0xf: {  	[smem:$0x3FB1] =	sst s7  }
0x10: {  	[smem:$0x3FB2] =	sst s8  }
0x11: {  	[smem:$0x3FB3] =	sst s9;
	s0 =	simm.s32 @!p0 $0x0  }
0x12: {  	s1 =	sld [smem:$0x3F99];
	s0 =	simm.s32 @p0 $0x1  }
0x13: {  	[smem:$0x3FB4] =	sst s0;
	s0 =	simm.s32 @!p1 $0x0  }
0x14: {  	s2 =	sld [smem:$0x3F98];
	s0 =	simm.s32 @p1 $0x1  }
0x15: {  	[smem:$0x3FB5] =	sst s0;
	s0 =	simm.s32 @!p2 $0x0  }
0x16: {  	s3 =	sld [smem:$0x3FDB];
	s0 =	simm.s32 @p2 $0x1  }
0x17: {  	s4 =	simm.s32 $0x1BF5;
	[smem:$0x3FB7] =	sst s0  }
0x18: {  	s0 =	sld [smem:$0x3F9A];
	_ =	swait.ge [sflag:s4], $0x0  }
0x19: {  	s7 =	sld [smem:$0x3F9B]  }
0x1a: {  	s8 =	sadd.s32 $0xFFFFE003, lr  }
0x1b: {  	s9 =	sadd.s32 $0xFFFFFEF7, lr;
	s5 =	simm.s32 $0xFFFFFFFF;
	p2 =	slt.u32 s8, $0xFFFFF086  }
0x1c: {  	p1 =	slt.u32 s9, $0xF7A;
	s5 =	simm.s32 @!p2 $0x0  }
0x1d: {  	s5 =	simm.s32 @p1 $0x1;
	p0 =	seq.s32 s7, s2  }
0x1e: {  	s7 =	smul.u32 @!p0 $0xF7A, s2;
	p2 =	seq.s32 @!p0 s5, $0x0  }
0x1f: {  	s9 =	smul.u32 $0xF7A, s1;
	s8 =	simm.s32 @!p0 $0x1BF5;
	p2 =	por !p2, p0  }
0x20: {  	[sflag:s8] =	ssyncset.s32 @!p0 $0xFFFFF086;
	s6 =	sadd.s32 @!p0 s3, s7;
	s7 =	simm.s32 @!p0 $0x108  }
0x21: {  	s3 =	sadd.s32 s3, s9;
	s6 =	sadd.s32 @!p0 $0x88, s6;
	s7 =	simm.s32 @p2 $0x1082  }
0x22: {  	[simem:s7], [sflag:s8] =	dma.local @!p0 [hbm:s6], $0xF7A  }
0x23: {  	s9 =	sor.u32 $0xD0000000, s2;
	s6 =	simm.s32 $0x108;
	_ =	swait.ge @!p0 [sflag:s8], $0x0  }
0x24: {  	s3 =	sadd.s32 $0x88, s3;
	s6 =	simm.s32 @!p1 $0x1082;
	[sflag:s4] =	ssyncset.s32 $0xFFFFF086  }
0x25: {  	[simem:s6], [sflag:s4] =	dma.local [hbm:s3], $0xF7A  }
0x26: {  	[smem:$0x3F9B] =	sst s1;
	(tag) =	ssettag s2;
	_ =	strace s9  }
0x27: {  	s1 =	sld [smem:$0x3FAB]  }
0x28: {  	s2 =	sld [smem:$0x3FAC]  }
0x29: {  	s4 =	sld [smem:$0x3FAE]  }
0x2a: {  	p0 =	seq.s32 s5, $0x0;
	s5 =	sld [smem:$0x3FAF]  }
0x2b: {  	s6 =	sld [smem:$0x3FB0]  }
0x2c: {  	s7 =	sld [smem:$0x3FB1]  }
0x2d: {  	s3 =	simm.s32 $0x108;
	s8 =	sld [smem:$0x3FB2]  }
0x2e: {  	s3 =	simm.s32 @!p0 $0x1082;
	s9 =	sld [smem:$0x3FB3]  }
0x2f: {  	lr =	sadd.s32 s0, s3;
	s0 =	sld [smem:$0x3FAA]  }
0x30: {  	s3 =	sld [smem:$0x3FAD]  }
0x31: {  	[smem:$0x3FB6] =	sst s10  }
0x32: {  	s10 =	sld [smem:$0x3FB4];
	_ =	sdelay $0x3  }
0x33: {  	p0 =	seq.s32 s10, $0x1;
	s10 =	sld [smem:$0x3FB6];
	_ =	sdelay $0x3  }
0x34: {  	[smem:$0x3FB6] =	sst s10  }
0x35: {  	s10 =	sld [smem:$0x3FB5];
	_ =	sdelay $0x3  }
0x36: {  	p1 =	seq.s32 s10, $0x1;
	s10 =	sld [smem:$0x3FB6];
	_ =	sdelay $0x3  }
0x37: {  	[smem:$0x3FB6] =	sst s10  }
0x38: {  	s10 =	sld [smem:$0x3FB7]  }
0x39: {  	_ = 	snop;
	(pc) =	sbr.ind lr, $3  }
0x3a: {  	_ = 	snop  }
0x3b: {  	_ = 	snop  }
0x3c: {  	p2 =	seq.s32 s10, $0x1;
	s10 =	sld [smem:$0x3FB6]  }
0x3d: {  	_ =	shalt  }
0x3e: {  	_ =	shalt  }
0x3f: {  	_ =	shalt  }
0x40: {  	_ =	shalt  }
0x41: {  	_ =	shalt  }
0x42: {  	_ =	shalt  }
0x43: {  	_ =	shalt  }
0x44: {  	_ =	shalt  }
0x45: {  	_ =	shalt  }
0x46: {  	_ =	shalt  }
0x47: {  	_ =	shalt  }
0x48: {  	_ =	shalt  }
0x49: {  	_ =	shalt  }
0x4a: {  	_ =	shalt  }
0x4b: {  	_ =	shalt  }
0x4c: {  	_ =	shalt  }
0x4d: {  	_ =	shalt  }
0x4e: {  	_ =	shalt  }
0x4f: {  	_ =	shalt  }
0x50: {  	_ =	shalt  }
0x51: {  	_ =	shalt  }
0x52: {  	_ =	shalt  }
0x53: {  	_ =	shalt  }
0x54: {  	_ =	shalt  }
0x55: {  	_ =	shalt  }
0x56: {  	_ =	shalt  }
0x57: {  	_ =	shalt  }
0x58: {  	_ =	shalt  }
0x59: {  	_ =	shalt  }
0x5a: {  	_ =	shalt  }
0x5b: {  	_ =	shalt  }
0x5c: {  	_ =	shalt  }
0x5d: {  	_ =	shalt  }
0x5e: {  	_ =	shalt  }
0x5f: {  	_ =	shalt  }
0x60: {  	_ =	shalt  }
0x61: {  	_ =	shalt  }
0x62: {  	_ =	shalt  }
0x63: {  	_ =	shalt  }
0x64: {  	_ =	shalt  }
0x65: {  	_ =	shalt  }
0x66: {  	_ =	shalt  }
0x67: {  	_ =	shalt  }
0x68: {  	_ =	shalt  }
0x69: {  	_ =	shalt  }
0x6a: {  	_ =	shalt  }
0x6b: {  	_ =	shalt  }
0x6c: {  	_ =	shalt  }
0x6d: {  	_ =	shalt  }
0x6e: {  	_ =	shalt  }
0x6f: {  	_ =	shalt  }
0x70: {  	_ =	shalt  }
0x71: {  	_ =	shalt  }
0x72: {  	_ =	shalt  }
0x73: {  	_ =	shalt  }
0x74: {  	_ =	shalt  }
0x75: {  	_ =	shalt  }
0x76: {  	_ =	shalt  }
0x77: {  	_ =	shalt  }
0x78: {  	_ =	shalt  }
0x79: {  	_ =	shalt  }
0x7a: {  	_ =	shalt  }
0x7b: {  	_ =	shalt  }
0x7c: {  	_ =	shalt  }
0x7d: {  	_ =	shalt  }
0x7e: {  	_ =	shalt  }
0x7f: {  	_ =	shalt  }
0x80: {  	_ =	shalt  }
0x81: {  	_ =	shalt  }
0x82: {  	_ =	shalt  }
0x83: {  	_ =	shalt  }
0x84: {  	_ =	shalt  }
0x85: {  	_ =	shalt  }
0x86: {  	_ =	shalt  }
0x87: {  	_ =	shalt  }
.Lfunc_end0:
.L_simem_size_0:
called_computation_lowered:
.L_overlay_start_0:
0x88: {  	s2 =	sld [smem:$0x3FD9]  }
0x89: {  	s3 =	sld [smem:$0x3FFE];
	_ =	sdelay $0x1  }
0x8a: {  	s1 =	srdreg.scid  }
0x8b: {  	s0 =	sand.u32 $0x1, s1  }
0x8c: {  	s17 =	sshll.u32 s0, $0xA;
	s2 =	sadd.s32 s3, s2  }
0x8d: {  	s2 =	sadd.s32 s2, s17  }
0x8e: {  	[smem:$0x3FC2] =	sst s2  }
0x8f: {  	_ = 	snop  }
0x90: {  	s2 =	sld [smem:$0x3FD0];
	(tm) =	ssettm $0x1  }
0x91: {  	s18 =	sld [smem:$0x3FFB];
	_ =	sdelay $0x3  }
0x92: {  	_ =	strace s18  }
0x93: {  	s3 =	sld [smem:$0x3FFC];
	_ =	sdelay $0x3  }
0x94: {  	_ =	strace s3  }
0x95: {  	s3 =	sld [smem:$0x3FFD];
	_ =	sdelay $0x3  }
0x96: {  	_ =	strace s3  }
0x97: {  	_ =	strace $0x8FFFFFFF  }
0x98: {  	s19 =	sld [smem:$0x3FDB];
	_ =	sdelay $0x1  }
0x99: {  	s4 =	simm.s32 $_scs_section_size  }
0x9a: {  	s5 =	simm.s32 $_size__tile_overlayer_lowered;
	s6 =	simm.s32 $_tile_overlayer_lowered  }
0x9b: {  	s22 =	simm.s32 $0x1BFF;
	s21 =	sshll.u32 s6, $0x1;
	s3 =	sadd.s32 s4, s19  }
0x9c: {  	s7 =	simm.s32 $0x0;
	s20 =	sshll.u32 s5, $0x1;
	s5 =	sadd.s32 s21, s3  }
0x9d: {  	[timem:s7], [sflag:s22] =	dma.local [hbm:s5], s20  }
0x9e: {  	_ =	swait.ge [sflag:s22], s20  }
0x9f: {  	s4 =	ssub.s32 $0x0, s20;
	[sflag:s22] =	ssyncset.done $0x0  }
0xa0: {  	[sflag:s22] =	ssyncadd.s32 s4;
	_ =	sdelay $0x1  }
0xa1: {  	s23 =	simm.s32 $0x1B8B  }
0xa2: {  	_ =	swait.ge [sflag:s23], $0x1  }
0xa3: {  	[sflag:s23] =	ssyncset.done $0x0  }
0xa4: {  	s25 =	simm.s32 $0x1B8E;
	s24 =	sld [smem:$0x3FFE];
	[sflag:s23] =	ssyncadd.s32 $0xFFFFFFFF  }
0xa5: {  	s26 =	simm.s32 $execute0_lowered;
	[smem:$0x3FD2] =	sst s25  }
0xa6: {  	s5 =	sshll.u32 s26, $0x1;
	_ =	strace $0x80000046;
	[dreg:$0x1] =	wrdreg $0xFFFFFFFF  }
0xa7: {  	s28 =	simm.s32 $_size_execute0_lowered;
	s3 =	sadd.s32 s3, s5;
	[dreg:$0x0] =	wrdreg $0x0  }
0xa8: {  	s5 =	sshll.u32 s28, $0x1;
	[dreg:$0x2] =	wrdreg s3  }
0xa9: {  	[dreg:$0x3] =	wrdreg s5  }
0xaa: {  	[dreg:$0x4] =	wrdreg $0xC0  }
0xab: {  	_ =	task [dreg:s7], $0x5FFFF  }
0xac: {  	[dreg:$0x1] =	wrdreg $0xFFFFFFFF  }
0xad: {  	[dreg:$0x0] =	wrdreg $0x60  }
0xae: {  	[dreg:$0x2] =	wrdreg s24  }
0xaf: {  	[dreg:$0x3] =	wrdreg s2  }
0xb0: {  	[dreg:$0x4] =	wrdreg $0x2B000  }
0xb1: {  	[dreg:$0x5] =	wrdreg $0x9  }
0xb2: {  	_ =	task.clear_ibuf [dreg:s7], $0x6FFFF;
	_ =	strace $0x90000046  }
0xb3: {  	s29 =	simm.s32 $0x9;
	_ =	strace $0x80000048  }
0xb4: {  	_ =	swait.ge [sflag:s29], $0x1  }
0xb5: {  	[sflag:s29] =	ssyncadd.s32 $0xFFFFFFFF  }
0xb6: {  	_ =	strace $0x90000048  }
0xb7: {  	_ =	sfence  }
0xb8: {  	s30 =	sld [smem:$0x0];
	_ =	sdelay $0x2  }
0xb9: {  	s31 =	sshll.u32 s1, $0xD;
	s1 =	sshrl.u32 s1, $0x2  }
0xba: {  	s3 =	sand.u32 $0x4000, s31;
	s1 =	sadd.s32 s1, s30  }
0xbb: {  	s0 =	sor.u32 s3, s0;
	s1 =	sshll.u32 s1, $0x11  }
0xbc: {  	s0 =	sor.u32 s1, s0  }
0xbd: {  	s0 =	sadd.s32 $0x8F2B, s0  }
0xbe: {  	[sflag:s0] =	ssyncadd.remote.s32 $0x1  }
0xbf: {  	_ =	sfence.sel $0xFFFF  }
0xc0: {  	[dreg:$0x0] =	wrdreg $0xFFFFFFFF;
	(pc) =	sbr.abs _section_cstart, $3  }
0xc1: {  	[dreg:$0x1] =	wrdreg $0xFFFFFFFF  }
0xc2: {  	_ =	task.clear_ibuf [dreg:s7], $0x2FFFF;
	_ =	strace $0x9FFFFFFF  }
0xc3: {  	(tm) =	ssettm $0x7FFFFFFF  }
tec
execute0_lowered:
.L_overlay_start_1:
0x0: {  	(tag) =	ssettag $0x1  }
0x1: {  	s5 =	rddreg [dreg:$0x0]  }
0x2: {  	s6 =	rddreg [dreg:$0x1]  }
0x3: {  	s0 =	srdreg.scid;
	s2 =	rddreg [dreg:$0x2]  }
0x4: {  	s3 =	simm.s32 $0x0;
	s4 =	sand.u32 $0x1, s0;
	s0 =	stileid.u32  }
0x5: {  	s11 =	simm.s32 $0x2800;
	s14 =	simm.s32 $0x0;
	s8 =	smul.u32 $0x280, s0  }
0x6: {  	[smem:$0x7FF] =	sst s3;
	s1 =	sshll.u32 s4, $0x4;
	s9 =	smul.u32 $0x2800, s4  }
0x7: {  	s4 =	ssub.s32 $0x2, s4;
	s12 =	sshll.u32 s0, $0x6;
	s1 =	sor.u32 s0, s1  }
0x8: {  	s10 =	sshrl.u32 s4, $0x1;
	s12 =	sor.u32 $0x1C01, s12;
	s7 =	smul.u32 $0x2800, s1  }
0x9: {  	s1 =	rddreg [dreg:$0x3];
	_ =	strace $0x80000047;
	s9 =	sadd.s32 s8, s9  }
0xa: {  	s10 =	ssub.s32 s4, s10;
	s31 =	sshrl.u32 s9, $0x3;
	s7 =	sshrl.u32 s7, $0x3  }
0xb: {  	s9 =	simm.s32 $0x2880;
	s6 =	sadd.s32 s6, s31;
	s30 =	sadd.s32 s5, s7  }
0xc: {  	s5 =	sadd.s32 s8, s2;
	s7 =	smax.u32 s10, $0x1;
	s8 =	simm.s32 $0x1  }
0xd: {  	v0 =	vimm.f32 $0.0e+00;
	v1 =	vimm.f32 $1.000000000e+00;
	s10 =	simm.s32 $0x80;
	s4 =	sadd.s32 $0xD000, s30;
	s13 =	sshrl.u32 s5, $0x3  }
.LBB2_1:
0xe: {  	[tilespmem:s3], [sflag:$0x1] =	stream.linear.gather [hbm4b:s4+s3], $0x2800, $0x38;
	[tilespmem:$0x2D80] =	vst v63  }
0xf: {  	_ =	swait.ge [sflag:s8], $0x2800  }
0x10: {  	[sflag:s8] =	ssyncset.done $0x0  }
0x11: {  	[sflag:s8] =	ssyncadd.s32 $0xFFFFD800  }
0x12: {  	[tilespmem:$0x2880] =	vst v0  }
0x13: {  	[tilespmem:$0x2890] =	vst v0  }
0x14: {  	[tilespmem:$0x28A0] =	vst v0  }
0x15: {  	[tilespmem:$0x28B0] =	vst v0  }
0x16: {  	[tilespmem:$0x28C0] =	vst v0  }
0x17: {  	[tilespmem:$0x28D0] =	vst v0  }
0x18: {  	[tilespmem:$0x28E0] =	vst v0  }
0x19: {  	[tilespmem:$0x28F0] =	vst v0  }
0x1a: {  	[tilespmem:$0x2900] =	vst v0  }
0x1b: {  	[tilespmem:$0x2910] =	vst v0  }
0x1c: {  	[tilespmem:$0x2920] =	vst v0  }
0x1d: {  	[tilespmem:$0x2930] =	vst v0  }
0x1e: {  	[tilespmem:$0x2940] =	vst v0  }
0x1f: {  	[tilespmem:$0x2950] =	vst v0  }
0x20: {  	[tilespmem:$0x2960] =	vst v0  }
0x21: {  	[tilespmem:$0x2970] =	vst v0  }
0x22: {  	[tilespmem:$0x2980] =	vst v0  }
0x23: {  	[tilespmem:$0x2990] =	vst v0  }
0x24: {  	[tilespmem:$0x29A0] =	vst v0  }
0x25: {  	[tilespmem:$0x29B0] =	vst v0  }
0x26: {  	[tilespmem:$0x29C0] =	vst v0  }
0x27: {  	[tilespmem:$0x29D0] =	vst v0  }
0x28: {  	[tilespmem:$0x29E0] =	vst v0  }
0x29: {  	[tilespmem:$0x29F0] =	vst v0  }
0x2a: {  	[tilespmem:$0x2A00] =	vst v0  }
0x2b: {  	[tilespmem:$0x2A10] =	vst v0  }
0x2c: {  	[tilespmem:$0x2A20] =	vst v0  }
0x2d: {  	[tilespmem:$0x2A30] =	vst v0  }
0x2e: {  	[tilespmem:$0x2A40] =	vst v0  }
0x2f: {  	[tilespmem:$0x2A50] =	vst v0  }
0x30: {  	[tilespmem:$0x2A60] =	vst v0  }
0x31: {  	[tilespmem:$0x2A70] =	vst v0  }
0x32: {  	[tilespmem:$0x2A80] =	vst v0  }
0x33: {  	[tilespmem:$0x2A90] =	vst v0  }
0x34: {  	[tilespmem:$0x2AA0] =	vst v0  }
0x35: {  	[tilespmem:$0x2AB0] =	vst v0  }
0x36: {  	[tilespmem:$0x2AC0] =	vst v0  }
0x37: {  	[tilespmem:$0x2AD0] =	vst v0  }
0x38: {  	[tilespmem:$0x2AE0] =	vst v0  }
0x39: {  	[tilespmem:$0x2AF0] =	vst v0  }
0x3a: {  	[tilespmem:$0x2800] =	vst v1  }
0x3b: {  	[tilespmem:$0x2810] =	vst v1  }
0x3c: {  	[tilespmem:$0x2820] =	vst v1  }
0x3d: {  	[tilespmem:$0x2830] =	vst v1  }
0x3e: {  	[tilespmem:$0x2840] =	vst v1  }
0x3f: {  	[tilespmem:$0x2850] =	vst v1  }
0x40: {  	[tilespmem:$0x2860] =	vst v1  }
0x41: {  	[tilespmem:$0x2870] =	vst v1  }
0x42: {  	[spmem:s5] =	stream.linear.scatter [tilespmem:s9], [sflag:$0x1], $0x280, $0x38;
	[tilespmem:$0x2D80] =	vst v63  }
0x43: {  	_ =	swait.ge [sflag:s8], $0x280  }
0x44: {  	[sflag:s8] =	ssyncset.done $0x0  }
0x45: {  	[sflag:s8] =	ssyncadd.s32 $0xFFFFFD80  }
0x46: {  	s15 =	simm.s32 $0x0;
	[bflag:$0x0] =	sbarrier.arrive $0xFFFF  }
0x47: {  	[spmem:s2] =	stream.indirect.scatter.add.f32 [tilespmem:s11], [sflag:$0x1], $0x1, s15, s10, $0xb8;
	[tilespmem:$0x2D80] =	vst v63  }
0x48: {  	_ =	swait.ge [sflag:s8], $0x80  }
0x49: {  	s15 =	simm.s32 $0x200;
	[sflag:s8] =	ssyncset.done $0x0  }
.LBB2_2:
0x4a: {  	s16 =	sshra.s32 s15, $0x2;
	[sflag:s8] =	ssyncadd.s32 $0xFFFFFF80;
	p0 =	sne.s32 s15, $0x9E00  }
0x4b: {  	[spmem:s2] =	stream.indirect.scatter.add.f32 [tilespmem:s11], [sflag:$0x1], $0x1, s16, s10, $0xb8;
	[tilespmem:$0x2D80] =	vst v63  }
.Ltmp0:
0x4c: {  	_ = 	snop;
	(pc) =	sbr.rel @p0 .LBB2_2-.Ltmp0, $4  }
0x4d: {  	_ = 	snop  }
0x4e: {  	s15 =	sadd.s32 $0x200, s15  }
0x4f: {  	_ =	swait.ge [sflag:s8], $0x80  }
0x50: {  	[sflag:s8] =	ssyncset.done $0x0  }
0x51: {  	s14 =	sadd.s32 $0x1, s14  }
0x52: {  	[sflag:s8] =	ssyncadd.s32 $0xFFFFFF80;
	p0 =	sne.s32 s14, s7  }
.Ltmp1:
0x53: {  	[bflag:$0x0] =	sbarrier.arrive $0xFFFF;
	(pc) =	sbr.rel @p0 .LBB2_1-.Ltmp1, $4  }
0x54: {  	[hbm:s6], [sflag:s12] =	dma.local [spmem:s13], $0x50  }
0x55: {  	_ =	swait.ge [sflag:s8], $0x50  }
0x56: {  	[sflag:s8] =	ssyncset.done $0x0  }
0x57: {  	[sflag:s8] =	ssyncadd.s32 $0xFFFFFFB0  }
0x58: {  	_ =	sfence.sel $0x180000  }
0x59: {  	[bflag:$0x0] =	sbarrier.arrive $0xFFFF  }
0x5a: {  	p0 =	sne.s32 s0, $0x0;
	_ =	strace $0x90000047  }
0x5b: {  	s0 =	sadd.s32 @!p0 $0x100000, s1;
	[bflag:$0x2] =	sbarrier.arrive $0xFFFF  }
0x5c: {  	[sflag:s0] =	ssyncadd.tile.s32 @!p0 $0x1;
	_ =	shalt  }
.Lfunc_end2:
_tile_overlayer_lowered:
.L_overlay_start_2:
0x5d: {  	(tag) =	ssettag $0x2  }
0x5e: {  	s0 =	rddreg [dreg:$0x0];
	s2 =	stileid.u32  }
0x5f: {  	s1 =	rddreg [dreg:$0x1];
	p0 =	sne.s32 s2, $0x0  }
0x60: {  	s3 =	rddreg [dreg:$0x2];
	[bflag:$0x3] =	sbarrier.arrive $0xFFFF;
	s2 =	simm.s32 @!p0 $0x1C01  }
0x61: {  	[timem:s3], [sflag:s2] =	dma.local @!p0 [hbm:s0], s1  }
0x62: {  	s0 =	simm.s32 @!p0 $0x1  }
0x63: {  	_ =	swait.ge @!p0 [sflag:s0], s1  }
0x64: {  	s1 =	ssub.s32 @!p0 $0x0, s1;
	[sflag:s0] =	ssyncset.done @!p0 $0x0  }
0x65: {  	[sflag:s0] =	ssyncadd.s32 @!p0 s1  }
0x66: {  	[bflag:$0x3] =	sbarrier.arrive $0xFFFF  }
0x67: {  	_ =	shalt  }

</sc_bundles>
